<compile_context>
chip_gen: v7x
topology: tpu7x:2x2x1
jax: 0.10.2.dev20260603
libtpu: 0.0.44.dev20260713+nightly
codegen_flags: <defaults>
</compile_context>

<pallas_src>
import functools

import jax
import jax.numpy as jnp
from jax import lax
from jax.experimental import pallas as pl
from jax.experimental.pallas import tpu as pltpu
from jax.experimental.pallas import tpu_sc as plsc

_N = 10000
_E = 320000
_D = 128
_H = 4
_CH = 32

_NC = 2
_NS = 16
_NW = _NC * _NS
_C = 80
_EPW = _E // _NW
_RPT = _N // _NS

_f32 = jnp.float32



@functools.cache
def _sc_gather_call():
    mesh = plsc.VectorSubcoreMesh(core_axis_name="c", subcore_axis_name="s",
                                  num_cores=_NC, num_subcores=_NS)
    return pl.kernel(
        _sc_gather_body,
        out_type=(jax.ShapeDtypeStruct((_E, _D), _f32),
                  jax.ShapeDtypeStruct((_E, _D), _f32)),
        mesh=mesh,
        scratch_types=[
            pltpu.VMEM((_C,), jnp.int32),
            pltpu.VMEM((_C,), jnp.int32),
            pltpu.VMEM((_C, _D), _f32),
            pltpu.VMEM((_C, _D), _f32),
            pltpu.SemaphoreType.DMA,
            pltpu.SemaphoreType.DMA,
        ],
    )


def _sc_gather(xl, xr, dst, src):
    return _sc_gather_call()(xl, xr, dst, src)


def _sc_gather_body(xl_hbm, xr_hbm, dst_hbm, src_hbm, g1_hbm, g2_hbm,
                    idx1, idx2, rows1, rows2, sem1, sem2):
    wid = lax.axis_index("s") * _NC + lax.axis_index("c")
    base0 = wid * _EPW

    def body(j, carry):
        base = base0 + j * _C
        pltpu.sync_copy(dst_hbm.at[pl.ds(base, _C)], idx1)
        pltpu.sync_copy(src_hbm.at[pl.ds(base, _C)], idx2)
        cp1 = pltpu.async_copy(xl_hbm.at[idx1], rows1, sem1)
        cp2 = pltpu.async_copy(xr_hbm.at[idx2], rows2, sem2)
        cp1.wait()
        pltpu.sync_copy(rows1, g1_hbm.at[pl.ds(base, _C)])
        cp2.wait()
        pltpu.sync_copy(rows2, g2_hbm.at[pl.ds(base, _C)])
        return carry

    lax.fori_loop(0, _EPW // _C, body, 0)


@functools.cache
def _sc_scatter_call():
    mesh = plsc.VectorSubcoreMesh(core_axis_name="c", subcore_axis_name="s",
                                  num_cores=_NC, num_subcores=_NS)
    return pl.kernel(
        _sc_scatter_body,
        out_type=(jax.ShapeDtypeStruct((_NC, _N, _D), _f32),
                  jax.ShapeDtypeStruct((_NC, _N, _D), _f32)),
        mesh=mesh,
        scratch_types=[
            pltpu.VMEM((_C,), jnp.int32),
            pltpu.VMEM((_C, _D), _f32),
            pltpu.MemorySpace.VMEM_SHARED((_N, _D), _f32),
        ],
    )


def _sc_scatter(u, exx, dst, z128):
    return _sc_scatter_call()(u, exx, dst, z128)


def _sc_scatter_body(u_hbm, exx_hbm, dst_hbm, z128_hbm, upart_hbm,
                     dpart_hbm, idx, ubuf, uacc):
    cid = lax.axis_index("c")
    sid = lax.axis_index("s")
    wid = sid * _NC + cid
    base0 = wid * _EPW

    rb = sid * 640
    nz = jnp.where(sid < _NS - 1, 8, 5)

    for src_hbm, part_hbm in ((u_hbm, upart_hbm), (exx_hbm, dpart_hbm)):
        pltpu.sync_copy(z128_hbm.at[pl.ds(0, _C)], ubuf)

        def zbody(j, carry):
            pltpu.sync_copy(ubuf, uacc.at[pl.ds(rb + j * _C, _C)])
            return carry

        lax.fori_loop(0, nz, zbody, 0)
        plsc.subcore_barrier()

        def body(j, carry):
            base = base0 + j * _C
            pltpu.sync_copy(dst_hbm.at[pl.ds(base, _C)], idx)
            pltpu.sync_copy(src_hbm.at[pl.ds(base, _C)], ubuf)
            pltpu.sync_copy(ubuf, uacc.at[idx], add=True)
            return carry

        lax.fori_loop(0, _EPW // _C, body, 0)
        plsc.subcore_barrier()

        def obody(j, carry):
            pltpu.sync_copy(uacc.at[pl.ds(rb + j * _C, _C)], ubuf)
            pltpu.sync_copy(ubuf, part_hbm.at[cid, pl.ds(rb + j * _C, _C)])
            return carry

        lax.fori_loop(0, nz, obody, 0)
        plsc.subcore_barrier()



_BM = 2000
_BE = 2000


def _full(shape):
    return pl.BlockSpec(shape, lambda i: tuple(0 for _ in shape))


def _tc_proj_body(x, wp, bp, h_out):
    h_out[...] = jnp.dot(x[...], wp[...], preferred_element_type=_f32) + bp[...]


def _tc_proj(x, wp, bp):
    return pl.pallas_call(
        _tc_proj_body,
        grid=(_N // _BM,),
        in_specs=[pl.BlockSpec((_BM, _D), lambda i: (i, 0)),
                  _full((_D, _D)), _full((1, _D))],
        out_specs=pl.BlockSpec((_BM, _D), lambda i: (i, 0)),
        out_shape=jax.ShapeDtypeStruct((_N, _D), _f32),
    )(x, wp, bp)


def _tc_lr_body(h, wl, wr, xl_out, xr_out):
    hh = h[...]
    xl_out[...] = jnp.dot(hh, wl[...], preferred_element_type=_f32)
    xr_out[...] = jnp.dot(hh, wr[...], preferred_element_type=_f32)


def _tc_lr(h, wl, wr):
    return pl.pallas_call(
        _tc_lr_body,
        grid=(_N // _BM,),
        in_specs=[pl.BlockSpec((_BM, _D), lambda i: (i, 0)),
                  _full((_D, _D)), _full((_D, _D))],
        out_specs=[pl.BlockSpec((_BM, _D), lambda i: (i, 0)),
                   pl.BlockSpec((_BM, _D), lambda i: (i, 0))],
        out_shape=[jax.ShapeDtypeStruct((_N, _D), _f32),
                   jax.ShapeDtypeStruct((_N, _D), _f32)],
    )(h, wl, wr)


def _tc_edge_body(g1, g2, amap, bexp, u_out, exx_out):
    s = g1[...] + g2[...]
    s = jnp.where(s > 0, s, 0.2 * s)
    e = jnp.exp(jnp.dot(s, amap[...], preferred_element_type=_f32))
    exx = jnp.dot(e, bexp[...], preferred_element_type=_f32)
    exx_out[...] = exx
    u_out[...] = g2[...] * exx


def _tc_edge(g1, g2, amap, bexp):
    return pl.pallas_call(
        _tc_edge_body,
        grid=(_E // _BE,),
        in_specs=[pl.BlockSpec((_BE, _D), lambda i: (i, 0)),
                  pl.BlockSpec((_BE, _D), lambda i: (i, 0)),
                  _full((_D, 16)), _full((16, _D))],
        out_specs=[pl.BlockSpec((_BE, _D), lambda i: (i, 0)),
                   pl.BlockSpec((_BE, _D), lambda i: (i, 0))],
        out_shape=[jax.ShapeDtypeStruct((_E, _D), _f32),
                   jax.ShapeDtypeStruct((_E, _D), _f32)],
    )(g1, g2, amap, bexp)


def _tc_combine_body(up, dp, hprev, bias, ng, nb, h_out):
    u = up[0] + up[1]
    denx = dp[0] + dp[1] + 1e-16
    y = hprev[...] + u / denx + bias[...]
    mu = jnp.mean(y, axis=-1, keepdims=True)
    var = jnp.mean((y - mu) ** 2, axis=-1, keepdims=True)
    h_out[...] = (y - mu) / jnp.sqrt(var + 1e-5) * ng[...] + nb[...]


def _tc_combine(upart, dpart, hprev, bias, ng, nb):
    return pl.pallas_call(
        _tc_combine_body,
        grid=(_N // _BM,),
        in_specs=[pl.BlockSpec((_NC, _BM, _D), lambda i: (0, i, 0)),
                  pl.BlockSpec((_NC, _BM, _D), lambda i: (0, i, 0)),
                  pl.BlockSpec((_BM, _D), lambda i: (i, 0)),
                  _full((1, _D)), _full((1, _D)), _full((1, _D))],
        out_specs=pl.BlockSpec((_BM, _D), lambda i: (i, 0)),
        out_shape=jax.ShapeDtypeStruct((_N, _D), _f32),
    )(upart, dpart, hprev, bias, ng, nb)


def _gelu(x):
    return 0.5 * x * (1.0 + lax.erf(x * 0.7071067811865476))


def _tc_final_body(h, fng, fnb, pw1, pb1, pw2, pb2, vw1, vb1, vw2, vb2,
                   vol_out, pl_out):
    y = h[...]
    mu = jnp.mean(y, axis=-1, keepdims=True)
    var = jnp.mean((y - mu) ** 2, axis=-1, keepdims=True)
    hn = (y - mu) / jnp.sqrt(var + 1e-5) * fng[...] + fnb[...]
    ph = _gelu(jnp.dot(hn, pw1[...], preferred_element_type=_f32) + pb1[...])
    pl_out[...] = jnp.dot(ph, pw2[...], preferred_element_type=_f32) + pb2[...]
    vh = _gelu(jnp.dot(hn, vw1[...], preferred_element_type=_f32) + vb1[...])
    vol_out[...] = jnp.dot(vh, vw2[...], preferred_element_type=_f32) + vb2[...]


def _tc_final(h, fng, fnb, pw1, pb1, pw2p, pb2p, vw1, vb1, vw2, vb2):
    return pl.pallas_call(
        _tc_final_body,
        grid=(_N // _BM,),
        in_specs=[pl.BlockSpec((_BM, _D), lambda i: (i, 0)),
                  _full((1, _D)), _full((1, _D)),
                  _full((_D, _D // 2)), _full((1, _D // 2)),
                  _full((_D // 2, 8)), _full((1, 8)),
                  _full((_D, _D // 2)), _full((1, _D // 2)),
                  _full((_D // 2, _D)), _full((1, _D))],
        out_specs=[pl.BlockSpec((_BM, _D), lambda i: (i, 0)),
                   pl.BlockSpec((_BM, 8), lambda i: (i, 0))],
        out_shape=[jax.ShapeDtypeStruct((_N, _D), _f32),
                   jax.ShapeDtypeStruct((_N, 8), _f32)],
    )(h, fng, fnb, pw1, pb1, pw2p, pb2p, vw1, vb1, vw2, vb2)




def kernel(x, edge_index, params):
    src = edge_index[0]
    dst = edge_index[1]
    p = params

    head_of = jnp.arange(_D, dtype=jnp.int32) // _CH
    bexp = (head_of[None, :] == jnp.arange(16, dtype=jnp.int32)[:, None]
            ).astype(_f32)
    z128 = jnp.zeros((_N, _D), _f32)
    row1 = lambda v: v.reshape(1, -1)

    h = _tc_proj(x, p['Wp'], row1(p['bp']))
    for lp in p['layers']:
        xl, xr = _tc_lr(h, lp['Wl'], lp['Wr'])
        g1, g2 = _sc_gather(xl, xr, dst, src)
        amap = bexp.T * lp['att'].reshape(_D)[:, None]
        u, exx = _tc_edge(g1, g2, amap, bexp)
        upart, dpart = _sc_scatter(u, exx, dst, z128)
        h = _tc_combine(upart, dpart, h, row1(lp['bias']),
                        row1(lp['ng']), row1(lp['nb']))

    pw2p = jnp.pad(p['pW2'], ((0, 0), (0, 7)))
    pb2p = jnp.pad(p['pb2'], (0, 7))
    vol, pl8 = _tc_final(h, row1(p['fng']), row1(p['fnb']),
                         p['pW1'], row1(p['pb1']), pw2p, row1(pb2p),
                         p['vW1'], row1(p['vb1']), p['vW2'], row1(p['vb2']))
    return vol, pl8[:, :1]

# --- scband reference (transcript-rebuilt; emitter-appended) ---
"""Pipeline reference for scband-zignnexpert-20538533609923 (READ-ONLY COPY).

The authoritative reference and input builder live on the scoring server;
editing this copy changes nothing except your own understanding.
"""

import jax, jax.numpy as jnp
import numpy as np

N = 10000
E = 320000
D = 128
HEADS = 4
CH = 32
LAYERS = 3


def _mk(key, shape, scale=0.05):
    return scale * jax.random.normal(key, shape, dtype=jnp.float32)


def setup_inputs(seed: int = 0):
    key = jax.random.key(seed)
    ks = iter(jax.random.split(key, 64))
    x = jax.random.normal(next(ks), (N, D), dtype=jnp.float32)
    edge_index = jax.random.randint(next(ks), (2, E), 0, N, dtype=jnp.int32)
    params = {
        'Wp': _mk(next(ks), (D, D)), 'bp': jnp.zeros((D,), jnp.float32),
        'layers': [],
        'fng': jnp.ones((D,), jnp.float32), 'fnb': jnp.zeros((D,), jnp.float32),
        'pW1': _mk(next(ks), (D, D // 2)), 'pb1': jnp.zeros((D // 2,), jnp.float32),
        'pW2': _mk(next(ks), (D // 2, 1)), 'pb2': jnp.zeros((1,), jnp.float32),
        'vW1': _mk(next(ks), (D, D // 2)), 'vb1': jnp.zeros((D // 2,), jnp.float32),
        'vW2': _mk(next(ks), (D // 2, D)), 'vb2': jnp.zeros((D,), jnp.float32),
    }
    for _ in range(LAYERS):
        params['layers'].append({
            'Wl': _mk(next(ks), (D, HEADS * CH)),
            'Wr': _mk(next(ks), (D, HEADS * CH)),
            'att': _mk(next(ks), (HEADS, CH)),
            'bias': jnp.zeros((HEADS * CH,), jnp.float32),
            'ng': jnp.ones((D,), jnp.float32),
            'nb': jnp.zeros((D,), jnp.float32),
        })
    return {'x': x, 'edge_index': edge_index, 'params': params}


def _layer_norm(x, g, b):
    mu = jnp.mean(x, axis=-1, keepdims=True)
    var = jnp.mean((x - mu) ** 2, axis=-1, keepdims=True)
    return (x - mu) / jnp.sqrt(var + 1e-5) * g + b


def _gatv2(x, src, dst, p):
    # GATv2Conv (PyG semantics): alpha_ij = softmax_j(a^T LeakyReLU(Wl x_i + Wr x_j)),
    # out_i = sum_j alpha_ij * (Wr x_j); heads concatenated.
    xl = (x @ p['Wl']).reshape(N, HEADS, CH)
    xr = (x @ p['Wr']).reshape(N, HEADS, CH)
    e = jax.nn.leaky_relu(xl[dst] + xr[src], 0.2)  # [E, H, C]
    logits = jnp.sum(e * p['att'][None], axis=-1)  # [E, H]
    m = jax.ops.segment_max(logits, dst, num_segments=N)
    m = jax.lax.stop_gradient(jnp.where(jnp.isfinite(m), m, 0.0))
    ex = jnp.exp(logits - m[dst])
    denom = jax.ops.segment_sum(ex, dst, num_segments=N)
    alpha = ex / (denom[dst] + 1e-16)  # [E, H]
    out = jax.ops.segment_sum(alpha[..., None] * xr[src], dst, num_segments=N)
    return out.reshape(N, HEADS * CH) + p['bias']


def _forward(x, edge_index, params):
    src = edge_index[0]
    dst = edge_index[1]
    h = x @ params['Wp'] + params['bp']
    for p in params['layers']:
        # GNNResidualBlock: x = LayerNorm(x + Dropout(conv(x, edge_index))), dropout=identity in eval
        h = _layer_norm(h + _gatv2(h, src, dst, p), p['ng'], p['nb'])
    h = _layer_norm(h, params['fng'], params['fnb'])
    ph = jax.nn.gelu(h @ params['pW1'] + params['pb1'], approximate=False)
    prob_logits = ph @ params['pW2'] + params['pb2']
    vh = jax.nn.gelu(h @ params['vW1'] + params['vb1'], approximate=False)
    volume_emb = vh @ params['vW2'] + params['vb2']
    return volume_emb, prob_logits


def reference(x, edge_index, params):
    return _forward(x, edge_index, params)

if __name__ == "__main__":
    import jax
    _d = setup_inputs()
    print(jax.jit(kernel)(*tuple(_d.values())))

</pallas_src>

<mosaic_0001>
#map = affine_map<(d0, d1) -> (0, 0)>
#map1 = affine_map<(d0, d1) -> (0)>
module attributes {stable_mosaic.version = 14 : i64} {
  func.func @_sc_gather_body(%arg0: i32, %arg1: i32, %arg2: memref<10000x128xf32, #tpu.memory_space<hbm>>, %arg3: memref<10000x128xf32, #tpu.memory_space<hbm>>, %arg4: memref<320000xi32, #tpu.memory_space<hbm>>, %arg5: memref<320000xi32, #tpu.memory_space<hbm>>, %arg6: memref<320000x128xf32, #tpu.memory_space<hbm>>, %arg7: memref<320000x128xf32, #tpu.memory_space<hbm>>, %arg8: memref<80xi32, #tpu.memory_space<vmem>>, %arg9: memref<80xi32, #tpu.memory_space<vmem>>, %arg10: memref<80x128xf32, #tpu.memory_space<vmem>>, %arg11: memref<80x128xf32, #tpu.memory_space<vmem>>, %arg12: memref<!tpu.dma_semaphore, #tpu.memory_space<semaphore_mem>>, %arg13: memref<!tpu.dma_semaphore, #tpu.memory_space<semaphore_mem>>) attributes {dimension_semantics = [#tpu.dimension_semantics<core_parallel>, #tpu.dimension_semantics<subcore_parallel>], iteration_bounds = array<i64: 2, 16>, scalar_prefetch = 0 : i64, scratch_operands = 6 : i64, tpu.core_type = #tpu.core_type<sc_vector_subcore>, window_params = [{transform_indices = #map}, {transform_indices = #map}, {transform_indices = #map1}, {transform_indices = #map1}, {transform_indices = #map}, {transform_indices = #map}]} {
    %mul3A = arith.constant 2 : i32
    %mul3A_0 = arith.muli %arg1, %mul3A : i32
    %add3A = arith.addi %mul3A_0, %arg0 : i32
    %mul3A_1 = arith.constant 10000 : i32
    %mul3A_2 = arith.muli %add3A, %mul3A_1 : i32
    %scan3A = arith.constant 0 : i32
    %scan3A_3 = arith.constant 0 : i32
    %scan3A_4 = arith.constant 125 : i32
    %scan3A_5 = arith.addi %scan3A_3, %scan3A_4 : i32
    %scan3A_6 = arith.constant 1 : i32
    scf.for %scan3A_8 = %scan3A_3 to %scan3A_5 step %scan3A_6  : i32 {
      %mul3A_9 = arith.constant 80 : i32
      %mul3A_10 = arith.muli %scan3A_8, %mul3A_9 : i32
      %add3A_11 = arith.addi %mul3A_2, %mul3A_10 : i32
      "tpu.region"() ({
        %run_scoped3A = tpu.sem_alloc : memref<!tpu.dma_semaphore, #tpu.memory_space<semaphore_mem>>
        %dma_start3A_22 = tpu.memref_slice %arg4[%add3A_11] : memref<320000xi32, #tpu.memory_space<hbm>> -> memref<80xi32, #tpu.memory_space<hbm>>
        %dma_start3A_23 = tpu.memref_slice %arg4[%add3A_11] : memref<320000xi32, #tpu.memory_space<hbm>> -> memref<80xi32, #tpu.memory_space<hbm>>
        tpu.enqueue_dma source(%dma_start3A_23 : memref<80xi32, #tpu.memory_space<hbm>>) target(%arg8 : memref<80xi32, #tpu.memory_space<vmem>>) target_semaphore(%run_scoped3A : memref<!tpu.dma_semaphore, #tpu.memory_space<semaphore_mem>>)
        %dma_wait3A_24 = tpu.memref_slice %arg4[%add3A_11] : memref<320000xi32, #tpu.memory_space<hbm>> -> memref<80xi32, #tpu.memory_space<hbm>>
        %dma_wait3A_25 = tpu.memref_slice %arg4[%add3A_11] : memref<320000xi32, #tpu.memory_space<hbm>> -> memref<80xi32, #tpu.memory_space<hbm>>
        tpu.wait_dma2 semaphore(%run_scoped3A : memref<!tpu.dma_semaphore, #tpu.memory_space<semaphore_mem>>) src(%dma_wait3A_25 : memref<80xi32, #tpu.memory_space<hbm>>) dst(%arg8 : memref<80xi32, #tpu.memory_space<vmem>>)
        tpu.yield
      }) : () -> ()
      "tpu.region"() ({
        %run_scoped3A = tpu.sem_alloc : memref<!tpu.dma_semaphore, #tpu.memory_space<semaphore_mem>>
        %dma_start3A_22 = tpu.memref_slice %arg5[%add3A_11] : memref<320000xi32, #tpu.memory_space<hbm>> -> memref<80xi32, #tpu.memory_space<hbm>>
        %dma_start3A_23 = tpu.memref_slice %arg5[%add3A_11] : memref<320000xi32, #tpu.memory_space<hbm>> -> memref<80xi32, #tpu.memory_space<hbm>>
        tpu.enqueue_dma source(%dma_start3A_23 : memref<80xi32, #tpu.memory_space<hbm>>) target(%arg9 : memref<80xi32, #tpu.memory_space<vmem>>) target_semaphore(%run_scoped3A : memref<!tpu.dma_semaphore, #tpu.memory_space<semaphore_mem>>)
        %dma_wait3A_24 = tpu.memref_slice %arg5[%add3A_11] : memref<320000xi32, #tpu.memory_space<hbm>> -> memref<80xi32, #tpu.memory_space<hbm>>
        %dma_wait3A_25 = tpu.memref_slice %arg5[%add3A_11] : memref<320000xi32, #tpu.memory_space<hbm>> -> memref<80xi32, #tpu.memory_space<hbm>>
        tpu.wait_dma2 semaphore(%run_scoped3A : memref<!tpu.dma_semaphore, #tpu.memory_space<semaphore_mem>>) src(%dma_wait3A_25 : memref<80xi32, #tpu.memory_space<hbm>>) dst(%arg9 : memref<80xi32, #tpu.memory_space<vmem>>)
        tpu.yield
      }) : () -> ()
      %dma_start3A = arith.constant 0 : i32
      %dma_start3A_12 = arith.constant 0 : i32
      %dma_start3A_13 = tpu.memref_slice %arg2[%dma_start3A, %dma_start3A_12] : memref<10000x128xf32, #tpu.memory_space<hbm>> -> memref<10000x128xf32, #tpu.memory_space<hbm>>
      tpu.enqueue_indirect_dma source(%dma_start3A_13 : memref<10000x128xf32, #tpu.memory_space<hbm>>) target(%arg10 : memref<80x128xf32, #tpu.memory_space<vmem>>) offsets(%arg8 : memref<80xi32, #tpu.memory_space<vmem>>) semaphore(%arg12 : memref<!tpu.dma_semaphore, #tpu.memory_space<semaphore_mem>>)
      %dma_start3A_14 = arith.constant 0 : i32
      %dma_start3A_15 = arith.constant 0 : i32
      %dma_start3A_16 = tpu.memref_slice %arg3[%dma_start3A_14, %dma_start3A_15] : memref<10000x128xf32, #tpu.memory_space<hbm>> -> memref<10000x128xf32, #tpu.memory_space<hbm>>
      tpu.enqueue_indirect_dma source(%dma_start3A_16 : memref<10000x128xf32, #tpu.memory_space<hbm>>) target(%arg11 : memref<80x128xf32, #tpu.memory_space<vmem>>) offsets(%arg9 : memref<80xi32, #tpu.memory_space<vmem>>) semaphore(%arg13 : memref<!tpu.dma_semaphore, #tpu.memory_space<semaphore_mem>>)
      %dma_wait3A = arith.constant 0 : i32
      %dma_wait3A_17 = arith.constant 0 : i32
      %dma_wait3A_18 = tpu.memref_slice %arg2[%dma_wait3A, %dma_wait3A_17] : memref<10000x128xf32, #tpu.memory_space<hbm>> -> memref<10000x128xf32, #tpu.memory_space<hbm>>
      tpu.wait_indirect_dma semaphore(%arg12 : memref<!tpu.dma_semaphore, #tpu.memory_space<semaphore_mem>>) src(%dma_wait3A_18 : memref<10000x128xf32, #tpu.memory_space<hbm>>) dst(%arg10 : memref<80x128xf32, #tpu.memory_space<vmem>>)
      "tpu.region"() ({
        %run_scoped3A = tpu.sem_alloc : memref<!tpu.dma_semaphore, #tpu.memory_space<semaphore_mem>>
        %dma_start3A_22 = arith.constant 0 : i32
        %dma_start3A_23 = tpu.memref_slice %arg6[%add3A_11, %dma_start3A_22] : memref<320000x128xf32, #tpu.memory_space<hbm>> -> memref<80x128xf32, #tpu.memory_space<hbm>>
        %dma_start3A_24 = arith.constant 0 : i32
        %dma_start3A_25 = tpu.memref_slice %arg6[%add3A_11, %dma_start3A_24] : memref<320000x128xf32, #tpu.memory_space<hbm>> -> memref<80x128xf32, #tpu.memory_space<hbm>>
        tpu.enqueue_dma source(%arg10 : memref<80x128xf32, #tpu.memory_space<vmem>>) target(%dma_start3A_25 : memref<80x128xf32, #tpu.memory_space<hbm>>) target_semaphore(%run_scoped3A : memref<!tpu.dma_semaphore, #tpu.memory_space<semaphore_mem>>)
        %dma_wait3A_26 = arith.constant 0 : i32
        %dma_wait3A_27 = tpu.memref_slice %arg6[%add3A_11, %dma_wait3A_26] : memref<320000x128xf32, #tpu.memory_space<hbm>> -> memref<80x128xf32, #tpu.memory_space<hbm>>
        %dma_wait3A_28 = arith.constant 0 : i32
        %dma_wait3A_29 = tpu.memref_slice %arg6[%add3A_11, %dma_wait3A_28] : memref<320000x128xf32, #tpu.memory_space<hbm>> -> memref<80x128xf32, #tpu.memory_space<hbm>>
        tpu.wait_dma2 semaphore(%run_scoped3A : memref<!tpu.dma_semaphore, #tpu.memory_space<semaphore_mem>>) src(%arg10 : memref<80x128xf32, #tpu.memory_space<vmem>>) dst(%dma_wait3A_29 : memref<80x128xf32, #tpu.memory_space<hbm>>)
        tpu.yield
      }) : () -> ()
      %dma_wait3A_19 = arith.constant 0 : i32
      %dma_wait3A_20 = arith.constant 0 : i32
      %dma_wait3A_21 = tpu.memref_slice %arg3[%dma_wait3A_19, %dma_wait3A_20] : memref<10000x128xf32, #tpu.memory_space<hbm>> -> memref<10000x128xf32, #tpu.memory_space<hbm>>
      tpu.wait_indirect_dma semaphore(%arg13 : memref<!tpu.dma_semaphore, #tpu.memory_space<semaphore_mem>>) src(%dma_wait3A_21 : memref<10000x128xf32, #tpu.memory_space<hbm>>) dst(%arg11 : memref<80x128xf32, #tpu.memory_space<vmem>>)
      "tpu.region"() ({
        %run_scoped3A = tpu.sem_alloc : memref<!tpu.dma_semaphore, #tpu.memory_space<semaphore_mem>>
        %dma_start3A_22 = arith.constant 0 : i32
        %dma_start3A_23 = tpu.memref_slice %arg7[%add3A_11, %dma_start3A_22] : memref<320000x128xf32, #tpu.memory_space<hbm>> -> memref<80x128xf32, #tpu.memory_space<hbm>>
        %dma_start3A_24 = arith.constant 0 : i32
        %dma_start3A_25 = tpu.memref_slice %arg7[%add3A_11, %dma_start3A_24] : memref<320000x128xf32, #tpu.memory_space<hbm>> -> memref<80x128xf32, #tpu.memory_space<hbm>>
        tpu.enqueue_dma source(%arg11 : memref<80x128xf32, #tpu.memory_space<vmem>>) target(%dma_start3A_25 : memref<80x128xf32, #tpu.memory_space<hbm>>) target_semaphore(%run_scoped3A : memref<!tpu.dma_semaphore, #tpu.memory_space<semaphore_mem>>)
        %dma_wait3A_26 = arith.constant 0 : i32
        %dma_wait3A_27 = tpu.memref_slice %arg7[%add3A_11, %dma_wait3A_26] : memref<320000x128xf32, #tpu.memory_space<hbm>> -> memref<80x128xf32, #tpu.memory_space<hbm>>
        %dma_wait3A_28 = arith.constant 0 : i32
        %dma_wait3A_29 = tpu.memref_slice %arg7[%add3A_11, %dma_wait3A_28] : memref<320000x128xf32, #tpu.memory_space<hbm>> -> memref<80x128xf32, #tpu.memory_space<hbm>>
        tpu.wait_dma2 semaphore(%run_scoped3A : memref<!tpu.dma_semaphore, #tpu.memory_space<semaphore_mem>>) src(%arg11 : memref<80x128xf32, #tpu.memory_space<vmem>>) dst(%dma_wait3A_29 : memref<80x128xf32, #tpu.memory_space<hbm>>)
        tpu.yield
      }) : () -> ()
    }
    %scan3A_7 = arith.constant 125 : i32
    return
  }
}

#map = affine_map<(d0, d1) -> (0, 0)>
#map1 = affine_map<(d0, d1) -> (0)>
#map2 = affine_map<(d0, d1) -> (0, 0, 0)>
module attributes {stable_mosaic.version = 14 : i64} {
  func.func @_sc_scatter_body(%arg0: i32, %arg1: i32, %arg2: memref<320000x128xf32, #tpu.memory_space<hbm>>, %arg3: memref<320000x128xf32, #tpu.memory_space<hbm>>, %arg4: memref<320000xi32, #tpu.memory_space<hbm>>, %arg5: memref<10000x128xf32, #tpu.memory_space<hbm>>, %arg6: memref<2x10000x128xf32, #tpu.memory_space<hbm>>, %arg7: memref<2x10000x128xf32, #tpu.memory_space<hbm>>, %arg8: memref<80xi32, #tpu.memory_space<vmem>>, %arg9: memref<80x128xf32, #tpu.memory_space<vmem>>, %arg10: memref<10000x128xf32, #tpu.memory_space<vmem_shared>>) attributes {dimension_semantics = [#tpu.dimension_semantics<core_parallel>, #tpu.dimension_semantics<subcore_parallel>], iteration_bounds = array<i64: 2, 16>, scalar_prefetch = 0 : i64, scratch_operands = 3 : i64, tpu.core_type = #tpu.core_type<sc_vector_subcore>, window_params = [{transform_indices = #map}, {transform_indices = #map}, {transform_indices = #map1}, {transform_indices = #map}, {transform_indices = #map2}, {transform_indices = #map2}]} {
    %mul3A = arith.constant 2 : i32
    %mul3A_0 = arith.muli %arg1, %mul3A : i32
    %add3A = arith.addi %mul3A_0, %arg0 : i32
    %mul3A_1 = arith.constant 10000 : i32
    %mul3A_2 = arith.muli %add3A, %mul3A_1 : i32
    %mul3A_3 = arith.constant 640 : i32
    %mul3A_4 = arith.muli %arg1, %mul3A_3 : i32
    %lt3A = arith.constant 15 : i32
    %lt3A_5 = arith.cmpi slt, %arg1, %lt3A : i32
    %jit3A = arith.constant 8 : i32
    %jit3A_6 = arith.constant 5 : i32
    %select_n3A = arith.select %lt3A_5, %jit3A, %jit3A_6 : i32
    "tpu.region"() ({
      %run_scoped3A = tpu.sem_alloc : memref<!tpu.dma_semaphore, #tpu.memory_space<semaphore_mem>>
      %dma_start3A = arith.constant 0 : i32
      %dma_start3A_62 = arith.constant 0 : i32
      %dma_start3A_63 = tpu.memref_slice %arg5[%dma_start3A, %dma_start3A_62] : memref<10000x128xf32, #tpu.memory_space<hbm>> -> memref<80x128xf32, #tpu.memory_space<hbm>>
      %dma_start3A_64 = arith.constant 0 : i32
      %dma_start3A_65 = arith.constant 0 : i32
      %dma_start3A_66 = tpu.memref_slice %arg5[%dma_start3A_64, %dma_start3A_65] : memref<10000x128xf32, #tpu.memory_space<hbm>> -> memref<80x128xf32, #tpu.memory_space<hbm>>
      tpu.enqueue_dma source(%dma_start3A_66 : memref<80x128xf32, #tpu.memory_space<hbm>>) target(%arg9 : memref<80x128xf32, #tpu.memory_space<vmem>>) target_semaphore(%run_scoped3A : memref<!tpu.dma_semaphore, #tpu.memory_space<semaphore_mem>>)
      %dma_wait3A = arith.constant 0 : i32
      %dma_wait3A_67 = arith.constant 0 : i32
      %dma_wait3A_68 = tpu.memref_slice %arg5[%dma_wait3A, %dma_wait3A_67] : memref<10000x128xf32, #tpu.memory_space<hbm>> -> memref<80x128xf32, #tpu.memory_space<hbm>>
      %dma_wait3A_69 = arith.constant 0 : i32
      %dma_wait3A_70 = arith.constant 0 : i32
      %dma_wait3A_71 = tpu.memref_slice %arg5[%dma_wait3A_69, %dma_wait3A_70] : memref<10000x128xf32, #tpu.memory_space<hbm>> -> memref<80x128xf32, #tpu.memory_space<hbm>>
      tpu.wait_dma2 semaphore(%run_scoped3A : memref<!tpu.dma_semaphore, #tpu.memory_space<semaphore_mem>>) src(%dma_wait3A_71 : memref<80x128xf32, #tpu.memory_space<hbm>>) dst(%arg9 : memref<80x128xf32, #tpu.memory_space<vmem>>)
      tpu.yield
    }) : () -> ()
    %while3A = arith.constant 0 : i32
    %while3A_7 = arith.constant 0 : i32
    %while3A_8 = arith.subi %select_n3A, %while3A_7 : i32
    %while3A_9 = arith.addi %while3A_7, %while3A_8 : i32
    %while3A_10 = arith.constant 1 : i32
    %while3A_11 = arith.divsi %while3A_8, %while3A_10 : i32
    %while3A_12 = arith.muli %while3A_11, %while3A_10 : i32
    %while3A_13 = arith.addi %while3A_7, %while3A_12 : i32
    %while3A_14 = arith.constant 1 : i32
    scf.for %while3A_62 = %while3A_7 to %while3A_13 step %while3A_14  : i32 {
      %mul3A_63 = arith.constant 80 : i32
      %mul3A_64 = arith.muli %while3A_62, %mul3A_63 : i32
      %add3A_65 = arith.addi %mul3A_4, %mul3A_64 : i32
      "tpu.region"() ({
        %run_scoped3A = tpu.sem_alloc : memref<!tpu.dma_semaphore, #tpu.memory_space<semaphore_mem>>
        %dma_start3A = arith.constant 0 : i32
        %dma_start3A_66 = tpu.memref_slice %arg10[%add3A_65, %dma_start3A] : memref<10000x128xf32, #tpu.memory_space<vmem_shared>> -> memref<80x128xf32, #tpu.memory_space<vmem_shared>>
        %dma_start3A_67 = arith.constant 0 : i32
        %dma_start3A_68 = tpu.memref_slice %arg10[%add3A_65, %dma_start3A_67] : memref<10000x128xf32, #tpu.memory_space<vmem_shared>> -> memref<80x128xf32, #tpu.memory_space<vmem_shared>>
        tpu.enqueue_dma source(%arg9 : memref<80x128xf32, #tpu.memory_space<vmem>>) target(%dma_start3A_68 : memref<80x128xf32, #tpu.memory_space<vmem_shared>>) target_semaphore(%run_scoped3A : memref<!tpu.dma_semaphore, #tpu.memory_space<semaphore_mem>>)
        %dma_wait3A = arith.constant 0 : i32
        %dma_wait3A_69 = tpu.memref_slice %arg10[%add3A_65, %dma_wait3A] : memref<10000x128xf32, #tpu.memory_space<vmem_shared>> -> memref<80x128xf32, #tpu.memory_space<vmem_shared>>
        %dma_wait3A_70 = arith.constant 0 : i32
        %dma_wait3A_71 = tpu.memref_slice %arg10[%add3A_65, %dma_wait3A_70] : memref<10000x128xf32, #tpu.memory_space<vmem_shared>> -> memref<80x128xf32, #tpu.memory_space<vmem_shared>>
        tpu.wait_dma2 semaphore(%run_scoped3A : memref<!tpu.dma_semaphore, #tpu.memory_space<semaphore_mem>>) src(%arg9 : memref<80x128xf32, #tpu.memory_space<vmem>>) dst(%dma_wait3A_71 : memref<80x128xf32, #tpu.memory_space<vmem_shared>>)
        tpu.yield
      }) : () -> ()
    }
    %while3A_15 = arith.constant 1 : i32
    scf.for %while3A_62 = %while3A_13 to %while3A_9 step %while3A_15  : i32 {
      %mul3A_63 = arith.constant 80 : i32
      %mul3A_64 = arith.muli %while3A_62, %mul3A_63 : i32
      %add3A_65 = arith.addi %mul3A_4, %mul3A_64 : i32
      "tpu.region"() ({
        %run_scoped3A = tpu.sem_alloc : memref<!tpu.dma_semaphore, #tpu.memory_space<semaphore_mem>>
        %dma_start3A = arith.constant 0 : i32
        %dma_start3A_66 = tpu.memref_slice %arg10[%add3A_65, %dma_start3A] : memref<10000x128xf32, #tpu.memory_space<vmem_shared>> -> memref<80x128xf32, #tpu.memory_space<vmem_shared>>
        %dma_start3A_67 = arith.constant 0 : i32
        %dma_start3A_68 = tpu.memref_slice %arg10[%add3A_65, %dma_start3A_67] : memref<10000x128xf32, #tpu.memory_space<vmem_shared>> -> memref<80x128xf32, #tpu.memory_space<vmem_shared>>
        tpu.enqueue_dma source(%arg9 : memref<80x128xf32, #tpu.memory_space<vmem>>) target(%dma_start3A_68 : memref<80x128xf32, #tpu.memory_space<vmem_shared>>) target_semaphore(%run_scoped3A : memref<!tpu.dma_semaphore, #tpu.memory_space<semaphore_mem>>)
        %dma_wait3A = arith.constant 0 : i32
        %dma_wait3A_69 = tpu.memref_slice %arg10[%add3A_65, %dma_wait3A] : memref<10000x128xf32, #tpu.memory_space<vmem_shared>> -> memref<80x128xf32, #tpu.memory_space<vmem_shared>>
        %dma_wait3A_70 = arith.constant 0 : i32
        %dma_wait3A_71 = tpu.memref_slice %arg10[%add3A_65, %dma_wait3A_70] : memref<10000x128xf32, #tpu.memory_space<vmem_shared>> -> memref<80x128xf32, #tpu.memory_space<vmem_shared>>
        tpu.wait_dma2 semaphore(%run_scoped3A : memref<!tpu.dma_semaphore, #tpu.memory_space<semaphore_mem>>) src(%arg9 : memref<80x128xf32, #tpu.memory_space<vmem>>) dst(%dma_wait3A_71 : memref<80x128xf32, #tpu.memory_space<vmem_shared>>)
        tpu.yield
      }) : () -> ()
    }
    %barrier3A = arith.constant 0 : index
    tpu.barrier barrier_id(%barrier3A)
    %scan3A = arith.constant 0 : i32
    %scan3A_16 = arith.constant 0 : i32
    %scan3A_17 = arith.constant 125 : i32
    %scan3A_18 = arith.addi %scan3A_16, %scan3A_17 : i32
    %scan3A_19 = arith.constant 1 : i32
    scf.for %scan3A_62 = %scan3A_16 to %scan3A_18 step %scan3A_19  : i32 {
      %mul3A_63 = arith.constant 80 : i32
      %mul3A_64 = arith.muli %scan3A_62, %mul3A_63 : i32
      %add3A_65 = arith.addi %mul3A_2, %mul3A_64 : i32
      "tpu.region"() ({
        %run_scoped3A = tpu.sem_alloc : memref<!tpu.dma_semaphore, #tpu.memory_space<semaphore_mem>>
        %dma_start3A = tpu.memref_slice %arg4[%add3A_65] : memref<320000xi32, #tpu.memory_space<hbm>> -> memref<80xi32, #tpu.memory_space<hbm>>
        %dma_start3A_66 = tpu.memref_slice %arg4[%add3A_65] : memref<320000xi32, #tpu.memory_space<hbm>> -> memref<80xi32, #tpu.memory_space<hbm>>
        tpu.enqueue_dma source(%dma_start3A_66 : memref<80xi32, #tpu.memory_space<hbm>>) target(%arg8 : memref<80xi32, #tpu.memory_space<vmem>>) target_semaphore(%run_scoped3A : memref<!tpu.dma_semaphore, #tpu.memory_space<semaphore_mem>>)
        %dma_wait3A = tpu.memref_slice %arg4[%add3A_65] : memref<320000xi32, #tpu.memory_space<hbm>> -> memref<80xi32, #tpu.memory_space<hbm>>
        %dma_wait3A_67 = tpu.memref_slice %arg4[%add3A_65] : memref<320000xi32, #tpu.memory_space<hbm>> -> memref<80xi32, #tpu.memory_space<hbm>>
        tpu.wait_dma2 semaphore(%run_scoped3A : memref<!tpu.dma_semaphore, #tpu.memory_space<semaphore_mem>>) src(%dma_wait3A_67 : memref<80xi32, #tpu.memory_space<hbm>>) dst(%arg8 : memref<80xi32, #tpu.memory_space<vmem>>)
        tpu.yield
      }) : () -> ()
      "tpu.region"() ({
        %run_scoped3A = tpu.sem_alloc : memref<!tpu.dma_semaphore, #tpu.memory_space<semaphore_mem>>
        %dma_start3A = arith.constant 0 : i32
        %dma_start3A_66 = tpu.memref_slice %arg2[%add3A_65, %dma_start3A] : memref<320000x128xf32, #tpu.memory_space<hbm>> -> memref<80x128xf32, #tpu.memory_space<hbm>>
        %dma_start3A_67 = arith.constant 0 : i32
        %dma_start3A_68 = tpu.memref_slice %arg2[%add3A_65, %dma_start3A_67] : memref<320000x128xf32, #tpu.memory_space<hbm>> -> memref<80x128xf32, #tpu.memory_space<hbm>>
        tpu.enqueue_dma source(%dma_start3A_68 : memref<80x128xf32, #tpu.memory_space<hbm>>) target(%arg9 : memref<80x128xf32, #tpu.memory_space<vmem>>) target_semaphore(%run_scoped3A : memref<!tpu.dma_semaphore, #tpu.memory_space<semaphore_mem>>)
        %dma_wait3A = arith.constant 0 : i32
        %dma_wait3A_69 = tpu.memref_slice %arg2[%add3A_65, %dma_wait3A] : memref<320000x128xf32, #tpu.memory_space<hbm>> -> memref<80x128xf32, #tpu.memory_space<hbm>>
        %dma_wait3A_70 = arith.constant 0 : i32
        %dma_wait3A_71 = tpu.memref_slice %arg2[%add3A_65, %dma_wait3A_70] : memref<320000x128xf32, #tpu.memory_space<hbm>> -> memref<80x128xf32, #tpu.memory_space<hbm>>
        tpu.wait_dma2 semaphore(%run_scoped3A : memref<!tpu.dma_semaphore, #tpu.memory_space<semaphore_mem>>) src(%dma_wait3A_71 : memref<80x128xf32, #tpu.memory_space<hbm>>) dst(%arg9 : memref<80x128xf32, #tpu.memory_space<vmem>>)
        tpu.yield
      }) : () -> ()
      "tpu.region"() ({
        %run_scoped3A = tpu.sem_alloc : memref<!tpu.dma_semaphore, #tpu.memory_space<semaphore_mem>>
        %dma_start3A = arith.constant 0 : i32
        %dma_start3A_66 = arith.constant 0 : i32
        %dma_start3A_67 = tpu.memref_slice %arg10[%dma_start3A, %dma_start3A_66] : memref<10000x128xf32, #tpu.memory_space<vmem_shared>> -> memref<10000x128xf32, #tpu.memory_space<vmem_shared>>
        tpu.enqueue_indirect_dma source(%arg9 : memref<80x128xf32, #tpu.memory_space<vmem>>) target(%dma_start3A_67 : memref<10000x128xf32, #tpu.memory_space<vmem_shared>>) offsets(%arg8 : memref<80xi32, #tpu.memory_space<vmem>>) semaphore(%run_scoped3A : memref<!tpu.dma_semaphore, #tpu.memory_space<semaphore_mem>>) {add = true}
        %dma_wait3A = arith.constant 0 : i32
        %dma_wait3A_68 = arith.constant 0 : i32
        %dma_wait3A_69 = tpu.memref_slice %arg10[%dma_wait3A, %dma_wait3A_68] : memref<10000x128xf32, #tpu.memory_space<vmem_shared>> -> memref<10000x128xf32, #tpu.memory_space<vmem_shared>>
        tpu.wait_indirect_dma semaphore(%run_scoped3A : memref<!tpu.dma_semaphore, #tpu.memory_space<semaphore_mem>>) src(%arg9 : memref<80x128xf32, #tpu.memory_space<vmem>>) dst(%dma_wait3A_69 : memref<10000x128xf32, #tpu.memory_space<vmem_shared>>)
        tpu.yield
      }) : () -> ()
    }
    %scan3A_20 = arith.constant 125 : i32
    %barrier3A_21 = arith.constant 0 : index
    tpu.barrier barrier_id(%barrier3A_21)
    %while3A_22 = arith.constant 0 : i32
    %while3A_23 = arith.constant 0 : i32
    %while3A_24 = arith.subi %select_n3A, %while3A_23 : i32
    %while3A_25 = arith.addi %while3A_23, %while3A_24 : i32
    %while3A_26 = arith.constant 1 : i32
    %while3A_27 = arith.divsi %while3A_24, %while3A_26 : i32
    %while3A_28 = arith.muli %while3A_27, %while3A_26 : i32
    %while3A_29 = arith.addi %while3A_23, %while3A_28 : i32
    %while3A_30 = arith.constant 1 : i32
    scf.for %while3A_62 = %while3A_23 to %while3A_29 step %while3A_30  : i32 {
      %mul3A_63 = arith.constant 80 : i32
      %mul3A_64 = arith.muli %while3A_62, %mul3A_63 : i32
      %add3A_65 = arith.addi %mul3A_4, %mul3A_64 : i32
      "tpu.region"() ({
        %run_scoped3A = tpu.sem_alloc : memref<!tpu.dma_semaphore, #tpu.memory_space<semaphore_mem>>
        %dma_start3A = arith.constant 0 : i32
        %dma_start3A_69 = tpu.memref_slice %arg10[%add3A_65, %dma_start3A] : memref<10000x128xf32, #tpu.memory_space<vmem_shared>> -> memref<80x128xf32, #tpu.memory_space<vmem_shared>>
        %dma_start3A_70 = arith.constant 0 : i32
        %dma_start3A_71 = tpu.memref_slice %arg10[%add3A_65, %dma_start3A_70] : memref<10000x128xf32, #tpu.memory_space<vmem_shared>> -> memref<80x128xf32, #tpu.memory_space<vmem_shared>>
        tpu.enqueue_dma source(%dma_start3A_71 : memref<80x128xf32, #tpu.memory_space<vmem_shared>>) target(%arg9 : memref<80x128xf32, #tpu.memory_space<vmem>>) target_semaphore(%run_scoped3A : memref<!tpu.dma_semaphore, #tpu.memory_space<semaphore_mem>>)
        %dma_wait3A = arith.constant 0 : i32
        %dma_wait3A_72 = tpu.memref_slice %arg10[%add3A_65, %dma_wait3A] : memref<10000x128xf32, #tpu.memory_space<vmem_shared>> -> memref<80x128xf32, #tpu.memory_space<vmem_shared>>
        %dma_wait3A_73 = arith.constant 0 : i32
        %dma_wait3A_74 = tpu.memref_slice %arg10[%add3A_65, %dma_wait3A_73] : memref<10000x128xf32, #tpu.memory_space<vmem_shared>> -> memref<80x128xf32, #tpu.memory_space<vmem_shared>>
        tpu.wait_dma2 semaphore(%run_scoped3A : memref<!tpu.dma_semaphore, #tpu.memory_space<semaphore_mem>>) src(%dma_wait3A_74 : memref<80x128xf32, #tpu.memory_space<vmem_shared>>) dst(%arg9 : memref<80x128xf32, #tpu.memory_space<vmem>>)
        tpu.yield
      }) : () -> ()
      %mul3A_66 = arith.constant 80 : i32
      %mul3A_67 = arith.muli %while3A_62, %mul3A_66 : i32
      %add3A_68 = arith.addi %mul3A_4, %mul3A_67 : i32
      "tpu.region"() ({
        %run_scoped3A = tpu.sem_alloc : memref<!tpu.dma_semaphore, #tpu.memory_space<semaphore_mem>>
        %dma_start3A = arith.constant 0 : i32
        %dma_start3A_69 = tpu.memref_slice %arg6[%arg0, %add3A_68, %dma_start3A] : memref<2x10000x128xf32, #tpu.memory_space<hbm>> -> memref<1x80x128xf32, #tpu.memory_space<hbm>>
        %dma_start3A_70 = tpu.memref_squeeze %dma_start3A_69 : memref<1x80x128xf32, #tpu.memory_space<hbm>> -> memref<80x128xf32, #tpu.memory_space<hbm>>
        %dma_start3A_71 = arith.constant 0 : i32
        %dma_start3A_72 = tpu.memref_slice %arg6[%arg0, %add3A_68, %dma_start3A_71] : memref<2x10000x128xf32, #tpu.memory_space<hbm>> -> memref<1x80x128xf32, #tpu.memory_space<hbm>>
        %dma_start3A_73 = tpu.memref_squeeze %dma_start3A_72 : memref<1x80x128xf32, #tpu.memory_space<hbm>> -> memref<80x128xf32, #tpu.memory_space<hbm>>
        tpu.enqueue_dma source(%arg9 : memref<80x128xf32, #tpu.memory_space<vmem>>) target(%dma_start3A_73 : memref<80x128xf32, #tpu.memory_space<hbm>>) target_semaphore(%run_scoped3A : memref<!tpu.dma_semaphore, #tpu.memory_space<semaphore_mem>>)
        %dma_wait3A = arith.constant 0 : i32
        %dma_wait3A_74 = tpu.memref_slice %arg6[%arg0, %add3A_68, %dma_wait3A] : memref<2x10000x128xf32, #tpu.memory_space<hbm>> -> memref<1x80x128xf32, #tpu.memory_space<hbm>>
        %dma_wait3A_75 = tpu.memref_squeeze %dma_wait3A_74 : memref<1x80x128xf32, #tpu.memory_space<hbm>> -> memref<80x128xf32, #tpu.memory_space<hbm>>
        %dma_wait3A_76 = arith.constant 0 : i32
        %dma_wait3A_77 = tpu.memref_slice %arg6[%arg0, %add3A_68, %dma_wait3A_76] : memref<2x10000x128xf32, #tpu.memory_space<hbm>> -> memref<1x80x128xf32, #tpu.memory_space<hbm>>
        %dma_wait3A_78 = tpu.memref_squeeze %dma_wait3A_77 : memref<1x80x128xf32, #tpu.memory_space<hbm>> -> memref<80x128xf32, #tpu.memory_space<hbm>>
        tpu.wait_dma2 semaphore(%run_scoped3A : memref<!tpu.dma_semaphore, #tpu.memory_space<semaphore_mem>>) src(%arg9 : memref<80x128xf32, #tpu.memory_space<vmem>>) dst(%dma_wait3A_78 : memref<80x128xf32, #tpu.memory_space<hbm>>)
        tpu.yield
      }) : () -> ()
    }
    %while3A_31 = arith.constant 1 : i32
    scf.for %while3A_62 = %while3A_29 to %while3A_25 step %while3A_31  : i32 {
      %mul3A_63 = arith.constant 80 : i32
      %mul3A_64 = arith.muli %while3A_62, %mul3A_63 : i32
      %add3A_65 = arith.addi %mul3A_4, %mul3A_64 : i32
      "tpu.region"() ({
        %run_scoped3A = tpu.sem_alloc : memref<!tpu.dma_semaphore, #tpu.memory_space<semaphore_mem>>
        %dma_start3A = arith.constant 0 : i32
        %dma_start3A_69 = tpu.memref_slice %arg10[%add3A_65, %dma_start3A] : memref<10000x128xf32, #tpu.memory_space<vmem_shared>> -> memref<80x128xf32, #tpu.memory_space<vmem_shared>>
        %dma_start3A_70 = arith.constant 0 : i32
        %dma_start3A_71 = tpu.memref_slice %arg10[%add3A_65, %dma_start3A_70] : memref<10000x128xf32, #tpu.memory_space<vmem_shared>> -> memref<80x128xf32, #tpu.memory_space<vmem_shared>>
        tpu.enqueue_dma source(%dma_start3A_71 : memref<80x128xf32, #tpu.memory_space<vmem_shared>>) target(%arg9 : memref<80x128xf32, #tpu.memory_space<vmem>>) target_semaphore(%run_scoped3A : memref<!tpu.dma_semaphore, #tpu.memory_space<semaphore_mem>>)
        %dma_wait3A = arith.constant 0 : i32
        %dma_wait3A_72 = tpu.memref_slice %arg10[%add3A_65, %dma_wait3A] : memref<10000x128xf32, #tpu.memory_space<vmem_shared>> -> memref<80x128xf32, #tpu.memory_space<vmem_shared>>
        %dma_wait3A_73 = arith.constant 0 : i32
        %dma_wait3A_74 = tpu.memref_slice %arg10[%add3A_65, %dma_wait3A_73] : memref<10000x128xf32, #tpu.memory_space<vmem_shared>> -> memref<80x128xf32, #tpu.memory_space<vmem_shared>>
        tpu.wait_dma2 semaphore(%run_scoped3A : memref<!tpu.dma_semaphore, #tpu.memory_space<semaphore_mem>>) src(%dma_wait3A_74 : memref<80x128xf32, #tpu.memory_space<vmem_shared>>) dst(%arg9 : memref<80x128xf32, #tpu.memory_space<vmem>>)
        tpu.yield
      }) : () -> ()
      %mul3A_66 = arith.constant 80 : i32
      %mul3A_67 = arith.muli %while3A_62, %mul3A_66 : i32
      %add3A_68 = arith.addi %mul3A_4, %mul3A_67 : i32
      "tpu.region"() ({
        %run_scoped3A = tpu.sem_alloc : memref<!tpu.dma_semaphore, #tpu.memory_space<semaphore_mem>>
        %dma_start3A = arith.constant 0 : i32
        %dma_start3A_69 = tpu.memref_slice %arg6[%arg0, %add3A_68, %dma_start3A] : memref<2x10000x128xf32, #tpu.memory_space<hbm>> -> memref<1x80x128xf32, #tpu.memory_space<hbm>>
        %dma_start3A_70 = tpu.memref_squeeze %dma_start3A_69 : memref<1x80x128xf32, #tpu.memory_space<hbm>> -> memref<80x128xf32, #tpu.memory_space<hbm>>
        %dma_start3A_71 = arith.constant 0 : i32
        %dma_start3A_72 = tpu.memref_slice %arg6[%arg0, %add3A_68, %dma_start3A_71] : memref<2x10000x128xf32, #tpu.memory_space<hbm>> -> memref<1x80x128xf32, #tpu.memory_space<hbm>>
        %dma_start3A_73 = tpu.memref_squeeze %dma_start3A_72 : memref<1x80x128xf32, #tpu.memory_space<hbm>> -> memref<80x128xf32, #tpu.memory_space<hbm>>
        tpu.enqueue_dma source(%arg9 : memref<80x128xf32, #tpu.memory_space<vmem>>) target(%dma_start3A_73 : memref<80x128xf32, #tpu.memory_space<hbm>>) target_semaphore(%run_scoped3A : memref<!tpu.dma_semaphore, #tpu.memory_space<semaphore_mem>>)
        %dma_wait3A = arith.constant 0 : i32
        %dma_wait3A_74 = tpu.memref_slice %arg6[%arg0, %add3A_68, %dma_wait3A] : memref<2x10000x128xf32, #tpu.memory_space<hbm>> -> memref<1x80x128xf32, #tpu.memory_space<hbm>>
        %dma_wait3A_75 = tpu.memref_squeeze %dma_wait3A_74 : memref<1x80x128xf32, #tpu.memory_space<hbm>> -> memref<80x128xf32, #tpu.memory_space<hbm>>
        %dma_wait3A_76 = arith.constant 0 : i32
        %dma_wait3A_77 = tpu.memref_slice %arg6[%arg0, %add3A_68, %dma_wait3A_76] : memref<2x10000x128xf32, #tpu.memory_space<hbm>> -> memref<1x80x128xf32, #tpu.memory_space<hbm>>
        %dma_wait3A_78 = tpu.memref_squeeze %dma_wait3A_77 : memref<1x80x128xf32, #tpu.memory_space<hbm>> -> memref<80x128xf32, #tpu.memory_space<hbm>>
        tpu.wait_dma2 semaphore(%run_scoped3A : memref<!tpu.dma_semaphore, #tpu.memory_space<semaphore_mem>>) src(%arg9 : memref<80x128xf32, #tpu.memory_space<vmem>>) dst(%dma_wait3A_78 : memref<80x128xf32, #tpu.memory_space<hbm>>)
        tpu.yield
      }) : () -> ()
    }
    %barrier3A_32 = arith.constant 0 : index
    tpu.barrier barrier_id(%barrier3A_32)
    "tpu.region"() ({
      %run_scoped3A = tpu.sem_alloc : memref<!tpu.dma_semaphore, #tpu.memory_space<semaphore_mem>>
      %dma_start3A = arith.constant 0 : i32
      %dma_start3A_62 = arith.constant 0 : i32
      %dma_start3A_63 = tpu.memref_slice %arg5[%dma_start3A, %dma_start3A_62] : memref<10000x128xf32, #tpu.memory_space<hbm>> -> memref<80x128xf32, #tpu.memory_space<hbm>>
      %dma_start3A_64 = arith.constant 0 : i32
      %dma_start3A_65 = arith.constant 0 : i32
      %dma_start3A_66 = tpu.memref_slice %arg5[%dma_start3A_64, %dma_start3A_65] : memref<10000x128xf32, #tpu.memory_space<hbm>> -> memref<80x128xf32, #tpu.memory_space<hbm>>
      tpu.enqueue_dma source(%dma_start3A_66 : memref<80x128xf32, #tpu.memory_space<hbm>>) target(%arg9 : memref<80x128xf32, #tpu.memory_space<vmem>>) target_semaphore(%run_scoped3A : memref<!tpu.dma_semaphore, #tpu.memory_space<semaphore_mem>>)
      %dma_wait3A = arith.constant 0 : i32
      %dma_wait3A_67 = arith.constant 0 : i32
      %dma_wait3A_68 = tpu.memref_slice %arg5[%dma_wait3A, %dma_wait3A_67] : memref<10000x128xf32, #tpu.memory_space<hbm>> -> memref<80x128xf32, #tpu.memory_space<hbm>>
      %dma_wait3A_69 = arith.constant 0 : i32
      %dma_wait3A_70 = arith.constant 0 : i32
      %dma_wait3A_71 = tpu.memref_slice %arg5[%dma_wait3A_69, %dma_wait3A_70] : memref<10000x128xf32, #tpu.memory_space<hbm>> -> memref<80x128xf32, #tpu.memory_space<hbm>>
      tpu.wait_dma2 semaphore(%run_scoped3A : memref<!tpu.dma_semaphore, #tpu.memory_space<semaphore_mem>>) src(%dma_wait3A_71 : memref<80x128xf32, #tpu.memory_space<hbm>>) dst(%arg9 : memref<80x128xf32, #tpu.memory_space<vmem>>)
      tpu.yield
    }) : () -> ()
    %while3A_33 = arith.constant 0 : i32
    %while3A_34 = arith.constant 0 : i32
    %while3A_35 = arith.subi %select_n3A, %while3A_34 : i32
    %while3A_36 = arith.addi %while3A_34, %while3A_35 : i32
    %while3A_37 = arith.constant 1 : i32
    %while3A_38 = arith.divsi %while3A_35, %while3A_37 : i32
    %while3A_39 = arith.muli %while3A_38, %while3A_37 : i32
    %while3A_40 = arith.addi %while3A_34, %while3A_39 : i32
    %while3A_41 = arith.constant 1 : i32
    scf.for %while3A_62 = %while3A_34 to %while3A_40 step %while3A_41  : i32 {
      %mul3A_63 = arith.constant 80 : i32
      %mul3A_64 = arith.muli %while3A_62, %mul3A_63 : i32
      %add3A_65 = arith.addi %mul3A_4, %mul3A_64 : i32
      "tpu.region"() ({
        %run_scoped3A = tpu.sem_alloc : memref<!tpu.dma_semaphore, #tpu.memory_space<semaphore_mem>>
        %dma_start3A = arith.constant 0 : i32
        %dma_start3A_66 = tpu.memref_slice %arg10[%add3A_65, %dma_start3A] : memref<10000x128xf32, #tpu.memory_space<vmem_shared>> -> memref<80x128xf32, #tpu.memory_space<vmem_shared>>
        %dma_start3A_67 = arith.constant 0 : i32
        %dma_start3A_68 = tpu.memref_slice %arg10[%add3A_65, %dma_start3A_67] : memref<10000x128xf32, #tpu.memory_space<vmem_shared>> -> memref<80x128xf32, #tpu.memory_space<vmem_shared>>
        tpu.enqueue_dma source(%arg9 : memref<80x128xf32, #tpu.memory_space<vmem>>) target(%dma_start3A_68 : memref<80x128xf32, #tpu.memory_space<vmem_shared>>) target_semaphore(%run_scoped3A : memref<!tpu.dma_semaphore, #tpu.memory_space<semaphore_mem>>)
        %dma_wait3A = arith.constant 0 : i32
        %dma_wait3A_69 = tpu.memref_slice %arg10[%add3A_65, %dma_wait3A] : memref<10000x128xf32, #tpu.memory_space<vmem_shared>> -> memref<80x128xf32, #tpu.memory_space<vmem_shared>>
        %dma_wait3A_70 = arith.constant 0 : i32
        %dma_wait3A_71 = tpu.memref_slice %arg10[%add3A_65, %dma_wait3A_70] : memref<10000x128xf32, #tpu.memory_space<vmem_shared>> -> memref<80x128xf32, #tpu.memory_space<vmem_shared>>
        tpu.wait_dma2 semaphore(%run_scoped3A : memref<!tpu.dma_semaphore, #tpu.memory_space<semaphore_mem>>) src(%arg9 : memref<80x128xf32, #tpu.memory_space<vmem>>) dst(%dma_wait3A_71 : memref<80x128xf32, #tpu.memory_space<vmem_shared>>)
        tpu.yield
      }) : () -> ()
    }
    %while3A_42 = arith.constant 1 : i32
    scf.for %while3A_62 = %while3A_40 to %while3A_36 step %while3A_42  : i32 {
      %mul3A_63 = arith.constant 80 : i32
      %mul3A_64 = arith.muli %while3A_62, %mul3A_63 : i32
      %add3A_65 = arith.addi %mul3A_4, %mul3A_64 : i32
      "tpu.region"() ({
        %run_scoped3A = tpu.sem_alloc : memref<!tpu.dma_semaphore, #tpu.memory_space<semaphore_mem>>
        %dma_start3A = arith.constant 0 : i32
        %dma_start3A_66 = tpu.memref_slice %arg10[%add3A_65, %dma_start3A] : memref<10000x128xf32, #tpu.memory_space<vmem_shared>> -> memref<80x128xf32, #tpu.memory_space<vmem_shared>>
        %dma_start3A_67 = arith.constant 0 : i32
        %dma_start3A_68 = tpu.memref_slice %arg10[%add3A_65, %dma_start3A_67] : memref<10000x128xf32, #tpu.memory_space<vmem_shared>> -> memref<80x128xf32, #tpu.memory_space<vmem_shared>>
        tpu.enqueue_dma source(%arg9 : memref<80x128xf32, #tpu.memory_space<vmem>>) target(%dma_start3A_68 : memref<80x128xf32, #tpu.memory_space<vmem_shared>>) target_semaphore(%run_scoped3A : memref<!tpu.dma_semaphore, #tpu.memory_space<semaphore_mem>>)
        %dma_wait3A = arith.constant 0 : i32
        %dma_wait3A_69 = tpu.memref_slice %arg10[%add3A_65, %dma_wait3A] : memref<10000x128xf32, #tpu.memory_space<vmem_shared>> -> memref<80x128xf32, #tpu.memory_space<vmem_shared>>
        %dma_wait3A_70 = arith.constant 0 : i32
        %dma_wait3A_71 = tpu.memref_slice %arg10[%add3A_65, %dma_wait3A_70] : memref<10000x128xf32, #tpu.memory_space<vmem_shared>> -> memref<80x128xf32, #tpu.memory_space<vmem_shared>>
        tpu.wait_dma2 semaphore(%run_scoped3A : memref<!tpu.dma_semaphore, #tpu.memory_space<semaphore_mem>>) src(%arg9 : memref<80x128xf32, #tpu.memory_space<vmem>>) dst(%dma_wait3A_71 : memref<80x128xf32, #tpu.memory_space<vmem_shared>>)
        tpu.yield
      }) : () -> ()
    }
    %barrier3A_43 = arith.constant 0 : index
    tpu.barrier barrier_id(%barrier3A_43)
    %scan3A_44 = arith.constant 0 : i32
    %scan3A_45 = arith.constant 0 : i32
    %scan3A_46 = arith.constant 125 : i32
    %scan3A_47 = arith.addi %scan3A_45, %scan3A_46 : i32
    %scan3A_48 = arith.constant 1 : i32
    scf.for %scan3A_62 = %scan3A_45 to %scan3A_47 step %scan3A_48  : i32 {
      %mul3A_63 = arith.constant 80 : i32
      %mul3A_64 = arith.muli %scan3A_62, %mul3A_63 : i32
      %add3A_65 = arith.addi %mul3A_2, %mul3A_64 : i32
      "tpu.region"() ({
        %run_scoped3A = tpu.sem_alloc : memref<!tpu.dma_semaphore, #tpu.memory_space<semaphore_mem>>
        %dma_start3A = tpu.memref_slice %arg4[%add3A_65] : memref<320000xi32, #tpu.memory_space<hbm>> -> memref<80xi32, #tpu.memory_space<hbm>>
        %dma_start3A_66 = tpu.memref_slice %arg4[%add3A_65] : memref<320000xi32, #tpu.memory_space<hbm>> -> memref<80xi32, #tpu.memory_space<hbm>>
        tpu.enqueue_dma source(%dma_start3A_66 : memref<80xi32, #tpu.memory_space<hbm>>) target(%arg8 : memref<80xi32, #tpu.memory_space<vmem>>) target_semaphore(%run_scoped3A : memref<!tpu.dma_semaphore, #tpu.memory_space<semaphore_mem>>)
        %dma_wait3A = tpu.memref_slice %arg4[%add3A_65] : memref<320000xi32, #tpu.memory_space<hbm>> -> memref<80xi32, #tpu.memory_space<hbm>>
        %dma_wait3A_67 = tpu.memref_slice %arg4[%add3A_65] : memref<320000xi32, #tpu.memory_space<hbm>> -> memref<80xi32, #tpu.memory_space<hbm>>
        tpu.wait_dma2 semaphore(%run_scoped3A : memref<!tpu.dma_semaphore, #tpu.memory_space<semaphore_mem>>) src(%dma_wait3A_67 : memref<80xi32, #tpu.memory_space<hbm>>) dst(%arg8 : memref<80xi32, #tpu.memory_space<vmem>>)
        tpu.yield
      }) : () -> ()
      "tpu.region"() ({
        %run_scoped3A = tpu.sem_alloc : memref<!tpu.dma_semaphore, #tpu.memory_space<semaphore_mem>>
        %dma_start3A = arith.constant 0 : i32
        %dma_start3A_66 = tpu.memref_slice %arg3[%add3A_65, %dma_start3A] : memref<320000x128xf32, #tpu.memory_space<hbm>> -> memref<80x128xf32, #tpu.memory_space<hbm>>
        %dma_start3A_67 = arith.constant 0 : i32
        %dma_start3A_68 = tpu.memref_slice %arg3[%add3A_65, %dma_start3A_67] : memref<320000x128xf32, #tpu.memory_space<hbm>> -> memref<80x128xf32, #tpu.memory_space<hbm>>
        tpu.enqueue_dma source(%dma_start3A_68 : memref<80x128xf32, #tpu.memory_space<hbm>>) target(%arg9 : memref<80x128xf32, #tpu.memory_space<vmem>>) target_semaphore(%run_scoped3A : memref<!tpu.dma_semaphore, #tpu.memory_space<semaphore_mem>>)
        %dma_wait3A = arith.constant 0 : i32
        %dma_wait3A_69 = tpu.memref_slice %arg3[%add3A_65, %dma_wait3A] : memref<320000x128xf32, #tpu.memory_space<hbm>> -> memref<80x128xf32, #tpu.memory_space<hbm>>
        %dma_wait3A_70 = arith.constant 0 : i32
        %dma_wait3A_71 = tpu.memref_slice %arg3[%add3A_65, %dma_wait3A_70] : memref<320000x128xf32, #tpu.memory_space<hbm>> -> memref<80x128xf32, #tpu.memory_space<hbm>>
        tpu.wait_dma2 semaphore(%run_scoped3A : memref<!tpu.dma_semaphore, #tpu.memory_space<semaphore_mem>>) src(%dma_wait3A_71 : memref<80x128xf32, #tpu.memory_space<hbm>>) dst(%arg9 : memref<80x128xf32, #tpu.memory_space<vmem>>)
        tpu.yield
      }) : () -> ()
      "tpu.region"() ({
        %run_scoped3A = tpu.sem_alloc : memref<!tpu.dma_semaphore, #tpu.memory_space<semaphore_mem>>
        %dma_start3A = arith.constant 0 : i32
        %dma_start3A_66 = arith.constant 0 : i32
        %dma_start3A_67 = tpu.memref_slice %arg10[%dma_start3A, %dma_start3A_66] : memref<10000x128xf32, #tpu.memory_space<vmem_shared>> -> memref<10000x128xf32, #tpu.memory_space<vmem_shared>>
        tpu.enqueue_indirect_dma source(%arg9 : memref<80x128xf32, #tpu.memory_space<vmem>>) target(%dma_start3A_67 : memref<10000x128xf32, #tpu.memory_space<vmem_shared>>) offsets(%arg8 : memref<80xi32, #tpu.memory_space<vmem>>) semaphore(%run_scoped3A : memref<!tpu.dma_semaphore, #tpu.memory_space<semaphore_mem>>) {add = true}
        %dma_wait3A = arith.constant 0 : i32
        %dma_wait3A_68 = arith.constant 0 : i32
        %dma_wait3A_69 = tpu.memref_slice %arg10[%dma_wait3A, %dma_wait3A_68] : memref<10000x128xf32, #tpu.memory_space<vmem_shared>> -> memref<10000x128xf32, #tpu.memory_space<vmem_shared>>
        tpu.wait_indirect_dma semaphore(%run_scoped3A : memref<!tpu.dma_semaphore, #tpu.memory_space<semaphore_mem>>) src(%arg9 : memref<80x128xf32, #tpu.memory_space<vmem>>) dst(%dma_wait3A_69 : memref<10000x128xf32, #tpu.memory_space<vmem_shared>>)
        tpu.yield
      }) : () -> ()
    }
    %scan3A_49 = arith.constant 125 : i32
    %barrier3A_50 = arith.constant 0 : index
    tpu.barrier barrier_id(%barrier3A_50)
    %while3A_51 = arith.constant 0 : i32
    %while3A_52 = arith.constant 0 : i32
    %while3A_53 = arith.subi %select_n3A, %while3A_52 : i32
    %while3A_54 = arith.addi %while3A_52, %while3A_53 : i32
    %while3A_55 = arith.constant 1 : i32
    %while3A_56 = arith.divsi %while3A_53, %while3A_55 : i32
    %while3A_57 = arith.muli %while3A_56, %while3A_55 : i32
    %while3A_58 = arith.addi %while3A_52, %while3A_57 : i32
    %while3A_59 = arith.constant 1 : i32
    scf.for %while3A_62 = %while3A_52 to %while3A_58 step %while3A_59  : i32 {
      %mul3A_63 = arith.constant 80 : i32
      %mul3A_64 = arith.muli %while3A_62, %mul3A_63 : i32
      %add3A_65 = arith.addi %mul3A_4, %mul3A_64 : i32
      "tpu.region"() ({
        %run_scoped3A = tpu.sem_alloc : memref<!tpu.dma_semaphore, #tpu.memory_space<semaphore_mem>>
        %dma_start3A = arith.constant 0 : i32
        %dma_start3A_69 = tpu.memref_slice %arg10[%add3A_65, %dma_start3A] : memref<10000x128xf32, #tpu.memory_space<vmem_shared>> -> memref<80x128xf32, #tpu.memory_space<vmem_shared>>
        %dma_start3A_70 = arith.constant 0 : i32
        %dma_start3A_71 = tpu.memref_slice %arg10[%add3A_65, %dma_start3A_70] : memref<10000x128xf32, #tpu.memory_space<vmem_shared>> -> memref<80x128xf32, #tpu.memory_space<vmem_shared>>
        tpu.enqueue_dma source(%dma_start3A_71 : memref<80x128xf32, #tpu.memory_space<vmem_shared>>) target(%arg9 : memref<80x128xf32, #tpu.memory_space<vmem>>) target_semaphore(%run_scoped3A : memref<!tpu.dma_semaphore, #tpu.memory_space<semaphore_mem>>)
        %dma_wait3A = arith.constant 0 : i32
        %dma_wait3A_72 = tpu.memref_slice %arg10[%add3A_65, %dma_wait3A] : memref<10000x128xf32, #tpu.memory_space<vmem_shared>> -> memref<80x128xf32, #tpu.memory_space<vmem_shared>>
        %dma_wait3A_73 = arith.constant 0 : i32
        %dma_wait3A_74 = tpu.memref_slice %arg10[%add3A_65, %dma_wait3A_73] : memref<10000x128xf32, #tpu.memory_space<vmem_shared>> -> memref<80x128xf32, #tpu.memory_space<vmem_shared>>
        tpu.wait_dma2 semaphore(%run_scoped3A : memref<!tpu.dma_semaphore, #tpu.memory_space<semaphore_mem>>) src(%dma_wait3A_74 : memref<80x128xf32, #tpu.memory_space<vmem_shared>>) dst(%arg9 : memref<80x128xf32, #tpu.memory_space<vmem>>)
        tpu.yield
      }) : () -> ()
      %mul3A_66 = arith.constant 80 : i32
      %mul3A_67 = arith.muli %while3A_62, %mul3A_66 : i32
      %add3A_68 = arith.addi %mul3A_4, %mul3A_67 : i32
      "tpu.region"() ({
        %run_scoped3A = tpu.sem_alloc : memref<!tpu.dma_semaphore, #tpu.memory_space<semaphore_mem>>
        %dma_start3A = arith.constant 0 : i32
        %dma_start3A_69 = tpu.memref_slice %arg7[%arg0, %add3A_68, %dma_start3A] : memref<2x10000x128xf32, #tpu.memory_space<hbm>> -> memref<1x80x128xf32, #tpu.memory_space<hbm>>
        %dma_start3A_70 = tpu.memref_squeeze %dma_start3A_69 : memref<1x80x128xf32, #tpu.memory_space<hbm>> -> memref<80x128xf32, #tpu.memory_space<hbm>>
        %dma_start3A_71 = arith.constant 0 : i32
        %dma_start3A_72 = tpu.memref_slice %arg7[%arg0, %add3A_68, %dma_start3A_71] : memref<2x10000x128xf32, #tpu.memory_space<hbm>> -> memref<1x80x128xf32, #tpu.memory_space<hbm>>
        %dma_start3A_73 = tpu.memref_squeeze %dma_start3A_72 : memref<1x80x128xf32, #tpu.memory_space<hbm>> -> memref<80x128xf32, #tpu.memory_space<hbm>>
        tpu.enqueue_dma source(%arg9 : memref<80x128xf32, #tpu.memory_space<vmem>>) target(%dma_start3A_73 : memref<80x128xf32, #tpu.memory_space<hbm>>) target_semaphore(%run_scoped3A : memref<!tpu.dma_semaphore, #tpu.memory_space<semaphore_mem>>)
        %dma_wait3A = arith.constant 0 : i32
        %dma_wait3A_74 = tpu.memref_slice %arg7[%arg0, %add3A_68, %dma_wait3A] : memref<2x10000x128xf32, #tpu.memory_space<hbm>> -> memref<1x80x128xf32, #tpu.memory_space<hbm>>
        %dma_wait3A_75 = tpu.memref_squeeze %dma_wait3A_74 : memref<1x80x128xf32, #tpu.memory_space<hbm>> -> memref<80x128xf32, #tpu.memory_space<hbm>>
        %dma_wait3A_76 = arith.constant 0 : i32
        %dma_wait3A_77 = tpu.memref_slice %arg7[%arg0, %add3A_68, %dma_wait3A_76] : memref<2x10000x128xf32, #tpu.memory_space<hbm>> -> memref<1x80x128xf32, #tpu.memory_space<hbm>>
        %dma_wait3A_78 = tpu.memref_squeeze %dma_wait3A_77 : memref<1x80x128xf32, #tpu.memory_space<hbm>> -> memref<80x128xf32, #tpu.memory_space<hbm>>
        tpu.wait_dma2 semaphore(%run_scoped3A : memref<!tpu.dma_semaphore, #tpu.memory_space<semaphore_mem>>) src(%arg9 : memref<80x128xf32, #tpu.memory_space<vmem>>) dst(%dma_wait3A_78 : memref<80x128xf32, #tpu.memory_space<hbm>>)
        tpu.yield
      }) : () -> ()
    }
    %while3A_60 = arith.constant 1 : i32
    scf.for %while3A_62 = %while3A_58 to %while3A_54 step %while3A_60  : i32 {
      %mul3A_63 = arith.constant 80 : i32
      %mul3A_64 = arith.muli %while3A_62, %mul3A_63 : i32
      %add3A_65 = arith.addi %mul3A_4, %mul3A_64 : i32
      "tpu.region"() ({
        %run_scoped3A = tpu.sem_alloc : memref<!tpu.dma_semaphore, #tpu.memory_space<semaphore_mem>>
        %dma_start3A = arith.constant 0 : i32
        %dma_start3A_69 = tpu.memref_slice %arg10[%add3A_65, %dma_start3A] : memref<10000x128xf32, #tpu.memory_space<vmem_shared>> -> memref<80x128xf32, #tpu.memory_space<vmem_shared>>
        %dma_start3A_70 = arith.constant 0 : i32
        %dma_start3A_71 = tpu.memref_slice %arg10[%add3A_65, %dma_start3A_70] : memref<10000x128xf32, #tpu.memory_space<vmem_shared>> -> memref<80x128xf32, #tpu.memory_space<vmem_shared>>
        tpu.enqueue_dma source(%dma_start3A_71 : memref<80x128xf32, #tpu.memory_space<vmem_shared>>) target(%arg9 : memref<80x128xf32, #tpu.memory_space<vmem>>) target_semaphore(%run_scoped3A : memref<!tpu.dma_semaphore, #tpu.memory_space<semaphore_mem>>)
        %dma_wait3A = arith.constant 0 : i32
        %dma_wait3A_72 = tpu.memref_slice %arg10[%add3A_65, %dma_wait3A] : memref<10000x128xf32, #tpu.memory_space<vmem_shared>> -> memref<80x128xf32, #tpu.memory_space<vmem_shared>>
        %dma_wait3A_73 = arith.constant 0 : i32
        %dma_wait3A_74 = tpu.memref_slice %arg10[%add3A_65, %dma_wait3A_73] : memref<10000x128xf32, #tpu.memory_space<vmem_shared>> -> memref<80x128xf32, #tpu.memory_space<vmem_shared>>
        tpu.wait_dma2 semaphore(%run_scoped3A : memref<!tpu.dma_semaphore, #tpu.memory_space<semaphore_mem>>) src(%dma_wait3A_74 : memref<80x128xf32, #tpu.memory_space<vmem_shared>>) dst(%arg9 : memref<80x128xf32, #tpu.memory_space<vmem>>)
        tpu.yield
      }) : () -> ()
      %mul3A_66 = arith.constant 80 : i32
      %mul3A_67 = arith.muli %while3A_62, %mul3A_66 : i32
      %add3A_68 = arith.addi %mul3A_4, %mul3A_67 : i32
      "tpu.region"() ({
        %run_scoped3A = tpu.sem_alloc : memref<!tpu.dma_semaphore, #tpu.memory_space<semaphore_mem>>
        %dma_start3A = arith.constant 0 : i32
        %dma_start3A_69 = tpu.memref_slice %arg7[%arg0, %add3A_68, %dma_start3A] : memref<2x10000x128xf32, #tpu.memory_space<hbm>> -> memref<1x80x128xf32, #tpu.memory_space<hbm>>
        %dma_start3A_70 = tpu.memref_squeeze %dma_start3A_69 : memref<1x80x128xf32, #tpu.memory_space<hbm>> -> memref<80x128xf32, #tpu.memory_space<hbm>>
        %dma_start3A_71 = arith.constant 0 : i32
        %dma_start3A_72 = tpu.memref_slice %arg7[%arg0, %add3A_68, %dma_start3A_71] : memref<2x10000x128xf32, #tpu.memory_space<hbm>> -> memref<1x80x128xf32, #tpu.memory_space<hbm>>
        %dma_start3A_73 = tpu.memref_squeeze %dma_start3A_72 : memref<1x80x128xf32, #tpu.memory_space<hbm>> -> memref<80x128xf32, #tpu.memory_space<hbm>>
        tpu.enqueue_dma source(%arg9 : memref<80x128xf32, #tpu.memory_space<vmem>>) target(%dma_start3A_73 : memref<80x128xf32, #tpu.memory_space<hbm>>) target_semaphore(%run_scoped3A : memref<!tpu.dma_semaphore, #tpu.memory_space<semaphore_mem>>)
        %dma_wait3A = arith.constant 0 : i32
        %dma_wait3A_74 = tpu.memref_slice %arg7[%arg0, %add3A_68, %dma_wait3A] : memref<2x10000x128xf32, #tpu.memory_space<hbm>> -> memref<1x80x128xf32, #tpu.memory_space<hbm>>
        %dma_wait3A_75 = tpu.memref_squeeze %dma_wait3A_74 : memref<1x80x128xf32, #tpu.memory_space<hbm>> -> memref<80x128xf32, #tpu.memory_space<hbm>>
        %dma_wait3A_76 = arith.constant 0 : i32
        %dma_wait3A_77 = tpu.memref_slice %arg7[%arg0, %add3A_68, %dma_wait3A_76] : memref<2x10000x128xf32, #tpu.memory_space<hbm>> -> memref<1x80x128xf32, #tpu.memory_space<hbm>>
        %dma_wait3A_78 = tpu.memref_squeeze %dma_wait3A_77 : memref<1x80x128xf32, #tpu.memory_space<hbm>> -> memref<80x128xf32, #tpu.memory_space<hbm>>
        tpu.wait_dma2 semaphore(%run_scoped3A : memref<!tpu.dma_semaphore, #tpu.memory_space<semaphore_mem>>) src(%arg9 : memref<80x128xf32, #tpu.memory_space<vmem>>) dst(%dma_wait3A_78 : memref<80x128xf32, #tpu.memory_space<hbm>>)
        tpu.yield
      }) : () -> ()
    }
    %barrier3A_61 = arith.constant 0 : index
    tpu.barrier barrier_id(%barrier3A_61)
    return
  }
}

#map = affine_map<(d0, d1) -> (0, 0)>
#map1 = affine_map<(d0, d1) -> (0)>
#map2 = affine_map<(d0, d1) -> (0, 0, 0)>
module attributes {stable_mosaic.version = 14 : i64} {
  func.func @_sc_scatter_body(%arg0: i32, %arg1: i32, %arg2: memref<320000x128xf32, #tpu.memory_space<hbm>>, %arg3: memref<320000x128xf32, #tpu.memory_space<hbm>>, %arg4: memref<320000xi32, #tpu.memory_space<hbm>>, %arg5: memref<10000x128xf32, #tpu.memory_space<hbm>>, %arg6: memref<2x10000x128xf32, #tpu.memory_space<hbm>>, %arg7: memref<2x10000x128xf32, #tpu.memory_space<hbm>>, %arg8: memref<80xi32, #tpu.memory_space<vmem>>, %arg9: memref<80x128xf32, #tpu.memory_space<vmem>>, %arg10: memref<10000x128xf32, #tpu.memory_space<vmem_shared>>) attributes {dimension_semantics = [#tpu.dimension_semantics<core_parallel>, #tpu.dimension_semantics<subcore_parallel>], iteration_bounds = array<i64: 2, 16>, scalar_prefetch = 0 : i64, scratch_operands = 3 : i64, tpu.core_type = #tpu.core_type<sc_vector_subcore>, window_params = [{transform_indices = #map}, {transform_indices = #map}, {transform_indices = #map1}, {transform_indices = #map}, {transform_indices = #map2}, {transform_indices = #map2}]} {
    %mul3A = arith.constant 2 : i32
    %mul3A_0 = arith.muli %arg1, %mul3A : i32
    %add3A = arith.addi %mul3A_0, %arg0 : i32
    %mul3A_1 = arith.constant 10000 : i32
    %mul3A_2 = arith.muli %add3A, %mul3A_1 : i32
    %mul3A_3 = arith.constant 640 : i32
    %mul3A_4 = arith.muli %arg1, %mul3A_3 : i32
    %lt3A = arith.constant 15 : i32
    %lt3A_5 = arith.cmpi slt, %arg1, %lt3A : i32
    %jit3A = arith.constant 8 : i32
    %jit3A_6 = arith.constant 5 : i32
    %select_n3A = arith.select %lt3A_5, %jit3A, %jit3A_6 : i32
    "tpu.region"() ({
      %run_scoped3A = tpu.sem_alloc : memref<!tpu.dma_semaphore, #tpu.memory_space<semaphore_mem>>
      %dma_start3A = arith.constant 0 : i32
      %dma_start3A_62 = arith.constant 0 : i32
      %dma_start3A_63 = tpu.memref_slice %arg5[%dma_start3A, %dma_start3A_62] : memref<10000x128xf32, #tpu.memory_space<hbm>> -> memref<80x128xf32, #tpu.memory_space<hbm>>
      %dma_start3A_64 = arith.constant 0 : i32
      %dma_start3A_65 = arith.constant 0 : i32
      %dma_start3A_66 = tpu.memref_slice %arg5[%dma_start3A_64, %dma_start3A_65] : memref<10000x128xf32, #tpu.memory_space<hbm>> -> memref<80x128xf32, #tpu.memory_space<hbm>>
      tpu.enqueue_dma source(%dma_start3A_66 : memref<80x128xf32, #tpu.memory_space<hbm>>) target(%arg9 : memref<80x128xf32, #tpu.memory_space<vmem>>) target_semaphore(%run_scoped3A : memref<!tpu.dma_semaphore, #tpu.memory_space<semaphore_mem>>)
      %dma_wait3A = arith.constant 0 : i32
      %dma_wait3A_67 = arith.constant 0 : i32
      %dma_wait3A_68 = tpu.memref_slice %arg5[%dma_wait3A, %dma_wait3A_67] : memref<10000x128xf32, #tpu.memory_space<hbm>> -> memref<80x128xf32, #tpu.memory_space<hbm>>
      %dma_wait3A_69 = arith.constant 0 : i32
      %dma_wait3A_70 = arith.constant 0 : i32
      %dma_wait3A_71 = tpu.memref_slice %arg5[%dma_wait3A_69, %dma_wait3A_70] : memref<10000x128xf32, #tpu.memory_space<hbm>> -> memref<80x128xf32, #tpu.memory_space<hbm>>
      tpu.wait_dma2 semaphore(%run_scoped3A : memref<!tpu.dma_semaphore, #tpu.memory_space<semaphore_mem>>) src(%dma_wait3A_71 : memref<80x128xf32, #tpu.memory_space<hbm>>) dst(%arg9 : memref<80x128xf32, #tpu.memory_space<vmem>>)
      tpu.yield
    }) : () -> ()
    %while3A = arith.constant 0 : i32
    %while3A_7 = arith.constant 0 : i32
    %while3A_8 = arith.subi %select_n3A, %while3A_7 : i32
    %while3A_9 = arith.addi %while3A_7, %while3A_8 : i32
    %while3A_10 = arith.constant 1 : i32
    %while3A_11 = arith.divsi %while3A_8, %while3A_10 : i32
    %while3A_12 = arith.muli %while3A_11, %while3A_10 : i32
    %while3A_13 = arith.addi %while3A_7, %while3A_12 : i32
    %while3A_14 = arith.constant 1 : i32
    scf.for %while3A_62 = %while3A_7 to %while3A_13 step %while3A_14  : i32 {
      %mul3A_63 = arith.constant 80 : i32
      %mul3A_64 = arith.muli %while3A_62, %mul3A_63 : i32
      %add3A_65 = arith.addi %mul3A_4, %mul3A_64 : i32
      "tpu.region"() ({
        %run_scoped3A = tpu.sem_alloc : memref<!tpu.dma_semaphore, #tpu.memory_space<semaphore_mem>>
        %dma_start3A = arith.constant 0 : i32
        %dma_start3A_66 = tpu.memref_slice %arg10[%add3A_65, %dma_start3A] : memref<10000x128xf32, #tpu.memory_space<vmem_shared>> -> memref<80x128xf32, #tpu.memory_space<vmem_shared>>
        %dma_start3A_67 = arith.constant 0 : i32
        %dma_start3A_68 = tpu.memref_slice %arg10[%add3A_65, %dma_start3A_67] : memref<10000x128xf32, #tpu.memory_space<vmem_shared>> -> memref<80x128xf32, #tpu.memory_space<vmem_shared>>
        tpu.enqueue_dma source(%arg9 : memref<80x128xf32, #tpu.memory_space<vmem>>) target(%dma_start3A_68 : memref<80x128xf32, #tpu.memory_space<vmem_shared>>) target_semaphore(%run_scoped3A : memref<!tpu.dma_semaphore, #tpu.memory_space<semaphore_mem>>)
        %dma_wait3A = arith.constant 0 : i32
        %dma_wait3A_69 = tpu.memref_slice %arg10[%add3A_65, %dma_wait3A] : memref<10000x128xf32, #tpu.memory_space<vmem_shared>> -> memref<80x128xf32, #tpu.memory_space<vmem_shared>>
        %dma_wait3A_70 = arith.constant 0 : i32
        %dma_wait3A_71 = tpu.memref_slice %arg10[%add3A_65, %dma_wait3A_70] : memref<10000x128xf32, #tpu.memory_space<vmem_shared>> -> memref<80x128xf32, #tpu.memory_space<vmem_shared>>
        tpu.wait_dma2 semaphore(%run_scoped3A : memref<!tpu.dma_semaphore, #tpu.memory_space<semaphore_mem>>) src(%arg9 : memref<80x128xf32, #tpu.memory_space<vmem>>) dst(%dma_wait3A_71 : memref<80x128xf32, #tpu.memory_space<vmem_shared>>)
        tpu.yield
      }) : () -> ()
    }
    %while3A_15 = arith.constant 1 : i32
    scf.for %while3A_62 = %while3A_13 to %while3A_9 step %while3A_15  : i32 {
      %mul3A_63 = arith.constant 80 : i32
      %mul3A_64 = arith.muli %while3A_62, %mul3A_63 : i32
      %add3A_65 = arith.addi %mul3A_4, %mul3A_64 : i32
      "tpu.region"() ({
        %run_scoped3A = tpu.sem_alloc : memref<!tpu.dma_semaphore, #tpu.memory_space<semaphore_mem>>
        %dma_start3A = arith.constant 0 : i32
        %dma_start3A_66 = tpu.memref_slice %arg10[%add3A_65, %dma_start3A] : memref<10000x128xf32, #tpu.memory_space<vmem_shared>> -> memref<80x128xf32, #tpu.memory_space<vmem_shared>>
        %dma_start3A_67 = arith.constant 0 : i32
        %dma_start3A_68 = tpu.memref_slice %arg10[%add3A_65, %dma_start3A_67] : memref<10000x128xf32, #tpu.memory_space<vmem_shared>> -> memref<80x128xf32, #tpu.memory_space<vmem_shared>>
        tpu.enqueue_dma source(%arg9 : memref<80x128xf32, #tpu.memory_space<vmem>>) target(%dma_start3A_68 : memref<80x128xf32, #tpu.memory_space<vmem_shared>>) target_semaphore(%run_scoped3A : memref<!tpu.dma_semaphore, #tpu.memory_space<semaphore_mem>>)
        %dma_wait3A = arith.constant 0 : i32
        %dma_wait3A_69 = tpu.memref_slice %arg10[%add3A_65, %dma_wait3A] : memref<10000x128xf32, #tpu.memory_space<vmem_shared>> -> memref<80x128xf32, #tpu.memory_space<vmem_shared>>
        %dma_wait3A_70 = arith.constant 0 : i32
        %dma_wait3A_71 = tpu.memref_slice %arg10[%add3A_65, %dma_wait3A_70] : memref<10000x128xf32, #tpu.memory_space<vmem_shared>> -> memref<80x128xf32, #tpu.memory_space<vmem_shared>>
        tpu.wait_dma2 semaphore(%run_scoped3A : memref<!tpu.dma_semaphore, #tpu.memory_space<semaphore_mem>>) src(%arg9 : memref<80x128xf32, #tpu.memory_space<vmem>>) dst(%dma_wait3A_71 : memref<80x128xf32, #tpu.memory_space<vmem_shared>>)
        tpu.yield
      }) : () -> ()
    }
    %barrier3A = arith.constant 0 : index
    tpu.barrier barrier_id(%barrier3A)
    %scan3A = arith.constant 0 : i32
    %scan3A_16 = arith.constant 0 : i32
    %scan3A_17 = arith.constant 125 : i32
    %scan3A_18 = arith.addi %scan3A_16, %scan3A_17 : i32
    %scan3A_19 = arith.constant 1 : i32
    scf.for %scan3A_62 = %scan3A_16 to %scan3A_18 step %scan3A_19  : i32 {
      %mul3A_63 = arith.constant 80 : i32
      %mul3A_64 = arith.muli %scan3A_62, %mul3A_63 : i32
      %add3A_65 = arith.addi %mul3A_2, %mul3A_64 : i32
      "tpu.region"() ({
        %run_scoped3A = tpu.sem_alloc : memref<!tpu.dma_semaphore, #tpu.memory_space<semaphore_mem>>
        %dma_start3A = tpu.memref_slice %arg4[%add3A_65] : memref<320000xi32, #tpu.memory_space<hbm>> -> memref<80xi32, #tpu.memory_space<hbm>>
        %dma_start3A_66 = tpu.memref_slice %arg4[%add3A_65] : memref<320000xi32, #tpu.memory_space<hbm>> -> memref<80xi32, #tpu.memory_space<hbm>>
        tpu.enqueue_dma source(%dma_start3A_66 : memref<80xi32, #tpu.memory_space<hbm>>) target(%arg8 : memref<80xi32, #tpu.memory_space<vmem>>) target_semaphore(%run_scoped3A : memref<!tpu.dma_semaphore, #tpu.memory_space<semaphore_mem>>)
        %dma_wait3A = tpu.memref_slice %arg4[%add3A_65] : memref<320000xi32, #tpu.memory_space<hbm>> -> memref<80xi32, #tpu.memory_space<hbm>>
        %dma_wait3A_67 = tpu.memref_slice %arg4[%add3A_65] : memref<320000xi32, #tpu.memory_space<hbm>> -> memref<80xi32, #tpu.memory_space<hbm>>
        tpu.wait_dma2 semaphore(%run_scoped3A : memref<!tpu.dma_semaphore, #tpu.memory_space<semaphore_mem>>) src(%dma_wait3A_67 : memref<80xi32, #tpu.memory_space<hbm>>) dst(%arg8 : memref<80xi32, #tpu.memory_space<vmem>>)
        tpu.yield
      }) : () -> ()
      "tpu.region"() ({
        %run_scoped3A = tpu.sem_alloc : memref<!tpu.dma_semaphore, #tpu.memory_space<semaphore_mem>>
        %dma_start3A = arith.constant 0 : i32
        %dma_start3A_66 = tpu.memref_slice %arg2[%add3A_65, %dma_start3A] : memref<320000x128xf32, #tpu.memory_space<hbm>> -> memref<80x128xf32, #tpu.memory_space<hbm>>
        %dma_start3A_67 = arith.constant 0 : i32
        %dma_start3A_68 = tpu.memref_slice %arg2[%add3A_65, %dma_start3A_67] : memref<320000x128xf32, #tpu.memory_space<hbm>> -> memref<80x128xf32, #tpu.memory_space<hbm>>
        tpu.enqueue_dma source(%dma_start3A_68 : memref<80x128xf32, #tpu.memory_space<hbm>>) target(%arg9 : memref<80x128xf32, #tpu.memory_space<vmem>>) target_semaphore(%run_scoped3A : memref<!tpu.dma_semaphore, #tpu.memory_space<semaphore_mem>>)
        %dma_wait3A = arith.constant 0 : i32
        %dma_wait3A_69 = tpu.memref_slice %arg2[%add3A_65, %dma_wait3A] : memref<320000x128xf32, #tpu.memory_space<hbm>> -> memref<80x128xf32, #tpu.memory_space<hbm>>
        %dma_wait3A_70 = arith.constant 0 : i32
        %dma_wait3A_71 = tpu.memref_slice %arg2[%add3A_65, %dma_wait3A_70] : memref<320000x128xf32, #tpu.memory_space<hbm>> -> memref<80x128xf32, #tpu.memory_space<hbm>>
        tpu.wait_dma2 semaphore(%run_scoped3A : memref<!tpu.dma_semaphore, #tpu.memory_space<semaphore_mem>>) src(%dma_wait3A_71 : memref<80x128xf32, #tpu.memory_space<hbm>>) dst(%arg9 : memref<80x128xf32, #tpu.memory_space<vmem>>)
        tpu.yield
      }) : () -> ()
      "tpu.region"() ({
        %run_scoped3A = tpu.sem_alloc : memref<!tpu.dma_semaphore, #tpu.memory_space<semaphore_mem>>
        %dma_start3A = arith.constant 0 : i32
        %dma_start3A_66 = arith.constant 0 : i32
        %dma_start3A_67 = tpu.memref_slice %arg10[%dma_start3A, %dma_start3A_66] : memref<10000x128xf32, #tpu.memory_space<vmem_shared>> -> memref<10000x128xf32, #tpu.memory_space<vmem_shared>>
        tpu.enqueue_indirect_dma source(%arg9 : memref<80x128xf32, #tpu.memory_space<vmem>>) target(%dma_start3A_67 : memref<10000x128xf32, #tpu.memory_space<vmem_shared>>) offsets(%arg8 : memref<80xi32, #tpu.memory_space<vmem>>) semaphore(%run_scoped3A : memref<!tpu.dma_semaphore, #tpu.memory_space<semaphore_mem>>) {add = true}
        %dma_wait3A = arith.constant 0 : i32
        %dma_wait3A_68 = arith.constant 0 : i32
        %dma_wait3A_69 = tpu.memref_slice %arg10[%dma_wait3A, %dma_wait3A_68] : memref<10000x128xf32, #tpu.memory_space<vmem_shared>> -> memref<10000x128xf32, #tpu.memory_space<vmem_shared>>
        tpu.wait_indirect_dma semaphore(%run_scoped3A : memref<!tpu.dma_semaphore, #tpu.memory_space<semaphore_mem>>) src(%arg9 : memref<80x128xf32, #tpu.memory_space<vmem>>) dst(%dma_wait3A_69 : memref<10000x128xf32, #tpu.memory_space<vmem_shared>>)
        tpu.yield
      }) : () -> ()
    }
    %scan3A_20 = arith.constant 125 : i32
    %barrier3A_21 = arith.constant 0 : index
    tpu.barrier barrier_id(%barrier3A_21)
    %while3A_22 = arith.constant 0 : i32
    %while3A_23 = arith.constant 0 : i32
    %while3A_24 = arith.subi %select_n3A, %while3A_23 : i32
    %while3A_25 = arith.addi %while3A_23, %while3A_24 : i32
    %while3A_26 = arith.constant 1 : i32
    %while3A_27 = arith.divsi %while3A_24, %while3A_26 : i32
    %while3A_28 = arith.muli %while3A_27, %while3A_26 : i32
    %while3A_29 = arith.addi %while3A_23, %while3A_28 : i32
    %while3A_30 = arith.constant 1 : i32
    scf.for %while3A_62 = %while3A_23 to %while3A_29 step %while3A_30  : i32 {
      %mul3A_63 = arith.constant 80 : i32
      %mul3A_64 = arith.muli %while3A_62, %mul3A_63 : i32
      %add3A_65 = arith.addi %mul3A_4, %mul3A_64 : i32
      "tpu.region"() ({
        %run_scoped3A = tpu.sem_alloc : memref<!tpu.dma_semaphore, #tpu.memory_space<semaphore_mem>>
        %dma_start3A = arith.constant 0 : i32
        %dma_start3A_69 = tpu.memref_slice %arg10[%add3A_65, %dma_start3A] : memref<10000x128xf32, #tpu.memory_space<vmem_shared>> -> memref<80x128xf32, #tpu.memory_space<vmem_shared>>
        %dma_start3A_70 = arith.constant 0 : i32
        %dma_start3A_71 = tpu.memref_slice %arg10[%add3A_65, %dma_start3A_70] : memref<10000x128xf32, #tpu.memory_space<vmem_shared>> -> memref<80x128xf32, #tpu.memory_space<vmem_shared>>
        tpu.enqueue_dma source(%dma_start3A_71 : memref<80x128xf32, #tpu.memory_space<vmem_shared>>) target(%arg9 : memref<80x128xf32, #tpu.memory_space<vmem>>) target_semaphore(%run_scoped3A : memref<!tpu.dma_semaphore, #tpu.memory_space<semaphore_mem>>)
        %dma_wait3A = arith.constant 0 : i32
        %dma_wait3A_72 = tpu.memref_slice %arg10[%add3A_65, %dma_wait3A] : memref<10000x128xf32, #tpu.memory_space<vmem_shared>> -> memref<80x128xf32, #tpu.memory_space<vmem_shared>>
        %dma_wait3A_73 = arith.constant 0 : i32
        %dma_wait3A_74 = tpu.memref_slice %arg10[%add3A_65, %dma_wait3A_73] : memref<10000x128xf32, #tpu.memory_space<vmem_shared>> -> memref<80x128xf32, #tpu.memory_space<vmem_shared>>
        tpu.wait_dma2 semaphore(%run_scoped3A : memref<!tpu.dma_semaphore, #tpu.memory_space<semaphore_mem>>) src(%dma_wait3A_74 : memref<80x128xf32, #tpu.memory_space<vmem_shared>>) dst(%arg9 : memref<80x128xf32, #tpu.memory_space<vmem>>)
        tpu.yield
      }) : () -> ()
      %mul3A_66 = arith.constant 80 : i32
      %mul3A_67 = arith.muli %while3A_62, %mul3A_66 : i32
      %add3A_68 = arith.addi %mul3A_4, %mul3A_67 : i32
      "tpu.region"() ({
        %run_scoped3A = tpu.sem_alloc : memref<!tpu.dma_semaphore, #tpu.memory_space<semaphore_mem>>
        %dma_start3A = arith.constant 0 : i32
        %dma_start3A_69 = tpu.memref_slice %arg6[%arg0, %add3A_68, %dma_start3A] : memref<2x10000x128xf32, #tpu.memory_space<hbm>> -> memref<1x80x128xf32, #tpu.memory_space<hbm>>
        %dma_start3A_70 = tpu.memref_squeeze %dma_start3A_69 : memref<1x80x128xf32, #tpu.memory_space<hbm>> -> memref<80x128xf32, #tpu.memory_space<hbm>>
        %dma_start3A_71 = arith.constant 0 : i32
        %dma_start3A_72 = tpu.memref_slice %arg6[%arg0, %add3A_68, %dma_start3A_71] : memref<2x10000x128xf32, #tpu.memory_space<hbm>> -> memref<1x80x128xf32, #tpu.memory_space<hbm>>
        %dma_start3A_73 = tpu.memref_squeeze %dma_start3A_72 : memref<1x80x128xf32, #tpu.memory_space<hbm>> -> memref<80x128xf32, #tpu.memory_space<hbm>>
        tpu.enqueue_dma source(%arg9 : memref<80x128xf32, #tpu.memory_space<vmem>>) target(%dma_start3A_73 : memref<80x128xf32, #tpu.memory_space<hbm>>) target_semaphore(%run_scoped3A : memref<!tpu.dma_semaphore, #tpu.memory_space<semaphore_mem>>)
        %dma_wait3A = arith.constant 0 : i32
        %dma_wait3A_74 = tpu.memref_slice %arg6[%arg0, %add3A_68, %dma_wait3A] : memref<2x10000x128xf32, #tpu.memory_space<hbm>> -> memref<1x80x128xf32, #tpu.memory_space<hbm>>
        %dma_wait3A_75 = tpu.memref_squeeze %dma_wait3A_74 : memref<1x80x128xf32, #tpu.memory_space<hbm>> -> memref<80x128xf32, #tpu.memory_space<hbm>>
        %dma_wait3A_76 = arith.constant 0 : i32
        %dma_wait3A_77 = tpu.memref_slice %arg6[%arg0, %add3A_68, %dma_wait3A_76] : memref<2x10000x128xf32, #tpu.memory_space<hbm>> -> memref<1x80x128xf32, #tpu.memory_space<hbm>>
        %dma_wait3A_78 = tpu.memref_squeeze %dma_wait3A_77 : memref<1x80x128xf32, #tpu.memory_space<hbm>> -> memref<80x128xf32, #tpu.memory_space<hbm>>
        tpu.wait_dma2 semaphore(%run_scoped3A : memref<!tpu.dma_semaphore, #tpu.memory_space<semaphore_mem>>) src(%arg9 : memref<80x128xf32, #tpu.memory_space<vmem>>) dst(%dma_wait3A_78 : memref<80x128xf32, #tpu.memory_space<hbm>>)
        tpu.yield
      }) : () -> ()
    }
    %while3A_31 = arith.constant 1 : i32
    scf.for %while3A_62 = %while3A_29 to %while3A_25 step %while3A_31  : i32 {
      %mul3A_63 = arith.constant 80 : i32
      %mul3A_64 = arith.muli %while3A_62, %mul3A_63 : i32
      %add3A_65 = arith.addi %mul3A_4, %mul3A_64 : i32
      "tpu.region"() ({
        %run_scoped3A = tpu.sem_alloc : memref<!tpu.dma_semaphore, #tpu.memory_space<semaphore_mem>>
        %dma_start3A = arith.constant 0 : i32
        %dma_start3A_69 = tpu.memref_slice %arg10[%add3A_65, %dma_start3A] : memref<10000x128xf32, #tpu.memory_space<vmem_shared>> -> memref<80x128xf32, #tpu.memory_space<vmem_shared>>
        %dma_start3A_70 = arith.constant 0 : i32
        %dma_start3A_71 = tpu.memref_slice %arg10[%add3A_65, %dma_start3A_70] : memref<10000x128xf32, #tpu.memory_space<vmem_shared>> -> memref<80x128xf32, #tpu.memory_space<vmem_shared>>
        tpu.enqueue_dma source(%dma_start3A_71 : memref<80x128xf32, #tpu.memory_space<vmem_shared>>) target(%arg9 : memref<80x128xf32, #tpu.memory_space<vmem>>) target_semaphore(%run_scoped3A : memref<!tpu.dma_semaphore, #tpu.memory_space<semaphore_mem>>)
        %dma_wait3A = arith.constant 0 : i32
        %dma_wait3A_72 = tpu.memref_slice %arg10[%add3A_65, %dma_wait3A] : memref<10000x128xf32, #tpu.memory_space<vmem_shared>> -> memref<80x128xf32, #tpu.memory_space<vmem_shared>>
        %dma_wait3A_73 = arith.constant 0 : i32
        %dma_wait3A_74 = tpu.memref_slice %arg10[%add3A_65, %dma_wait3A_73] : memref<10000x128xf32, #tpu.memory_space<vmem_shared>> -> memref<80x128xf32, #tpu.memory_space<vmem_shared>>
        tpu.wait_dma2 semaphore(%run_scoped3A : memref<!tpu.dma_semaphore, #tpu.memory_space<semaphore_mem>>) src(%dma_wait3A_74 : memref<80x128xf32, #tpu.memory_space<vmem_shared>>) dst(%arg9 : memref<80x128xf32, #tpu.memory_space<vmem>>)
        tpu.yield
      }) : () -> ()
      %mul3A_66 = arith.constant 80 : i32
      %mul3A_67 = arith.muli %while3A_62, %mul3A_66 : i32
      %add3A_68 = arith.addi %mul3A_4, %mul3A_67 : i32
      "tpu.region"() ({
        %run_scoped3A = tpu.sem_alloc : memref<!tpu.dma_semaphore, #tpu.memory_space<semaphore_mem>>
        %dma_start3A = arith.constant 0 : i32
        %dma_start3A_69 = tpu.memref_slice %arg6[%arg0, %add3A_68, %dma_start3A] : memref<2x10000x128xf32, #tpu.memory_space<hbm>> -> memref<1x80x128xf32, #tpu.memory_space<hbm>>
        %dma_start3A_70 = tpu.memref_squeeze %dma_start3A_69 : memref<1x80x128xf32, #tpu.memory_space<hbm>> -> memref<80x128xf32, #tpu.memory_space<hbm>>
        %dma_start3A_71 = arith.constant 0 : i32
        %dma_start3A_72 = tpu.memref_slice %arg6[%arg0, %add3A_68, %dma_start3A_71] : memref<2x10000x128xf32, #tpu.memory_space<hbm>> -> memref<1x80x128xf32, #tpu.memory_space<hbm>>
        %dma_start3A_73 = tpu.memref_squeeze %dma_start3A_72 : memref<1x80x128xf32, #tpu.memory_space<hbm>> -> memref<80x128xf32, #tpu.memory_space<hbm>>
        tpu.enqueue_dma source(%arg9 : memref<80x128xf32, #tpu.memory_space<vmem>>) target(%dma_start3A_73 : memref<80x128xf32, #tpu.memory_space<hbm>>) target_semaphore(%run_scoped3A : memref<!tpu.dma_semaphore, #tpu.memory_space<semaphore_mem>>)
        %dma_wait3A = arith.constant 0 : i32
        %dma_wait3A_74 = tpu.memref_slice %arg6[%arg0, %add3A_68, %dma_wait3A] : memref<2x10000x128xf32, #tpu.memory_space<hbm>> -> memref<1x80x128xf32, #tpu.memory_space<hbm>>
        %dma_wait3A_75 = tpu.memref_squeeze %dma_wait3A_74 : memref<1x80x128xf32, #tpu.memory_space<hbm>> -> memref<80x128xf32, #tpu.memory_space<hbm>>
        %dma_wait3A_76 = arith.constant 0 : i32
        %dma_wait3A_77 = tpu.memref_slice %arg6[%arg0, %add3A_68, %dma_wait3A_76] : memref<2x10000x128xf32, #tpu.memory_space<hbm>> -> memref<1x80x128xf32, #tpu.memory_space<hbm>>
        %dma_wait3A_78 = tpu.memref_squeeze %dma_wait3A_77 : memref<1x80x128xf32, #tpu.memory_space<hbm>> -> memref<80x128xf32, #tpu.memory_space<hbm>>
        tpu.wait_dma2 semaphore(%run_scoped3A : memref<!tpu.dma_semaphore, #tpu.memory_space<semaphore_mem>>) src(%arg9 : memref<80x128xf32, #tpu.memory_space<vmem>>) dst(%dma_wait3A_78 : memref<80x128xf32, #tpu.memory_space<hbm>>)
        tpu.yield
      }) : () -> ()
    }
    %barrier3A_32 = arith.constant 0 : index
    tpu.barrier barrier_id(%barrier3A_32)
    "tpu.region"() ({
      %run_scoped3A = tpu.sem_alloc : memref<!tpu.dma_semaphore, #tpu.memory_space<semaphore_mem>>
      %dma_start3A = arith.constant 0 : i32
      %dma_start3A_62 = arith.constant 0 : i32
      %dma_start3A_63 = tpu.memref_slice %arg5[%dma_start3A, %dma_start3A_62] : memref<10000x128xf32, #tpu.memory_space<hbm>> -> memref<80x128xf32, #tpu.memory_space<hbm>>
      %dma_start3A_64 = arith.constant 0 : i32
      %dma_start3A_65 = arith.constant 0 : i32
      %dma_start3A_66 = tpu.memref_slice %arg5[%dma_start3A_64, %dma_start3A_65] : memref<10000x128xf32, #tpu.memory_space<hbm>> -> memref<80x128xf32, #tpu.memory_space<hbm>>
      tpu.enqueue_dma source(%dma_start3A_66 : memref<80x128xf32, #tpu.memory_space<hbm>>) target(%arg9 : memref<80x128xf32, #tpu.memory_space<vmem>>) target_semaphore(%run_scoped3A : memref<!tpu.dma_semaphore, #tpu.memory_space<semaphore_mem>>)
      %dma_wait3A = arith.constant 0 : i32
      %dma_wait3A_67 = arith.constant 0 : i32
      %dma_wait3A_68 = tpu.memref_slice %arg5[%dma_wait3A, %dma_wait3A_67] : memref<10000x128xf32, #tpu.memory_space<hbm>> -> memref<80x128xf32, #tpu.memory_space<hbm>>
      %dma_wait3A_69 = arith.constant 0 : i32
      %dma_wait3A_70 = arith.constant 0 : i32
      %dma_wait3A_71 = tpu.memref_slice %arg5[%dma_wait3A_69, %dma_wait3A_70] : memref<10000x128xf32, #tpu.memory_space<hbm>> -> memref<80x128xf32, #tpu.memory_space<hbm>>
      tpu.wait_dma2 semaphore(%run_scoped3A : memref<!tpu.dma_semaphore, #tpu.memory_space<semaphore_mem>>) src(%dma_wait3A_71 : memref<80x128xf32, #tpu.memory_space<hbm>>) dst(%arg9 : memref<80x128xf32, #tpu.memory_space<vmem>>)
      tpu.yield
    }) : () -> ()
    %while3A_33 = arith.constant 0 : i32
    %while3A_34 = arith.constant 0 : i32
    %while3A_35 = arith.subi %select_n3A, %while3A_34 : i32
    %while3A_36 = arith.addi %while3A_34, %while3A_35 : i32
    %while3A_37 = arith.constant 1 : i32
    %while3A_38 = arith.divsi %while3A_35, %while3A_37 : i32
    %while3A_39 = arith.muli %while3A_38, %while3A_37 : i32
    %while3A_40 = arith.addi %while3A_34, %while3A_39 : i32
    %while3A_41 = arith.constant 1 : i32
    scf.for %while3A_62 = %while3A_34 to %while3A_40 step %while3A_41  : i32 {
      %mul3A_63 = arith.constant 80 : i32
      %mul3A_64 = arith.muli %while3A_62, %mul3A_63 : i32
      %add3A_65 = arith.addi %mul3A_4, %mul3A_64 : i32
      "tpu.region"() ({
        %run_scoped3A = tpu.sem_alloc : memref<!tpu.dma_semaphore, #tpu.memory_space<semaphore_mem>>
        %dma_start3A = arith.constant 0 : i32
        %dma_start3A_66 = tpu.memref_slice %arg10[%add3A_65, %dma_start3A] : memref<10000x128xf32, #tpu.memory_space<vmem_shared>> -> memref<80x128xf32, #tpu.memory_space<vmem_shared>>
        %dma_start3A_67 = arith.constant 0 : i32
        %dma_start3A_68 = tpu.memref_slice %arg10[%add3A_65, %dma_start3A_67] : memref<10000x128xf32, #tpu.memory_space<vmem_shared>> -> memref<80x128xf32, #tpu.memory_space<vmem_shared>>
        tpu.enqueue_dma source(%arg9 : memref<80x128xf32, #tpu.memory_space<vmem>>) target(%dma_start3A_68 : memref<80x128xf32, #tpu.memory_space<vmem_shared>>) target_semaphore(%run_scoped3A : memref<!tpu.dma_semaphore, #tpu.memory_space<semaphore_mem>>)
        %dma_wait3A = arith.constant 0 : i32
        %dma_wait3A_69 = tpu.memref_slice %arg10[%add3A_65, %dma_wait3A] : memref<10000x128xf32, #tpu.memory_space<vmem_shared>> -> memref<80x128xf32, #tpu.memory_space<vmem_shared>>
        %dma_wait3A_70 = arith.constant 0 : i32
        %dma_wait3A_71 = tpu.memref_slice %arg10[%add3A_65, %dma_wait3A_70] : memref<10000x128xf32, #tpu.memory_space<vmem_shared>> -> memref<80x128xf32, #tpu.memory_space<vmem_shared>>
        tpu.wait_dma2 semaphore(%run_scoped3A : memref<!tpu.dma_semaphore, #tpu.memory_space<semaphore_mem>>) src(%arg9 : memref<80x128xf32, #tpu.memory_space<vmem>>) dst(%dma_wait3A_71 : memref<80x128xf32, #tpu.memory_space<vmem_shared>>)
        tpu.yield
      }) : () -> ()
    }
    %while3A_42 = arith.constant 1 : i32
    scf.for %while3A_62 = %while3A_40 to %while3A_36 step %while3A_42  : i32 {
      %mul3A_63 = arith.constant 80 : i32
      %mul3A_64 = arith.muli %while3A_62, %mul3A_63 : i32
      %add3A_65 = arith.addi %mul3A_4, %mul3A_64 : i32
      "tpu.region"() ({
        %run_scoped3A = tpu.sem_alloc : memref<!tpu.dma_semaphore, #tpu.memory_space<semaphore_mem>>
        %dma_start3A = arith.constant 0 : i32
        %dma_start3A_66 = tpu.memref_slice %arg10[%add3A_65, %dma_start3A] : memref<10000x128xf32, #tpu.memory_space<vmem_shared>> -> memref<80x128xf32, #tpu.memory_space<vmem_shared>>
        %dma_start3A_67 = arith.constant 0 : i32
        %dma_start3A_68 = tpu.memref_slice %arg10[%add3A_65, %dma_start3A_67] : memref<10000x128xf32, #tpu.memory_space<vmem_shared>> -> memref<80x128xf32, #tpu.memory_space<vmem_shared>>
        tpu.enqueue_dma source(%arg9 : memref<80x128xf32, #tpu.memory_space<vmem>>) target(%dma_start3A_68 : memref<80x128xf32, #tpu.memory_space<vmem_shared>>) target_semaphore(%run_scoped3A : memref<!tpu.dma_semaphore, #tpu.memory_space<semaphore_mem>>)
        %dma_wait3A = arith.constant 0 : i32
        %dma_wait3A_69 = tpu.memref_slice %arg10[%add3A_65, %dma_wait3A] : memref<10000x128xf32, #tpu.memory_space<vmem_shared>> -> memref<80x128xf32, #tpu.memory_space<vmem_shared>>
        %dma_wait3A_70 = arith.constant 0 : i32
        %dma_wait3A_71 = tpu.memref_slice %arg10[%add3A_65, %dma_wait3A_70] : memref<10000x128xf32, #tpu.memory_space<vmem_shared>> -> memref<80x128xf32, #tpu.memory_space<vmem_shared>>
        tpu.wait_dma2 semaphore(%run_scoped3A : memref<!tpu.dma_semaphore, #tpu.memory_space<semaphore_mem>>) src(%arg9 : memref<80x128xf32, #tpu.memory_space<vmem>>) dst(%dma_wait3A_71 : memref<80x128xf32, #tpu.memory_space<vmem_shared>>)
        tpu.yield
      }) : () -> ()
    }
    %barrier3A_43 = arith.constant 0 : index
    tpu.barrier barrier_id(%barrier3A_43)
    %scan3A_44 = arith.constant 0 : i32
    %scan3A_45 = arith.constant 0 : i32
    %scan3A_46 = arith.constant 125 : i32
    %scan3A_47 = arith.addi %scan3A_45, %scan3A_46 : i32
    %scan3A_48 = arith.constant 1 : i32
    scf.for %scan3A_62 = %scan3A_45 to %scan3A_47 step %scan3A_48  : i32 {
      %mul3A_63 = arith.constant 80 : i32
      %mul3A_64 = arith.muli %scan3A_62, %mul3A_63 : i32
      %add3A_65 = arith.addi %mul3A_2, %mul3A_64 : i32
      "tpu.region"() ({
        %run_scoped3A = tpu.sem_alloc : memref<!tpu.dma_semaphore, #tpu.memory_space<semaphore_mem>>
        %dma_start3A = tpu.memref_slice %arg4[%add3A_65] : memref<320000xi32, #tpu.memory_space<hbm>> -> memref<80xi32, #tpu.memory_space<hbm>>
        %dma_start3A_66 = tpu.memref_slice %arg4[%add3A_65] : memref<320000xi32, #tpu.memory_space<hbm>> -> memref<80xi32, #tpu.memory_space<hbm>>
        tpu.enqueue_dma source(%dma_start3A_66 : memref<80xi32, #tpu.memory_space<hbm>>) target(%arg8 : memref<80xi32, #tpu.memory_space<vmem>>) target_semaphore(%run_scoped3A : memref<!tpu.dma_semaphore, #tpu.memory_space<semaphore_mem>>)
        %dma_wait3A = tpu.memref_slice %arg4[%add3A_65] : memref<320000xi32, #tpu.memory_space<hbm>> -> memref<80xi32, #tpu.memory_space<hbm>>
        %dma_wait3A_67 = tpu.memref_slice %arg4[%add3A_65] : memref<320000xi32, #tpu.memory_space<hbm>> -> memref<80xi32, #tpu.memory_space<hbm>>
        tpu.wait_dma2 semaphore(%run_scoped3A : memref<!tpu.dma_semaphore, #tpu.memory_space<semaphore_mem>>) src(%dma_wait3A_67 : memref<80xi32, #tpu.memory_space<hbm>>) dst(%arg8 : memref<80xi32, #tpu.memory_space<vmem>>)
        tpu.yield
      }) : () -> ()
      "tpu.region"() ({
        %run_scoped3A = tpu.sem_alloc : memref<!tpu.dma_semaphore, #tpu.memory_space<semaphore_mem>>
        %dma_start3A = arith.constant 0 : i32
        %dma_start3A_66 = tpu.memref_slice %arg3[%add3A_65, %dma_start3A] : memref<320000x128xf32, #tpu.memory_space<hbm>> -> memref<80x128xf32, #tpu.memory_space<hbm>>
        %dma_start3A_67 = arith.constant 0 : i32
        %dma_start3A_68 = tpu.memref_slice %arg3[%add3A_65, %dma_start3A_67] : memref<320000x128xf32, #tpu.memory_space<hbm>> -> memref<80x128xf32, #tpu.memory_space<hbm>>
        tpu.enqueue_dma source(%dma_start3A_68 : memref<80x128xf32, #tpu.memory_space<hbm>>) target(%arg9 : memref<80x128xf32, #tpu.memory_space<vmem>>) target_semaphore(%run_scoped3A : memref<!tpu.dma_semaphore, #tpu.memory_space<semaphore_mem>>)
        %dma_wait3A = arith.constant 0 : i32
        %dma_wait3A_69 = tpu.memref_slice %arg3[%add3A_65, %dma_wait3A] : memref<320000x128xf32, #tpu.memory_space<hbm>> -> memref<80x128xf32, #tpu.memory_space<hbm>>
        %dma_wait3A_70 = arith.constant 0 : i32
        %dma_wait3A_71 = tpu.memref_slice %arg3[%add3A_65, %dma_wait3A_70] : memref<320000x128xf32, #tpu.memory_space<hbm>> -> memref<80x128xf32, #tpu.memory_space<hbm>>
        tpu.wait_dma2 semaphore(%run_scoped3A : memref<!tpu.dma_semaphore, #tpu.memory_space<semaphore_mem>>) src(%dma_wait3A_71 : memref<80x128xf32, #tpu.memory_space<hbm>>) dst(%arg9 : memref<80x128xf32, #tpu.memory_space<vmem>>)
        tpu.yield
      }) : () -> ()
      "tpu.region"() ({
        %run_scoped3A = tpu.sem_alloc : memref<!tpu.dma_semaphore, #tpu.memory_space<semaphore_mem>>
        %dma_start3A = arith.constant 0 : i32
        %dma_start3A_66 = arith.constant 0 : i32
        %dma_start3A_67 = tpu.memref_slice %arg10[%dma_start3A, %dma_start3A_66] : memref<10000x128xf32, #tpu.memory_space<vmem_shared>> -> memref<10000x128xf32, #tpu.memory_space<vmem_shared>>
        tpu.enqueue_indirect_dma source(%arg9 : memref<80x128xf32, #tpu.memory_space<vmem>>) target(%dma_start3A_67 : memref<10000x128xf32, #tpu.memory_space<vmem_shared>>) offsets(%arg8 : memref<80xi32, #tpu.memory_space<vmem>>) semaphore(%run_scoped3A : memref<!tpu.dma_semaphore, #tpu.memory_space<semaphore_mem>>) {add = true}
        %dma_wait3A = arith.constant 0 : i32
        %dma_wait3A_68 = arith.constant 0 : i32
        %dma_wait3A_69 = tpu.memref_slice %arg10[%dma_wait3A, %dma_wait3A_68] : memref<10000x128xf32, #tpu.memory_space<vmem_shared>> -> memref<10000x128xf32, #tpu.memory_space<vmem_shared>>
        tpu.wait_indirect_dma semaphore(%run_scoped3A : memref<!tpu.dma_semaphore, #tpu.memory_space<semaphore_mem>>) src(%arg9 : memref<80x128xf32, #tpu.memory_space<vmem>>) dst(%dma_wait3A_69 : memref<10000x128xf32, #tpu.memory_space<vmem_shared>>)
        tpu.yield
      }) : () -> ()
    }
    %scan3A_49 = arith.constant 125 : i32
    %barrier3A_50 = arith.constant 0 : index
    tpu.barrier barrier_id(%barrier3A_50)
    %while3A_51 = arith.constant 0 : i32
    %while3A_52 = arith.constant 0 : i32
    %while3A_53 = arith.subi %select_n3A, %while3A_52 : i32
    %while3A_54 = arith.addi %while3A_52, %while3A_53 : i32
    %while3A_55 = arith.constant 1 : i32
    %while3A_56 = arith.divsi %while3A_53, %while3A_55 : i32
    %while3A_57 = arith.muli %while3A_56, %while3A_55 : i32
    %while3A_58 = arith.addi %while3A_52, %while3A_57 : i32
    %while3A_59 = arith.constant 1 : i32
    scf.for %while3A_62 = %while3A_52 to %while3A_58 step %while3A_59  : i32 {
      %mul3A_63 = arith.constant 80 : i32
      %mul3A_64 = arith.muli %while3A_62, %mul3A_63 : i32
      %add3A_65 = arith.addi %mul3A_4, %mul3A_64 : i32
      "tpu.region"() ({
        %run_scoped3A = tpu.sem_alloc : memref<!tpu.dma_semaphore, #tpu.memory_space<semaphore_mem>>
        %dma_start3A = arith.constant 0 : i32
        %dma_start3A_69 = tpu.memref_slice %arg10[%add3A_65, %dma_start3A] : memref<10000x128xf32, #tpu.memory_space<vmem_shared>> -> memref<80x128xf32, #tpu.memory_space<vmem_shared>>
        %dma_start3A_70 = arith.constant 0 : i32
        %dma_start3A_71 = tpu.memref_slice %arg10[%add3A_65, %dma_start3A_70] : memref<10000x128xf32, #tpu.memory_space<vmem_shared>> -> memref<80x128xf32, #tpu.memory_space<vmem_shared>>
        tpu.enqueue_dma source(%dma_start3A_71 : memref<80x128xf32, #tpu.memory_space<vmem_shared>>) target(%arg9 : memref<80x128xf32, #tpu.memory_space<vmem>>) target_semaphore(%run_scoped3A : memref<!tpu.dma_semaphore, #tpu.memory_space<semaphore_mem>>)
        %dma_wait3A = arith.constant 0 : i32
        %dma_wait3A_72 = tpu.memref_slice %arg10[%add3A_65, %dma_wait3A] : memref<10000x128xf32, #tpu.memory_space<vmem_shared>> -> memref<80x128xf32, #tpu.memory_space<vmem_shared>>
        %dma_wait3A_73 = arith.constant 0 : i32
        %dma_wait3A_74 = tpu.memref_slice %arg10[%add3A_65, %dma_wait3A_73] : memref<10000x128xf32, #tpu.memory_space<vmem_shared>> -> memref<80x128xf32, #tpu.memory_space<vmem_shared>>
        tpu.wait_dma2 semaphore(%run_scoped3A : memref<!tpu.dma_semaphore, #tpu.memory_space<semaphore_mem>>) src(%dma_wait3A_74 : memref<80x128xf32, #tpu.memory_space<vmem_shared>>) dst(%arg9 : memref<80x128xf32, #tpu.memory_space<vmem>>)
        tpu.yield
      }) : () -> ()
      %mul3A_66 = arith.constant 80 : i32
      %mul3A_67 = arith.muli %while3A_62, %mul3A_66 : i32
      %add3A_68 = arith.addi %mul3A_4, %mul3A_67 : i32
      "tpu.region"() ({
        %run_scoped3A = tpu.sem_alloc : memref<!tpu.dma_semaphore, #tpu.memory_space<semaphore_mem>>
        %dma_start3A = arith.constant 0 : i32
        %dma_start3A_69 = tpu.memref_slice %arg7[%arg0, %add3A_68, %dma_start3A] : memref<2x10000x128xf32, #tpu.memory_space<hbm>> -> memref<1x80x128xf32, #tpu.memory_space<hbm>>
        %dma_start3A_70 = tpu.memref_squeeze %dma_start3A_69 : memref<1x80x128xf32, #tpu.memory_space<hbm>> -> memref<80x128xf32, #tpu.memory_space<hbm>>
        %dma_start3A_71 = arith.constant 0 : i32
        %dma_start3A_72 = tpu.memref_slice %arg7[%arg0, %add3A_68, %dma_start3A_71] : memref<2x10000x128xf32, #tpu.memory_space<hbm>> -> memref<1x80x128xf32, #tpu.memory_space<hbm>>
        %dma_start3A_73 = tpu.memref_squeeze %dma_start3A_72 : memref<1x80x128xf32, #tpu.memory_space<hbm>> -> memref<80x128xf32, #tpu.memory_space<hbm>>
        tpu.enqueue_dma source(%arg9 : memref<80x128xf32, #tpu.memory_space<vmem>>) target(%dma_start3A_73 : memref<80x128xf32, #tpu.memory_space<hbm>>) target_semaphore(%run_scoped3A : memref<!tpu.dma_semaphore, #tpu.memory_space<semaphore_mem>>)
        %dma_wait3A = arith.constant 0 : i32
        %dma_wait3A_74 = tpu.memref_slice %arg7[%arg0, %add3A_68, %dma_wait3A] : memref<2x10000x128xf32, #tpu.memory_space<hbm>> -> memref<1x80x128xf32, #tpu.memory_space<hbm>>
        %dma_wait3A_75 = tpu.memref_squeeze %dma_wait3A_74 : memref<1x80x128xf32, #tpu.memory_space<hbm>> -> memref<80x128xf32, #tpu.memory_space<hbm>>
        %dma_wait3A_76 = arith.constant 0 : i32
        %dma_wait3A_77 = tpu.memref_slice %arg7[%arg0, %add3A_68, %dma_wait3A_76] : memref<2x10000x128xf32, #tpu.memory_space<hbm>> -> memref<1x80x128xf32, #tpu.memory_space<hbm>>
        %dma_wait3A_78 = tpu.memref_squeeze %dma_wait3A_77 : memref<1x80x128xf32, #tpu.memory_space<hbm>> -> memref<80x128xf32, #tpu.memory_space<hbm>>
        tpu.wait_dma2 semaphore(%run_scoped3A : memref<!tpu.dma_semaphore, #tpu.memory_space<semaphore_mem>>) src(%arg9 : memref<80x128xf32, #tpu.memory_space<vmem>>) dst(%dma_wait3A_78 : memref<80x128xf32, #tpu.memory_space<hbm>>)
        tpu.yield
      }) : () -> ()
    }
    %while3A_60 = arith.constant 1 : i32
    scf.for %while3A_62 = %while3A_58 to %while3A_54 step %while3A_60  : i32 {
      %mul3A_63 = arith.constant 80 : i32
      %mul3A_64 = arith.muli %while3A_62, %mul3A_63 : i32
      %add3A_65 = arith.addi %mul3A_4, %mul3A_64 : i32
      "tpu.region"() ({
        %run_scoped3A = tpu.sem_alloc : memref<!tpu.dma_semaphore, #tpu.memory_space<semaphore_mem>>
        %dma_start3A = arith.constant 0 : i32
        %dma_start3A_69 = tpu.memref_slice %arg10[%add3A_65, %dma_start3A] : memref<10000x128xf32, #tpu.memory_space<vmem_shared>> -> memref<80x128xf32, #tpu.memory_space<vmem_shared>>
        %dma_start3A_70 = arith.constant 0 : i32
        %dma_start3A_71 = tpu.memref_slice %arg10[%add3A_65, %dma_start3A_70] : memref<10000x128xf32, #tpu.memory_space<vmem_shared>> -> memref<80x128xf32, #tpu.memory_space<vmem_shared>>
        tpu.enqueue_dma source(%dma_start3A_71 : memref<80x128xf32, #tpu.memory_space<vmem_shared>>) target(%arg9 : memref<80x128xf32, #tpu.memory_space<vmem>>) target_semaphore(%run_scoped3A : memref<!tpu.dma_semaphore, #tpu.memory_space<semaphore_mem>>)
        %dma_wait3A = arith.constant 0 : i32
        %dma_wait3A_72 = tpu.memref_slice %arg10[%add3A_65, %dma_wait3A] : memref<10000x128xf32, #tpu.memory_space<vmem_shared>> -> memref<80x128xf32, #tpu.memory_space<vmem_shared>>
        %dma_wait3A_73 = arith.constant 0 : i32
        %dma_wait3A_74 = tpu.memref_slice %arg10[%add3A_65, %dma_wait3A_73] : memref<10000x128xf32, #tpu.memory_space<vmem_shared>> -> memref<80x128xf32, #tpu.memory_space<vmem_shared>>
        tpu.wait_dma2 semaphore(%run_scoped3A : memref<!tpu.dma_semaphore, #tpu.memory_space<semaphore_mem>>) src(%dma_wait3A_74 : memref<80x128xf32, #tpu.memory_space<vmem_shared>>) dst(%arg9 : memref<80x128xf32, #tpu.memory_space<vmem>>)
        tpu.yield
      }) : () -> ()
      %mul3A_66 = arith.constant 80 : i32
      %mul3A_67 = arith.muli %while3A_62, %mul3A_66 : i32
      %add3A_68 = arith.addi %mul3A_4, %mul3A_67 : i32
      "tpu.region"() ({
        %run_scoped3A = tpu.sem_alloc : memref<!tpu.dma_semaphore, #tpu.memory_space<semaphore_mem>>
        %dma_start3A = arith.constant 0 : i32
        %dma_start3A_69 = tpu.memref_slice %arg7[%arg0, %add3A_68, %dma_start3A] : memref<2x10000x128xf32, #tpu.memory_space<hbm>> -> memref<1x80x128xf32, #tpu.memory_space<hbm>>
        %dma_start3A_70 = tpu.memref_squeeze %dma_start3A_69 : memref<1x80x128xf32, #tpu.memory_space<hbm>> -> memref<80x128xf32, #tpu.memory_space<hbm>>
        %dma_start3A_71 = arith.constant 0 : i32
        %dma_start3A_72 = tpu.memref_slice %arg7[%arg0, %add3A_68, %dma_start3A_71] : memref<2x10000x128xf32, #tpu.memory_space<hbm>> -> memref<1x80x128xf32, #tpu.memory_space<hbm>>
        %dma_start3A_73 = tpu.memref_squeeze %dma_start3A_72 : memref<1x80x128xf32, #tpu.memory_space<hbm>> -> memref<80x128xf32, #tpu.memory_space<hbm>>
        tpu.enqueue_dma source(%arg9 : memref<80x128xf32, #tpu.memory_space<vmem>>) target(%dma_start3A_73 : memref<80x128xf32, #tpu.memory_space<hbm>>) target_semaphore(%run_scoped3A : memref<!tpu.dma_semaphore, #tpu.memory_space<semaphore_mem>>)
        %dma_wait3A = arith.constant 0 : i32
        %dma_wait3A_74 = tpu.memref_slice %arg7[%arg0, %add3A_68, %dma_wait3A] : memref<2x10000x128xf32, #tpu.memory_space<hbm>> -> memref<1x80x128xf32, #tpu.memory_space<hbm>>
        %dma_wait3A_75 = tpu.memref_squeeze %dma_wait3A_74 : memref<1x80x128xf32, #tpu.memory_space<hbm>> -> memref<80x128xf32, #tpu.memory_space<hbm>>
        %dma_wait3A_76 = arith.constant 0 : i32
        %dma_wait3A_77 = tpu.memref_slice %arg7[%arg0, %add3A_68, %dma_wait3A_76] : memref<2x10000x128xf32, #tpu.memory_space<hbm>> -> memref<1x80x128xf32, #tpu.memory_space<hbm>>
        %dma_wait3A_78 = tpu.memref_squeeze %dma_wait3A_77 : memref<1x80x128xf32, #tpu.memory_space<hbm>> -> memref<80x128xf32, #tpu.memory_space<hbm>>
        tpu.wait_dma2 semaphore(%run_scoped3A : memref<!tpu.dma_semaphore, #tpu.memory_space<semaphore_mem>>) src(%arg9 : memref<80x128xf32, #tpu.memory_space<vmem>>) dst(%dma_wait3A_78 : memref<80x128xf32, #tpu.memory_space<hbm>>)
        tpu.yield
      }) : () -> ()
    }
    %barrier3A_61 = arith.constant 0 : index
    tpu.barrier barrier_id(%barrier3A_61)
    return
  }
}

#map = affine_map<(d0, d1) -> (0, 0)>
#map1 = affine_map<(d0, d1) -> (0)>
module attributes {stable_mosaic.version = 14 : i64} {
  func.func @_sc_gather_body(%arg0: i32, %arg1: i32, %arg2: memref<10000x128xf32, #tpu.memory_space<hbm>>, %arg3: memref<10000x128xf32, #tpu.memory_space<hbm>>, %arg4: memref<320000xi32, #tpu.memory_space<hbm>>, %arg5: memref<320000xi32, #tpu.memory_space<hbm>>, %arg6: memref<320000x128xf32, #tpu.memory_space<hbm>>, %arg7: memref<320000x128xf32, #tpu.memory_space<hbm>>, %arg8: memref<80xi32, #tpu.memory_space<vmem>>, %arg9: memref<80xi32, #tpu.memory_space<vmem>>, %arg10: memref<80x128xf32, #tpu.memory_space<vmem>>, %arg11: memref<80x128xf32, #tpu.memory_space<vmem>>, %arg12: memref<!tpu.dma_semaphore, #tpu.memory_space<semaphore_mem>>, %arg13: memref<!tpu.dma_semaphore, #tpu.memory_space<semaphore_mem>>) attributes {dimension_semantics = [#tpu.dimension_semantics<core_parallel>, #tpu.dimension_semantics<subcore_parallel>], iteration_bounds = array<i64: 2, 16>, scalar_prefetch = 0 : i64, scratch_operands = 6 : i64, tpu.core_type = #tpu.core_type<sc_vector_subcore>, window_params = [{transform_indices = #map}, {transform_indices = #map}, {transform_indices = #map1}, {transform_indices = #map1}, {transform_indices = #map}, {transform_indices = #map}]} {
    %mul3A = arith.constant 2 : i32
    %mul3A_0 = arith.muli %arg1, %mul3A : i32
    %add3A = arith.addi %mul3A_0, %arg0 : i32
    %mul3A_1 = arith.constant 10000 : i32
    %mul3A_2 = arith.muli %add3A, %mul3A_1 : i32
    %scan3A = arith.constant 0 : i32
    %scan3A_3 = arith.constant 0 : i32
    %scan3A_4 = arith.constant 125 : i32
    %scan3A_5 = arith.addi %scan3A_3, %scan3A_4 : i32
    %scan3A_6 = arith.constant 1 : i32
    scf.for %scan3A_8 = %scan3A_3 to %scan3A_5 step %scan3A_6  : i32 {
      %mul3A_9 = arith.constant 80 : i32
      %mul3A_10 = arith.muli %scan3A_8, %mul3A_9 : i32
      %add3A_11 = arith.addi %mul3A_2, %mul3A_10 : i32
      "tpu.region"() ({
        %run_scoped3A = tpu.sem_alloc : memref<!tpu.dma_semaphore, #tpu.memory_space<semaphore_mem>>
        %dma_start3A_22 = tpu.memref_slice %arg4[%add3A_11] : memref<320000xi32, #tpu.memory_space<hbm>> -> memref<80xi32, #tpu.memory_space<hbm>>
        %dma_start3A_23 = tpu.memref_slice %arg4[%add3A_11] : memref<320000xi32, #tpu.memory_space<hbm>> -> memref<80xi32, #tpu.memory_space<hbm>>
        tpu.enqueue_dma source(%dma_start3A_23 : memref<80xi32, #tpu.memory_space<hbm>>) target(%arg8 : memref<80xi32, #tpu.memory_space<vmem>>) target_semaphore(%run_scoped3A : memref<!tpu.dma_semaphore, #tpu.memory_space<semaphore_mem>>)
        %dma_wait3A_24 = tpu.memref_slice %arg4[%add3A_11] : memref<320000xi32, #tpu.memory_space<hbm>> -> memref<80xi32, #tpu.memory_space<hbm>>
        %dma_wait3A_25 = tpu.memref_slice %arg4[%add3A_11] : memref<320000xi32, #tpu.memory_space<hbm>> -> memref<80xi32, #tpu.memory_space<hbm>>
        tpu.wait_dma2 semaphore(%run_scoped3A : memref<!tpu.dma_semaphore, #tpu.memory_space<semaphore_mem>>) src(%dma_wait3A_25 : memref<80xi32, #tpu.memory_space<hbm>>) dst(%arg8 : memref<80xi32, #tpu.memory_space<vmem>>)
        tpu.yield
      }) : () -> ()
      "tpu.region"() ({
        %run_scoped3A = tpu.sem_alloc : memref<!tpu.dma_semaphore, #tpu.memory_space<semaphore_mem>>
        %dma_start3A_22 = tpu.memref_slice %arg5[%add3A_11] : memref<320000xi32, #tpu.memory_space<hbm>> -> memref<80xi32, #tpu.memory_space<hbm>>
        %dma_start3A_23 = tpu.memref_slice %arg5[%add3A_11] : memref<320000xi32, #tpu.memory_space<hbm>> -> memref<80xi32, #tpu.memory_space<hbm>>
        tpu.enqueue_dma source(%dma_start3A_23 : memref<80xi32, #tpu.memory_space<hbm>>) target(%arg9 : memref<80xi32, #tpu.memory_space<vmem>>) target_semaphore(%run_scoped3A : memref<!tpu.dma_semaphore, #tpu.memory_space<semaphore_mem>>)
        %dma_wait3A_24 = tpu.memref_slice %arg5[%add3A_11] : memref<320000xi32, #tpu.memory_space<hbm>> -> memref<80xi32, #tpu.memory_space<hbm>>
        %dma_wait3A_25 = tpu.memref_slice %arg5[%add3A_11] : memref<320000xi32, #tpu.memory_space<hbm>> -> memref<80xi32, #tpu.memory_space<hbm>>
        tpu.wait_dma2 semaphore(%run_scoped3A : memref<!tpu.dma_semaphore, #tpu.memory_space<semaphore_mem>>) src(%dma_wait3A_25 : memref<80xi32, #tpu.memory_space<hbm>>) dst(%arg9 : memref<80xi32, #tpu.memory_space<vmem>>)
        tpu.yield
      }) : () -> ()
      %dma_start3A = arith.constant 0 : i32
      %dma_start3A_12 = arith.constant 0 : i32
      %dma_start3A_13 = tpu.memref_slice %arg2[%dma_start3A, %dma_start3A_12] : memref<10000x128xf32, #tpu.memory_space<hbm>> -> memref<10000x128xf32, #tpu.memory_space<hbm>>
      tpu.enqueue_indirect_dma source(%dma_start3A_13 : memref<10000x128xf32, #tpu.memory_space<hbm>>) target(%arg10 : memref<80x128xf32, #tpu.memory_space<vmem>>) offsets(%arg8 : memref<80xi32, #tpu.memory_space<vmem>>) semaphore(%arg12 : memref<!tpu.dma_semaphore, #tpu.memory_space<semaphore_mem>>)
      %dma_start3A_14 = arith.constant 0 : i32
      %dma_start3A_15 = arith.constant 0 : i32
      %dma_start3A_16 = tpu.memref_slice %arg3[%dma_start3A_14, %dma_start3A_15] : memref<10000x128xf32, #tpu.memory_space<hbm>> -> memref<10000x128xf32, #tpu.memory_space<hbm>>
      tpu.enqueue_indirect_dma source(%dma_start3A_16 : memref<10000x128xf32, #tpu.memory_space<hbm>>) target(%arg11 : memref<80x128xf32, #tpu.memory_space<vmem>>) offsets(%arg9 : memref<80xi32, #tpu.memory_space<vmem>>) semaphore(%arg13 : memref<!tpu.dma_semaphore, #tpu.memory_space<semaphore_mem>>)
      %dma_wait3A = arith.constant 0 : i32
      %dma_wait3A_17 = arith.constant 0 : i32
      %dma_wait3A_18 = tpu.memref_slice %arg2[%dma_wait3A, %dma_wait3A_17] : memref<10000x128xf32, #tpu.memory_space<hbm>> -> memref<10000x128xf32, #tpu.memory_space<hbm>>
      tpu.wait_indirect_dma semaphore(%arg12 : memref<!tpu.dma_semaphore, #tpu.memory_space<semaphore_mem>>) src(%dma_wait3A_18 : memref<10000x128xf32, #tpu.memory_space<hbm>>) dst(%arg10 : memref<80x128xf32, #tpu.memory_space<vmem>>)
      "tpu.region"() ({
        %run_scoped3A = tpu.sem_alloc : memref<!tpu.dma_semaphore, #tpu.memory_space<semaphore_mem>>
        %dma_start3A_22 = arith.constant 0 : i32
        %dma_start3A_23 = tpu.memref_slice %arg6[%add3A_11, %dma_start3A_22] : memref<320000x128xf32, #tpu.memory_space<hbm>> -> memref<80x128xf32, #tpu.memory_space<hbm>>
        %dma_start3A_24 = arith.constant 0 : i32
        %dma_start3A_25 = tpu.memref_slice %arg6[%add3A_11, %dma_start3A_24] : memref<320000x128xf32, #tpu.memory_space<hbm>> -> memref<80x128xf32, #tpu.memory_space<hbm>>
        tpu.enqueue_dma source(%arg10 : memref<80x128xf32, #tpu.memory_space<vmem>>) target(%dma_start3A_25 : memref<80x128xf32, #tpu.memory_space<hbm>>) target_semaphore(%run_scoped3A : memref<!tpu.dma_semaphore, #tpu.memory_space<semaphore_mem>>)
        %dma_wait3A_26 = arith.constant 0 : i32
        %dma_wait3A_27 = tpu.memref_slice %arg6[%add3A_11, %dma_wait3A_26] : memref<320000x128xf32, #tpu.memory_space<hbm>> -> memref<80x128xf32, #tpu.memory_space<hbm>>
        %dma_wait3A_28 = arith.constant 0 : i32
        %dma_wait3A_29 = tpu.memref_slice %arg6[%add3A_11, %dma_wait3A_28] : memref<320000x128xf32, #tpu.memory_space<hbm>> -> memref<80x128xf32, #tpu.memory_space<hbm>>
        tpu.wait_dma2 semaphore(%run_scoped3A : memref<!tpu.dma_semaphore, #tpu.memory_space<semaphore_mem>>) src(%arg10 : memref<80x128xf32, #tpu.memory_space<vmem>>) dst(%dma_wait3A_29 : memref<80x128xf32, #tpu.memory_space<hbm>>)
        tpu.yield
      }) : () -> ()
      %dma_wait3A_19 = arith.constant 0 : i32
      %dma_wait3A_20 = arith.constant 0 : i32
      %dma_wait3A_21 = tpu.memref_slice %arg3[%dma_wait3A_19, %dma_wait3A_20] : memref<10000x128xf32, #tpu.memory_space<hbm>> -> memref<10000x128xf32, #tpu.memory_space<hbm>>
      tpu.wait_indirect_dma semaphore(%arg13 : memref<!tpu.dma_semaphore, #tpu.memory_space<semaphore_mem>>) src(%dma_wait3A_21 : memref<10000x128xf32, #tpu.memory_space<hbm>>) dst(%arg11 : memref<80x128xf32, #tpu.memory_space<vmem>>)
      "tpu.region"() ({
        %run_scoped3A = tpu.sem_alloc : memref<!tpu.dma_semaphore, #tpu.memory_space<semaphore_mem>>
        %dma_start3A_22 = arith.constant 0 : i32
        %dma_start3A_23 = tpu.memref_slice %arg7[%add3A_11, %dma_start3A_22] : memref<320000x128xf32, #tpu.memory_space<hbm>> -> memref<80x128xf32, #tpu.memory_space<hbm>>
        %dma_start3A_24 = arith.constant 0 : i32
        %dma_start3A_25 = tpu.memref_slice %arg7[%add3A_11, %dma_start3A_24] : memref<320000x128xf32, #tpu.memory_space<hbm>> -> memref<80x128xf32, #tpu.memory_space<hbm>>
        tpu.enqueue_dma source(%arg11 : memref<80x128xf32, #tpu.memory_space<vmem>>) target(%dma_start3A_25 : memref<80x128xf32, #tpu.memory_space<hbm>>) target_semaphore(%run_scoped3A : memref<!tpu.dma_semaphore, #tpu.memory_space<semaphore_mem>>)
        %dma_wait3A_26 = arith.constant 0 : i32
        %dma_wait3A_27 = tpu.memref_slice %arg7[%add3A_11, %dma_wait3A_26] : memref<320000x128xf32, #tpu.memory_space<hbm>> -> memref<80x128xf32, #tpu.memory_space<hbm>>
        %dma_wait3A_28 = arith.constant 0 : i32
        %dma_wait3A_29 = tpu.memref_slice %arg7[%add3A_11, %dma_wait3A_28] : memref<320000x128xf32, #tpu.memory_space<hbm>> -> memref<80x128xf32, #tpu.memory_space<hbm>>
        tpu.wait_dma2 semaphore(%run_scoped3A : memref<!tpu.dma_semaphore, #tpu.memory_space<semaphore_mem>>) src(%arg11 : memref<80x128xf32, #tpu.memory_space<vmem>>) dst(%dma_wait3A_29 : memref<80x128xf32, #tpu.memory_space<hbm>>)
        tpu.yield
      }) : () -> ()
    }
    %scan3A_7 = arith.constant 125 : i32
    return
  }
}

#map = affine_map<(d0, d1) -> (0, 0)>
#map1 = affine_map<(d0, d1) -> (0)>
module attributes {stable_mosaic.version = 14 : i64} {
  func.func @_sc_gather_body(%arg0: i32, %arg1: i32, %arg2: memref<10000x128xf32, #tpu.memory_space<hbm>>, %arg3: memref<10000x128xf32, #tpu.memory_space<hbm>>, %arg4: memref<320000xi32, #tpu.memory_space<hbm>>, %arg5: memref<320000xi32, #tpu.memory_space<hbm>>, %arg6: memref<320000x128xf32, #tpu.memory_space<hbm>>, %arg7: memref<320000x128xf32, #tpu.memory_space<hbm>>, %arg8: memref<80xi32, #tpu.memory_space<vmem>>, %arg9: memref<80xi32, #tpu.memory_space<vmem>>, %arg10: memref<80x128xf32, #tpu.memory_space<vmem>>, %arg11: memref<80x128xf32, #tpu.memory_space<vmem>>, %arg12: memref<!tpu.dma_semaphore, #tpu.memory_space<semaphore_mem>>, %arg13: memref<!tpu.dma_semaphore, #tpu.memory_space<semaphore_mem>>) attributes {dimension_semantics = [#tpu.dimension_semantics<core_parallel>, #tpu.dimension_semantics<subcore_parallel>], iteration_bounds = array<i64: 2, 16>, scalar_prefetch = 0 : i64, scratch_operands = 6 : i64, tpu.core_type = #tpu.core_type<sc_vector_subcore>, window_params = [{transform_indices = #map}, {transform_indices = #map}, {transform_indices = #map1}, {transform_indices = #map1}, {transform_indices = #map}, {transform_indices = #map}]} {
    %mul3A = arith.constant 2 : i32
    %mul3A_0 = arith.muli %arg1, %mul3A : i32
    %add3A = arith.addi %mul3A_0, %arg0 : i32
    %mul3A_1 = arith.constant 10000 : i32
    %mul3A_2 = arith.muli %add3A, %mul3A_1 : i32
    %scan3A = arith.constant 0 : i32
    %scan3A_3 = arith.constant 0 : i32
    %scan3A_4 = arith.constant 125 : i32
    %scan3A_5 = arith.addi %scan3A_3, %scan3A_4 : i32
    %scan3A_6 = arith.constant 1 : i32
    scf.for %scan3A_8 = %scan3A_3 to %scan3A_5 step %scan3A_6  : i32 {
      %mul3A_9 = arith.constant 80 : i32
      %mul3A_10 = arith.muli %scan3A_8, %mul3A_9 : i32
      %add3A_11 = arith.addi %mul3A_2, %mul3A_10 : i32
      "tpu.region"() ({
        %run_scoped3A = tpu.sem_alloc : memref<!tpu.dma_semaphore, #tpu.memory_space<semaphore_mem>>
        %dma_start3A_22 = tpu.memref_slice %arg4[%add3A_11] : memref<320000xi32, #tpu.memory_space<hbm>> -> memref<80xi32, #tpu.memory_space<hbm>>
        %dma_start3A_23 = tpu.memref_slice %arg4[%add3A_11] : memref<320000xi32, #tpu.memory_space<hbm>> -> memref<80xi32, #tpu.memory_space<hbm>>
        tpu.enqueue_dma source(%dma_start3A_23 : memref<80xi32, #tpu.memory_space<hbm>>) target(%arg8 : memref<80xi32, #tpu.memory_space<vmem>>) target_semaphore(%run_scoped3A : memref<!tpu.dma_semaphore, #tpu.memory_space<semaphore_mem>>)
        %dma_wait3A_24 = tpu.memref_slice %arg4[%add3A_11] : memref<320000xi32, #tpu.memory_space<hbm>> -> memref<80xi32, #tpu.memory_space<hbm>>
        %dma_wait3A_25 = tpu.memref_slice %arg4[%add3A_11] : memref<320000xi32, #tpu.memory_space<hbm>> -> memref<80xi32, #tpu.memory_space<hbm>>
        tpu.wait_dma2 semaphore(%run_scoped3A : memref<!tpu.dma_semaphore, #tpu.memory_space<semaphore_mem>>) src(%dma_wait3A_25 : memref<80xi32, #tpu.memory_space<hbm>>) dst(%arg8 : memref<80xi32, #tpu.memory_space<vmem>>)
        tpu.yield
      }) : () -> ()
      "tpu.region"() ({
        %run_scoped3A = tpu.sem_alloc : memref<!tpu.dma_semaphore, #tpu.memory_space<semaphore_mem>>
        %dma_start3A_22 = tpu.memref_slice %arg5[%add3A_11] : memref<320000xi32, #tpu.memory_space<hbm>> -> memref<80xi32, #tpu.memory_space<hbm>>
        %dma_start3A_23 = tpu.memref_slice %arg5[%add3A_11] : memref<320000xi32, #tpu.memory_space<hbm>> -> memref<80xi32, #tpu.memory_space<hbm>>
        tpu.enqueue_dma source(%dma_start3A_23 : memref<80xi32, #tpu.memory_space<hbm>>) target(%arg9 : memref<80xi32, #tpu.memory_space<vmem>>) target_semaphore(%run_scoped3A : memref<!tpu.dma_semaphore, #tpu.memory_space<semaphore_mem>>)
        %dma_wait3A_24 = tpu.memref_slice %arg5[%add3A_11] : memref<320000xi32, #tpu.memory_space<hbm>> -> memref<80xi32, #tpu.memory_space<hbm>>
        %dma_wait3A_25 = tpu.memref_slice %arg5[%add3A_11] : memref<320000xi32, #tpu.memory_space<hbm>> -> memref<80xi32, #tpu.memory_space<hbm>>
        tpu.wait_dma2 semaphore(%run_scoped3A : memref<!tpu.dma_semaphore, #tpu.memory_space<semaphore_mem>>) src(%dma_wait3A_25 : memref<80xi32, #tpu.memory_space<hbm>>) dst(%arg9 : memref<80xi32, #tpu.memory_space<vmem>>)
        tpu.yield
      }) : () -> ()
      %dma_start3A = arith.constant 0 : i32
      %dma_start3A_12 = arith.constant 0 : i32
      %dma_start3A_13 = tpu.memref_slice %arg2[%dma_start3A, %dma_start3A_12] : memref<10000x128xf32, #tpu.memory_space<hbm>> -> memref<10000x128xf32, #tpu.memory_space<hbm>>
      tpu.enqueue_indirect_dma source(%dma_start3A_13 : memref<10000x128xf32, #tpu.memory_space<hbm>>) target(%arg10 : memref<80x128xf32, #tpu.memory_space<vmem>>) offsets(%arg8 : memref<80xi32, #tpu.memory_space<vmem>>) semaphore(%arg12 : memref<!tpu.dma_semaphore, #tpu.memory_space<semaphore_mem>>)
      %dma_start3A_14 = arith.constant 0 : i32
      %dma_start3A_15 = arith.constant 0 : i32
      %dma_start3A_16 = tpu.memref_slice %arg3[%dma_start3A_14, %dma_start3A_15] : memref<10000x128xf32, #tpu.memory_space<hbm>> -> memref<10000x128xf32, #tpu.memory_space<hbm>>
      tpu.enqueue_indirect_dma source(%dma_start3A_16 : memref<10000x128xf32, #tpu.memory_space<hbm>>) target(%arg11 : memref<80x128xf32, #tpu.memory_space<vmem>>) offsets(%arg9 : memref<80xi32, #tpu.memory_space<vmem>>) semaphore(%arg13 : memref<!tpu.dma_semaphore, #tpu.memory_space<semaphore_mem>>)
      %dma_wait3A = arith.constant 0 : i32
      %dma_wait3A_17 = arith.constant 0 : i32
      %dma_wait3A_18 = tpu.memref_slice %arg2[%dma_wait3A, %dma_wait3A_17] : memref<10000x128xf32, #tpu.memory_space<hbm>> -> memref<10000x128xf32, #tpu.memory_space<hbm>>
      tpu.wait_indirect_dma semaphore(%arg12 : memref<!tpu.dma_semaphore, #tpu.memory_space<semaphore_mem>>) src(%dma_wait3A_18 : memref<10000x128xf32, #tpu.memory_space<hbm>>) dst(%arg10 : memref<80x128xf32, #tpu.memory_space<vmem>>)
      "tpu.region"() ({
        %run_scoped3A = tpu.sem_alloc : memref<!tpu.dma_semaphore, #tpu.memory_space<semaphore_mem>>
        %dma_start3A_22 = arith.constant 0 : i32
        %dma_start3A_23 = tpu.memref_slice %arg6[%add3A_11, %dma_start3A_22] : memref<320000x128xf32, #tpu.memory_space<hbm>> -> memref<80x128xf32, #tpu.memory_space<hbm>>
        %dma_start3A_24 = arith.constant 0 : i32
        %dma_start3A_25 = tpu.memref_slice %arg6[%add3A_11, %dma_start3A_24] : memref<320000x128xf32, #tpu.memory_space<hbm>> -> memref<80x128xf32, #tpu.memory_space<hbm>>
        tpu.enqueue_dma source(%arg10 : memref<80x128xf32, #tpu.memory_space<vmem>>) target(%dma_start3A_25 : memref<80x128xf32, #tpu.memory_space<hbm>>) target_semaphore(%run_scoped3A : memref<!tpu.dma_semaphore, #tpu.memory_space<semaphore_mem>>)
        %dma_wait3A_26 = arith.constant 0 : i32
        %dma_wait3A_27 = tpu.memref_slice %arg6[%add3A_11, %dma_wait3A_26] : memref<320000x128xf32, #tpu.memory_space<hbm>> -> memref<80x128xf32, #tpu.memory_space<hbm>>
        %dma_wait3A_28 = arith.constant 0 : i32
        %dma_wait3A_29 = tpu.memref_slice %arg6[%add3A_11, %dma_wait3A_28] : memref<320000x128xf32, #tpu.memory_space<hbm>> -> memref<80x128xf32, #tpu.memory_space<hbm>>
        tpu.wait_dma2 semaphore(%run_scoped3A : memref<!tpu.dma_semaphore, #tpu.memory_space<semaphore_mem>>) src(%arg10 : memref<80x128xf32, #tpu.memory_space<vmem>>) dst(%dma_wait3A_29 : memref<80x128xf32, #tpu.memory_space<hbm>>)
        tpu.yield
      }) : () -> ()
      %dma_wait3A_19 = arith.constant 0 : i32
      %dma_wait3A_20 = arith.constant 0 : i32
      %dma_wait3A_21 = tpu.memref_slice %arg3[%dma_wait3A_19, %dma_wait3A_20] : memref<10000x128xf32, #tpu.memory_space<hbm>> -> memref<10000x128xf32, #tpu.memory_space<hbm>>
      tpu.wait_indirect_dma semaphore(%arg13 : memref<!tpu.dma_semaphore, #tpu.memory_space<semaphore_mem>>) src(%dma_wait3A_21 : memref<10000x128xf32, #tpu.memory_space<hbm>>) dst(%arg11 : memref<80x128xf32, #tpu.memory_space<vmem>>)
      "tpu.region"() ({
        %run_scoped3A = tpu.sem_alloc : memref<!tpu.dma_semaphore, #tpu.memory_space<semaphore_mem>>
        %dma_start3A_22 = arith.constant 0 : i32
        %dma_start3A_23 = tpu.memref_slice %arg7[%add3A_11, %dma_start3A_22] : memref<320000x128xf32, #tpu.memory_space<hbm>> -> memref<80x128xf32, #tpu.memory_space<hbm>>
        %dma_start3A_24 = arith.constant 0 : i32
        %dma_start3A_25 = tpu.memref_slice %arg7[%add3A_11, %dma_start3A_24] : memref<320000x128xf32, #tpu.memory_space<hbm>> -> memref<80x128xf32, #tpu.memory_space<hbm>>
        tpu.enqueue_dma source(%arg11 : memref<80x128xf32, #tpu.memory_space<vmem>>) target(%dma_start3A_25 : memref<80x128xf32, #tpu.memory_space<hbm>>) target_semaphore(%run_scoped3A : memref<!tpu.dma_semaphore, #tpu.memory_space<semaphore_mem>>)
        %dma_wait3A_26 = arith.constant 0 : i32
        %dma_wait3A_27 = tpu.memref_slice %arg7[%add3A_11, %dma_wait3A_26] : memref<320000x128xf32, #tpu.memory_space<hbm>> -> memref<80x128xf32, #tpu.memory_space<hbm>>
        %dma_wait3A_28 = arith.constant 0 : i32
        %dma_wait3A_29 = tpu.memref_slice %arg7[%add3A_11, %dma_wait3A_28] : memref<320000x128xf32, #tpu.memory_space<hbm>> -> memref<80x128xf32, #tpu.memory_space<hbm>>
        tpu.wait_dma2 semaphore(%run_scoped3A : memref<!tpu.dma_semaphore, #tpu.memory_space<semaphore_mem>>) src(%arg11 : memref<80x128xf32, #tpu.memory_space<vmem>>) dst(%dma_wait3A_29 : memref<80x128xf32, #tpu.memory_space<hbm>>)
        tpu.yield
      }) : () -> ()
    }
    %scan3A_7 = arith.constant 125 : i32
    return
  }
}

#map = affine_map<(d0, d1) -> (0, 0)>
#map1 = affine_map<(d0, d1) -> (0)>
#map2 = affine_map<(d0, d1) -> (0, 0, 0)>
module attributes {stable_mosaic.version = 14 : i64} {
  func.func @_sc_scatter_body(%arg0: i32, %arg1: i32, %arg2: memref<320000x128xf32, #tpu.memory_space<hbm>>, %arg3: memref<320000x128xf32, #tpu.memory_space<hbm>>, %arg4: memref<320000xi32, #tpu.memory_space<hbm>>, %arg5: memref<10000x128xf32, #tpu.memory_space<hbm>>, %arg6: memref<2x10000x128xf32, #tpu.memory_space<hbm>>, %arg7: memref<2x10000x128xf32, #tpu.memory_space<hbm>>, %arg8: memref<80xi32, #tpu.memory_space<vmem>>, %arg9: memref<80x128xf32, #tpu.memory_space<vmem>>, %arg10: memref<10000x128xf32, #tpu.memory_space<vmem_shared>>) attributes {dimension_semantics = [#tpu.dimension_semantics<core_parallel>, #tpu.dimension_semantics<subcore_parallel>], iteration_bounds = array<i64: 2, 16>, scalar_prefetch = 0 : i64, scratch_operands = 3 : i64, tpu.core_type = #tpu.core_type<sc_vector_subcore>, window_params = [{transform_indices = #map}, {transform_indices = #map}, {transform_indices = #map1}, {transform_indices = #map}, {transform_indices = #map2}, {transform_indices = #map2}]} {
    %mul3A = arith.constant 2 : i32
    %mul3A_0 = arith.muli %arg1, %mul3A : i32
    %add3A = arith.addi %mul3A_0, %arg0 : i32
    %mul3A_1 = arith.constant 10000 : i32
    %mul3A_2 = arith.muli %add3A, %mul3A_1 : i32
    %mul3A_3 = arith.constant 640 : i32
    %mul3A_4 = arith.muli %arg1, %mul3A_3 : i32
    %lt3A = arith.constant 15 : i32
    %lt3A_5 = arith.cmpi slt, %arg1, %lt3A : i32
    %jit3A = arith.constant 8 : i32
    %jit3A_6 = arith.constant 5 : i32
    %select_n3A = arith.select %lt3A_5, %jit3A, %jit3A_6 : i32
    "tpu.region"() ({
      %run_scoped3A = tpu.sem_alloc : memref<!tpu.dma_semaphore, #tpu.memory_space<semaphore_mem>>
      %dma_start3A = arith.constant 0 : i32
      %dma_start3A_62 = arith.constant 0 : i32
      %dma_start3A_63 = tpu.memref_slice %arg5[%dma_start3A, %dma_start3A_62] : memref<10000x128xf32, #tpu.memory_space<hbm>> -> memref<80x128xf32, #tpu.memory_space<hbm>>
      %dma_start3A_64 = arith.constant 0 : i32
      %dma_start3A_65 = arith.constant 0 : i32
      %dma_start3A_66 = tpu.memref_slice %arg5[%dma_start3A_64, %dma_start3A_65] : memref<10000x128xf32, #tpu.memory_space<hbm>> -> memref<80x128xf32, #tpu.memory_space<hbm>>
      tpu.enqueue_dma source(%dma_start3A_66 : memref<80x128xf32, #tpu.memory_space<hbm>>) target(%arg9 : memref<80x128xf32, #tpu.memory_space<vmem>>) target_semaphore(%run_scoped3A : memref<!tpu.dma_semaphore, #tpu.memory_space<semaphore_mem>>)
      %dma_wait3A = arith.constant 0 : i32
      %dma_wait3A_67 = arith.constant 0 : i32
      %dma_wait3A_68 = tpu.memref_slice %arg5[%dma_wait3A, %dma_wait3A_67] : memref<10000x128xf32, #tpu.memory_space<hbm>> -> memref<80x128xf32, #tpu.memory_space<hbm>>
      %dma_wait3A_69 = arith.constant 0 : i32
      %dma_wait3A_70 = arith.constant 0 : i32
      %dma_wait3A_71 = tpu.memref_slice %arg5[%dma_wait3A_69, %dma_wait3A_70] : memref<10000x128xf32, #tpu.memory_space<hbm>> -> memref<80x128xf32, #tpu.memory_space<hbm>>
      tpu.wait_dma2 semaphore(%run_scoped3A : memref<!tpu.dma_semaphore, #tpu.memory_space<semaphore_mem>>) src(%dma_wait3A_71 : memref<80x128xf32, #tpu.memory_space<hbm>>) dst(%arg9 : memref<80x128xf32, #tpu.memory_space<vmem>>)
      tpu.yield
    }) : () -> ()
    %while3A = arith.constant 0 : i32
    %while3A_7 = arith.constant 0 : i32
    %while3A_8 = arith.subi %select_n3A, %while3A_7 : i32
    %while3A_9 = arith.addi %while3A_7, %while3A_8 : i32
    %while3A_10 = arith.constant 1 : i32
    %while3A_11 = arith.divsi %while3A_8, %while3A_10 : i32
    %while3A_12 = arith.muli %while3A_11, %while3A_10 : i32
    %while3A_13 = arith.addi %while3A_7, %while3A_12 : i32
    %while3A_14 = arith.constant 1 : i32
    scf.for %while3A_62 = %while3A_7 to %while3A_13 step %while3A_14  : i32 {
      %mul3A_63 = arith.constant 80 : i32
      %mul3A_64 = arith.muli %while3A_62, %mul3A_63 : i32
      %add3A_65 = arith.addi %mul3A_4, %mul3A_64 : i32
      "tpu.region"() ({
        %run_scoped3A = tpu.sem_alloc : memref<!tpu.dma_semaphore, #tpu.memory_space<semaphore_mem>>
        %dma_start3A = arith.constant 0 : i32
        %dma_start3A_66 = tpu.memref_slice %arg10[%add3A_65, %dma_start3A] : memref<10000x128xf32, #tpu.memory_space<vmem_shared>> -> memref<80x128xf32, #tpu.memory_space<vmem_shared>>
        %dma_start3A_67 = arith.constant 0 : i32
        %dma_start3A_68 = tpu.memref_slice %arg10[%add3A_65, %dma_start3A_67] : memref<10000x128xf32, #tpu.memory_space<vmem_shared>> -> memref<80x128xf32, #tpu.memory_space<vmem_shared>>
        tpu.enqueue_dma source(%arg9 : memref<80x128xf32, #tpu.memory_space<vmem>>) target(%dma_start3A_68 : memref<80x128xf32, #tpu.memory_space<vmem_shared>>) target_semaphore(%run_scoped3A : memref<!tpu.dma_semaphore, #tpu.memory_space<semaphore_mem>>)
        %dma_wait3A = arith.constant 0 : i32
        %dma_wait3A_69 = tpu.memref_slice %arg10[%add3A_65, %dma_wait3A] : memref<10000x128xf32, #tpu.memory_space<vmem_shared>> -> memref<80x128xf32, #tpu.memory_space<vmem_shared>>
        %dma_wait3A_70 = arith.constant 0 : i32
        %dma_wait3A_71 = tpu.memref_slice %arg10[%add3A_65, %dma_wait3A_70] : memref<10000x128xf32, #tpu.memory_space<vmem_shared>> -> memref<80x128xf32, #tpu.memory_space<vmem_shared>>
        tpu.wait_dma2 semaphore(%run_scoped3A : memref<!tpu.dma_semaphore, #tpu.memory_space<semaphore_mem>>) src(%arg9 : memref<80x128xf32, #tpu.memory_space<vmem>>) dst(%dma_wait3A_71 : memref<80x128xf32, #tpu.memory_space<vmem_shared>>)
        tpu.yield
      }) : () -> ()
    }
    %while3A_15 = arith.constant 1 : i32
    scf.for %while3A_62 = %while3A_13 to %while3A_9 step %while3A_15  : i32 {
      %mul3A_63 = arith.constant 80 : i32
      %mul3A_64 = arith.muli %while3A_62, %mul3A_63 : i32
      %add3A_65 = arith.addi %mul3A_4, %mul3A_64 : i32
      "tpu.region"() ({
        %run_scoped3A = tpu.sem_alloc : memref<!tpu.dma_semaphore, #tpu.memory_space<semaphore_mem>>
        %dma_start3A = arith.constant 0 : i32
        %dma_start3A_66 = tpu.memref_slice %arg10[%add3A_65, %dma_start3A] : memref<10000x128xf32, #tpu.memory_space<vmem_shared>> -> memref<80x128xf32, #tpu.memory_space<vmem_shared>>
        %dma_start3A_67 = arith.constant 0 : i32
        %dma_start3A_68 = tpu.memref_slice %arg10[%add3A_65, %dma_start3A_67] : memref<10000x128xf32, #tpu.memory_space<vmem_shared>> -> memref<80x128xf32, #tpu.memory_space<vmem_shared>>
        tpu.enqueue_dma source(%arg9 : memref<80x128xf32, #tpu.memory_space<vmem>>) target(%dma_start3A_68 : memref<80x128xf32, #tpu.memory_space<vmem_shared>>) target_semaphore(%run_scoped3A : memref<!tpu.dma_semaphore, #tpu.memory_space<semaphore_mem>>)
        %dma_wait3A = arith.constant 0 : i32
        %dma_wait3A_69 = tpu.memref_slice %arg10[%add3A_65, %dma_wait3A] : memref<10000x128xf32, #tpu.memory_space<vmem_shared>> -> memref<80x128xf32, #tpu.memory_space<vmem_shared>>
        %dma_wait3A_70 = arith.constant 0 : i32
        %dma_wait3A_71 = tpu.memref_slice %arg10[%add3A_65, %dma_wait3A_70] : memref<10000x128xf32, #tpu.memory_space<vmem_shared>> -> memref<80x128xf32, #tpu.memory_space<vmem_shared>>
        tpu.wait_dma2 semaphore(%run_scoped3A : memref<!tpu.dma_semaphore, #tpu.memory_space<semaphore_mem>>) src(%arg9 : memref<80x128xf32, #tpu.memory_space<vmem>>) dst(%dma_wait3A_71 : memref<80x128xf32, #tpu.memory_space<vmem_shared>>)
        tpu.yield
      }) : () -> ()
    }
    %barrier3A = arith.constant 0 : index
    tpu.barrier barrier_id(%barrier3A)
    %scan3A = arith.constant 0 : i32
    %scan3A_16 = arith.constant 0 : i32
    %scan3A_17 = arith.constant 125 : i32
    %scan3A_18 = arith.addi %scan3A_16, %scan3A_17 : i32
    %scan3A_19 = arith.constant 1 : i32
    scf.for %scan3A_62 = %scan3A_16 to %scan3A_18 step %scan3A_19  : i32 {
      %mul3A_63 = arith.constant 80 : i32
      %mul3A_64 = arith.muli %scan3A_62, %mul3A_63 : i32
      %add3A_65 = arith.addi %mul3A_2, %mul3A_64 : i32
      "tpu.region"() ({
        %run_scoped3A = tpu.sem_alloc : memref<!tpu.dma_semaphore, #tpu.memory_space<semaphore_mem>>
        %dma_start3A = tpu.memref_slice %arg4[%add3A_65] : memref<320000xi32, #tpu.memory_space<hbm>> -> memref<80xi32, #tpu.memory_space<hbm>>
        %dma_start3A_66 = tpu.memref_slice %arg4[%add3A_65] : memref<320000xi32, #tpu.memory_space<hbm>> -> memref<80xi32, #tpu.memory_space<hbm>>
        tpu.enqueue_dma source(%dma_start3A_66 : memref<80xi32, #tpu.memory_space<hbm>>) target(%arg8 : memref<80xi32, #tpu.memory_space<vmem>>) target_semaphore(%run_scoped3A : memref<!tpu.dma_semaphore, #tpu.memory_space<semaphore_mem>>)
        %dma_wait3A = tpu.memref_slice %arg4[%add3A_65] : memref<320000xi32, #tpu.memory_space<hbm>> -> memref<80xi32, #tpu.memory_space<hbm>>
        %dma_wait3A_67 = tpu.memref_slice %arg4[%add3A_65] : memref<320000xi32, #tpu.memory_space<hbm>> -> memref<80xi32, #tpu.memory_space<hbm>>
        tpu.wait_dma2 semaphore(%run_scoped3A : memref<!tpu.dma_semaphore, #tpu.memory_space<semaphore_mem>>) src(%dma_wait3A_67 : memref<80xi32, #tpu.memory_space<hbm>>) dst(%arg8 : memref<80xi32, #tpu.memory_space<vmem>>)
        tpu.yield
      }) : () -> ()
      "tpu.region"() ({
        %run_scoped3A = tpu.sem_alloc : memref<!tpu.dma_semaphore, #tpu.memory_space<semaphore_mem>>
        %dma_start3A = arith.constant 0 : i32
        %dma_start3A_66 = tpu.memref_slice %arg2[%add3A_65, %dma_start3A] : memref<320000x128xf32, #tpu.memory_space<hbm>> -> memref<80x128xf32, #tpu.memory_space<hbm>>
        %dma_start3A_67 = arith.constant 0 : i32
        %dma_start3A_68 = tpu.memref_slice %arg2[%add3A_65, %dma_start3A_67] : memref<320000x128xf32, #tpu.memory_space<hbm>> -> memref<80x128xf32, #tpu.memory_space<hbm>>
        tpu.enqueue_dma source(%dma_start3A_68 : memref<80x128xf32, #tpu.memory_space<hbm>>) target(%arg9 : memref<80x128xf32, #tpu.memory_space<vmem>>) target_semaphore(%run_scoped3A : memref<!tpu.dma_semaphore, #tpu.memory_space<semaphore_mem>>)
        %dma_wait3A = arith.constant 0 : i32
        %dma_wait3A_69 = tpu.memref_slice %arg2[%add3A_65, %dma_wait3A] : memref<320000x128xf32, #tpu.memory_space<hbm>> -> memref<80x128xf32, #tpu.memory_space<hbm>>
        %dma_wait3A_70 = arith.constant 0 : i32
        %dma_wait3A_71 = tpu.memref_slice %arg2[%add3A_65, %dma_wait3A_70] : memref<320000x128xf32, #tpu.memory_space<hbm>> -> memref<80x128xf32, #tpu.memory_space<hbm>>
        tpu.wait_dma2 semaphore(%run_scoped3A : memref<!tpu.dma_semaphore, #tpu.memory_space<semaphore_mem>>) src(%dma_wait3A_71 : memref<80x128xf32, #tpu.memory_space<hbm>>) dst(%arg9 : memref<80x128xf32, #tpu.memory_space<vmem>>)
        tpu.yield
      }) : () -> ()
      "tpu.region"() ({
        %run_scoped3A = tpu.sem_alloc : memref<!tpu.dma_semaphore, #tpu.memory_space<semaphore_mem>>
        %dma_start3A = arith.constant 0 : i32
        %dma_start3A_66 = arith.constant 0 : i32
        %dma_start3A_67 = tpu.memref_slice %arg10[%dma_start3A, %dma_start3A_66] : memref<10000x128xf32, #tpu.memory_space<vmem_shared>> -> memref<10000x128xf32, #tpu.memory_space<vmem_shared>>
        tpu.enqueue_indirect_dma source(%arg9 : memref<80x128xf32, #tpu.memory_space<vmem>>) target(%dma_start3A_67 : memref<10000x128xf32, #tpu.memory_space<vmem_shared>>) offsets(%arg8 : memref<80xi32, #tpu.memory_space<vmem>>) semaphore(%run_scoped3A : memref<!tpu.dma_semaphore, #tpu.memory_space<semaphore_mem>>) {add = true}
        %dma_wait3A = arith.constant 0 : i32
        %dma_wait3A_68 = arith.constant 0 : i32
        %dma_wait3A_69 = tpu.memref_slice %arg10[%dma_wait3A, %dma_wait3A_68] : memref<10000x128xf32, #tpu.memory_space<vmem_shared>> -> memref<10000x128xf32, #tpu.memory_space<vmem_shared>>
        tpu.wait_indirect_dma semaphore(%run_scoped3A : memref<!tpu.dma_semaphore, #tpu.memory_space<semaphore_mem>>) src(%arg9 : memref<80x128xf32, #tpu.memory_space<vmem>>) dst(%dma_wait3A_69 : memref<10000x128xf32, #tpu.memory_space<vmem_shared>>)
        tpu.yield
      }) : () -> ()
    }
    %scan3A_20 = arith.constant 125 : i32
    %barrier3A_21 = arith.constant 0 : index
    tpu.barrier barrier_id(%barrier3A_21)
    %while3A_22 = arith.constant 0 : i32
    %while3A_23 = arith.constant 0 : i32
    %while3A_24 = arith.subi %select_n3A, %while3A_23 : i32
    %while3A_25 = arith.addi %while3A_23, %while3A_24 : i32
    %while3A_26 = arith.constant 1 : i32
    %while3A_27 = arith.divsi %while3A_24, %while3A_26 : i32
    %while3A_28 = arith.muli %while3A_27, %while3A_26 : i32
    %while3A_29 = arith.addi %while3A_23, %while3A_28 : i32
    %while3A_30 = arith.constant 1 : i32
    scf.for %while3A_62 = %while3A_23 to %while3A_29 step %while3A_30  : i32 {
      %mul3A_63 = arith.constant 80 : i32
      %mul3A_64 = arith.muli %while3A_62, %mul3A_63 : i32
      %add3A_65 = arith.addi %mul3A_4, %mul3A_64 : i32
      "tpu.region"() ({
        %run_scoped3A = tpu.sem_alloc : memref<!tpu.dma_semaphore, #tpu.memory_space<semaphore_mem>>
        %dma_start3A = arith.constant 0 : i32
        %dma_start3A_69 = tpu.memref_slice %arg10[%add3A_65, %dma_start3A] : memref<10000x128xf32, #tpu.memory_space<vmem_shared>> -> memref<80x128xf32, #tpu.memory_space<vmem_shared>>
        %dma_start3A_70 = arith.constant 0 : i32
        %dma_start3A_71 = tpu.memref_slice %arg10[%add3A_65, %dma_start3A_70] : memref<10000x128xf32, #tpu.memory_space<vmem_shared>> -> memref<80x128xf32, #tpu.memory_space<vmem_shared>>
        tpu.enqueue_dma source(%dma_start3A_71 : memref<80x128xf32, #tpu.memory_space<vmem_shared>>) target(%arg9 : memref<80x128xf32, #tpu.memory_space<vmem>>) target_semaphore(%run_scoped3A : memref<!tpu.dma_semaphore, #tpu.memory_space<semaphore_mem>>)
        %dma_wait3A = arith.constant 0 : i32
        %dma_wait3A_72 = tpu.memref_slice %arg10[%add3A_65, %dma_wait3A] : memref<10000x128xf32, #tpu.memory_space<vmem_shared>> -> memref<80x128xf32, #tpu.memory_space<vmem_shared>>
        %dma_wait3A_73 = arith.constant 0 : i32
        %dma_wait3A_74 = tpu.memref_slice %arg10[%add3A_65, %dma_wait3A_73] : memref<10000x128xf32, #tpu.memory_space<vmem_shared>> -> memref<80x128xf32, #tpu.memory_space<vmem_shared>>
        tpu.wait_dma2 semaphore(%run_scoped3A : memref<!tpu.dma_semaphore, #tpu.memory_space<semaphore_mem>>) src(%dma_wait3A_74 : memref<80x128xf32, #tpu.memory_space<vmem_shared>>) dst(%arg9 : memref<80x128xf32, #tpu.memory_space<vmem>>)
        tpu.yield
      }) : () -> ()
      %mul3A_66 = arith.constant 80 : i32
      %mul3A_67 = arith.muli %while3A_62, %mul3A_66 : i32
      %add3A_68 = arith.addi %mul3A_4, %mul3A_67 : i32
      "tpu.region"() ({
        %run_scoped3A = tpu.sem_alloc : memref<!tpu.dma_semaphore, #tpu.memory_space<semaphore_mem>>
        %dma_start3A = arith.constant 0 : i32
        %dma_start3A_69 = tpu.memref_slice %arg6[%arg0, %add3A_68, %dma_start3A] : memref<2x10000x128xf32, #tpu.memory_space<hbm>> -> memref<1x80x128xf32, #tpu.memory_space<hbm>>
        %dma_start3A_70 = tpu.memref_squeeze %dma_start3A_69 : memref<1x80x128xf32, #tpu.memory_space<hbm>> -> memref<80x128xf32, #tpu.memory_space<hbm>>
        %dma_start3A_71 = arith.constant 0 : i32
        %dma_start3A_72 = tpu.memref_slice %arg6[%arg0, %add3A_68, %dma_start3A_71] : memref<2x10000x128xf32, #tpu.memory_space<hbm>> -> memref<1x80x128xf32, #tpu.memory_space<hbm>>
        %dma_start3A_73 = tpu.memref_squeeze %dma_start3A_72 : memref<1x80x128xf32, #tpu.memory_space<hbm>> -> memref<80x128xf32, #tpu.memory_space<hbm>>
        tpu.enqueue_dma source(%arg9 : memref<80x128xf32, #tpu.memory_space<vmem>>) target(%dma_start3A_73 : memref<80x128xf32, #tpu.memory_space<hbm>>) target_semaphore(%run_scoped3A : memref<!tpu.dma_semaphore, #tpu.memory_space<semaphore_mem>>)
        %dma_wait3A = arith.constant 0 : i32
        %dma_wait3A_74 = tpu.memref_slice %arg6[%arg0, %add3A_68, %dma_wait3A] : memref<2x10000x128xf32, #tpu.memory_space<hbm>> -> memref<1x80x128xf32, #tpu.memory_space<hbm>>
        %dma_wait3A_75 = tpu.memref_squeeze %dma_wait3A_74 : memref<1x80x128xf32, #tpu.memory_space<hbm>> -> memref<80x128xf32, #tpu.memory_space<hbm>>
        %dma_wait3A_76 = arith.constant 0 : i32
        %dma_wait3A_77 = tpu.memref_slice %arg6[%arg0, %add3A_68, %dma_wait3A_76] : memref<2x10000x128xf32, #tpu.memory_space<hbm>> -> memref<1x80x128xf32, #tpu.memory_space<hbm>>
        %dma_wait3A_78 = tpu.memref_squeeze %dma_wait3A_77 : memref<1x80x128xf32, #tpu.memory_space<hbm>> -> memref<80x128xf32, #tpu.memory_space<hbm>>
        tpu.wait_dma2 semaphore(%run_scoped3A : memref<!tpu.dma_semaphore, #tpu.memory_space<semaphore_mem>>) src(%arg9 : memref<80x128xf32, #tpu.memory_space<vmem>>) dst(%dma_wait3A_78 : memref<80x128xf32, #tpu.memory_space<hbm>>)
        tpu.yield
      }) : () -> ()
    }
    %while3A_31 = arith.constant 1 : i32
    scf.for %while3A_62 = %while3A_29 to %while3A_25 step %while3A_31  : i32 {
      %mul3A_63 = arith.constant 80 : i32
      %mul3A_64 = arith.muli %while3A_62, %mul3A_63 : i32
      %add3A_65 = arith.addi %mul3A_4, %mul3A_64 : i32
      "tpu.region"() ({
        %run_scoped3A = tpu.sem_alloc : memref<!tpu.dma_semaphore, #tpu.memory_space<semaphore_mem>>
        %dma_start3A = arith.constant 0 : i32
        %dma_start3A_69 = tpu.memref_slice %arg10[%add3A_65, %dma_start3A] : memref<10000x128xf32, #tpu.memory_space<vmem_shared>> -> memref<80x128xf32, #tpu.memory_space<vmem_shared>>
        %dma_start3A_70 = arith.constant 0 : i32
        %dma_start3A_71 = tpu.memref_slice %arg10[%add3A_65, %dma_start3A_70] : memref<10000x128xf32, #tpu.memory_space<vmem_shared>> -> memref<80x128xf32, #tpu.memory_space<vmem_shared>>
        tpu.enqueue_dma source(%dma_start3A_71 : memref<80x128xf32, #tpu.memory_space<vmem_shared>>) target(%arg9 : memref<80x128xf32, #tpu.memory_space<vmem>>) target_semaphore(%run_scoped3A : memref<!tpu.dma_semaphore, #tpu.memory_space<semaphore_mem>>)
        %dma_wait3A = arith.constant 0 : i32
        %dma_wait3A_72 = tpu.memref_slice %arg10[%add3A_65, %dma_wait3A] : memref<10000x128xf32, #tpu.memory_space<vmem_shared>> -> memref<80x128xf32, #tpu.memory_space<vmem_shared>>
        %dma_wait3A_73 = arith.constant 0 : i32
        %dma_wait3A_74 = tpu.memref_slice %arg10[%add3A_65, %dma_wait3A_73] : memref<10000x128xf32, #tpu.memory_space<vmem_shared>> -> memref<80x128xf32, #tpu.memory_space<vmem_shared>>
        tpu.wait_dma2 semaphore(%run_scoped3A : memref<!tpu.dma_semaphore, #tpu.memory_space<semaphore_mem>>) src(%dma_wait3A_74 : memref<80x128xf32, #tpu.memory_space<vmem_shared>>) dst(%arg9 : memref<80x128xf32, #tpu.memory_space<vmem>>)
        tpu.yield
      }) : () -> ()
      %mul3A_66 = arith.constant 80 : i32
      %mul3A_67 = arith.muli %while3A_62, %mul3A_66 : i32
      %add3A_68 = arith.addi %mul3A_4, %mul3A_67 : i32
      "tpu.region"() ({
        %run_scoped3A = tpu.sem_alloc : memref<!tpu.dma_semaphore, #tpu.memory_space<semaphore_mem>>
        %dma_start3A = arith.constant 0 : i32
        %dma_start3A_69 = tpu.memref_slice %arg6[%arg0, %add3A_68, %dma_start3A] : memref<2x10000x128xf32, #tpu.memory_space<hbm>> -> memref<1x80x128xf32, #tpu.memory_space<hbm>>
        %dma_start3A_70 = tpu.memref_squeeze %dma_start3A_69 : memref<1x80x128xf32, #tpu.memory_space<hbm>> -> memref<80x128xf32, #tpu.memory_space<hbm>>
        %dma_start3A_71 = arith.constant 0 : i32
        %dma_start3A_72 = tpu.memref_slice %arg6[%arg0, %add3A_68, %dma_start3A_71] : memref<2x10000x128xf32, #tpu.memory_space<hbm>> -> memref<1x80x128xf32, #tpu.memory_space<hbm>>
        %dma_start3A_73 = tpu.memref_squeeze %dma_start3A_72 : memref<1x80x128xf32, #tpu.memory_space<hbm>> -> memref<80x128xf32, #tpu.memory_space<hbm>>
        tpu.enqueue_dma source(%arg9 : memref<80x128xf32, #tpu.memory_space<vmem>>) target(%dma_start3A_73 : memref<80x128xf32, #tpu.memory_space<hbm>>) target_semaphore(%run_scoped3A : memref<!tpu.dma_semaphore, #tpu.memory_space<semaphore_mem>>)
        %dma_wait3A = arith.constant 0 : i32
        %dma_wait3A_74 = tpu.memref_slice %arg6[%arg0, %add3A_68, %dma_wait3A] : memref<2x10000x128xf32, #tpu.memory_space<hbm>> -> memref<1x80x128xf32, #tpu.memory_space<hbm>>
        %dma_wait3A_75 = tpu.memref_squeeze %dma_wait3A_74 : memref<1x80x128xf32, #tpu.memory_space<hbm>> -> memref<80x128xf32, #tpu.memory_space<hbm>>
        %dma_wait3A_76 = arith.constant 0 : i32
        %dma_wait3A_77 = tpu.memref_slice %arg6[%arg0, %add3A_68, %dma_wait3A_76] : memref<2x10000x128xf32, #tpu.memory_space<hbm>> -> memref<1x80x128xf32, #tpu.memory_space<hbm>>
        %dma_wait3A_78 = tpu.memref_squeeze %dma_wait3A_77 : memref<1x80x128xf32, #tpu.memory_space<hbm>> -> memref<80x128xf32, #tpu.memory_space<hbm>>
        tpu.wait_dma2 semaphore(%run_scoped3A : memref<!tpu.dma_semaphore, #tpu.memory_space<semaphore_mem>>) src(%arg9 : memref<80x128xf32, #tpu.memory_space<vmem>>) dst(%dma_wait3A_78 : memref<80x128xf32, #tpu.memory_space<hbm>>)
        tpu.yield
      }) : () -> ()
    }
    %barrier3A_32 = arith.constant 0 : index
    tpu.barrier barrier_id(%barrier3A_32)
    "tpu.region"() ({
      %run_scoped3A = tpu.sem_alloc : memref<!tpu.dma_semaphore, #tpu.memory_space<semaphore_mem>>
      %dma_start3A = arith.constant 0 : i32
      %dma_start3A_62 = arith.constant 0 : i32
      %dma_start3A_63 = tpu.memref_slice %arg5[%dma_start3A, %dma_start3A_62] : memref<10000x128xf32, #tpu.memory_space<hbm>> -> memref<80x128xf32, #tpu.memory_space<hbm>>
      %dma_start3A_64 = arith.constant 0 : i32
      %dma_start3A_65 = arith.constant 0 : i32
      %dma_start3A_66 = tpu.memref_slice %arg5[%dma_start3A_64, %dma_start3A_65] : memref<10000x128xf32, #tpu.memory_space<hbm>> -> memref<80x128xf32, #tpu.memory_space<hbm>>
      tpu.enqueue_dma source(%dma_start3A_66 : memref<80x128xf32, #tpu.memory_space<hbm>>) target(%arg9 : memref<80x128xf32, #tpu.memory_space<vmem>>) target_semaphore(%run_scoped3A : memref<!tpu.dma_semaphore, #tpu.memory_space<semaphore_mem>>)
      %dma_wait3A = arith.constant 0 : i32
      %dma_wait3A_67 = arith.constant 0 : i32
      %dma_wait3A_68 = tpu.memref_slice %arg5[%dma_wait3A, %dma_wait3A_67] : memref<10000x128xf32, #tpu.memory_space<hbm>> -> memref<80x128xf32, #tpu.memory_space<hbm>>
      %dma_wait3A_69 = arith.constant 0 : i32
      %dma_wait3A_70 = arith.constant 0 : i32
      %dma_wait3A_71 = tpu.memref_slice %arg5[%dma_wait3A_69, %dma_wait3A_70] : memref<10000x128xf32, #tpu.memory_space<hbm>> -> memref<80x128xf32, #tpu.memory_space<hbm>>
      tpu.wait_dma2 semaphore(%run_scoped3A : memref<!tpu.dma_semaphore, #tpu.memory_space<semaphore_mem>>) src(%dma_wait3A_71 : memref<80x128xf32, #tpu.memory_space<hbm>>) dst(%arg9 : memref<80x128xf32, #tpu.memory_space<vmem>>)
      tpu.yield
    }) : () -> ()
    %while3A_33 = arith.constant 0 : i32
    %while3A_34 = arith.constant 0 : i32
    %while3A_35 = arith.subi %select_n3A, %while3A_34 : i32
    %while3A_36 = arith.addi %while3A_34, %while3A_35 : i32
    %while3A_37 = arith.constant 1 : i32
    %while3A_38 = arith.divsi %while3A_35, %while3A_37 : i32
    %while3A_39 = arith.muli %while3A_38, %while3A_37 : i32
    %while3A_40 = arith.addi %while3A_34, %while3A_39 : i32
    %while3A_41 = arith.constant 1 : i32
    scf.for %while3A_62 = %while3A_34 to %while3A_40 step %while3A_41  : i32 {
      %mul3A_63 = arith.constant 80 : i32
      %mul3A_64 = arith.muli %while3A_62, %mul3A_63 : i32
      %add3A_65 = arith.addi %mul3A_4, %mul3A_64 : i32
      "tpu.region"() ({
        %run_scoped3A = tpu.sem_alloc : memref<!tpu.dma_semaphore, #tpu.memory_space<semaphore_mem>>
        %dma_start3A = arith.constant 0 : i32
        %dma_start3A_66 = tpu.memref_slice %arg10[%add3A_65, %dma_start3A] : memref<10000x128xf32, #tpu.memory_space<vmem_shared>> -> memref<80x128xf32, #tpu.memory_space<vmem_shared>>
        %dma_start3A_67 = arith.constant 0 : i32
        %dma_start3A_68 = tpu.memref_slice %arg10[%add3A_65, %dma_start3A_67] : memref<10000x128xf32, #tpu.memory_space<vmem_shared>> -> memref<80x128xf32, #tpu.memory_space<vmem_shared>>
        tpu.enqueue_dma source(%arg9 : memref<80x128xf32, #tpu.memory_space<vmem>>) target(%dma_start3A_68 : memref<80x128xf32, #tpu.memory_space<vmem_shared>>) target_semaphore(%run_scoped3A : memref<!tpu.dma_semaphore, #tpu.memory_space<semaphore_mem>>)
        %dma_wait3A = arith.constant 0 : i32
        %dma_wait3A_69 = tpu.memref_slice %arg10[%add3A_65, %dma_wait3A] : memref<10000x128xf32, #tpu.memory_space<vmem_shared>> -> memref<80x128xf32, #tpu.memory_space<vmem_shared>>
        %dma_wait3A_70 = arith.constant 0 : i32
        %dma_wait3A_71 = tpu.memref_slice %arg10[%add3A_65, %dma_wait3A_70] : memref<10000x128xf32, #tpu.memory_space<vmem_shared>> -> memref<80x128xf32, #tpu.memory_space<vmem_shared>>
        tpu.wait_dma2 semaphore(%run_scoped3A : memref<!tpu.dma_semaphore, #tpu.memory_space<semaphore_mem>>) src(%arg9 : memref<80x128xf32, #tpu.memory_space<vmem>>) dst(%dma_wait3A_71 : memref<80x128xf32, #tpu.memory_space<vmem_shared>>)
        tpu.yield
      }) : () -> ()
    }
    %while3A_42 = arith.constant 1 : i32
    scf.for %while3A_62 = %while3A_40 to %while3A_36 step %while3A_42  : i32 {
      %mul3A_63 = arith.constant 80 : i32
      %mul3A_64 = arith.muli %while3A_62, %mul3A_63 : i32
      %add3A_65 = arith.addi %mul3A_4, %mul3A_64 : i32
      "tpu.region"() ({
        %run_scoped3A = tpu.sem_alloc : memref<!tpu.dma_semaphore, #tpu.memory_space<semaphore_mem>>
        %dma_start3A = arith.constant 0 : i32
        %dma_start3A_66 = tpu.memref_slice %arg10[%add3A_65, %dma_start3A] : memref<10000x128xf32, #tpu.memory_space<vmem_shared>> -> memref<80x128xf32, #tpu.memory_space<vmem_shared>>
        %dma_start3A_67 = arith.constant 0 : i32
        %dma_start3A_68 = tpu.memref_slice %arg10[%add3A_65, %dma_start3A_67] : memref<10000x128xf32, #tpu.memory_space<vmem_shared>> -> memref<80x128xf32, #tpu.memory_space<vmem_shared>>
        tpu.enqueue_dma source(%arg9 : memref<80x128xf32, #tpu.memory_space<vmem>>) target(%dma_start3A_68 : memref<80x128xf32, #tpu.memory_space<vmem_shared>>) target_semaphore(%run_scoped3A : memref<!tpu.dma_semaphore, #tpu.memory_space<semaphore_mem>>)
        %dma_wait3A = arith.constant 0 : i32
        %dma_wait3A_69 = tpu.memref_slice %arg10[%add3A_65, %dma_wait3A] : memref<10000x128xf32, #tpu.memory_space<vmem_shared>> -> memref<80x128xf32, #tpu.memory_space<vmem_shared>>
        %dma_wait3A_70 = arith.constant 0 : i32
        %dma_wait3A_71 = tpu.memref_slice %arg10[%add3A_65, %dma_wait3A_70] : memref<10000x128xf32, #tpu.memory_space<vmem_shared>> -> memref<80x128xf32, #tpu.memory_space<vmem_shared>>
        tpu.wait_dma2 semaphore(%run_scoped3A : memref<!tpu.dma_semaphore, #tpu.memory_space<semaphore_mem>>) src(%arg9 : memref<80x128xf32, #tpu.memory_space<vmem>>) dst(%dma_wait3A_71 : memref<80x128xf32, #tpu.memory_space<vmem_shared>>)
        tpu.yield
      }) : () -> ()
    }
    %barrier3A_43 = arith.constant 0 : index
    tpu.barrier barrier_id(%barrier3A_43)
    %scan3A_44 = arith.constant 0 : i32
    %scan3A_45 = arith.constant 0 : i32
    %scan3A_46 = arith.constant 125 : i32
    %scan3A_47 = arith.addi %scan3A_45, %scan3A_46 : i32
    %scan3A_48 = arith.constant 1 : i32
    scf.for %scan3A_62 = %scan3A_45 to %scan3A_47 step %scan3A_48  : i32 {
      %mul3A_63 = arith.constant 80 : i32
      %mul3A_64 = arith.muli %scan3A_62, %mul3A_63 : i32
      %add3A_65 = arith.addi %mul3A_2, %mul3A_64 : i32
      "tpu.region"() ({
        %run_scoped3A = tpu.sem_alloc : memref<!tpu.dma_semaphore, #tpu.memory_space<semaphore_mem>>
        %dma_start3A = tpu.memref_slice %arg4[%add3A_65] : memref<320000xi32, #tpu.memory_space<hbm>> -> memref<80xi32, #tpu.memory_space<hbm>>
        %dma_start3A_66 = tpu.memref_slice %arg4[%add3A_65] : memref<320000xi32, #tpu.memory_space<hbm>> -> memref<80xi32, #tpu.memory_space<hbm>>
        tpu.enqueue_dma source(%dma_start3A_66 : memref<80xi32, #tpu.memory_space<hbm>>) target(%arg8 : memref<80xi32, #tpu.memory_space<vmem>>) target_semaphore(%run_scoped3A : memref<!tpu.dma_semaphore, #tpu.memory_space<semaphore_mem>>)
        %dma_wait3A = tpu.memref_slice %arg4[%add3A_65] : memref<320000xi32, #tpu.memory_space<hbm>> -> memref<80xi32, #tpu.memory_space<hbm>>
        %dma_wait3A_67 = tpu.memref_slice %arg4[%add3A_65] : memref<320000xi32, #tpu.memory_space<hbm>> -> memref<80xi32, #tpu.memory_space<hbm>>
        tpu.wait_dma2 semaphore(%run_scoped3A : memref<!tpu.dma_semaphore, #tpu.memory_space<semaphore_mem>>) src(%dma_wait3A_67 : memref<80xi32, #tpu.memory_space<hbm>>) dst(%arg8 : memref<80xi32, #tpu.memory_space<vmem>>)
        tpu.yield
      }) : () -> ()
      "tpu.region"() ({
        %run_scoped3A = tpu.sem_alloc : memref<!tpu.dma_semaphore, #tpu.memory_space<semaphore_mem>>
        %dma_start3A = arith.constant 0 : i32
        %dma_start3A_66 = tpu.memref_slice %arg3[%add3A_65, %dma_start3A] : memref<320000x128xf32, #tpu.memory_space<hbm>> -> memref<80x128xf32, #tpu.memory_space<hbm>>
        %dma_start3A_67 = arith.constant 0 : i32
        %dma_start3A_68 = tpu.memref_slice %arg3[%add3A_65, %dma_start3A_67] : memref<320000x128xf32, #tpu.memory_space<hbm>> -> memref<80x128xf32, #tpu.memory_space<hbm>>
        tpu.enqueue_dma source(%dma_start3A_68 : memref<80x128xf32, #tpu.memory_space<hbm>>) target(%arg9 : memref<80x128xf32, #tpu.memory_space<vmem>>) target_semaphore(%run_scoped3A : memref<!tpu.dma_semaphore, #tpu.memory_space<semaphore_mem>>)
        %dma_wait3A = arith.constant 0 : i32
        %dma_wait3A_69 = tpu.memref_slice %arg3[%add3A_65, %dma_wait3A] : memref<320000x128xf32, #tpu.memory_space<hbm>> -> memref<80x128xf32, #tpu.memory_space<hbm>>
        %dma_wait3A_70 = arith.constant 0 : i32
        %dma_wait3A_71 = tpu.memref_slice %arg3[%add3A_65, %dma_wait3A_70] : memref<320000x128xf32, #tpu.memory_space<hbm>> -> memref<80x128xf32, #tpu.memory_space<hbm>>
        tpu.wait_dma2 semaphore(%run_scoped3A : memref<!tpu.dma_semaphore, #tpu.memory_space<semaphore_mem>>) src(%dma_wait3A_71 : memref<80x128xf32, #tpu.memory_space<hbm>>) dst(%arg9 : memref<80x128xf32, #tpu.memory_space<vmem>>)
        tpu.yield
      }) : () -> ()
      "tpu.region"() ({
        %run_scoped3A = tpu.sem_alloc : memref<!tpu.dma_semaphore, #tpu.memory_space<semaphore_mem>>
        %dma_start3A = arith.constant 0 : i32
        %dma_start3A_66 = arith.constant 0 : i32
        %dma_start3A_67 = tpu.memref_slice %arg10[%dma_start3A, %dma_start3A_66] : memref<10000x128xf32, #tpu.memory_space<vmem_shared>> -> memref<10000x128xf32, #tpu.memory_space<vmem_shared>>
        tpu.enqueue_indirect_dma source(%arg9 : memref<80x128xf32, #tpu.memory_space<vmem>>) target(%dma_start3A_67 : memref<10000x128xf32, #tpu.memory_space<vmem_shared>>) offsets(%arg8 : memref<80xi32, #tpu.memory_space<vmem>>) semaphore(%run_scoped3A : memref<!tpu.dma_semaphore, #tpu.memory_space<semaphore_mem>>) {add = true}
        %dma_wait3A = arith.constant 0 : i32
        %dma_wait3A_68 = arith.constant 0 : i32
        %dma_wait3A_69 = tpu.memref_slice %arg10[%dma_wait3A, %dma_wait3A_68] : memref<10000x128xf32, #tpu.memory_space<vmem_shared>> -> memref<10000x128xf32, #tpu.memory_space<vmem_shared>>
        tpu.wait_indirect_dma semaphore(%run_scoped3A : memref<!tpu.dma_semaphore, #tpu.memory_space<semaphore_mem>>) src(%arg9 : memref<80x128xf32, #tpu.memory_space<vmem>>) dst(%dma_wait3A_69 : memref<10000x128xf32, #tpu.memory_space<vmem_shared>>)
        tpu.yield
      }) : () -> ()
    }
    %scan3A_49 = arith.constant 125 : i32
    %barrier3A_50 = arith.constant 0 : index
    tpu.barrier barrier_id(%barrier3A_50)
    %while3A_51 = arith.constant 0 : i32
    %while3A_52 = arith.constant 0 : i32
    %while3A_53 = arith.subi %select_n3A, %while3A_52 : i32
    %while3A_54 = arith.addi %while3A_52, %while3A_53 : i32
    %while3A_55 = arith.constant 1 : i32
    %while3A_56 = arith.divsi %while3A_53, %while3A_55 : i32
    %while3A_57 = arith.muli %while3A_56, %while3A_55 : i32
    %while3A_58 = arith.addi %while3A_52, %while3A_57 : i32
    %while3A_59 = arith.constant 1 : i32
    scf.for %while3A_62 = %while3A_52 to %while3A_58 step %while3A_59  : i32 {
      %mul3A_63 = arith.constant 80 : i32
      %mul3A_64 = arith.muli %while3A_62, %mul3A_63 : i32
      %add3A_65 = arith.addi %mul3A_4, %mul3A_64 : i32
      "tpu.region"() ({
        %run_scoped3A = tpu.sem_alloc : memref<!tpu.dma_semaphore, #tpu.memory_space<semaphore_mem>>
        %dma_start3A = arith.constant 0 : i32
        %dma_start3A_69 = tpu.memref_slice %arg10[%add3A_65, %dma_start3A] : memref<10000x128xf32, #tpu.memory_space<vmem_shared>> -> memref<80x128xf32, #tpu.memory_space<vmem_shared>>
        %dma_start3A_70 = arith.constant 0 : i32
        %dma_start3A_71 = tpu.memref_slice %arg10[%add3A_65, %dma_start3A_70] : memref<10000x128xf32, #tpu.memory_space<vmem_shared>> -> memref<80x128xf32, #tpu.memory_space<vmem_shared>>
        tpu.enqueue_dma source(%dma_start3A_71 : memref<80x128xf32, #tpu.memory_space<vmem_shared>>) target(%arg9 : memref<80x128xf32, #tpu.memory_space<vmem>>) target_semaphore(%run_scoped3A : memref<!tpu.dma_semaphore, #tpu.memory_space<semaphore_mem>>)
        %dma_wait3A = arith.constant 0 : i32
        %dma_wait3A_72 = tpu.memref_slice %arg10[%add3A_65, %dma_wait3A] : memref<10000x128xf32, #tpu.memory_space<vmem_shared>> -> memref<80x128xf32, #tpu.memory_space<vmem_shared>>
        %dma_wait3A_73 = arith.constant 0 : i32
        %dma_wait3A_74 = tpu.memref_slice %arg10[%add3A_65, %dma_wait3A_73] : memref<10000x128xf32, #tpu.memory_space<vmem_shared>> -> memref<80x128xf32, #tpu.memory_space<vmem_shared>>
        tpu.wait_dma2 semaphore(%run_scoped3A : memref<!tpu.dma_semaphore, #tpu.memory_space<semaphore_mem>>) src(%dma_wait3A_74 : memref<80x128xf32, #tpu.memory_space<vmem_shared>>) dst(%arg9 : memref<80x128xf32, #tpu.memory_space<vmem>>)
        tpu.yield
      }) : () -> ()
      %mul3A_66 = arith.constant 80 : i32
      %mul3A_67 = arith.muli %while3A_62, %mul3A_66 : i32
      %add3A_68 = arith.addi %mul3A_4, %mul3A_67 : i32
      "tpu.region"() ({
        %run_scoped3A = tpu.sem_alloc : memref<!tpu.dma_semaphore, #tpu.memory_space<semaphore_mem>>
        %dma_start3A = arith.constant 0 : i32
        %dma_start3A_69 = tpu.memref_slice %arg7[%arg0, %add3A_68, %dma_start3A] : memref<2x10000x128xf32, #tpu.memory_space<hbm>> -> memref<1x80x128xf32, #tpu.memory_space<hbm>>
        %dma_start3A_70 = tpu.memref_squeeze %dma_start3A_69 : memref<1x80x128xf32, #tpu.memory_space<hbm>> -> memref<80x128xf32, #tpu.memory_space<hbm>>
        %dma_start3A_71 = arith.constant 0 : i32
        %dma_start3A_72 = tpu.memref_slice %arg7[%arg0, %add3A_68, %dma_start3A_71] : memref<2x10000x128xf32, #tpu.memory_space<hbm>> -> memref<1x80x128xf32, #tpu.memory_space<hbm>>
        %dma_start3A_73 = tpu.memref_squeeze %dma_start3A_72 : memref<1x80x128xf32, #tpu.memory_space<hbm>> -> memref<80x128xf32, #tpu.memory_space<hbm>>
        tpu.enqueue_dma source(%arg9 : memref<80x128xf32, #tpu.memory_space<vmem>>) target(%dma_start3A_73 : memref<80x128xf32, #tpu.memory_space<hbm>>) target_semaphore(%run_scoped3A : memref<!tpu.dma_semaphore, #tpu.memory_space<semaphore_mem>>)
        %dma_wait3A = arith.constant 0 : i32
        %dma_wait3A_74 = tpu.memref_slice %arg7[%arg0, %add3A_68, %dma_wait3A] : memref<2x10000x128xf32, #tpu.memory_space<hbm>> -> memref<1x80x128xf32, #tpu.memory_space<hbm>>
        %dma_wait3A_75 = tpu.memref_squeeze %dma_wait3A_74 : memref<1x80x128xf32, #tpu.memory_space<hbm>> -> memref<80x128xf32, #tpu.memory_space<hbm>>
        %dma_wait3A_76 = arith.constant 0 : i32
        %dma_wait3A_77 = tpu.memref_slice %arg7[%arg0, %add3A_68, %dma_wait3A_76] : memref<2x10000x128xf32, #tpu.memory_space<hbm>> -> memref<1x80x128xf32, #tpu.memory_space<hbm>>
        %dma_wait3A_78 = tpu.memref_squeeze %dma_wait3A_77 : memref<1x80x128xf32, #tpu.memory_space<hbm>> -> memref<80x128xf32, #tpu.memory_space<hbm>>
        tpu.wait_dma2 semaphore(%run_scoped3A : memref<!tpu.dma_semaphore, #tpu.memory_space<semaphore_mem>>) src(%arg9 : memref<80x128xf32, #tpu.memory_space<vmem>>) dst(%dma_wait3A_78 : memref<80x128xf32, #tpu.memory_space<hbm>>)
        tpu.yield
      }) : () -> ()
    }
    %while3A_60 = arith.constant 1 : i32
    scf.for %while3A_62 = %while3A_58 to %while3A_54 step %while3A_60  : i32 {
      %mul3A_63 = arith.constant 80 : i32
      %mul3A_64 = arith.muli %while3A_62, %mul3A_63 : i32
      %add3A_65 = arith.addi %mul3A_4, %mul3A_64 : i32
      "tpu.region"() ({
        %run_scoped3A = tpu.sem_alloc : memref<!tpu.dma_semaphore, #tpu.memory_space<semaphore_mem>>
        %dma_start3A = arith.constant 0 : i32
        %dma_start3A_69 = tpu.memref_slice %arg10[%add3A_65, %dma_start3A] : memref<10000x128xf32, #tpu.memory_space<vmem_shared>> -> memref<80x128xf32, #tpu.memory_space<vmem_shared>>
        %dma_start3A_70 = arith.constant 0 : i32
        %dma_start3A_71 = tpu.memref_slice %arg10[%add3A_65, %dma_start3A_70] : memref<10000x128xf32, #tpu.memory_space<vmem_shared>> -> memref<80x128xf32, #tpu.memory_space<vmem_shared>>
        tpu.enqueue_dma source(%dma_start3A_71 : memref<80x128xf32, #tpu.memory_space<vmem_shared>>) target(%arg9 : memref<80x128xf32, #tpu.memory_space<vmem>>) target_semaphore(%run_scoped3A : memref<!tpu.dma_semaphore, #tpu.memory_space<semaphore_mem>>)
        %dma_wait3A = arith.constant 0 : i32
        %dma_wait3A_72 = tpu.memref_slice %arg10[%add3A_65, %dma_wait3A] : memref<10000x128xf32, #tpu.memory_space<vmem_shared>> -> memref<80x128xf32, #tpu.memory_space<vmem_shared>>
        %dma_wait3A_73 = arith.constant 0 : i32
        %dma_wait3A_74 = tpu.memref_slice %arg10[%add3A_65, %dma_wait3A_73] : memref<10000x128xf32, #tpu.memory_space<vmem_shared>> -> memref<80x128xf32, #tpu.memory_space<vmem_shared>>
        tpu.wait_dma2 semaphore(%run_scoped3A : memref<!tpu.dma_semaphore, #tpu.memory_space<semaphore_mem>>) src(%dma_wait3A_74 : memref<80x128xf32, #tpu.memory_space<vmem_shared>>) dst(%arg9 : memref<80x128xf32, #tpu.memory_space<vmem>>)
        tpu.yield
      }) : () -> ()
      %mul3A_66 = arith.constant 80 : i32
      %mul3A_67 = arith.muli %while3A_62, %mul3A_66 : i32
      %add3A_68 = arith.addi %mul3A_4, %mul3A_67 : i32
      "tpu.region"() ({
        %run_scoped3A = tpu.sem_alloc : memref<!tpu.dma_semaphore, #tpu.memory_space<semaphore_mem>>
        %dma_start3A = arith.constant 0 : i32
        %dma_start3A_69 = tpu.memref_slice %arg7[%arg0, %add3A_68, %dma_start3A] : memref<2x10000x128xf32, #tpu.memory_space<hbm>> -> memref<1x80x128xf32, #tpu.memory_space<hbm>>
        %dma_start3A_70 = tpu.memref_squeeze %dma_start3A_69 : memref<1x80x128xf32, #tpu.memory_space<hbm>> -> memref<80x128xf32, #tpu.memory_space<hbm>>
        %dma_start3A_71 = arith.constant 0 : i32
        %dma_start3A_72 = tpu.memref_slice %arg7[%arg0, %add3A_68, %dma_start3A_71] : memref<2x10000x128xf32, #tpu.memory_space<hbm>> -> memref<1x80x128xf32, #tpu.memory_space<hbm>>
        %dma_start3A_73 = tpu.memref_squeeze %dma_start3A_72 : memref<1x80x128xf32, #tpu.memory_space<hbm>> -> memref<80x128xf32, #tpu.memory_space<hbm>>
        tpu.enqueue_dma source(%arg9 : memref<80x128xf32, #tpu.memory_space<vmem>>) target(%dma_start3A_73 : memref<80x128xf32, #tpu.memory_space<hbm>>) target_semaphore(%run_scoped3A : memref<!tpu.dma_semaphore, #tpu.memory_space<semaphore_mem>>)
        %dma_wait3A = arith.constant 0 : i32
        %dma_wait3A_74 = tpu.memref_slice %arg7[%arg0, %add3A_68, %dma_wait3A] : memref<2x10000x128xf32, #tpu.memory_space<hbm>> -> memref<1x80x128xf32, #tpu.memory_space<hbm>>
        %dma_wait3A_75 = tpu.memref_squeeze %dma_wait3A_74 : memref<1x80x128xf32, #tpu.memory_space<hbm>> -> memref<80x128xf32, #tpu.memory_space<hbm>>
        %dma_wait3A_76 = arith.constant 0 : i32
        %dma_wait3A_77 = tpu.memref_slice %arg7[%arg0, %add3A_68, %dma_wait3A_76] : memref<2x10000x128xf32, #tpu.memory_space<hbm>> -> memref<1x80x128xf32, #tpu.memory_space<hbm>>
        %dma_wait3A_78 = tpu.memref_squeeze %dma_wait3A_77 : memref<1x80x128xf32, #tpu.memory_space<hbm>> -> memref<80x128xf32, #tpu.memory_space<hbm>>
        tpu.wait_dma2 semaphore(%run_scoped3A : memref<!tpu.dma_semaphore, #tpu.memory_space<semaphore_mem>>) src(%arg9 : memref<80x128xf32, #tpu.memory_space<vmem>>) dst(%dma_wait3A_78 : memref<80x128xf32, #tpu.memory_space<hbm>>)
        tpu.yield
      }) : () -> ()
    }
    %barrier3A_61 = arith.constant 0 : index
    tpu.barrier barrier_id(%barrier3A_61)
    return
  }
}

module attributes {stable_mosaic.version = 14 : i64} {
  func.func @_tc_proj_body(%arg0: i32, %arg1: memref<2000x128xf32, #tpu.memory_space<vmem>>, %arg2: memref<128x128xf32, #tpu.memory_space<vmem>>, %arg3: memref<1x128xf32, #tpu.memory_space<vmem>>, %arg4: memref<2000x128xf32, #tpu.memory_space<vmem>>) attributes {dimension_semantics = [#tpu.dimension_semantics<arbitrary>], iteration_bounds = array<i64: 5>, scalar_prefetch = 0 : i64, scratch_operands = 0 : i64, tpu.core_type = #tpu.core_type<tc>, window_params = [{transform_indices = @transform_0, window_bounds = array<i64: 2000, 128>}, {pipeline_mode = #tpu.pipeline_mode<synchronous>, transform_indices = @transform_1, window_bounds = array<i64: 128, 128>}, {pipeline_mode = #tpu.pipeline_mode<synchronous>, transform_indices = @transform_2, window_bounds = array<i64: 1, 128>}, {transform_indices = @transform_3, window_bounds = array<i64: 2000, 128>}]} {
    %get3A = arith.constant 0 : index
    %get3A_0 = arith.constant 0 : index
    %get3A_1 = vector.load %arg1[%get3A, %get3A_0] : memref<2000x128xf32, #tpu.memory_space<vmem>>, vector<2000x128xf32>
    %get3A_2 = arith.constant 0 : index
    %get3A_3 = arith.constant 0 : index
    %get3A_4 = vector.load %arg2[%get3A_2, %get3A_3] : memref<128x128xf32, #tpu.memory_space<vmem>>, vector<128x128xf32>
    %dot_general3A = arith.constant dense<0.000000e+00> : vector<2000x128xf32>
    %dot_general3A_5 = tpu.matmul %get3A_1, %get3A_4, %dot_general3A {dimension_numbers = #tpu.dot_dimension_numbers<[1], [0], [0], [1], [0, 0, 1, 1], [], []>, transpose_lhs_hint = false} : vector<2000x128xf32>, vector<128x128xf32>, vector<2000x128xf32> -> vector<2000x128xf32>
    %get3A_6 = arith.constant 0 : index
    %get3A_7 = arith.constant 0 : index
    %get3A_8 = vector.load %arg3[%get3A_6, %get3A_7] : memref<1x128xf32, #tpu.memory_space<vmem>>, vector<1x128xf32>
    %add3A = vector.broadcast %get3A_8 : vector<1x128xf32> to vector<2000x128xf32>
    %add3A_9 = arith.addf %dot_general3A_5, %add3A : vector<2000x128xf32>
    %swap3A = arith.constant 0 : index
    %swap3A_10 = arith.constant 0 : index
    %swap3A_11 = vector.load %arg4[%swap3A, %swap3A_10] : memref<2000x128xf32, #tpu.memory_space<vmem>>, vector<2000x128xf32>
    tpu.vector_store %arg4[%swap3A, %swap3A_10], %add3A_9 {strides = array<i32>} : memref<2000x128xf32, #tpu.memory_space<vmem>>, vector<2000x128xf32>,
    return
  }
  func.func @transform_0(%arg0: i32) -> (i32, i32) {
    %c0_i32 = arith.constant 0 : i32
    %c0_i32_0 = arith.constant 0 : i32
    return %arg0, %c0_i32 : i32, i32
  }
  func.func @transform_1(%arg0: i32) -> (i32, i32) {
    %c0_i32 = arith.constant 0 : i32
    %c0_i32_0 = arith.constant 0 : i32
    %c0_i32_1 = arith.constant 0 : i32
    return %c0_i32, %c0_i32_0 : i32, i32
  }
  func.func @transform_2(%arg0: i32) -> (i32, i32) {
    %c0_i32 = arith.constant 0 : i32
    %c0_i32_0 = arith.constant 0 : i32
    %c0_i32_1 = arith.constant 0 : i32
    return %c0_i32, %c0_i32_0 : i32, i32
  }
  func.func @transform_3(%arg0: i32) -> (i32, i32) {
    %c0_i32 = arith.constant 0 : i32
    %c0_i32_0 = arith.constant 0 : i32
    return %arg0, %c0_i32 : i32, i32
  }
}

module attributes {stable_mosaic.version = 14 : i64} {
  func.func @_tc_lr_body(%arg0: i32, %arg1: memref<2000x128xf32, #tpu.memory_space<vmem>>, %arg2: memref<128x128xf32, #tpu.memory_space<vmem>>, %arg3: memref<128x128xf32, #tpu.memory_space<vmem>>, %arg4: memref<2000x128xf32, #tpu.memory_space<vmem>>, %arg5: memref<2000x128xf32, #tpu.memory_space<vmem>>) attributes {dimension_semantics = [#tpu.dimension_semantics<arbitrary>], iteration_bounds = array<i64: 5>, scalar_prefetch = 0 : i64, scratch_operands = 0 : i64, tpu.core_type = #tpu.core_type<tc>, window_params = [{transform_indices = @transform_0, window_bounds = array<i64: 2000, 128>}, {pipeline_mode = #tpu.pipeline_mode<synchronous>, transform_indices = @transform_1, window_bounds = array<i64: 128, 128>}, {pipeline_mode = #tpu.pipeline_mode<synchronous>, transform_indices = @transform_2, window_bounds = array<i64: 128, 128>}, {transform_indices = @transform_3, window_bounds = array<i64: 2000, 128>}, {transform_indices = @transform_4, window_bounds = array<i64: 2000, 128>}]} {
    %get3A = arith.constant 0 : index
    %get3A_0 = arith.constant 0 : index
    %get3A_1 = vector.load %arg1[%get3A, %get3A_0] : memref<2000x128xf32, #tpu.memory_space<vmem>>, vector<2000x128xf32>
    %get3A_2 = arith.constant 0 : index
    %get3A_3 = arith.constant 0 : index
    %get3A_4 = vector.load %arg2[%get3A_2, %get3A_3] : memref<128x128xf32, #tpu.memory_space<vmem>>, vector<128x128xf32>
    %dot_general3A = arith.constant dense<0.000000e+00> : vector<2000x128xf32>
    %dot_general3A_5 = tpu.matmul %get3A_1, %get3A_4, %dot_general3A {dimension_numbers = #tpu.dot_dimension_numbers<[1], [0], [0], [1], [0, 0, 1, 1], [], []>, transpose_lhs_hint = false} : vector<2000x128xf32>, vector<128x128xf32>, vector<2000x128xf32> -> vector<2000x128xf32>
    %swap3A = arith.constant 0 : index
    %swap3A_6 = arith.constant 0 : index
    %swap3A_7 = vector.load %arg4[%swap3A, %swap3A_6] : memref<2000x128xf32, #tpu.memory_space<vmem>>, vector<2000x128xf32>
    tpu.vector_store %arg4[%swap3A, %swap3A_6], %dot_general3A_5 {strides = array<i32>} : memref<2000x128xf32, #tpu.memory_space<vmem>>, vector<2000x128xf32>,
    %get3A_8 = arith.constant 0 : index
    %get3A_9 = arith.constant 0 : index
    %get3A_10 = vector.load %arg3[%get3A_8, %get3A_9] : memref<128x128xf32, #tpu.memory_space<vmem>>, vector<128x128xf32>
    %dot_general3A_11 = arith.constant dense<0.000000e+00> : vector<2000x128xf32>
    %dot_general3A_12 = tpu.matmul %get3A_1, %get3A_10, %dot_general3A_11 {dimension_numbers = #tpu.dot_dimension_numbers<[1], [0], [0], [1], [0, 0, 1, 1], [], []>, transpose_lhs_hint = false} : vector<2000x128xf32>, vector<128x128xf32>, vector<2000x128xf32> -> vector<2000x128xf32>
    %swap3A_13 = arith.constant 0 : index
    %swap3A_14 = arith.constant 0 : index
    %swap3A_15 = vector.load %arg5[%swap3A_13, %swap3A_14] : memref<2000x128xf32, #tpu.memory_space<vmem>>, vector<2000x128xf32>
    tpu.vector_store %arg5[%swap3A_13, %swap3A_14], %dot_general3A_12 {strides = array<i32>} : memref<2000x128xf32, #tpu.memory_space<vmem>>, vector<2000x128xf32>,
    return
  }
  func.func @transform_0(%arg0: i32) -> (i32, i32) {
    %c0_i32 = arith.constant 0 : i32
    %c0_i32_0 = arith.constant 0 : i32
    return %arg0, %c0_i32 : i32, i32
  }
  func.func @transform_1(%arg0: i32) -> (i32, i32) {
    %c0_i32 = arith.constant 0 : i32
    %c0_i32_0 = arith.constant 0 : i32
    %c0_i32_1 = arith.constant 0 : i32
    return %c0_i32, %c0_i32_0 : i32, i32
  }
  func.func @transform_2(%arg0: i32) -> (i32, i32) {
    %c0_i32 = arith.constant 0 : i32
    %c0_i32_0 = arith.constant 0 : i32
    %c0_i32_1 = arith.constant 0 : i32
    return %c0_i32, %c0_i32_0 : i32, i32
  }
  func.func @transform_3(%arg0: i32) -> (i32, i32) {
    %c0_i32 = arith.constant 0 : i32
    %c0_i32_0 = arith.constant 0 : i32
    return %arg0, %c0_i32 : i32, i32
  }
  func.func @transform_4(%arg0: i32) -> (i32, i32) {
    %c0_i32 = arith.constant 0 : i32
    %c0_i32_0 = arith.constant 0 : i32
    return %arg0, %c0_i32 : i32, i32
  }
}

module attributes {stable_mosaic.version = 14 : i64} {
  func.func @_tc_edge_body(%arg0: i32, %arg1: memref<2000x128xf32, #tpu.memory_space<vmem>>, %arg2: memref<2000x128xf32, #tpu.memory_space<vmem>>, %arg3: memref<128x16xf32, #tpu.memory_space<vmem>>, %arg4: memref<16x128xf32, #tpu.memory_space<vmem>>, %arg5: memref<2000x128xf32, #tpu.memory_space<vmem>>, %arg6: memref<2000x128xf32, #tpu.memory_space<vmem>>) attributes {dimension_semantics = [#tpu.dimension_semantics<arbitrary>], iteration_bounds = array<i64: 160>, scalar_prefetch = 0 : i64, scratch_operands = 0 : i64, tpu.core_type = #tpu.core_type<tc>, window_params = [{transform_indices = @transform_0, window_bounds = array<i64: 2000, 128>}, {transform_indices = @transform_1, window_bounds = array<i64: 2000, 128>}, {pipeline_mode = #tpu.pipeline_mode<synchronous>, transform_indices = @transform_2, window_bounds = array<i64: 128, 16>}, {pipeline_mode = #tpu.pipeline_mode<synchronous>, transform_indices = @transform_3, window_bounds = array<i64: 16, 128>}, {transform_indices = @transform_4, window_bounds = array<i64: 2000, 128>}, {transform_indices = @transform_5, window_bounds = array<i64: 2000, 128>}]} {
    %get3A = arith.constant 0 : index
    %get3A_0 = arith.constant 0 : index
    %get3A_1 = vector.load %arg1[%get3A, %get3A_0] : memref<2000x128xf32, #tpu.memory_space<vmem>>, vector<2000x128xf32>
    %get3A_2 = arith.constant 0 : index
    %get3A_3 = arith.constant 0 : index
    %get3A_4 = vector.load %arg2[%get3A_2, %get3A_3] : memref<2000x128xf32, #tpu.memory_space<vmem>>, vector<2000x128xf32>
    %add3A = arith.addf %get3A_1, %get3A_4 : vector<2000x128xf32>
    %gt3A = arith.constant 0.000000e+00 : f32
    %gt3A_5 = vector.broadcast %gt3A : f32 to vector<2000x128xf32>
    %gt3A_6 = arith.cmpf ogt, %add3A, %gt3A_5 : vector<2000x128xf32>
    %mul3A = arith.constant 2.000000e-01 : f32
    %mul3A_7 = vector.broadcast %mul3A : f32 to vector<2000x128xf32>
    %mul3A_8 = arith.mulf %mul3A_7, %add3A : vector<2000x128xf32>
    %select_n3A = arith.select %gt3A_6, %add3A, %mul3A_8 : vector<2000x128xi1>, vector<2000x128xf32>
    %get3A_9 = arith.constant 0 : index
    %get3A_10 = arith.constant 0 : index
    %get3A_11 = vector.load %arg3[%get3A_9, %get3A_10] : memref<128x16xf32, #tpu.memory_space<vmem>>, vector<128x16xf32>
    %dot_general3A = arith.constant dense<0.000000e+00> : vector<2000x16xf32>
    %dot_general3A_12 = tpu.matmul %select_n3A, %get3A_11, %dot_general3A {dimension_numbers = #tpu.dot_dimension_numbers<[1], [0], [0], [1], [0, 0, 1, 1], [], []>, transpose_lhs_hint = false} : vector<2000x128xf32>, vector<128x16xf32>, vector<2000x16xf32> -> vector<2000x16xf32>
    %exp3A = math.exp %dot_general3A_12 : vector<2000x16xf32>
    %get3A_13 = arith.constant 0 : index
    %get3A_14 = arith.constant 0 : index
    %get3A_15 = vector.load %arg4[%get3A_13, %get3A_14] : memref<16x128xf32, #tpu.memory_space<vmem>>, vector<16x128xf32>
    %dot_general3A_16 = arith.constant dense<0.000000e+00> : vector<2000x128xf32>
    %dot_general3A_17 = tpu.matmul %exp3A, %get3A_15, %dot_general3A_16 {dimension_numbers = #tpu.dot_dimension_numbers<[1], [0], [0], [1], [0, 0, 1, 1], [], []>, transpose_lhs_hint = false} : vector<2000x16xf32>, vector<16x128xf32>, vector<2000x128xf32> -> vector<2000x128xf32>
    %swap3A = arith.constant 0 : index
    %swap3A_18 = arith.constant 0 : index
    %swap3A_19 = vector.load %arg6[%swap3A, %swap3A_18] : memref<2000x128xf32, #tpu.memory_space<vmem>>, vector<2000x128xf32>
    tpu.vector_store %arg6[%swap3A, %swap3A_18], %dot_general3A_17 {strides = array<i32>} : memref<2000x128xf32, #tpu.memory_space<vmem>>, vector<2000x128xf32>,
    %get3A_20 = arith.constant 0 : index
    %get3A_21 = arith.constant 0 : index
    %get3A_22 = vector.load %arg2[%get3A_20, %get3A_21] : memref<2000x128xf32, #tpu.memory_space<vmem>>, vector<2000x128xf32>
    %mul3A_23 = arith.mulf %get3A_22, %dot_general3A_17 : vector<2000x128xf32>
    %swap3A_24 = arith.constant 0 : index
    %swap3A_25 = arith.constant 0 : index
    %swap3A_26 = vector.load %arg5[%swap3A_24, %swap3A_25] : memref<2000x128xf32, #tpu.memory_space<vmem>>, vector<2000x128xf32>
    tpu.vector_store %arg5[%swap3A_24, %swap3A_25], %mul3A_23 {strides = array<i32>} : memref<2000x128xf32, #tpu.memory_space<vmem>>, vector<2000x128xf32>,
    return
  }
  func.func @transform_0(%arg0: i32) -> (i32, i32) {
    %c0_i32 = arith.constant 0 : i32
    %c0_i32_0 = arith.constant 0 : i32
    return %arg0, %c0_i32 : i32, i32
  }
  func.func @transform_1(%arg0: i32) -> (i32, i32) {
    %c0_i32 = arith.constant 0 : i32
    %c0_i32_0 = arith.constant 0 : i32
    return %arg0, %c0_i32 : i32, i32
  }
  func.func @transform_2(%arg0: i32) -> (i32, i32) {
    %c0_i32 = arith.constant 0 : i32
    %c0_i32_0 = arith.constant 0 : i32
    %c0_i32_1 = arith.constant 0 : i32
    return %c0_i32, %c0_i32_0 : i32, i32
  }
  func.func @transform_3(%arg0: i32) -> (i32, i32) {
    %c0_i32 = arith.constant 0 : i32
    %c0_i32_0 = arith.constant 0 : i32
    %c0_i32_1 = arith.constant 0 : i32
    return %c0_i32, %c0_i32_0 : i32, i32
  }
  func.func @transform_4(%arg0: i32) -> (i32, i32) {
    %c0_i32 = arith.constant 0 : i32
    %c0_i32_0 = arith.constant 0 : i32
    return %arg0, %c0_i32 : i32, i32
  }
  func.func @transform_5(%arg0: i32) -> (i32, i32) {
    %c0_i32 = arith.constant 0 : i32
    %c0_i32_0 = arith.constant 0 : i32
    return %arg0, %c0_i32 : i32, i32
  }
}

module attributes {stable_mosaic.version = 14 : i64} {
  func.func @_tc_combine_body(%arg0: i32, %arg1: memref<2x2000x128xf32, #tpu.memory_space<vmem>>, %arg2: memref<2x2000x128xf32, #tpu.memory_space<vmem>>, %arg3: memref<2000x128xf32, #tpu.memory_space<vmem>>, %arg4: memref<1x128xf32, #tpu.memory_space<vmem>>, %arg5: memref<1x128xf32, #tpu.memory_space<vmem>>, %arg6: memref<1x128xf32, #tpu.memory_space<vmem>>, %arg7: memref<2000x128xf32, #tpu.memory_space<vmem>>) attributes {dimension_semantics = [#tpu.dimension_semantics<arbitrary>], iteration_bounds = array<i64: 5>, scalar_prefetch = 0 : i64, scratch_operands = 0 : i64, tpu.core_type = #tpu.core_type<tc>, window_params = [{transform_indices = @transform_0, window_bounds = array<i64: 2, 2000, 128>}, {transform_indices = @transform_1, window_bounds = array<i64: 2, 2000, 128>}, {transform_indices = @transform_2, window_bounds = array<i64: 2000, 128>}, {pipeline_mode = #tpu.pipeline_mode<synchronous>, transform_indices = @transform_3, window_bounds = array<i64: 1, 128>}, {pipeline_mode = #tpu.pipeline_mode<synchronous>, transform_indices = @transform_4, window_bounds = array<i64: 1, 128>}, {pipeline_mode = #tpu.pipeline_mode<synchronous>, transform_indices = @transform_5, window_bounds = array<i64: 1, 128>}, {transform_indices = @transform_6, window_bounds = array<i64: 2000, 128>}]} {
    %get3A = arith.constant 0 : index
    %get3A_0 = arith.constant 0 : index
    %get3A_1 = arith.constant 0 : index
    %get3A_2 = vector.load %arg1[%get3A, %get3A_0, %get3A_1] : memref<2x2000x128xf32, #tpu.memory_space<vmem>>, vector<1x2000x128xf32>
    %get3A_3 = vector.shape_cast %get3A_2 : vector<1x2000x128xf32> to vector<2000x128xf32>
    %get3A_4 = arith.constant 1 : index
    %get3A_5 = arith.constant 0 : index
    %get3A_6 = arith.constant 0 : index
    %get3A_7 = vector.load %arg1[%get3A_4, %get3A_5, %get3A_6] : memref<2x2000x128xf32, #tpu.memory_space<vmem>>, vector<1x2000x128xf32>
    %get3A_8 = vector.shape_cast %get3A_7 : vector<1x2000x128xf32> to vector<2000x128xf32>
    %add3A = arith.addf %get3A_3, %get3A_8 : vector<2000x128xf32>
    %get3A_9 = arith.constant 0 : index
    %get3A_10 = arith.constant 0 : index
    %get3A_11 = arith.constant 0 : index
    %get3A_12 = vector.load %arg2[%get3A_9, %get3A_10, %get3A_11] : memref<2x2000x128xf32, #tpu.memory_space<vmem>>, vector<1x2000x128xf32>
    %get3A_13 = vector.shape_cast %get3A_12 : vector<1x2000x128xf32> to vector<2000x128xf32>
    %get3A_14 = arith.constant 1 : index
    %get3A_15 = arith.constant 0 : index
    %get3A_16 = arith.constant 0 : index
    %get3A_17 = vector.load %arg2[%get3A_14, %get3A_15, %get3A_16] : memref<2x2000x128xf32, #tpu.memory_space<vmem>>, vector<1x2000x128xf32>
    %get3A_18 = vector.shape_cast %get3A_17 : vector<1x2000x128xf32> to vector<2000x128xf32>
    %add3A_19 = arith.addf %get3A_13, %get3A_18 : vector<2000x128xf32>
    %add3A_20 = arith.constant 1.000000e-16 : f32
    %add3A_21 = vector.broadcast %add3A_20 : f32 to vector<2000x128xf32>
    %add3A_22 = arith.addf %add3A_19, %add3A_21 : vector<2000x128xf32>
    %get3A_23 = arith.constant 0 : index
    %get3A_24 = arith.constant 0 : index
    %get3A_25 = vector.load %arg3[%get3A_23, %get3A_24] : memref<2000x128xf32, #tpu.memory_space<vmem>>, vector<2000x128xf32>
    %div3A = arith.divf %add3A, %add3A_22 : vector<2000x128xf32>
    %add3A_26 = arith.addf %get3A_25, %div3A : vector<2000x128xf32>
    %get3A_27 = arith.constant 0 : index
    %get3A_28 = arith.constant 0 : index
    %get3A_29 = vector.load %arg4[%get3A_27, %get3A_28] : memref<1x128xf32, #tpu.memory_space<vmem>>, vector<1x128xf32>
    %add3A_30 = vector.broadcast %get3A_29 : vector<1x128xf32> to vector<2000x128xf32>
    %add3A_31 = arith.addf %add3A_26, %add3A_30 : vector<2000x128xf32>
    %reduce_sum3A = arith.constant dense<0.000000e+00> : vector<2000xf32>
    %reduce_sum3A_32 = vector.multi_reduction <add>, %add3A_31, %reduce_sum3A [1] : vector<2000x128xf32> to vector<2000xf32>
    %broadcast_in_dim3A = vector.shape_cast %reduce_sum3A_32 : vector<2000xf32> to vector<2000x1xf32>
    %div3A_33 = arith.constant 1.280000e+02 : f32
    %div3A_34 = vector.broadcast %div3A_33 : f32 to vector<2000x1xf32>
    %div3A_35 = arith.divf %broadcast_in_dim3A, %div3A_34 : vector<2000x1xf32>
    %sub3A = vector.broadcast %div3A_35 : vector<2000x1xf32> to vector<2000x128xf32>
    %sub3A_36 = arith.subf %add3A_31, %sub3A : vector<2000x128xf32>
    %integer_pow3A = arith.mulf %sub3A_36, %sub3A_36 : vector<2000x128xf32>
    %reduce_sum3A_37 = arith.constant dense<0.000000e+00> : vector<2000xf32>
    %reduce_sum3A_38 = vector.multi_reduction <add>, %integer_pow3A, %reduce_sum3A_37 [1] : vector<2000x128xf32> to vector<2000xf32>
    %broadcast_in_dim3A_39 = vector.shape_cast %reduce_sum3A_38 : vector<2000xf32> to vector<2000x1xf32>
    %div3A_40 = arith.constant 1.280000e+02 : f32
    %div3A_41 = vector.broadcast %div3A_40 : f32 to vector<2000x1xf32>
    %div3A_42 = arith.divf %broadcast_in_dim3A_39, %div3A_41 : vector<2000x1xf32>
    %sub3A_43 = vector.broadcast %div3A_35 : vector<2000x1xf32> to vector<2000x128xf32>
    %sub3A_44 = arith.subf %add3A_31, %sub3A_43 : vector<2000x128xf32>
    %add3A_45 = arith.constant 9.99999974E-6 : f32
    %add3A_46 = vector.broadcast %add3A_45 : f32 to vector<2000x1xf32>
    %add3A_47 = arith.addf %div3A_42, %add3A_46 : vector<2000x1xf32>
    %sqrt3A = math.sqrt %add3A_47 : vector<2000x1xf32>
    %div3A_48 = vector.broadcast %sqrt3A : vector<2000x1xf32> to vector<2000x128xf32>
    %div3A_49 = arith.divf %sub3A_44, %div3A_48 : vector<2000x128xf32>
    %get3A_50 = arith.constant 0 : index
    %get3A_51 = arith.constant 0 : index
    %get3A_52 = vector.load %arg5[%get3A_50, %get3A_51] : memref<1x128xf32, #tpu.memory_space<vmem>>, vector<1x128xf32>
    %mul3A = vector.broadcast %get3A_52 : vector<1x128xf32> to vector<2000x128xf32>
    %mul3A_53 = arith.mulf %div3A_49, %mul3A : vector<2000x128xf32>
    %get3A_54 = arith.constant 0 : index
    %get3A_55 = arith.constant 0 : index
    %get3A_56 = vector.load %arg6[%get3A_54, %get3A_55] : memref<1x128xf32, #tpu.memory_space<vmem>>, vector<1x128xf32>
    %add3A_57 = vector.broadcast %get3A_56 : vector<1x128xf32> to vector<2000x128xf32>
    %add3A_58 = arith.addf %mul3A_53, %add3A_57 : vector<2000x128xf32>
    %swap3A = arith.constant 0 : index
    %swap3A_59 = arith.constant 0 : index
    %swap3A_60 = vector.load %arg7[%swap3A, %swap3A_59] : memref<2000x128xf32, #tpu.memory_space<vmem>>, vector<2000x128xf32>
    tpu.vector_store %arg7[%swap3A, %swap3A_59], %add3A_58 {strides = array<i32>} : memref<2000x128xf32, #tpu.memory_space<vmem>>, vector<2000x128xf32>,
    return
  }
  func.func @transform_0(%arg0: i32) -> (i32, i32, i32) {
    %c0_i32 = arith.constant 0 : i32
    %c0_i32_0 = arith.constant 0 : i32
    %c0_i32_1 = arith.constant 0 : i32
    return %c0_i32, %arg0, %c0_i32_0 : i32, i32, i32
  }
  func.func @transform_1(%arg0: i32) -> (i32, i32, i32) {
    %c0_i32 = arith.constant 0 : i32
    %c0_i32_0 = arith.constant 0 : i32
    %c0_i32_1 = arith.constant 0 : i32
    return %c0_i32, %arg0, %c0_i32_0 : i32, i32, i32
  }
  func.func @transform_2(%arg0: i32) -> (i32, i32) {
    %c0_i32 = arith.constant 0 : i32
    %c0_i32_0 = arith.constant 0 : i32
    return %arg0, %c0_i32 : i32, i32
  }
  func.func @transform_3(%arg0: i32) -> (i32, i32) {
    %c0_i32 = arith.constant 0 : i32
    %c0_i32_0 = arith.constant 0 : i32
    %c0_i32_1 = arith.constant 0 : i32
    return %c0_i32, %c0_i32_0 : i32, i32
  }
  func.func @transform_4(%arg0: i32) -> (i32, i32) {
    %c0_i32 = arith.constant 0 : i32
    %c0_i32_0 = arith.constant 0 : i32
    %c0_i32_1 = arith.constant 0 : i32
    return %c0_i32, %c0_i32_0 : i32, i32
  }
  func.func @transform_5(%arg0: i32) -> (i32, i32) {
    %c0_i32 = arith.constant 0 : i32
    %c0_i32_0 = arith.constant 0 : i32
    %c0_i32_1 = arith.constant 0 : i32
    return %c0_i32, %c0_i32_0 : i32, i32
  }
  func.func @transform_6(%arg0: i32) -> (i32, i32) {
    %c0_i32 = arith.constant 0 : i32
    %c0_i32_0 = arith.constant 0 : i32
    return %arg0, %c0_i32 : i32, i32
  }
}

module attributes {stable_mosaic.version = 14 : i64} {
  func.func @_tc_final_body(%arg0: i32, %arg1: memref<2000x128xf32, #tpu.memory_space<vmem>>, %arg2: memref<1x128xf32, #tpu.memory_space<vmem>>, %arg3: memref<1x128xf32, #tpu.memory_space<vmem>>, %arg4: memref<128x64xf32, #tpu.memory_space<vmem>>, %arg5: memref<1x64xf32, #tpu.memory_space<vmem>>, %arg6: memref<64x8xf32, #tpu.memory_space<vmem>>, %arg7: memref<1x8xf32, #tpu.memory_space<vmem>>, %arg8: memref<128x64xf32, #tpu.memory_space<vmem>>, %arg9: memref<1x64xf32, #tpu.memory_space<vmem>>, %arg10: memref<64x128xf32, #tpu.memory_space<vmem>>, %arg11: memref<1x128xf32, #tpu.memory_space<vmem>>, %arg12: memref<2000x128xf32, #tpu.memory_space<vmem>>, %arg13: memref<2000x8xf32, #tpu.memory_space<vmem>>) attributes {dimension_semantics = [#tpu.dimension_semantics<arbitrary>], iteration_bounds = array<i64: 5>, scalar_prefetch = 0 : i64, scratch_operands = 0 : i64, tpu.core_type = #tpu.core_type<tc>, window_params = [{transform_indices = @transform_0, window_bounds = array<i64: 2000, 128>}, {pipeline_mode = #tpu.pipeline_mode<synchronous>, transform_indices = @transform_1, window_bounds = array<i64: 1, 128>}, {pipeline_mode = #tpu.pipeline_mode<synchronous>, transform_indices = @transform_2, window_bounds = array<i64: 1, 128>}, {pipeline_mode = #tpu.pipeline_mode<synchronous>, transform_indices = @transform_3, window_bounds = array<i64: 128, 64>}, {pipeline_mode = #tpu.pipeline_mode<synchronous>, transform_indices = @transform_4, window_bounds = array<i64: 1, 64>}, {pipeline_mode = #tpu.pipeline_mode<synchronous>, transform_indices = @transform_5, window_bounds = array<i64: 64, 8>}, {pipeline_mode = #tpu.pipeline_mode<synchronous>, transform_indices = @transform_6, window_bounds = array<i64: 1, 8>}, {pipeline_mode = #tpu.pipeline_mode<synchronous>, transform_indices = @transform_7, window_bounds = array<i64: 128, 64>}, {pipeline_mode = #tpu.pipeline_mode<synchronous>, transform_indices = @transform_8, window_bounds = array<i64: 1, 64>}, {pipeline_mode = #tpu.pipeline_mode<synchronous>, transform_indices = @transform_9, window_bounds = array<i64: 64, 128>}, {pipeline_mode = #tpu.pipeline_mode<synchronous>, transform_indices = @transform_10, window_bounds = array<i64: 1, 128>}, {transform_indices = @transform_11, window_bounds = array<i64: 2000, 128>}, {transform_indices = @transform_12, window_bounds = array<i64: 2000, 8>}]} {
    %get3A = arith.constant 0 : index
    %get3A_0 = arith.constant 0 : index
    %get3A_1 = vector.load %arg1[%get3A, %get3A_0] : memref<2000x128xf32, #tpu.memory_space<vmem>>, vector<2000x128xf32>
    %reduce_sum3A = arith.constant dense<0.000000e+00> : vector<2000xf32>
    %reduce_sum3A_2 = vector.multi_reduction <add>, %get3A_1, %reduce_sum3A [1] : vector<2000x128xf32> to vector<2000xf32>
    %broadcast_in_dim3A = vector.shape_cast %reduce_sum3A_2 : vector<2000xf32> to vector<2000x1xf32>
    %div3A = arith.constant 1.280000e+02 : f32
    %div3A_3 = vector.broadcast %div3A : f32 to vector<2000x1xf32>
    %div3A_4 = arith.divf %broadcast_in_dim3A, %div3A_3 : vector<2000x1xf32>
    %sub3A = vector.broadcast %div3A_4 : vector<2000x1xf32> to vector<2000x128xf32>
    %sub3A_5 = arith.subf %get3A_1, %sub3A : vector<2000x128xf32>
    %integer_pow3A = arith.mulf %sub3A_5, %sub3A_5 : vector<2000x128xf32>
    %reduce_sum3A_6 = arith.constant dense<0.000000e+00> : vector<2000xf32>
    %reduce_sum3A_7 = vector.multi_reduction <add>, %integer_pow3A, %reduce_sum3A_6 [1] : vector<2000x128xf32> to vector<2000xf32>
    %broadcast_in_dim3A_8 = vector.shape_cast %reduce_sum3A_7 : vector<2000xf32> to vector<2000x1xf32>
    %div3A_9 = arith.constant 1.280000e+02 : f32
    %div3A_10 = vector.broadcast %div3A_9 : f32 to vector<2000x1xf32>
    %div3A_11 = arith.divf %broadcast_in_dim3A_8, %div3A_10 : vector<2000x1xf32>
    %sub3A_12 = vector.broadcast %div3A_4 : vector<2000x1xf32> to vector<2000x128xf32>
    %sub3A_13 = arith.subf %get3A_1, %sub3A_12 : vector<2000x128xf32>
    %add3A = arith.constant 9.99999974E-6 : f32
    %add3A_14 = vector.broadcast %add3A : f32 to vector<2000x1xf32>
    %add3A_15 = arith.addf %div3A_11, %add3A_14 : vector<2000x1xf32>
    %sqrt3A = math.sqrt %add3A_15 : vector<2000x1xf32>
    %div3A_16 = vector.broadcast %sqrt3A : vector<2000x1xf32> to vector<2000x128xf32>
    %div3A_17 = arith.divf %sub3A_13, %div3A_16 : vector<2000x128xf32>
    %get3A_18 = arith.constant 0 : index
    %get3A_19 = arith.constant 0 : index
    %get3A_20 = vector.load %arg2[%get3A_18, %get3A_19] : memref<1x128xf32, #tpu.memory_space<vmem>>, vector<1x128xf32>
    %mul3A = vector.broadcast %get3A_20 : vector<1x128xf32> to vector<2000x128xf32>
    %mul3A_21 = arith.mulf %div3A_17, %mul3A : vector<2000x128xf32>
    %get3A_22 = arith.constant 0 : index
    %get3A_23 = arith.constant 0 : index
    %get3A_24 = vector.load %arg3[%get3A_22, %get3A_23] : memref<1x128xf32, #tpu.memory_space<vmem>>, vector<1x128xf32>
    %add3A_25 = vector.broadcast %get3A_24 : vector<1x128xf32> to vector<2000x128xf32>
    %add3A_26 = arith.addf %mul3A_21, %add3A_25 : vector<2000x128xf32>
    %get3A_27 = arith.constant 0 : index
    %get3A_28 = arith.constant 0 : index
    %get3A_29 = vector.load %arg4[%get3A_27, %get3A_28] : memref<128x64xf32, #tpu.memory_space<vmem>>, vector<128x64xf32>
    %dot_general3A = arith.constant dense<0.000000e+00> : vector<2000x64xf32>
    %dot_general3A_30 = tpu.matmul %add3A_26, %get3A_29, %dot_general3A {dimension_numbers = #tpu.dot_dimension_numbers<[1], [0], [0], [1], [0, 0, 1, 1], [], []>, transpose_lhs_hint = false} : vector<2000x128xf32>, vector<128x64xf32>, vector<2000x64xf32> -> vector<2000x64xf32>
    %get3A_31 = arith.constant 0 : index
    %get3A_32 = arith.constant 0 : index
    %get3A_33 = vector.load %arg5[%get3A_31, %get3A_32] : memref<1x64xf32, #tpu.memory_space<vmem>>, vector<1x64xf32>
    %add3A_34 = vector.broadcast %get3A_33 : vector<1x64xf32> to vector<2000x64xf32>
    %add3A_35 = arith.addf %dot_general3A_30, %add3A_34 : vector<2000x64xf32>
    %mul3A_36 = arith.constant 5.000000e-01 : f32
    %mul3A_37 = vector.broadcast %mul3A_36 : f32 to vector<2000x64xf32>
    %mul3A_38 = arith.mulf %mul3A_37, %add3A_35 : vector<2000x64xf32>
    %mul3A_39 = arith.constant 0.707106769 : f32
    %mul3A_40 = vector.broadcast %mul3A_39 : f32 to vector<2000x64xf32>
    %mul3A_41 = arith.mulf %add3A_35, %mul3A_40 : vector<2000x64xf32>
    %erf3A = math.erf %mul3A_41 : vector<2000x64xf32>
    %add3A_42 = arith.constant 1.000000e+00 : f32
    %add3A_43 = vector.broadcast %add3A_42 : f32 to vector<2000x64xf32>
    %add3A_44 = arith.addf %add3A_43, %erf3A : vector<2000x64xf32>
    %mul3A_45 = arith.mulf %mul3A_38, %add3A_44 : vector<2000x64xf32>
    %get3A_46 = arith.constant 0 : index
    %get3A_47 = arith.constant 0 : index
    %get3A_48 = vector.load %arg6[%get3A_46, %get3A_47] : memref<64x8xf32, #tpu.memory_space<vmem>>, vector<64x8xf32>
    %dot_general3A_49 = arith.constant dense<0.000000e+00> : vector<2000x8xf32>
    %dot_general3A_50 = tpu.matmul %mul3A_45, %get3A_48, %dot_general3A_49 {dimension_numbers = #tpu.dot_dimension_numbers<[1], [0], [0], [1], [0, 0, 1, 1], [], []>, transpose_lhs_hint = false} : vector<2000x64xf32>, vector<64x8xf32>, vector<2000x8xf32> -> vector<2000x8xf32>
    %get3A_51 = arith.constant 0 : index
    %get3A_52 = arith.constant 0 : index
    %get3A_53 = vector.load %arg7[%get3A_51, %get3A_52] : memref<1x8xf32, #tpu.memory_space<vmem>>, vector<1x8xf32>
    %add3A_54 = vector.broadcast %get3A_53 : vector<1x8xf32> to vector<2000x8xf32>
    %add3A_55 = arith.addf %dot_general3A_50, %add3A_54 : vector<2000x8xf32>
    %swap3A = arith.constant 0 : index
    %swap3A_56 = arith.constant 0 : index
    %swap3A_57 = vector.load %arg13[%swap3A, %swap3A_56] : memref<2000x8xf32, #tpu.memory_space<vmem>>, vector<2000x8xf32>
    tpu.vector_store %arg13[%swap3A, %swap3A_56], %add3A_55 {strides = array<i32>} : memref<2000x8xf32, #tpu.memory_space<vmem>>, vector<2000x8xf32>,
    %get3A_58 = arith.constant 0 : index
    %get3A_59 = arith.constant 0 : index
    %get3A_60 = vector.load %arg8[%get3A_58, %get3A_59] : memref<128x64xf32, #tpu.memory_space<vmem>>, vector<128x64xf32>
    %dot_general3A_61 = arith.constant dense<0.000000e+00> : vector<2000x64xf32>
    %dot_general3A_62 = tpu.matmul %add3A_26, %get3A_60, %dot_general3A_61 {dimension_numbers = #tpu.dot_dimension_numbers<[1], [0], [0], [1], [0, 0, 1, 1], [], []>, transpose_lhs_hint = false} : vector<2000x128xf32>, vector<128x64xf32>, vector<2000x64xf32> -> vector<2000x64xf32>
    %get3A_63 = arith.constant 0 : index
    %get3A_64 = arith.constant 0 : index
    %get3A_65 = vector.load %arg9[%get3A_63, %get3A_64] : memref<1x64xf32, #tpu.memory_space<vmem>>, vector<1x64xf32>
    %add3A_66 = vector.broadcast %get3A_65 : vector<1x64xf32> to vector<2000x64xf32>
    %add3A_67 = arith.addf %dot_general3A_62, %add3A_66 : vector<2000x64xf32>
    %mul3A_68 = arith.constant 5.000000e-01 : f32
    %mul3A_69 = vector.broadcast %mul3A_68 : f32 to vector<2000x64xf32>
    %mul3A_70 = arith.mulf %mul3A_69, %add3A_67 : vector<2000x64xf32>
    %mul3A_71 = arith.constant 0.707106769 : f32
    %mul3A_72 = vector.broadcast %mul3A_71 : f32 to vector<2000x64xf32>
    %mul3A_73 = arith.mulf %add3A_67, %mul3A_72 : vector<2000x64xf32>
    %erf3A_74 = math.erf %mul3A_73 : vector<2000x64xf32>
    %add3A_75 = arith.constant 1.000000e+00 : f32
    %add3A_76 = vector.broadcast %add3A_75 : f32 to vector<2000x64xf32>
    %add3A_77 = arith.addf %add3A_76, %erf3A_74 : vector<2000x64xf32>
    %mul3A_78 = arith.mulf %mul3A_70, %add3A_77 : vector<2000x64xf32>
    %get3A_79 = arith.constant 0 : index
    %get3A_80 = arith.constant 0 : index
    %get3A_81 = vector.load %arg10[%get3A_79, %get3A_80] : memref<64x128xf32, #tpu.memory_space<vmem>>, vector<64x128xf32>
    %dot_general3A_82 = arith.constant dense<0.000000e+00> : vector<2000x128xf32>
    %dot_general3A_83 = tpu.matmul %mul3A_78, %get3A_81, %dot_general3A_82 {dimension_numbers = #tpu.dot_dimension_numbers<[1], [0], [0], [1], [0, 0, 1, 1], [], []>, transpose_lhs_hint = false} : vector<2000x64xf32>, vector<64x128xf32>, vector<2000x128xf32> -> vector<2000x128xf32>
    %get3A_84 = arith.constant 0 : index
    %get3A_85 = arith.constant 0 : index
    %get3A_86 = vector.load %arg11[%get3A_84, %get3A_85] : memref<1x128xf32, #tpu.memory_space<vmem>>, vector<1x128xf32>
    %add3A_87 = vector.broadcast %get3A_86 : vector<1x128xf32> to vector<2000x128xf32>
    %add3A_88 = arith.addf %dot_general3A_83, %add3A_87 : vector<2000x128xf32>
    %swap3A_89 = arith.constant 0 : index
    %swap3A_90 = arith.constant 0 : index
    %swap3A_91 = vector.load %arg12[%swap3A_89, %swap3A_90] : memref<2000x128xf32, #tpu.memory_space<vmem>>, vector<2000x128xf32>
    tpu.vector_store %arg12[%swap3A_89, %swap3A_90], %add3A_88 {strides = array<i32>} : memref<2000x128xf32, #tpu.memory_space<vmem>>, vector<2000x128xf32>,
    return
  }
  func.func @transform_0(%arg0: i32) -> (i32, i32) {
    %c0_i32 = arith.constant 0 : i32
    %c0_i32_0 = arith.constant 0 : i32
    return %arg0, %c0_i32 : i32, i32
  }
  func.func @transform_1(%arg0: i32) -> (i32, i32) {
    %c0_i32 = arith.constant 0 : i32
    %c0_i32_0 = arith.constant 0 : i32
    %c0_i32_1 = arith.constant 0 : i32
    return %c0_i32, %c0_i32_0 : i32, i32
  }
  func.func @transform_2(%arg0: i32) -> (i32, i32) {
    %c0_i32 = arith.constant 0 : i32
    %c0_i32_0 = arith.constant 0 : i32
    %c0_i32_1 = arith.constant 0 : i32
    return %c0_i32, %c0_i32_0 : i32, i32
  }
  func.func @transform_3(%arg0: i32) -> (i32, i32) {
    %c0_i32 = arith.constant 0 : i32
    %c0_i32_0 = arith.constant 0 : i32
    %c0_i32_1 = arith.constant 0 : i32
    return %c0_i32, %c0_i32_0 : i32, i32
  }
  func.func @transform_4(%arg0: i32) -> (i32, i32) {
    %c0_i32 = arith.constant 0 : i32
    %c0_i32_0 = arith.constant 0 : i32
    %c0_i32_1 = arith.constant 0 : i32
    return %c0_i32, %c0_i32_0 : i32, i32
  }
  func.func @transform_5(%arg0: i32) -> (i32, i32) {
    %c0_i32 = arith.constant 0 : i32
    %c0_i32_0 = arith.constant 0 : i32
    %c0_i32_1 = arith.constant 0 : i32
    return %c0_i32, %c0_i32_0 : i32, i32
  }
  func.func @transform_6(%arg0: i32) -> (i32, i32) {
    %c0_i32 = arith.constant 0 : i32
    %c0_i32_0 = arith.constant 0 : i32
    %c0_i32_1 = arith.constant 0 : i32
    return %c0_i32, %c0_i32_0 : i32, i32
  }
  func.func @transform_7(%arg0: i32) -> (i32, i32) {
    %c0_i32 = arith.constant 0 : i32
    %c0_i32_0 = arith.constant 0 : i32
    %c0_i32_1 = arith.constant 0 : i32
    return %c0_i32, %c0_i32_0 : i32, i32
  }
  func.func @transform_8(%arg0: i32) -> (i32, i32) {
    %c0_i32 = arith.constant 0 : i32
    %c0_i32_0 = arith.constant 0 : i32
    %c0_i32_1 = arith.constant 0 : i32
    return %c0_i32, %c0_i32_0 : i32, i32
  }
  func.func @transform_9(%arg0: i32) -> (i32, i32) {
    %c0_i32 = arith.constant 0 : i32
    %c0_i32_0 = arith.constant 0 : i32
    %c0_i32_1 = arith.constant 0 : i32
    return %c0_i32, %c0_i32_0 : i32, i32
  }
  func.func @transform_10(%arg0: i32) -> (i32, i32) {
    %c0_i32 = arith.constant 0 : i32
    %c0_i32_0 = arith.constant 0 : i32
    %c0_i32_1 = arith.constant 0 : i32
    return %c0_i32, %c0_i32_0 : i32, i32
  }
  func.func @transform_11(%arg0: i32) -> (i32, i32) {
    %c0_i32 = arith.constant 0 : i32
    %c0_i32_0 = arith.constant 0 : i32
    return %arg0, %c0_i32 : i32, i32
  }
  func.func @transform_12(%arg0: i32) -> (i32, i32) {
    %c0_i32 = arith.constant 0 : i32
    %c0_i32_0 = arith.constant 0 : i32
    return %arg0, %c0_i32 : i32, i32
  }
}

</mosaic_0001>

<sc_bundles>
// kernel: kernel.19.cloned.1.call-start
scs
__scs_entry_jumppad:
0x0: {  	(pc) =	sbr.rel $0x88, $3  }
0x1: {  	(tag) =	ssettag $0x0;
	lr =	simm.s32 $0x1  }
0x2: {  	[smem:$0x3F81] =	sst lr;
	_ =	strace $0xD0000000  }
0x3: {  	_ = 	snop  }
0x4: {  	_ = 	snop  }
0x5: {  	_ = 	snop  }
0x6: {  	_ = 	snop  }
0x7: {  	_ = 	snop  }
__scs_overlays_trampoline_lowered:
0x8: {  	[smem:$0x3F90] =	sst s0  }
0x9: {  	[smem:$0x3F91] =	sst s1  }
0xa: {  	[smem:$0x3F92] =	sst s2  }
0xb: {  	[smem:$0x3F93] =	sst s3  }
0xc: {  	[smem:$0x3F94] =	sst s4  }
0xd: {  	[smem:$0x3F95] =	sst s5  }
0xe: {  	[smem:$0x3F96] =	sst s6  }
0xf: {  	[smem:$0x3F97] =	sst s7  }
0x10: {  	[smem:$0x3F98] =	sst s8  }
0x11: {  	[smem:$0x3F99] =	sst s9;
	s0 =	simm.s32 @!p0 $0x0  }
0x12: {  	s1 =	sld [smem:$0x3F7F];
	s0 =	simm.s32 @p0 $0x1  }
0x13: {  	[smem:$0x3F9A] =	sst s0;
	s0 =	simm.s32 @!p1 $0x0  }
0x14: {  	s2 =	sld [smem:$0x3F7E];
	s0 =	simm.s32 @p1 $0x1  }
0x15: {  	[smem:$0x3F9B] =	sst s0;
	s0 =	simm.s32 @!p2 $0x0  }
0x16: {  	s3 =	sld [smem:$0x3FDB];
	s0 =	simm.s32 @p2 $0x1  }
0x17: {  	s4 =	simm.s32 $0x1BF5;
	[smem:$0x3F9D] =	sst s0  }
0x18: {  	s0 =	sld [smem:$0x3F80];
	_ =	swait.ge [sflag:s4], $0x0  }
0x19: {  	s7 =	sld [smem:$0x3F81]  }
0x1a: {  	s8 =	sadd.s32 $0xFFFFE003, lr  }
0x1b: {  	s9 =	sadd.s32 $0xFFFFFEF7, lr;
	s5 =	simm.s32 $0xFFFFFFFF;
	p2 =	slt.u32 s8, $0xFFFFF086  }
0x1c: {  	p1 =	slt.u32 s9, $0xF7A;
	s5 =	simm.s32 @!p2 $0x0  }
0x1d: {  	s5 =	simm.s32 @p1 $0x1;
	p0 =	seq.s32 s7, s2  }
0x1e: {  	s7 =	smul.u32 @!p0 $0xF7A, s2;
	p2 =	seq.s32 @!p0 s5, $0x0  }
0x1f: {  	s9 =	smul.u32 $0xF7A, s1;
	s8 =	simm.s32 @!p0 $0x1BF5;
	p2 =	por !p2, p0  }
0x20: {  	[sflag:s8] =	ssyncset.s32 @!p0 $0xFFFFF086;
	s6 =	sadd.s32 @!p0 s3, s7;
	s7 =	simm.s32 @!p0 $0x108  }
0x21: {  	s3 =	sadd.s32 s3, s9;
	s6 =	sadd.s32 @!p0 $0x88, s6;
	s7 =	simm.s32 @p2 $0x1082  }
0x22: {  	[simem:s7], [sflag:s8] =	dma.local @!p0 [hbm:s6], $0xF7A  }
0x23: {  	s9 =	sor.u32 $0xD0000000, s2;
	s6 =	simm.s32 $0x108;
	_ =	swait.ge @!p0 [sflag:s8], $0x0  }
0x24: {  	s3 =	sadd.s32 $0x88, s3;
	s6 =	simm.s32 @!p1 $0x1082;
	[sflag:s4] =	ssyncset.s32 $0xFFFFF086  }
0x25: {  	[simem:s6], [sflag:s4] =	dma.local [hbm:s3], $0xF7A  }
0x26: {  	[smem:$0x3F81] =	sst s1;
	(tag) =	ssettag s2;
	_ =	strace s9  }
0x27: {  	s1 =	sld [smem:$0x3F91]  }
0x28: {  	s2 =	sld [smem:$0x3F92]  }
0x29: {  	s4 =	sld [smem:$0x3F94]  }
0x2a: {  	p0 =	seq.s32 s5, $0x0;
	s5 =	sld [smem:$0x3F95]  }
0x2b: {  	s6 =	sld [smem:$0x3F96]  }
0x2c: {  	s7 =	sld [smem:$0x3F97]  }
0x2d: {  	s3 =	simm.s32 $0x108;
	s8 =	sld [smem:$0x3F98]  }
0x2e: {  	s3 =	simm.s32 @!p0 $0x1082;
	s9 =	sld [smem:$0x3F99]  }
0x2f: {  	lr =	sadd.s32 s0, s3;
	s0 =	sld [smem:$0x3F90]  }
0x30: {  	s3 =	sld [smem:$0x3F93]  }
0x31: {  	[smem:$0x3F9C] =	sst s10  }
0x32: {  	s10 =	sld [smem:$0x3F9A];
	_ =	sdelay $0x3  }
0x33: {  	p0 =	seq.s32 s10, $0x1;
	s10 =	sld [smem:$0x3F9C];
	_ =	sdelay $0x3  }
0x34: {  	[smem:$0x3F9C] =	sst s10  }
0x35: {  	s10 =	sld [smem:$0x3F9B];
	_ =	sdelay $0x3  }
0x36: {  	p1 =	seq.s32 s10, $0x1;
	s10 =	sld [smem:$0x3F9C];
	_ =	sdelay $0x3  }
0x37: {  	[smem:$0x3F9C] =	sst s10  }
0x38: {  	s10 =	sld [smem:$0x3F9D]  }
0x39: {  	_ = 	snop;
	(pc) =	sbr.ind lr, $3  }
0x3a: {  	_ = 	snop  }
0x3b: {  	_ = 	snop  }
0x3c: {  	p2 =	seq.s32 s10, $0x1;
	s10 =	sld [smem:$0x3F9C]  }
0x3d: {  	_ =	shalt  }
0x3e: {  	_ =	shalt  }
0x3f: {  	_ =	shalt  }
0x40: {  	_ =	shalt  }
0x41: {  	_ =	shalt  }
0x42: {  	_ =	shalt  }
0x43: {  	_ =	shalt  }
0x44: {  	_ =	shalt  }
0x45: {  	_ =	shalt  }
0x46: {  	_ =	shalt  }
0x47: {  	_ =	shalt  }
0x48: {  	_ =	shalt  }
0x49: {  	_ =	shalt  }
0x4a: {  	_ =	shalt  }
0x4b: {  	_ =	shalt  }
0x4c: {  	_ =	shalt  }
0x4d: {  	_ =	shalt  }
0x4e: {  	_ =	shalt  }
0x4f: {  	_ =	shalt  }
0x50: {  	_ =	shalt  }
0x51: {  	_ =	shalt  }
0x52: {  	_ =	shalt  }
0x53: {  	_ =	shalt  }
0x54: {  	_ =	shalt  }
0x55: {  	_ =	shalt  }
0x56: {  	_ =	shalt  }
0x57: {  	_ =	shalt  }
0x58: {  	_ =	shalt  }
0x59: {  	_ =	shalt  }
0x5a: {  	_ =	shalt  }
0x5b: {  	_ =	shalt  }
0x5c: {  	_ =	shalt  }
0x5d: {  	_ =	shalt  }
0x5e: {  	_ =	shalt  }
0x5f: {  	_ =	shalt  }
0x60: {  	_ =	shalt  }
0x61: {  	_ =	shalt  }
0x62: {  	_ =	shalt  }
0x63: {  	_ =	shalt  }
0x64: {  	_ =	shalt  }
0x65: {  	_ =	shalt  }
0x66: {  	_ =	shalt  }
0x67: {  	_ =	shalt  }
0x68: {  	_ =	shalt  }
0x69: {  	_ =	shalt  }
0x6a: {  	_ =	shalt  }
0x6b: {  	_ =	shalt  }
0x6c: {  	_ =	shalt  }
0x6d: {  	_ =	shalt  }
0x6e: {  	_ =	shalt  }
0x6f: {  	_ =	shalt  }
0x70: {  	_ =	shalt  }
0x71: {  	_ =	shalt  }
0x72: {  	_ =	shalt  }
0x73: {  	_ =	shalt  }
0x74: {  	_ =	shalt  }
0x75: {  	_ =	shalt  }
0x76: {  	_ =	shalt  }
0x77: {  	_ =	shalt  }
0x78: {  	_ =	shalt  }
0x79: {  	_ =	shalt  }
0x7a: {  	_ =	shalt  }
0x7b: {  	_ =	shalt  }
0x7c: {  	_ =	shalt  }
0x7d: {  	_ =	shalt  }
0x7e: {  	_ =	shalt  }
0x7f: {  	_ =	shalt  }
0x80: {  	_ =	shalt  }
0x81: {  	_ =	shalt  }
0x82: {  	_ =	shalt  }
0x83: {  	_ =	shalt  }
0x84: {  	_ =	shalt  }
0x85: {  	_ =	shalt  }
0x86: {  	_ =	shalt  }
0x87: {  	_ =	shalt  }
.Lfunc_end0:
.L_simem_size_0:
called_computation_lowered:
.L_overlay_start_0:
0x88: {  	s2 =	sld [smem:$0x3FD9]  }
0x89: {  	s3 =	sld [smem:$0x3FFE];
	_ =	sdelay $0x1  }
0x8a: {  	s1 =	srdreg.scid  }
0x8b: {  	s0 =	sand.u32 $0x1, s1  }
0x8c: {  	s14 =	sshll.u32 s0, $0xA;
	s2 =	sadd.s32 s3, s2  }
0x8d: {  	s2 =	sadd.s32 s2, s14  }
0x8e: {  	[smem:$0x3FA8] =	sst s2  }
0x8f: {  	_ = 	snop  }
0x90: {  	s2 =	sld [smem:$0x3FD0];
	_ =	sdelay $0x2  }
0x91: {  	s15 =	simm.s32 $0xA;
	s4 =	simm.s32 $0x10  }
0x92: {  	[smem:s4], [sflag:s15] =	dma.local [hbm:s2], $0x1  }
0x93: {  	_ =	swait.eq [sflag:s15], $0x1  }
0x94: {  	[sflag:s15] =	ssyncset.done $0x0  }
0x95: {  	[sflag:s15] =	ssyncadd.s32 $0xFFFFFFFF  }
0x96: {  	s16 =	sld [smem:$0x10];
	(tm) =	ssettm $0x1  }
0x97: {  	s17 =	sld [smem:$0x3FFB];
	_ =	sdelay $0x3  }
0x98: {  	_ =	strace s17  }
0x99: {  	s3 =	sld [smem:$0x3FFC];
	_ =	sdelay $0x3  }
0x9a: {  	_ =	strace s3  }
0x9b: {  	s3 =	sld [smem:$0x3FFD];
	_ =	sdelay $0x3  }
0x9c: {  	_ =	strace s3  }
0x9d: {  	_ =	strace $0x8FFFFFFF  }
0x9e: {  	s18 =	sld [smem:$0x3FDB];
	_ =	sdelay $0x1  }
0x9f: {  	s19 =	simm.s32 $_scs_section_size  }
0xa0: {  	s5 =	simm.s32 $_size__tile_overlayer_lowered;
	s6 =	simm.s32 $_tile_overlayer_lowered  }
0xa1: {  	s22 =	simm.s32 $0x1BFF;
	s21 =	sshll.u32 s6, $0x1;
	s3 =	sadd.s32 s19, s18  }
0xa2: {  	s7 =	simm.s32 $0x0;
	s20 =	sshll.u32 s5, $0x1;
	s5 =	sadd.s32 s21, s3  }
0xa3: {  	[timem:s7], [sflag:s22] =	dma.local [hbm:s5], s20  }
0xa4: {  	_ =	swait.ge [sflag:s22], s20  }
0xa5: {  	s4 =	ssub.s32 $0x0, s20;
	[sflag:s22] =	ssyncset.done $0x0  }
0xa6: {  	[sflag:s22] =	ssyncadd.s32 s4;
	_ =	sdelay $0x1  }
0xa7: {  	s23 =	simm.s32 $0x1B8B  }
0xa8: {  	_ =	swait.ge [sflag:s23], $0x1  }
0xa9: {  	[sflag:s23] =	ssyncset.done $0x0  }
0xaa: {  	s25 =	simm.s32 $0x1B8E;
	s24 =	sld [smem:$0x3FFE];
	[sflag:s23] =	ssyncadd.s32 $0xFFFFFFFF  }
0xab: {  	s26 =	simm.s32 $execute0_lowered;
	[smem:$0x3FD2] =	sst s25  }
0xac: {  	s5 =	sshll.u32 s26, $0x1;
	_ =	strace $0x80000046;
	[dreg:$0x1] =	wrdreg $0xFFFFFFFF  }
0xad: {  	s28 =	simm.s32 $_size_execute0_lowered;
	s3 =	sadd.s32 s3, s5;
	[dreg:$0x0] =	wrdreg $0x0  }
0xae: {  	s5 =	sshll.u32 s28, $0x1;
	[dreg:$0x2] =	wrdreg s3  }
0xaf: {  	[dreg:$0x3] =	wrdreg s5  }
0xb0: {  	[dreg:$0x4] =	wrdreg $0xC0  }
0xb1: {  	_ =	task [dreg:s7], $0x5FFFF  }
0xb2: {  	[dreg:$0x1] =	wrdreg $0xFFFFFFFF  }
0xb3: {  	[dreg:$0x0] =	wrdreg $0x60  }
0xb4: {  	[dreg:$0x2] =	wrdreg s16  }
0xb5: {  	[dreg:$0x3] =	wrdreg s24  }
0xb6: {  	[dreg:$0x4] =	wrdreg $0x9  }
0xb7: {  	_ =	task.clear_ibuf [dreg:s7], $0x5FFFF;
	_ =	strace $0x90000046  }
0xb8: {  	s29 =	simm.s32 $0x9;
	_ =	strace $0x80000048  }
0xb9: {  	_ =	swait.ge [sflag:s29], $0x1  }
0xba: {  	[sflag:s29] =	ssyncadd.s32 $0xFFFFFFFF  }
0xbb: {  	_ =	strace $0x90000048  }
0xbc: {  	_ =	sfence  }
0xbd: {  	s30 =	sld [smem:$0x0];
	_ =	sdelay $0x2  }
0xbe: {  	s31 =	sshll.u32 s1, $0xD;
	s1 =	sshrl.u32 s1, $0x2  }
0xbf: {  	s3 =	sand.u32 $0x4000, s31;
	s1 =	sadd.s32 s1, s30  }
0xc0: {  	s0 =	sor.u32 s3, s0;
	s1 =	sshll.u32 s1, $0x11  }
0xc1: {  	s0 =	sor.u32 s1, s0  }
0xc2: {  	s0 =	sadd.s32 $0x8F2B, s0  }
0xc3: {  	[sflag:s0] =	ssyncadd.remote.s32 $0x1  }
0xc4: {  	_ =	sfence.sel $0xFFFF  }
0xc5: {  	[dreg:$0x0] =	wrdreg $0xFFFFFFFF;
	(pc) =	sbr.abs _section_cstart, $3  }
0xc6: {  	[dreg:$0x1] =	wrdreg $0xFFFFFFFF  }
0xc7: {  	_ =	task.clear_ibuf [dreg:s7], $0x2FFFF;
	_ =	strace $0x9FFFFFFF  }
0xc8: {  	(tm) =	ssettm $0x7FFFFFFF  }
0xc9: {  	_ =	shalt  }
tec
execute0_lowered:
.L_overlay_start_1:
0x0: {  	(tag) =	ssettag $0x1  }
0x1: {  	s1 =	rddreg [dreg:$0x0]  }
0x2: {  	s5 =	rddreg [dreg:$0x1]  }
0x3: {  	s0 =	rddreg [dreg:$0x2];
	s3 =	simm.s32 $0x0;
	s4 =	srdreg.scid  }
0x4: {  	s2 =	stileid.u32;
	s11 =	simm.s32 $0x80;
	s12 =	simm.s32 $0x50  }
0x5: {  	s13 =	simm.s32 $0x100;
	s14 =	simm.s32 $0x2900;
	s15 =	simm.s32 $0x1  }
0x6: {  	s16 =	simm.s32 $0x2;
	s17 =	simm.s32 $0x0;
	s7 =	smul.u32 $0x4E20, s2  }
0x7: {  	[smem:$0x7FF] =	sst s3;
	s6 =	sand.u32 $0x1, s4;
	s9 =	smul.u32 $0x4E200, s2  }
0x8: {  	s4 =	sadd.s32 $0x44A00, s5;
	s8 =	smul.u32 $0x2710, s6;
	s10 =	ssub.s32 $0x2, s6  }
0x9: {  	_ =	strace $0x80000047;
	s6 =	smul.u32 $0x27100, s6;
	s29 =	sshrl.u32 s10, $0x1  }
0xa: {  	s9 =	sadd.s32 s9, s5;
	s7 =	sadd.s32 s8, s7;
	s8 =	ssub.s32 s10, s29  }
0xb: {  	s31 =	sadd.s32 s6, s9;
	s10 =	simm.s32 $0x3;
	s7 =	sshrl.u32 s7, $0x3  }
0xc: {  	s6 =	sadd.s32 $0x6BC00, s31;
	s30 =	sadd.s32 s7, s5;
	s5 =	smax.u32 s8, $0x1  }
0xd: {  	s7 =	sadd.s32 $0x54DC00, s31;
	s8 =	sadd.s32 $0x9C00, s30;
	s9 =	sadd.s32 $0x13A00, s30  }
.LBB2_1:
0xe: {  	s18 =	sadd.s32 $0x0, s9  }
0xf: {  	[tilespmem:s3], [sflag:$0x3] =	stream.linear.gather [hbm4b:s18+s3], $0x50, $0x38;
	[tilespmem:$0x5100] =	vst v63  }
0x10: {  	_ =	swait.ge [sflag:s10], $0x50  }
0x11: {  	[sflag:s10] =	ssyncset.done $0x0  }
0x12: {  	s31 =	sadd.s32 $0x0, s8;
	[sflag:s10] =	ssyncadd.s32 $0xFFFFFFB0  }
0x13: {  	[tilespmem:s11], [sflag:$0x3] =	stream.linear.gather [hbm4b:s31+s3], $0x50, $0x38;
	[tilespmem:$0x5100] =	vst v63  }
0x14: {  	_ =	swait.ge [sflag:s10], $0x50  }
0x15: {  	[sflag:s10] =	ssyncset.done $0x0  }
0x16: {  	[sflag:s10] =	ssyncadd.s32 $0xFFFFFFB0  }
0x17: {  	[tilespmem:s13], [sflag:$0x1] =	stream.indirect.gather [hbm4b:s1+s12], $0x80, s3, s12, $0xb8;
	[tilespmem:$0x5100] =	vst v63  }
0x18: {  	_ = 	snop  }
0x19: {  	[tilespmem:s14], [sflag:$0x2] =	stream.indirect.gather [hbm4b:s4+s12], $0x80, s11, s12, $0xb8;
	[tilespmem:$0x5100] =	vst v63  }
0x1a: {  	_ =	swait.ge [sflag:s15], $0x2800  }
0x1b: {  	[sflag:s15] =	ssyncset.done $0x0  }
0x1c: {  	[sflag:s15] =	ssyncadd.s32 $0xFFFFD800  }
0x1d: {  	[hbm4b:s6+s3] =	stream.linear.scatter [tilespmem:s13], [sflag:$0x3], $0x2800, $0x38;
	[tilespmem:$0x5100] =	vst v63  }
0x1e: {  	_ =	swait.ge [sflag:s10], $0x2800  }
0x1f: {  	[sflag:s10] =	ssyncset.done $0x0  }
0x20: {  	[sflag:s10] =	ssyncadd.s32 $0xFFFFD800  }
0x21: {  	_ =	swait.ge [sflag:s16], $0x2800  }
0x22: {  	[sflag:s16] =	ssyncset.done $0x0  }
0x23: {  	[sflag:s16] =	ssyncadd.s32 $0xFFFFD800  }
0x24: {  	[hbm4b:s7+s3] =	stream.linear.scatter [tilespmem:s14], [sflag:$0x3], $0x2800, $0x38;
	[tilespmem:$0x5100] =	vst v63  }
0x25: {  	s20 =	simm.s32 $0xA;
	s21 =	simm.s32 $0x14;
	_ =	swait.ge [sflag:s10], $0x2800  }
0x26: {  	s19 =	sadd.s32 $0x500, s6;
	s18 =	sadd.s32 $0x500, s7;
	[sflag:s10] =	ssyncset.done $0x0  }
.LBB2_2:
0x27: {  	s22 =	sadd.s32 s20, s9  }
0x28: {  	[sflag:s10] =	ssyncadd.s32 $0xFFFFD800;
	s23 =	smov.u32 s21;
	s24 =	sadd.s32 $0xA, s21  }
0x29: {  	[tilespmem:s3], [sflag:$0x3] =	stream.linear.gather [hbm4b:s22+s3], $0x50, $0x38;
	[tilespmem:$0x5100] =	vst v63  }
0x2a: {  	p0 =	sne.s32 s21, $0x4D8;
	_ =	swait.ge [sflag:s10], $0x50  }
0x2b: {  	[sflag:s10] =	ssyncset.done $0x0  }
0x2c: {  	s21 =	sadd.s32 s20, s8;
	s20 =	smov.u32 s23;
	[sflag:s10] =	ssyncadd.s32 $0xFFFFFFB0  }
0x2d: {  	[tilespmem:s11], [sflag:$0x3] =	stream.linear.gather [hbm4b:s21+s3], $0x50, $0x38;
	[tilespmem:$0x5100] =	vst v63  }
0x2e: {  	_ =	swait.ge [sflag:s10], $0x50  }
0x2f: {  	[sflag:s10] =	ssyncset.done $0x0  }
0x30: {  	[sflag:s10] =	ssyncadd.s32 $0xFFFFFFB0  }
0x31: {  	[tilespmem:s13], [sflag:$0x1] =	stream.indirect.gather [hbm4b:s1+s12], $0x80, s3, s12, $0xb8;
	[tilespmem:$0x5100] =	vst v63  }
0x32: {  	_ = 	snop  }
0x33: {  	[tilespmem:s14], [sflag:$0x2] =	stream.indirect.gather [hbm4b:s4+s12], $0x80, s11, s12, $0xb8;
	[tilespmem:$0x5100] =	vst v63  }
0x34: {  	_ =	swait.ge [sflag:s15], $0x2800  }
0x35: {  	[sflag:s15] =	ssyncset.done $0x0  }
0x36: {  	[sflag:s15] =	ssyncadd.s32 $0xFFFFD800  }
0x37: {  	[hbm4b:s19+s3] =	stream.linear.scatter [tilespmem:s13], [sflag:$0x3], $0x2800, $0x38;
	[tilespmem:$0x5100] =	vst v63  }
0x38: {  	_ =	swait.ge [sflag:s10], $0x2800  }
0x39: {  	[sflag:s10] =	ssyncset.done $0x0  }
0x3a: {  	[sflag:s10] =	ssyncadd.s32 $0xFFFFD800  }
0x3b: {  	_ =	swait.ge [sflag:s16], $0x2800  }
.Ltmp0:
0x3c: {  	[sflag:s16] =	ssyncset.done $0x0;
	(pc) =	sbr.rel @p0 .LBB2_2-.Ltmp0, $4  }
0x3d: {  	[sflag:s16] =	ssyncadd.s32 $0xFFFFD800  }
0x3e: {  	[hbm4b:s18+s3] =	stream.linear.scatter [tilespmem:s14], [sflag:$0x3], $0x2800, $0x38;
	[tilespmem:$0x5100] =	vst v63  }
0x3f: {  	s21 =	smov.u32 s24;
	_ =	swait.ge [sflag:s10], $0x2800  }
0x40: {  	s19 =	sadd.s32 $0x500, s19;
	s18 =	sadd.s32 $0x500, s18;
	[sflag:s10] =	ssyncset.done $0x0  }
0x41: {  	s21 =	sadd.s32 s20, s9;
	[sflag:s10] =	ssyncadd.s32 $0xFFFFD800  }
0x42: {  	[tilespmem:s3], [sflag:$0x3] =	stream.linear.gather [hbm4b:s21+s3], $0x50, $0x38;
	[tilespmem:$0x5100] =	vst v63  }
0x43: {  	_ =	swait.ge [sflag:s10], $0x50  }
0x44: {  	[sflag:s10] =	ssyncset.done $0x0  }
0x45: {  	s31 =	sadd.s32 s20, s8;
	[sflag:s10] =	ssyncadd.s32 $0xFFFFFFB0  }
0x46: {  	[tilespmem:s11], [sflag:$0x3] =	stream.linear.gather [hbm4b:s31+s3], $0x50, $0x38;
	[tilespmem:$0x5100] =	vst v63  }
0x47: {  	_ =	swait.ge [sflag:s10], $0x50  }
0x48: {  	[sflag:s10] =	ssyncset.done $0x0  }
0x49: {  	[sflag:s10] =	ssyncadd.s32 $0xFFFFFFB0  }
0x4a: {  	[tilespmem:s13], [sflag:$0x1] =	stream.indirect.gather [hbm4b:s1+s12], $0x80, s3, s12, $0xb8;
	[tilespmem:$0x5100] =	vst v63  }
0x4b: {  	_ = 	snop  }
0x4c: {  	[tilespmem:s14], [sflag:$0x2] =	stream.indirect.gather [hbm4b:s4+s12], $0x80, s11, s12, $0xb8;
	[tilespmem:$0x5100] =	vst v63  }
0x4d: {  	_ =	swait.ge [sflag:s15], $0x2800  }
0x4e: {  	[sflag:s15] =	ssyncset.done $0x0  }
0x4f: {  	[sflag:s15] =	ssyncadd.s32 $0xFFFFD800  }
0x50: {  	[hbm4b:s19+s3] =	stream.linear.scatter [tilespmem:s13], [sflag:$0x3], $0x2800, $0x38;
	[tilespmem:$0x5100] =	vst v63  }
0x51: {  	_ =	swait.ge [sflag:s10], $0x2800  }
0x52: {  	[sflag:s10] =	ssyncset.done $0x0  }
0x53: {  	[sflag:s10] =	ssyncadd.s32 $0xFFFFD800  }
0x54: {  	s17 =	sadd.s32 $0x1, s17;
	_ =	swait.ge [sflag:s16], $0x2800  }
0x55: {  	p0 =	sne.s32 s17, s5;
	[sflag:s16] =	ssyncset.done $0x0  }
.Ltmp1:
0x56: {  	[sflag:s16] =	ssyncadd.s32 $0xFFFFD800;
	(pc) =	sbr.rel @p0 .LBB2_1-.Ltmp1, $4  }
0x57: {  	[hbm4b:s18+s3] =	stream.linear.scatter [tilespmem:s14], [sflag:$0x3], $0x2800, $0x38;
	[tilespmem:$0x5100] =	vst v63  }
0x58: {  	_ =	swait.ge [sflag:s10], $0x2800  }
0x59: {  	[sflag:s10] =	ssyncset.done $0x0  }
0x5a: {  	[sflag:s10] =	ssyncadd.s32 $0xFFFFD800  }
0x5b: {  	_ =	sfence.sel $0x180000  }
0x5c: {  	[bflag:$0x0] =	sbarrier.arrive $0xFFFF  }
0x5d: {  	p0 =	sne.s32 s2, $0x0;
	_ =	strace $0x90000047  }
0x5e: {  	s0 =	sadd.s32 @!p0 $0x100000, s0;
	[bflag:$0x2] =	sbarrier.arrive $0xFFFF  }
0x5f: {  	[sflag:s0] =	ssyncadd.tile.s32 @!p0 $0x1;
	_ =	shalt  }
.Lfunc_end2:
_tile_overlayer_lowered:
.L_overlay_start_2:
0x60: {  	(tag) =	ssettag $0x2  }
0x61: {  	s0 =	rddreg [dreg:$0x0];
	s2 =	stileid.u32  }
0x62: {  	s1 =	rddreg [dreg:$0x1];
	p0 =	sne.s32 s2, $0x0  }
0x63: {  	s3 =	rddreg [dreg:$0x2];
	[bflag:$0x3] =	sbarrier.arrive $0xFFFF;
	s2 =	simm.s32 @!p0 $0x1C03  }
0x64: {  	[timem:s3], [sflag:s2] =	dma.local @!p0 [hbm:s0], s1  }
0x65: {  	s0 =	simm.s32 @!p0 $0x3  }
0x66: {  	_ =	swait.ge @!p0 [sflag:s0], s1  }
0x67: {  	s1 =	ssub.s32 @!p0 $0x0, s1;
	[sflag:s0] =	ssyncset.done @!p0 $0x0  }
0x68: {  	[sflag:s0] =	ssyncadd.s32 @!p0 s1  }
0x69: {  	[bflag:$0x3] =	sbarrier.arrive $0xFFFF  }
0x6a: {  	_ =	shalt  }

// kernel: kernel.22.cloned.1.call-start
scs
__scs_entry_jumppad:
0x0: {  	(pc) =	sbr.rel $0x88, $3  }
0x1: {  	(tag) =	ssettag $0x0;
	lr =	simm.s32 $0x1  }
0x2: {  	[smem:$0x3F81] =	sst lr;
	_ =	strace $0xD0000000  }
0x3: {  	_ = 	snop  }
0x4: {  	_ = 	snop  }
0x5: {  	_ = 	snop  }
0x6: {  	_ = 	snop  }
0x7: {  	_ = 	snop  }
__scs_overlays_trampoline_lowered:
0x8: {  	[smem:$0x3F90] =	sst s0  }
0x9: {  	[smem:$0x3F91] =	sst s1  }
0xa: {  	[smem:$0x3F92] =	sst s2  }
0xb: {  	[smem:$0x3F93] =	sst s3  }
0xc: {  	[smem:$0x3F94] =	sst s4  }
0xd: {  	[smem:$0x3F95] =	sst s5  }
0xe: {  	[smem:$0x3F96] =	sst s6  }
0xf: {  	[smem:$0x3F97] =	sst s7  }
0x10: {  	[smem:$0x3F98] =	sst s8  }
0x11: {  	[smem:$0x3F99] =	sst s9;
	s0 =	simm.s32 @!p0 $0x0  }
0x12: {  	s1 =	sld [smem:$0x3F7F];
	s0 =	simm.s32 @p0 $0x1  }
0x13: {  	[smem:$0x3F9A] =	sst s0;
	s0 =	simm.s32 @!p1 $0x0  }
0x14: {  	s2 =	sld [smem:$0x3F7E];
	s0 =	simm.s32 @p1 $0x1  }
0x15: {  	[smem:$0x3F9B] =	sst s0;
	s0 =	simm.s32 @!p2 $0x0  }
0x16: {  	s3 =	sld [smem:$0x3FDB];
	s0 =	simm.s32 @p2 $0x1  }
0x17: {  	s4 =	simm.s32 $0x1BF5;
	[smem:$0x3F9D] =	sst s0  }
0x18: {  	s0 =	sld [smem:$0x3F80];
	_ =	swait.ge [sflag:s4], $0x0  }
0x19: {  	s7 =	sld [smem:$0x3F81]  }
0x1a: {  	s8 =	sadd.s32 $0xFFFFE003, lr  }
0x1b: {  	s9 =	sadd.s32 $0xFFFFFEF7, lr;
	s5 =	simm.s32 $0xFFFFFFFF;
	p2 =	slt.u32 s8, $0xFFFFF086  }
0x1c: {  	p1 =	slt.u32 s9, $0xF7A;
	s5 =	simm.s32 @!p2 $0x0  }
0x1d: {  	s5 =	simm.s32 @p1 $0x1;
	p0 =	seq.s32 s7, s2  }
0x1e: {  	s7 =	smul.u32 @!p0 $0xF7A, s2;
	p2 =	seq.s32 @!p0 s5, $0x0  }
0x1f: {  	s9 =	smul.u32 $0xF7A, s1;
	s8 =	simm.s32 @!p0 $0x1BF5;
	p2 =	por !p2, p0  }
0x20: {  	[sflag:s8] =	ssyncset.s32 @!p0 $0xFFFFF086;
	s6 =	sadd.s32 @!p0 s3, s7;
	s7 =	simm.s32 @!p0 $0x108  }
0x21: {  	s3 =	sadd.s32 s3, s9;
	s6 =	sadd.s32 @!p0 $0x88, s6;
	s7 =	simm.s32 @p2 $0x1082  }
0x22: {  	[simem:s7], [sflag:s8] =	dma.local @!p0 [hbm:s6], $0xF7A  }
0x23: {  	s9 =	sor.u32 $0xD0000000, s2;
	s6 =	simm.s32 $0x108;
	_ =	swait.ge @!p0 [sflag:s8], $0x0  }
0x24: {  	s3 =	sadd.s32 $0x88, s3;
	s6 =	simm.s32 @!p1 $0x1082;
	[sflag:s4] =	ssyncset.s32 $0xFFFFF086  }
0x25: {  	[simem:s6], [sflag:s4] =	dma.local [hbm:s3], $0xF7A  }
0x26: {  	[smem:$0x3F81] =	sst s1;
	(tag) =	ssettag s2;
	_ =	strace s9  }
0x27: {  	s1 =	sld [smem:$0x3F91]  }
0x28: {  	s2 =	sld [smem:$0x3F92]  }
0x29: {  	s4 =	sld [smem:$0x3F94]  }
0x2a: {  	p0 =	seq.s32 s5, $0x0;
	s5 =	sld [smem:$0x3F95]  }
0x2b: {  	s6 =	sld [smem:$0x3F96]  }
0x2c: {  	s7 =	sld [smem:$0x3F97]  }
0x2d: {  	s3 =	simm.s32 $0x108;
	s8 =	sld [smem:$0x3F98]  }
0x2e: {  	s3 =	simm.s32 @!p0 $0x1082;
	s9 =	sld [smem:$0x3F99]  }
0x2f: {  	lr =	sadd.s32 s0, s3;
	s0 =	sld [smem:$0x3F90]  }
0x30: {  	s3 =	sld [smem:$0x3F93]  }
0x31: {  	[smem:$0x3F9C] =	sst s10  }
0x32: {  	s10 =	sld [smem:$0x3F9A];
	_ =	sdelay $0x3  }
0x33: {  	p0 =	seq.s32 s10, $0x1;
	s10 =	sld [smem:$0x3F9C];
	_ =	sdelay $0x3  }
0x34: {  	[smem:$0x3F9C] =	sst s10  }
0x35: {  	s10 =	sld [smem:$0x3F9B];
	_ =	sdelay $0x3  }
0x36: {  	p1 =	seq.s32 s10, $0x1;
	s10 =	sld [smem:$0x3F9C];
	_ =	sdelay $0x3  }
0x37: {  	[smem:$0x3F9C] =	sst s10  }
0x38: {  	s10 =	sld [smem:$0x3F9D]  }
0x39: {  	_ = 	snop;
	(pc) =	sbr.ind lr, $3  }
0x3a: {  	_ = 	snop  }
0x3b: {  	_ = 	snop  }
0x3c: {  	p2 =	seq.s32 s10, $0x1;
	s10 =	sld [smem:$0x3F9C]  }
0x3d: {  	_ =	shalt  }
0x3e: {  	_ =	shalt  }
0x3f: {  	_ =	shalt  }
0x40: {  	_ =	shalt  }
0x41: {  	_ =	shalt  }
0x42: {  	_ =	shalt  }
0x43: {  	_ =	shalt  }
0x44: {  	_ =	shalt  }
0x45: {  	_ =	shalt  }
0x46: {  	_ =	shalt  }
0x47: {  	_ =	shalt  }
0x48: {  	_ =	shalt  }
0x49: {  	_ =	shalt  }
0x4a: {  	_ =	shalt  }
0x4b: {  	_ =	shalt  }
0x4c: {  	_ =	shalt  }
0x4d: {  	_ =	shalt  }
0x4e: {  	_ =	shalt  }
0x4f: {  	_ =	shalt  }
0x50: {  	_ =	shalt  }
0x51: {  	_ =	shalt  }
0x52: {  	_ =	shalt  }
0x53: {  	_ =	shalt  }
0x54: {  	_ =	shalt  }
0x55: {  	_ =	shalt  }
0x56: {  	_ =	shalt  }
0x57: {  	_ =	shalt  }
0x58: {  	_ =	shalt  }
0x59: {  	_ =	shalt  }
0x5a: {  	_ =	shalt  }
0x5b: {  	_ =	shalt  }
0x5c: {  	_ =	shalt  }
0x5d: {  	_ =	shalt  }
0x5e: {  	_ =	shalt  }
0x5f: {  	_ =	shalt  }
0x60: {  	_ =	shalt  }
0x61: {  	_ =	shalt  }
0x62: {  	_ =	shalt  }
0x63: {  	_ =	shalt  }
0x64: {  	_ =	shalt  }
0x65: {  	_ =	shalt  }
0x66: {  	_ =	shalt  }
0x67: {  	_ =	shalt  }
0x68: {  	_ =	shalt  }
0x69: {  	_ =	shalt  }
0x6a: {  	_ =	shalt  }
0x6b: {  	_ =	shalt  }
0x6c: {  	_ =	shalt  }
0x6d: {  	_ =	shalt  }
0x6e: {  	_ =	shalt  }
0x6f: {  	_ =	shalt  }
0x70: {  	_ =	shalt  }
0x71: {  	_ =	shalt  }
0x72: {  	_ =	shalt  }
0x73: {  	_ =	shalt  }
0x74: {  	_ =	shalt  }
0x75: {  	_ =	shalt  }
0x76: {  	_ =	shalt  }
0x77: {  	_ =	shalt  }
0x78: {  	_ =	shalt  }
0x79: {  	_ =	shalt  }
0x7a: {  	_ =	shalt  }
0x7b: {  	_ =	shalt  }
0x7c: {  	_ =	shalt  }
0x7d: {  	_ =	shalt  }
0x7e: {  	_ =	shalt  }
0x7f: {  	_ =	shalt  }
0x80: {  	_ =	shalt  }
0x81: {  	_ =	shalt  }
0x82: {  	_ =	shalt  }
0x83: {  	_ =	shalt  }
0x84: {  	_ =	shalt  }
0x85: {  	_ =	shalt  }
0x86: {  	_ =	shalt  }
0x87: {  	_ =	shalt  }
.Lfunc_end0:
.L_simem_size_0:
called_computation.1_lowered:
.L_overlay_start_0:
0x88: {  	s2 =	sld [smem:$0x3FD9]  }
0x89: {  	s3 =	sld [smem:$0x3FFE];
	_ =	sdelay $0x1  }
0x8a: {  	s1 =	srdreg.scid  }
0x8b: {  	s0 =	sand.u32 $0x1, s1  }
0x8c: {  	s14 =	sshll.u32 s0, $0xA;
	s2 =	sadd.s32 s3, s2  }
0x8d: {  	s2 =	sadd.s32 s2, s14  }
0x8e: {  	[smem:$0x3FA8] =	sst s2  }
0x8f: {  	_ = 	snop  }
0x90: {  	s2 =	sld [smem:$0x3FD0];
	_ =	sdelay $0x2  }
0x91: {  	s15 =	simm.s32 $0xA;
	s4 =	simm.s32 $0x10  }
0x92: {  	[smem:s4], [sflag:s15] =	dma.local [hbm:s2], $0x1  }
0x93: {  	_ =	swait.eq [sflag:s15], $0x1  }
0x94: {  	[sflag:s15] =	ssyncset.done $0x0  }
0x95: {  	[sflag:s15] =	ssyncadd.s32 $0xFFFFFFFF  }
0x96: {  	s16 =	sld [smem:$0x10];
	(tm) =	ssettm $0x1  }
0x97: {  	s17 =	sld [smem:$0x3FFB];
	_ =	sdelay $0x3  }
0x98: {  	_ =	strace s17  }
0x99: {  	s3 =	sld [smem:$0x3FFC];
	_ =	sdelay $0x3  }
0x9a: {  	_ =	strace s3  }
0x9b: {  	s3 =	sld [smem:$0x3FFD];
	_ =	sdelay $0x3  }
0x9c: {  	_ =	strace s3  }
0x9d: {  	_ =	strace $0x8FFFFFFF  }
0x9e: {  	s18 =	sld [smem:$0x3FDB];
	_ =	sdelay $0x1  }
0x9f: {  	s19 =	simm.s32 $_scs_section_size  }
0xa0: {  	s5 =	simm.s32 $_size__tile_overlayer_lowered;
	s6 =	simm.s32 $_tile_overlayer_lowered  }
0xa1: {  	s22 =	simm.s32 $0x1BFF;
	s21 =	sshll.u32 s6, $0x1;
	s3 =	sadd.s32 s19, s18  }
0xa2: {  	s7 =	simm.s32 $0x0;
	s20 =	sshll.u32 s5, $0x1;
	s5 =	sadd.s32 s21, s3  }
0xa3: {  	[timem:s7], [sflag:s22] =	dma.local [hbm:s5], s20  }
0xa4: {  	_ =	swait.ge [sflag:s22], s20  }
0xa5: {  	s4 =	ssub.s32 $0x0, s20;
	[sflag:s22] =	ssyncset.done $0x0  }
0xa6: {  	[sflag:s22] =	ssyncadd.s32 s4;
	_ =	sdelay $0x1  }
0xa7: {  	s23 =	simm.s32 $0x1B8B  }
0xa8: {  	_ =	swait.ge [sflag:s23], $0x1  }
0xa9: {  	[sflag:s23] =	ssyncset.done $0x0  }
0xaa: {  	s25 =	simm.s32 $0x1B8E;
	s24 =	sld [smem:$0x3FFE];
	[sflag:s23] =	ssyncadd.s32 $0xFFFFFFFF  }
0xab: {  	s26 =	simm.s32 $execute0_lowered;
	[smem:$0x3FD2] =	sst s25  }
0xac: {  	s5 =	sshll.u32 s26, $0x1;
	_ =	strace $0x80000049;
	[dreg:$0x1] =	wrdreg $0xFFFFFFFF  }
0xad: {  	s28 =	simm.s32 $_size_execute0_lowered;
	s3 =	sadd.s32 s3, s5;
	[dreg:$0x0] =	wrdreg $0x0  }
0xae: {  	s5 =	sshll.u32 s28, $0x1;
	[dreg:$0x2] =	wrdreg s3  }
0xaf: {  	[dreg:$0x3] =	wrdreg s5  }
0xb0: {  	[dreg:$0x4] =	wrdreg $0xC0  }
0xb1: {  	_ =	task [dreg:s7], $0x5FFFF  }
0xb2: {  	[dreg:$0x1] =	wrdreg $0xFFFFFFFF  }
0xb3: {  	[dreg:$0x0] =	wrdreg $0x60  }
0xb4: {  	[dreg:$0x2] =	wrdreg s24  }
0xb5: {  	[dreg:$0x3] =	wrdreg s16  }
0xb6: {  	[dreg:$0x4] =	wrdreg $0x28800  }
0xb7: {  	[dreg:$0x5] =	wrdreg $0x9  }
0xb8: {  	_ =	task.clear_ibuf [dreg:s7], $0x6FFFF;
	_ =	strace $0x90000049  }
0xb9: {  	s29 =	simm.s32 $0x9;
	_ =	strace $0x8000004B  }
0xba: {  	_ =	swait.ge [sflag:s29], $0x1  }
0xbb: {  	[sflag:s29] =	ssyncadd.s32 $0xFFFFFFFF  }
0xbc: {  	_ =	strace $0x9000004B  }
0xbd: {  	_ =	sfence  }
0xbe: {  	s30 =	sld [smem:$0x0];
	_ =	sdelay $0x2  }
0xbf: {  	s31 =	sshll.u32 s1, $0xD;
	s1 =	sshrl.u32 s1, $0x2  }
0xc0: {  	s3 =	sand.u32 $0x4000, s31;
	s1 =	sadd.s32 s1, s30  }
0xc1: {  	s0 =	sor.u32 s3, s0;
	s1 =	sshll.u32 s1, $0x11  }
0xc2: {  	s0 =	sor.u32 s1, s0  }
0xc3: {  	s0 =	sadd.s32 $0x8F2B, s0  }
0xc4: {  	[sflag:s0] =	ssyncadd.remote.s32 $0x1  }
0xc5: {  	_ =	sfence.sel $0xFFFF  }
0xc6: {  	[dreg:$0x0] =	wrdreg $0xFFFFFFFF;
	(pc) =	sbr.abs _section_cstart, $3  }
0xc7: {  	[dreg:$0x1] =	wrdreg $0xFFFFFFFF  }
0xc8: {  	_ =	task.clear_ibuf [dreg:s7], $0x2FFFF;
	_ =	strace $0x9FFFFFFF  }
0xc9: {  	(tm) =	ssettm $0x7FFFFFFF  }
tec
execute0_lowered:
.L_overlay_start_1:
0x0: {  	(tag) =	ssettag $0x1  }
0x1: {  	s6 =	rddreg [dreg:$0x0]  }
0x2: {  	s2 =	rddreg [dreg:$0x1];
	s0 =	stileid.u32  }
0x3: {  	s1 =	srdreg.scid;
	s5 =	smul.u32 $0x4E20, s0  }
0x4: {  	s3 =	rddreg [dreg:$0x2];
	s4 =	simm.s32 $0x0;
	s9 =	smul.u32 $0x4E200, s0  }
0x5: {  	s15 =	simm.s32 $0x1;
	s16 =	simm.s32 $0x50;
	s12 =	smul.u32 $0x50000, s0  }
0x6: {  	s8 =	sand.u32 $0x1, s1;
	s1 =	rddreg [dreg:$0x3];
	s31 =	smul.u32 $0x14000, s0  }
0x7: {  	s17 =	simm.s32 $0x0;
	[smem:$0x7FF] =	sst s4;
	s7 =	smul.u32 $0x2710, s8  }
0x8: {  	p0 =	seq.s32 s0, $0xF;
	_ =	strace $0x8000004A;
	s13 =	smul.u32 $0x27100, s8  }
0x9: {  	s29 =	ssub.s32 $0x2, s8;
	s14 =	smul.u32 $0x138800, s8;
	s9 =	sadd.s32 s9, s6  }
0xa: {  	s10 =	sshrl.u32 s29, $0x1;
	s30 =	sshrl.u32 s12, $0x2;
	s5 =	sadd.s32 s7, s5  }
0xb: {  	s10 =	ssub.s32 s29, s10;
	s7 =	simm.s32 $0x5;
	s13 =	sadd.s32 s13, s9  }
0xc: {  	s9 =	sadd.s32 s30, s3;
	s12 =	sadd.s32 s31, s14;
	s14 =	simm.s32 $0x80  }
0xd: {  	s5 =	sshrl.u32 s5, $0x3;
	s7 =	simm.s32 @!p0 $0x8;
	s8 =	smax.u32 s10, $0x1  }
0xe: {  	s10 =	sadd.s32 $0xA30C00, s13;
	s13 =	sadd.s32 $0xF12C00, s13;
	s11 =	sadd.s32 s5, s6  }
0xf: {  	s5 =	sadd.s32 $0x44A00, s6;
	s6 =	sadd.s32 $0x92C00, s6;
	s11 =	sadd.s32 $0x13A00, s11  }
.LBB2_1:
0x10: {  	[tilespmem:s14], [sflag:$0x1] =	stream.linear.gather [hbm4b:s2+s4], $0x2800, $0x38;
	[tilespmem:$0x16100] =	vst v63  }
0x11: {  	p0 =	sne.s32 s7, $0x1;
	_ =	swait.ge [sflag:s15], $0x2800  }
.Ltmp0:
0x12: {  	[sflag:s15] =	ssyncset.done $0x0;
	(pc) =	sbr.rel @!p0 .LBB2_3-.Ltmp0, $4  }
0x13: {  	[sflag:s15] =	ssyncadd.s32 $0xFFFFD800  }
0x14: {  	[spmem:s9] =	stream.linear.scatter [tilespmem:s14], [sflag:$0x1], $0x2800, $0x38;
	[tilespmem:$0x16100] =	vst v63  }
0x15: {  	_ =	swait.ge [sflag:s15], $0x2800  }
0x16: {  	s18 =	sadd.s32 $0xFFFFFFFF, s7;
	s19 =	smov.u32 s9;
	[sflag:s15] =	ssyncset.done $0x0  }
.LBB2_2:
0x17: {  	p1 =	sne.s32 s18, $0x1;
	[sflag:s15] =	ssyncadd.s32 $0xFFFFD800;
	s19 =	sadd.s32 $0x2800, s19  }
.Ltmp1:
0x18: {  	s18 =	sadd.s32 $0xFFFFFFFF, s18;
	(pc) =	sbr.rel @p1 .LBB2_2-.Ltmp1, $4  }
0x19: {  	_ = 	snop  }
0x1a: {  	[spmem:s19] =	stream.linear.scatter [tilespmem:s14], [sflag:$0x1], $0x2800, $0x38;
	[tilespmem:$0x16100] =	vst v63  }
0x1b: {  	_ =	swait.ge [sflag:s15], $0x2800  }
0x1c: {  	[sflag:s15] =	ssyncset.done $0x0  }
.LBB2_3:
0x1d: {  	[sflag:s15] =	ssyncadd.s32 $0xFFFFD800  }
0x1e: {  	s18 =	sadd.s32 $0x0, s11;
	[bflag:$0x0] =	sbarrier.arrive $0xFFFF  }
0x1f: {  	[tilespmem:s4], [sflag:$0x1] =	stream.linear.gather [hbm4b:s18+s4], $0x50, $0x38;
	[tilespmem:$0x16100] =	vst v63  }
0x20: {  	_ =	swait.ge [sflag:s15], $0x50  }
0x21: {  	[sflag:s15] =	ssyncset.done $0x0  }
0x22: {  	[sflag:s15] =	ssyncadd.s32 $0xFFFFFFB0  }
0x23: {  	[tilespmem:s14], [sflag:$0x1] =	stream.linear.gather [hbm4b:s10+s4], $0x2800, $0x38;
	[tilespmem:$0x16100] =	vst v63  }
0x24: {  	_ =	swait.ge [sflag:s15], $0x2800  }
0x25: {  	[sflag:s15] =	ssyncset.done $0x0  }
0x26: {  	[sflag:s15] =	ssyncadd.s32 $0xFFFFD800  }
0x27: {  	[spmem:s3] =	stream.indirect.scatter.add.f32 [tilespmem:s14], [sflag:$0x1], $0x80, s4, s16, $0xb8;
	[tilespmem:$0x16100] =	vst v63  }
0x28: {  	s19 =	simm.s32 $0xA;
	_ =	swait.ge [sflag:s15], $0x2800  }
0x29: {  	s20 =	simm.s32 $0x14;
	s18 =	sadd.s32 $0x500, s10;
	[sflag:s15] =	ssyncset.done $0x0  }
.LBB2_4:
0x2a: {  	s21 =	sadd.s32 s19, s11  }
0x2b: {  	[sflag:s15] =	ssyncadd.s32 $0xFFFFD800;
	s19 =	smov.u32 s20;
	s22 =	sadd.s32 $0xA, s20  }
0x2c: {  	[tilespmem:s4], [sflag:$0x1] =	stream.linear.gather [hbm4b:s21+s4], $0x50, $0x38;
	[tilespmem:$0x16100] =	vst v63  }
0x2d: {  	p1 =	sne.s32 s20, $0x4D8;
	_ =	swait.ge [sflag:s15], $0x50  }
0x2e: {  	[sflag:s15] =	ssyncset.done $0x0  }
0x2f: {  	[sflag:s15] =	ssyncadd.s32 $0xFFFFFFB0  }
0x30: {  	[tilespmem:s14], [sflag:$0x1] =	stream.linear.gather [hbm4b:s18+s4], $0x2800, $0x38;
	[tilespmem:$0x16100] =	vst v63  }
0x31: {  	_ =	swait.ge [sflag:s15], $0x2800  }
.Ltmp2:
0x32: {  	[sflag:s15] =	ssyncset.done $0x0;
	(pc) =	sbr.rel @p1 .LBB2_4-.Ltmp2, $4  }
0x33: {  	[sflag:s15] =	ssyncadd.s32 $0xFFFFD800  }
0x34: {  	[spmem:s3] =	stream.indirect.scatter.add.f32 [tilespmem:s14], [sflag:$0x1], $0x80, s4, s16, $0xb8;
	[tilespmem:$0x16100] =	vst v63  }
0x35: {  	_ =	swait.ge [sflag:s15], $0x2800  }
0x36: {  	s20 =	smov.u32 s22;
	s18 =	sadd.s32 $0x500, s18;
	[sflag:s15] =	ssyncset.done $0x0  }
0x37: {  	s19 =	sadd.s32 s19, s11;
	[sflag:s15] =	ssyncadd.s32 $0xFFFFD800  }
0x38: {  	[tilespmem:s4], [sflag:$0x1] =	stream.linear.gather [hbm4b:s19+s4], $0x50, $0x38;
	[tilespmem:$0x16100] =	vst v63  }
0x39: {  	_ =	swait.ge [sflag:s15], $0x50  }
0x3a: {  	[sflag:s15] =	ssyncset.done $0x0  }
0x3b: {  	[sflag:s15] =	ssyncadd.s32 $0xFFFFFFB0  }
0x3c: {  	[tilespmem:s14], [sflag:$0x1] =	stream.linear.gather [hbm4b:s18+s4], $0x2800, $0x38;
	[tilespmem:$0x16100] =	vst v63  }
0x3d: {  	_ =	swait.ge [sflag:s15], $0x2800  }
0x3e: {  	[sflag:s15] =	ssyncset.done $0x0  }
0x3f: {  	[sflag:s15] =	ssyncadd.s32 $0xFFFFD800  }
0x40: {  	[spmem:s3] =	stream.indirect.scatter.add.f32 [tilespmem:s14], [sflag:$0x1], $0x80, s4, s16, $0xb8;
	[tilespmem:$0x16100] =	vst v63  }
0x41: {  	_ =	swait.ge [sflag:s15], $0x2800  }
0x42: {  	[sflag:s15] =	ssyncset.done $0x0  }
0x43: {  	[sflag:s15] =	ssyncadd.s32 $0xFFFFD800  }
0x44: {  	[bflag:$0x0] =	sbarrier.arrive $0xFFFF  }
0x45: {  	[tilespmem:s14], [sflag:$0x1] =	stream.linear.gather [spmem:s9], $0x2800, $0x38;
	[tilespmem:$0x16100] =	vst v63  }
0x46: {  	_ =	swait.ge [sflag:s15], $0x2800  }
.Ltmp3:
0x47: {  	s18 =	sshrl.u32 s12, $0x3;
	[sflag:s15] =	ssyncset.done $0x0;
	(pc) =	sbr.rel @!p0 .LBB2_7-.Ltmp3, $4  }
0x48: {  	s31 =	sadd.s32 s5, s18;
	[sflag:s15] =	ssyncadd.s32 $0xFFFFD800  }
0x49: {  	[hbm4b:s31+s4] =	stream.linear.scatter [tilespmem:s14], [sflag:$0x1], $0x2800, $0x38;
	[tilespmem:$0x16100] =	vst v63  }
0x4a: {  	s20 =	smov.u32 s12;
	_ =	swait.ge [sflag:s15], $0x2800  }
0x4b: {  	s21 =	smov.u32 s9;
	s19 =	sadd.s32 $0xFFFFFFFF, s7;
	[sflag:s15] =	ssyncset.done $0x0  }
.LBB2_6:
0x4c: {  	[sflag:s15] =	ssyncadd.s32 $0xFFFFD800;
	s20 =	sadd.s32 $0x2800, s20;
	s21 =	sadd.s32 $0x2800, s21  }
0x4d: {  	[tilespmem:s14], [sflag:$0x1] =	stream.linear.gather [spmem:s21], $0x2800, $0x38;
	[tilespmem:$0x16100] =	vst v63  }
0x4e: {  	p1 =	sne.s32 s19, $0x1;
	s19 =	sadd.s32 $0xFFFFFFFF, s19;
	_ =	swait.ge [sflag:s15], $0x2800  }
.Ltmp4:
0x4f: {  	s22 =	sshrl.u32 s20, $0x3;
	[sflag:s15] =	ssyncset.done $0x0;
	(pc) =	sbr.rel @p1 .LBB2_6-.Ltmp4, $4  }
0x50: {  	s22 =	sadd.s32 s5, s22;
	[sflag:s15] =	ssyncadd.s32 $0xFFFFD800  }
0x51: {  	[hbm4b:s22+s4] =	stream.linear.scatter [tilespmem:s14], [sflag:$0x1], $0x2800, $0x38;
	[tilespmem:$0x16100] =	vst v63  }
0x52: {  	_ =	swait.ge [sflag:s15], $0x2800  }
0x53: {  	[sflag:s15] =	ssyncset.done $0x0  }
.LBB2_7:
0x54: {  	[sflag:s15] =	ssyncadd.s32 $0xFFFFD800  }
0x55: {  	[bflag:$0x0] =	sbarrier.arrive $0xFFFF  }
0x56: {  	[tilespmem:s14], [sflag:$0x1] =	stream.linear.gather [hbm4b:s2+s4], $0x2800, $0x38;
	[tilespmem:$0x16100] =	vst v63  }
0x57: {  	_ =	swait.ge [sflag:s15], $0x2800  }
.Ltmp5:
0x58: {  	[sflag:s15] =	ssyncset.done $0x0;
	(pc) =	sbr.rel @!p0 .LBB2_9-.Ltmp5, $4  }
0x59: {  	[sflag:s15] =	ssyncadd.s32 $0xFFFFD800  }
0x5a: {  	[spmem:s9] =	stream.linear.scatter [tilespmem:s14], [sflag:$0x1], $0x2800, $0x38;
	[tilespmem:$0x16100] =	vst v63  }
0x5b: {  	_ =	swait.ge [sflag:s15], $0x2800  }
0x5c: {  	s19 =	sadd.s32 $0xFFFFFFFF, s7;
	s20 =	smov.u32 s9;
	[sflag:s15] =	ssyncset.done $0x0  }
.LBB2_8:
0x5d: {  	p1 =	sne.s32 s19, $0x1;
	[sflag:s15] =	ssyncadd.s32 $0xFFFFD800;
	s20 =	sadd.s32 $0x2800, s20  }
.Ltmp6:
0x5e: {  	s19 =	sadd.s32 $0xFFFFFFFF, s19;
	(pc) =	sbr.rel @p1 .LBB2_8-.Ltmp6, $4  }
0x5f: {  	_ = 	snop  }
0x60: {  	[spmem:s20] =	stream.linear.scatter [tilespmem:s14], [sflag:$0x1], $0x2800, $0x38;
	[tilespmem:$0x16100] =	vst v63  }
0x61: {  	_ =	swait.ge [sflag:s15], $0x2800  }
0x62: {  	[sflag:s15] =	ssyncset.done $0x0  }
.LBB2_9:
0x63: {  	[sflag:s15] =	ssyncadd.s32 $0xFFFFD800  }
0x64: {  	s19 =	sadd.s32 $0x0, s11;
	[bflag:$0x0] =	sbarrier.arrive $0xFFFF  }
0x65: {  	[tilespmem:s4], [sflag:$0x1] =	stream.linear.gather [hbm4b:s19+s4], $0x50, $0x38;
	[tilespmem:$0x16100] =	vst v63  }
0x66: {  	_ =	swait.ge [sflag:s15], $0x50  }
0x67: {  	[sflag:s15] =	ssyncset.done $0x0  }
0x68: {  	[sflag:s15] =	ssyncadd.s32 $0xFFFFFFB0  }
0x69: {  	[tilespmem:s14], [sflag:$0x1] =	stream.linear.gather [hbm4b:s13+s4], $0x2800, $0x38;
	[tilespmem:$0x16100] =	vst v63  }
0x6a: {  	_ =	swait.ge [sflag:s15], $0x2800  }
0x6b: {  	[sflag:s15] =	ssyncset.done $0x0  }
0x6c: {  	[sflag:s15] =	ssyncadd.s32 $0xFFFFD800  }
0x6d: {  	[spmem:s3] =	stream.indirect.scatter.add.f32 [tilespmem:s14], [sflag:$0x1], $0x80, s4, s16, $0xb8;
	[tilespmem:$0x16100] =	vst v63  }
0x6e: {  	s20 =	simm.s32 $0xA;
	_ =	swait.ge [sflag:s15], $0x2800  }
0x6f: {  	s21 =	simm.s32 $0x14;
	s19 =	sadd.s32 $0x500, s13;
	[sflag:s15] =	ssyncset.done $0x0  }
.LBB2_10:
0x70: {  	s22 =	sadd.s32 s20, s11  }
0x71: {  	[sflag:s15] =	ssyncadd.s32 $0xFFFFD800;
	s20 =	smov.u32 s21;
	s23 =	sadd.s32 $0xA, s21  }
0x72: {  	[tilespmem:s4], [sflag:$0x1] =	stream.linear.gather [hbm4b:s22+s4], $0x50, $0x38;
	[tilespmem:$0x16100] =	vst v63  }
0x73: {  	p1 =	sne.s32 s21, $0x4D8;
	_ =	swait.ge [sflag:s15], $0x50  }
0x74: {  	[sflag:s15] =	ssyncset.done $0x0  }
0x75: {  	[sflag:s15] =	ssyncadd.s32 $0xFFFFFFB0  }
0x76: {  	[tilespmem:s14], [sflag:$0x1] =	stream.linear.gather [hbm4b:s19+s4], $0x2800, $0x38;
	[tilespmem:$0x16100] =	vst v63  }
0x77: {  	_ =	swait.ge [sflag:s15], $0x2800  }
.Ltmp7:
0x78: {  	[sflag:s15] =	ssyncset.done $0x0;
	(pc) =	sbr.rel @p1 .LBB2_10-.Ltmp7, $4  }
0x79: {  	[sflag:s15] =	ssyncadd.s32 $0xFFFFD800  }
0x7a: {  	[spmem:s3] =	stream.indirect.scatter.add.f32 [tilespmem:s14], [sflag:$0x1], $0x80, s4, s16, $0xb8;
	[tilespmem:$0x16100] =	vst v63  }
0x7b: {  	_ =	swait.ge [sflag:s15], $0x2800  }
0x7c: {  	s21 =	smov.u32 s23;
	s19 =	sadd.s32 $0x500, s19;
	[sflag:s15] =	ssyncset.done $0x0  }
0x7d: {  	s20 =	sadd.s32 s20, s11;
	[sflag:s15] =	ssyncadd.s32 $0xFFFFD800  }
0x7e: {  	[tilespmem:s4], [sflag:$0x1] =	stream.linear.gather [hbm4b:s20+s4], $0x50, $0x38;
	[tilespmem:$0x16100] =	vst v63  }
0x7f: {  	_ =	swait.ge [sflag:s15], $0x50  }
0x80: {  	[sflag:s15] =	ssyncset.done $0x0  }
0x81: {  	[sflag:s15] =	ssyncadd.s32 $0xFFFFFFB0  }
0x82: {  	[tilespmem:s14], [sflag:$0x1] =	stream.linear.gather [hbm4b:s19+s4], $0x2800, $0x38;
	[tilespmem:$0x16100] =	vst v63  }
0x83: {  	_ =	swait.ge [sflag:s15], $0x2800  }
0x84: {  	[sflag:s15] =	ssyncset.done $0x0  }
0x85: {  	[sflag:s15] =	ssyncadd.s32 $0xFFFFD800  }
0x86: {  	[spmem:s3] =	stream.indirect.scatter.add.f32 [tilespmem:s14], [sflag:$0x1], $0x80, s4, s16, $0xb8;
	[tilespmem:$0x16100] =	vst v63  }
0x87: {  	_ =	swait.ge [sflag:s15], $0x2800  }
0x88: {  	[sflag:s15] =	ssyncset.done $0x0  }
0x89: {  	[sflag:s15] =	ssyncadd.s32 $0xFFFFD800  }
0x8a: {  	[bflag:$0x0] =	sbarrier.arrive $0xFFFF  }
0x8b: {  	[tilespmem:s14], [sflag:$0x1] =	stream.linear.gather [spmem:s9], $0x2800, $0x38;
	[tilespmem:$0x16100] =	vst v63  }
0x8c: {  	_ =	swait.ge [sflag:s15], $0x2800  }
.Ltmp8:
0x8d: {  	[sflag:s15] =	ssyncset.done $0x0;
	(pc) =	sbr.rel @!p0 .LBB2_13-.Ltmp8, $4  }
0x8e: {  	s18 =	sadd.s32 s6, s18;
	[sflag:s15] =	ssyncadd.s32 $0xFFFFD800  }
0x8f: {  	[hbm4b:s18+s4] =	stream.linear.scatter [tilespmem:s14], [sflag:$0x1], $0x2800, $0x38;
	[tilespmem:$0x16100] =	vst v63  }
0x90: {  	s20 =	smov.u32 s9;
	_ =	swait.ge [sflag:s15], $0x2800  }
0x91: {  	s19 =	smov.u32 s12;
	s18 =	sadd.s32 $0xFFFFFFFF, s7;
	[sflag:s15] =	ssyncset.done $0x0  }
.LBB2_12:
0x92: {  	[sflag:s15] =	ssyncadd.s32 $0xFFFFD800;
	s19 =	sadd.s32 $0x2800, s19;
	s20 =	sadd.s32 $0x2800, s20  }
0x93: {  	[tilespmem:s14], [sflag:$0x1] =	stream.linear.gather [spmem:s20], $0x2800, $0x38;
	[tilespmem:$0x16100] =	vst v63  }
0x94: {  	p0 =	sne.s32 s18, $0x1;
	s18 =	sadd.s32 $0xFFFFFFFF, s18;
	_ =	swait.ge [sflag:s15], $0x2800  }
.Ltmp9:
0x95: {  	s21 =	sshrl.u32 s19, $0x3;
	[sflag:s15] =	ssyncset.done $0x0;
	(pc) =	sbr.rel @p0 .LBB2_12-.Ltmp9, $4  }
0x96: {  	s21 =	sadd.s32 s6, s21;
	[sflag:s15] =	ssyncadd.s32 $0xFFFFD800  }
0x97: {  	[hbm4b:s21+s4] =	stream.linear.scatter [tilespmem:s14], [sflag:$0x1], $0x2800, $0x38;
	[tilespmem:$0x16100] =	vst v63  }
0x98: {  	_ =	swait.ge [sflag:s15], $0x2800  }
0x99: {  	[sflag:s15] =	ssyncset.done $0x0  }
.LBB2_13:
0x9a: {  	s17 =	sadd.s32 $0x1, s17  }
0x9b: {  	p0 =	sne.s32 s17, s8  }
.Ltmp10:
0x9c: {  	_ = 	snop;
	(pc) =	sbr.rel @p0 .LBB2_1-.Ltmp10, $3  }
0x9d: {  	_ = 	snop  }
0x9e: {  	[sflag:s15] =	ssyncadd.s32 $0xFFFFD800  }
0x9f: {  	[bflag:$0x0] =	sbarrier.arrive $0xFFFF;
	_ =	sdelay $0x1  }
0xa0: {  	_ =	sfence.sel $0x180000  }
0xa1: {  	[bflag:$0x0] =	sbarrier.arrive $0xFFFF  }
0xa2: {  	p0 =	sne.s32 s0, $0x0;
	_ =	strace $0x9000004A  }
0xa3: {  	s0 =	sadd.s32 @!p0 $0x100000, s1;
	[bflag:$0x2] =	sbarrier.arrive $0xFFFF  }
0xa4: {  	[sflag:s0] =	ssyncadd.tile.s32 @!p0 $0x1;
	_ =	shalt  }
.Lfunc_end2:
_tile_overlayer_lowered:
.L_overlay_start_2:
0xa5: {  	(tag) =	ssettag $0x2  }
0xa6: {  	s0 =	rddreg [dreg:$0x0];
	s2 =	stileid.u32  }
0xa7: {  	s1 =	rddreg [dreg:$0x1];
	p0 =	sne.s32 s2, $0x0  }
0xa8: {  	s3 =	rddreg [dreg:$0x2];
	[bflag:$0x3] =	sbarrier.arrive $0xFFFF;
	s2 =	simm.s32 @!p0 $0x1C01  }
0xa9: {  	[timem:s3], [sflag:s2] =	dma.local @!p0 [hbm:s0], s1  }
0xaa: {  	s0 =	simm.s32 @!p0 $0x1  }
0xab: {  	_ =	swait.ge @!p0 [sflag:s0], s1  }
0xac: {  	s1 =	ssub.s32 @!p0 $0x0, s1;
	[sflag:s0] =	ssyncset.done @!p0 $0x0  }
0xad: {  	[sflag:s0] =	ssyncadd.s32 @!p0 s1  }
0xae: {  	[bflag:$0x3] =	sbarrier.arrive $0xFFFF  }
0xaf: {  	_ =	shalt  }

// kernel: kernel.25.cloned.1.call-start
scs
__scs_entry_jumppad:
0x0: {  	(pc) =	sbr.rel $0x88, $3  }
0x1: {  	(tag) =	ssettag $0x0;
	lr =	simm.s32 $0x1  }
0x2: {  	[smem:$0x3F81] =	sst lr;
	_ =	strace $0xD0000000  }
0x3: {  	_ = 	snop  }
0x4: {  	_ = 	snop  }
0x5: {  	_ = 	snop  }
0x6: {  	_ = 	snop  }
0x7: {  	_ = 	snop  }
__scs_overlays_trampoline_lowered:
0x8: {  	[smem:$0x3F90] =	sst s0  }
0x9: {  	[smem:$0x3F91] =	sst s1  }
0xa: {  	[smem:$0x3F92] =	sst s2  }
0xb: {  	[smem:$0x3F93] =	sst s3  }
0xc: {  	[smem:$0x3F94] =	sst s4  }
0xd: {  	[smem:$0x3F95] =	sst s5  }
0xe: {  	[smem:$0x3F96] =	sst s6  }
0xf: {  	[smem:$0x3F97] =	sst s7  }
0x10: {  	[smem:$0x3F98] =	sst s8  }
0x11: {  	[smem:$0x3F99] =	sst s9;
	s0 =	simm.s32 @!p0 $0x0  }
0x12: {  	s1 =	sld [smem:$0x3F7F];
	s0 =	simm.s32 @p0 $0x1  }
0x13: {  	[smem:$0x3F9A] =	sst s0;
	s0 =	simm.s32 @!p1 $0x0  }
0x14: {  	s2 =	sld [smem:$0x3F7E];
	s0 =	simm.s32 @p1 $0x1  }
0x15: {  	[smem:$0x3F9B] =	sst s0;
	s0 =	simm.s32 @!p2 $0x0  }
0x16: {  	s3 =	sld [smem:$0x3FDB];
	s0 =	simm.s32 @p2 $0x1  }
0x17: {  	s4 =	simm.s32 $0x1BF5;
	[smem:$0x3F9D] =	sst s0  }
0x18: {  	s0 =	sld [smem:$0x3F80];
	_ =	swait.ge [sflag:s4], $0x0  }
0x19: {  	s7 =	sld [smem:$0x3F81]  }
0x1a: {  	s8 =	sadd.s32 $0xFFFFE003, lr  }
0x1b: {  	s9 =	sadd.s32 $0xFFFFFEF7, lr;
	s5 =	simm.s32 $0xFFFFFFFF;
	p2 =	slt.u32 s8, $0xFFFFF086  }
0x1c: {  	p1 =	slt.u32 s9, $0xF7A;
	s5 =	simm.s32 @!p2 $0x0  }
0x1d: {  	s5 =	simm.s32 @p1 $0x1;
	p0 =	seq.s32 s7, s2  }
0x1e: {  	s7 =	smul.u32 @!p0 $0xF7A, s2;
	p2 =	seq.s32 @!p0 s5, $0x0  }
0x1f: {  	s9 =	smul.u32 $0xF7A, s1;
	s8 =	simm.s32 @!p0 $0x1BF5;
	p2 =	por !p2, p0  }
0x20: {  	[sflag:s8] =	ssyncset.s32 @!p0 $0xFFFFF086;
	s6 =	sadd.s32 @!p0 s3, s7;
	s7 =	simm.s32 @!p0 $0x108  }
0x21: {  	s3 =	sadd.s32 s3, s9;
	s6 =	sadd.s32 @!p0 $0x88, s6;
	s7 =	simm.s32 @p2 $0x1082  }
0x22: {  	[simem:s7], [sflag:s8] =	dma.local @!p0 [hbm:s6], $0xF7A  }
0x23: {  	s9 =	sor.u32 $0xD0000000, s2;
	s6 =	simm.s32 $0x108;
	_ =	swait.ge @!p0 [sflag:s8], $0x0  }
0x24: {  	s3 =	sadd.s32 $0x88, s3;
	s6 =	simm.s32 @!p1 $0x1082;
	[sflag:s4] =	ssyncset.s32 $0xFFFFF086  }
0x25: {  	[simem:s6], [sflag:s4] =	dma.local [hbm:s3], $0xF7A  }
0x26: {  	[smem:$0x3F81] =	sst s1;
	(tag) =	ssettag s2;
	_ =	strace s9  }
0x27: {  	s1 =	sld [smem:$0x3F91]  }
0x28: {  	s2 =	sld [smem:$0x3F92]  }
0x29: {  	s4 =	sld [smem:$0x3F94]  }
0x2a: {  	p0 =	seq.s32 s5, $0x0;
	s5 =	sld [smem:$0x3F95]  }
0x2b: {  	s6 =	sld [smem:$0x3F96]  }
0x2c: {  	s7 =	sld [smem:$0x3F97]  }
0x2d: {  	s3 =	simm.s32 $0x108;
	s8 =	sld [smem:$0x3F98]  }
0x2e: {  	s3 =	simm.s32 @!p0 $0x1082;
	s9 =	sld [smem:$0x3F99]  }
0x2f: {  	lr =	sadd.s32 s0, s3;
	s0 =	sld [smem:$0x3F90]  }
0x30: {  	s3 =	sld [smem:$0x3F93]  }
0x31: {  	[smem:$0x3F9C] =	sst s10  }
0x32: {  	s10 =	sld [smem:$0x3F9A];
	_ =	sdelay $0x3  }
0x33: {  	p0 =	seq.s32 s10, $0x1;
	s10 =	sld [smem:$0x3F9C];
	_ =	sdelay $0x3  }
0x34: {  	[smem:$0x3F9C] =	sst s10  }
0x35: {  	s10 =	sld [smem:$0x3F9B];
	_ =	sdelay $0x3  }
0x36: {  	p1 =	seq.s32 s10, $0x1;
	s10 =	sld [smem:$0x3F9C];
	_ =	sdelay $0x3  }
0x37: {  	[smem:$0x3F9C] =	sst s10  }
0x38: {  	s10 =	sld [smem:$0x3F9D]  }
0x39: {  	_ = 	snop;
	(pc) =	sbr.ind lr, $3  }
0x3a: {  	_ = 	snop  }
0x3b: {  	_ = 	snop  }
0x3c: {  	p2 =	seq.s32 s10, $0x1;
	s10 =	sld [smem:$0x3F9C]  }
0x3d: {  	_ =	shalt  }
0x3e: {  	_ =	shalt  }
0x3f: {  	_ =	shalt  }
0x40: {  	_ =	shalt  }
0x41: {  	_ =	shalt  }
0x42: {  	_ =	shalt  }
0x43: {  	_ =	shalt  }
0x44: {  	_ =	shalt  }
0x45: {  	_ =	shalt  }
0x46: {  	_ =	shalt  }
0x47: {  	_ =	shalt  }
0x48: {  	_ =	shalt  }
0x49: {  	_ =	shalt  }
0x4a: {  	_ =	shalt  }
0x4b: {  	_ =	shalt  }
0x4c: {  	_ =	shalt  }
0x4d: {  	_ =	shalt  }
0x4e: {  	_ =	shalt  }
0x4f: {  	_ =	shalt  }
0x50: {  	_ =	shalt  }
0x51: {  	_ =	shalt  }
0x52: {  	_ =	shalt  }
0x53: {  	_ =	shalt  }
0x54: {  	_ =	shalt  }
0x55: {  	_ =	shalt  }
0x56: {  	_ =	shalt  }
0x57: {  	_ =	shalt  }
0x58: {  	_ =	shalt  }
0x59: {  	_ =	shalt  }
0x5a: {  	_ =	shalt  }
0x5b: {  	_ =	shalt  }
0x5c: {  	_ =	shalt  }
0x5d: {  	_ =	shalt  }
0x5e: {  	_ =	shalt  }
0x5f: {  	_ =	shalt  }
0x60: {  	_ =	shalt  }
0x61: {  	_ =	shalt  }
0x62: {  	_ =	shalt  }
0x63: {  	_ =	shalt  }
0x64: {  	_ =	shalt  }
0x65: {  	_ =	shalt  }
0x66: {  	_ =	shalt  }
0x67: {  	_ =	shalt  }
0x68: {  	_ =	shalt  }
0x69: {  	_ =	shalt  }
0x6a: {  	_ =	shalt  }
0x6b: {  	_ =	shalt  }
0x6c: {  	_ =	shalt  }
0x6d: {  	_ =	shalt  }
0x6e: {  	_ =	shalt  }
0x6f: {  	_ =	shalt  }
0x70: {  	_ =	shalt  }
0x71: {  	_ =	shalt  }
0x72: {  	_ =	shalt  }
0x73: {  	_ =	shalt  }
0x74: {  	_ =	shalt  }
0x75: {  	_ =	shalt  }
0x76: {  	_ =	shalt  }
0x77: {  	_ =	shalt  }
0x78: {  	_ =	shalt  }
0x79: {  	_ =	shalt  }
0x7a: {  	_ =	shalt  }
0x7b: {  	_ =	shalt  }
0x7c: {  	_ =	shalt  }
0x7d: {  	_ =	shalt  }
0x7e: {  	_ =	shalt  }
0x7f: {  	_ =	shalt  }
0x80: {  	_ =	shalt  }
0x81: {  	_ =	shalt  }
0x82: {  	_ =	shalt  }
0x83: {  	_ =	shalt  }
0x84: {  	_ =	shalt  }
0x85: {  	_ =	shalt  }
0x86: {  	_ =	shalt  }
0x87: {  	_ =	shalt  }
.Lfunc_end0:
.L_simem_size_0:
called_computation.2_lowered:
.L_overlay_start_0:
0x88: {  	s2 =	sld [smem:$0x3FD9]  }
0x89: {  	s3 =	sld [smem:$0x3FFE];
	_ =	sdelay $0x1  }
0x8a: {  	s1 =	srdreg.scid  }
0x8b: {  	s0 =	sand.u32 $0x1, s1  }
0x8c: {  	s16 =	sshll.u32 s0, $0xA;
	s2 =	sadd.s32 s3, s2  }
0x8d: {  	s2 =	sadd.s32 s2, s16  }
0x8e: {  	[smem:$0x3FA8] =	sst s2  }
0x8f: {  	_ = 	snop  }
0x90: {  	(tm) =	ssettm $0x1  }
0x91: {  	s17 =	sld [smem:$0x3FFB];
	_ =	sdelay $0x3  }
0x92: {  	_ =	strace s17  }
0x93: {  	s2 =	sld [smem:$0x3FFC];
	_ =	sdelay $0x3  }
0x94: {  	_ =	strace s2  }
0x95: {  	s2 =	sld [smem:$0x3FFD];
	_ =	sdelay $0x3  }
0x96: {  	_ =	strace s2  }
0x97: {  	_ =	strace $0x8FFFFFFF  }
0x98: {  	s18 =	sld [smem:$0x3FDB];
	_ =	sdelay $0x1  }
0x99: {  	s19 =	simm.s32 $_scs_section_size  }
0x9a: {  	s4 =	simm.s32 $_size__tile_overlayer_lowered;
	s5 =	simm.s32 $_tile_overlayer_lowered  }
0x9b: {  	s22 =	simm.s32 $0x1BFF;
	s21 =	sshll.u32 s5, $0x1;
	s2 =	sadd.s32 s19, s18  }
0x9c: {  	s6 =	simm.s32 $0x0;
	s20 =	sshll.u32 s4, $0x1;
	s4 =	sadd.s32 s21, s2  }
0x9d: {  	[timem:s6], [sflag:s22] =	dma.local [hbm:s4], s20  }
0x9e: {  	_ =	swait.ge [sflag:s22], s20  }
0x9f: {  	s3 =	ssub.s32 $0x0, s20;
	[sflag:s22] =	ssyncset.done $0x0  }
0xa0: {  	[sflag:s22] =	ssyncadd.s32 s3;
	_ =	sdelay $0x1  }
0xa1: {  	s23 =	simm.s32 $0x1B8B  }
0xa2: {  	_ =	swait.ge [sflag:s23], $0x1  }
0xa3: {  	[sflag:s23] =	ssyncset.done $0x0  }
0xa4: {  	s25 =	simm.s32 $0x1B8E;
	s24 =	sld [smem:$0x3FFE];
	[sflag:s23] =	ssyncadd.s32 $0xFFFFFFFF  }
0xa5: {  	s26 =	simm.s32 $execute0_lowered;
	[smem:$0x3FD2] =	sst s25  }
0xa6: {  	s4 =	sshll.u32 s26, $0x1;
	_ =	strace $0x8000004C;
	[dreg:$0x1] =	wrdreg $0xFFFFFFFF  }
0xa7: {  	s28 =	simm.s32 $_size_execute0_lowered;
	s2 =	sadd.s32 s2, s4;
	[dreg:$0x0] =	wrdreg $0x0  }
0xa8: {  	s4 =	sshll.u32 s28, $0x1;
	[dreg:$0x2] =	wrdreg s2  }
0xa9: {  	[dreg:$0x3] =	wrdreg s4  }
0xaa: {  	[dreg:$0x4] =	wrdreg $0xC0  }
0xab: {  	_ =	task [dreg:s6], $0x5FFFF  }
0xac: {  	[dreg:$0x1] =	wrdreg $0xFFFFFFFF  }
0xad: {  	[dreg:$0x0] =	wrdreg $0x60  }
0xae: {  	[dreg:$0x2] =	wrdreg s24  }
0xaf: {  	[dreg:$0x3] =	wrdreg $0x9  }
0xb0: {  	_ =	task.clear_ibuf [dreg:s6], $0x4FFFF;
	_ =	strace $0x9000004C  }
0xb1: {  	s29 =	simm.s32 $0x9;
	_ =	strace $0x8000004E  }
0xb2: {  	_ =	swait.ge [sflag:s29], $0x1  }
0xb3: {  	[sflag:s29] =	ssyncadd.s32 $0xFFFFFFFF  }
0xb4: {  	_ =	strace $0x9000004E  }
0xb5: {  	_ =	sfence  }
0xb6: {  	s30 =	sld [smem:$0x0];
	_ =	sdelay $0x2  }
0xb7: {  	s31 =	sshll.u32 s1, $0xD;
	s1 =	sshrl.u32 s1, $0x2  }
0xb8: {  	s3 =	sand.u32 $0x4000, s31;
	s1 =	sadd.s32 s1, s30  }
0xb9: {  	s0 =	sor.u32 s3, s0;
	s1 =	sshll.u32 s1, $0x11  }
0xba: {  	s0 =	sor.u32 s1, s0  }
0xbb: {  	s0 =	sadd.s32 $0x8F2B, s0  }
0xbc: {  	[sflag:s0] =	ssyncadd.remote.s32 $0x1  }
0xbd: {  	_ =	sfence.sel $0xFFFF  }
0xbe: {  	[dreg:$0x0] =	wrdreg $0xFFFFFFFF;
	(pc) =	sbr.abs _section_cstart, $3  }
0xbf: {  	[dreg:$0x1] =	wrdreg $0xFFFFFFFF  }
0xc0: {  	_ =	task.clear_ibuf [dreg:s6], $0x2FFFF;
	_ =	strace $0x9FFFFFFF  }
0xc1: {  	(tm) =	ssettm $0x7FFFFFFF  }
tec
execute0_lowered:
.L_overlay_start_1:
0x0: {  	(tag) =	ssettag $0x1  }
0x1: {  	s5 =	rddreg [dreg:$0x0]  }
0x2: {  	s0 =	rddreg [dreg:$0x1]  }
0x3: {  	s2 =	simm.s32 $0x0;
	s3 =	srdreg.scid;
	s1 =	stileid.u32  }
0x4: {  	s11 =	simm.s32 $0x80;
	s12 =	simm.s32 $0x50;
	s13 =	simm.s32 $0x100  }
0x5: {  	s14 =	simm.s32 $0x2900;
	s15 =	simm.s32 $0x1;
	s16 =	simm.s32 $0x2  }
0x6: {  	s17 =	simm.s32 $0x0;
	[smem:$0x7FF] =	sst s2;
	s7 =	smul.u32 $0x4E20, s1  }
0x7: {  	s6 =	sand.u32 $0x1, s3;
	s3 =	sadd.s32 $0x44A00, s5;
	s9 =	smul.u32 $0x4E200, s1  }
0x8: {  	s4 =	sadd.s32 $0x6BC00, s5;
	s8 =	smul.u32 $0x2710, s6;
	s10 =	ssub.s32 $0x2, s6  }
0x9: {  	_ =	strace $0x8000004D;
	s6 =	smul.u32 $0x27100, s6;
	s29 =	sshrl.u32 s10, $0x1  }
0xa: {  	s9 =	sadd.s32 s9, s5;
	s7 =	sadd.s32 s8, s7;
	s8 =	ssub.s32 s10, s29  }
0xb: {  	s31 =	sadd.s32 s6, s9;
	s10 =	simm.s32 $0x3;
	s7 =	sshrl.u32 s7, $0x3  }
0xc: {  	s6 =	sadd.s32 $0x92E00, s31;
	s30 =	sadd.s32 s7, s5;
	s5 =	smax.u32 s8, $0x1  }
0xd: {  	s7 =	sadd.s32 $0xA30C00, s31;
	s8 =	sadd.s32 $0x9C00, s30;
	s9 =	sadd.s32 $0x13A00, s30  }
.LBB2_1:
0xe: {  	s18 =	sadd.s32 $0x0, s9  }
0xf: {  	[tilespmem:s2], [sflag:$0x3] =	stream.linear.gather [hbm4b:s18+s2], $0x50, $0x38;
	[tilespmem:$0x5100] =	vst v63  }
0x10: {  	_ =	swait.ge [sflag:s10], $0x50  }
0x11: {  	[sflag:s10] =	ssyncset.done $0x0  }
0x12: {  	s31 =	sadd.s32 $0x0, s8;
	[sflag:s10] =	ssyncadd.s32 $0xFFFFFFB0  }
0x13: {  	[tilespmem:s11], [sflag:$0x3] =	stream.linear.gather [hbm4b:s31+s2], $0x50, $0x38;
	[tilespmem:$0x5100] =	vst v63  }
0x14: {  	_ =	swait.ge [sflag:s10], $0x50  }
0x15: {  	[sflag:s10] =	ssyncset.done $0x0  }
0x16: {  	[sflag:s10] =	ssyncadd.s32 $0xFFFFFFB0  }
0x17: {  	[tilespmem:s13], [sflag:$0x1] =	stream.indirect.gather [hbm4b:s3+s12], $0x80, s2, s12, $0xb8;
	[tilespmem:$0x5100] =	vst v63  }
0x18: {  	_ = 	snop  }
0x19: {  	[tilespmem:s14], [sflag:$0x2] =	stream.indirect.gather [hbm4b:s4+s12], $0x80, s11, s12, $0xb8;
	[tilespmem:$0x5100] =	vst v63  }
0x1a: {  	_ =	swait.ge [sflag:s15], $0x2800  }
0x1b: {  	[sflag:s15] =	ssyncset.done $0x0  }
0x1c: {  	[sflag:s15] =	ssyncadd.s32 $0xFFFFD800  }
0x1d: {  	[hbm4b:s6+s2] =	stream.linear.scatter [tilespmem:s13], [sflag:$0x3], $0x2800, $0x38;
	[tilespmem:$0x5100] =	vst v63  }
0x1e: {  	_ =	swait.ge [sflag:s10], $0x2800  }
0x1f: {  	[sflag:s10] =	ssyncset.done $0x0  }
0x20: {  	[sflag:s10] =	ssyncadd.s32 $0xFFFFD800  }
0x21: {  	_ =	swait.ge [sflag:s16], $0x2800  }
0x22: {  	[sflag:s16] =	ssyncset.done $0x0  }
0x23: {  	[sflag:s16] =	ssyncadd.s32 $0xFFFFD800  }
0x24: {  	[hbm4b:s7+s2] =	stream.linear.scatter [tilespmem:s14], [sflag:$0x3], $0x2800, $0x38;
	[tilespmem:$0x5100] =	vst v63  }
0x25: {  	s20 =	simm.s32 $0xA;
	s21 =	simm.s32 $0x14;
	_ =	swait.ge [sflag:s10], $0x2800  }
0x26: {  	s19 =	sadd.s32 $0x500, s6;
	s18 =	sadd.s32 $0x500, s7;
	[sflag:s10] =	ssyncset.done $0x0  }
.LBB2_2:
0x27: {  	s22 =	sadd.s32 s20, s9  }
0x28: {  	[sflag:s10] =	ssyncadd.s32 $0xFFFFD800;
	s23 =	smov.u32 s21;
	s24 =	sadd.s32 $0xA, s21  }
0x29: {  	[tilespmem:s2], [sflag:$0x3] =	stream.linear.gather [hbm4b:s22+s2], $0x50, $0x38;
	[tilespmem:$0x5100] =	vst v63  }
0x2a: {  	p0 =	sne.s32 s21, $0x4D8;
	_ =	swait.ge [sflag:s10], $0x50  }
0x2b: {  	[sflag:s10] =	ssyncset.done $0x0  }
0x2c: {  	s21 =	sadd.s32 s20, s8;
	s20 =	smov.u32 s23;
	[sflag:s10] =	ssyncadd.s32 $0xFFFFFFB0  }
0x2d: {  	[tilespmem:s11], [sflag:$0x3] =	stream.linear.gather [hbm4b:s21+s2], $0x50, $0x38;
	[tilespmem:$0x5100] =	vst v63  }
0x2e: {  	_ =	swait.ge [sflag:s10], $0x50  }
0x2f: {  	[sflag:s10] =	ssyncset.done $0x0  }
0x30: {  	[sflag:s10] =	ssyncadd.s32 $0xFFFFFFB0  }
0x31: {  	[tilespmem:s13], [sflag:$0x1] =	stream.indirect.gather [hbm4b:s3+s12], $0x80, s2, s12, $0xb8;
	[tilespmem:$0x5100] =	vst v63  }
0x32: {  	_ = 	snop  }
0x33: {  	[tilespmem:s14], [sflag:$0x2] =	stream.indirect.gather [hbm4b:s4+s12], $0x80, s11, s12, $0xb8;
	[tilespmem:$0x5100] =	vst v63  }
0x34: {  	_ =	swait.ge [sflag:s15], $0x2800  }
0x35: {  	[sflag:s15] =	ssyncset.done $0x0  }
0x36: {  	[sflag:s15] =	ssyncadd.s32 $0xFFFFD800  }
0x37: {  	[hbm4b:s19+s2] =	stream.linear.scatter [tilespmem:s13], [sflag:$0x3], $0x2800, $0x38;
	[tilespmem:$0x5100] =	vst v63  }
0x38: {  	_ =	swait.ge [sflag:s10], $0x2800  }
0x39: {  	[sflag:s10] =	ssyncset.done $0x0  }
0x3a: {  	[sflag:s10] =	ssyncadd.s32 $0xFFFFD800  }
0x3b: {  	_ =	swait.ge [sflag:s16], $0x2800  }
.Ltmp0:
0x3c: {  	[sflag:s16] =	ssyncset.done $0x0;
	(pc) =	sbr.rel @p0 .LBB2_2-.Ltmp0, $4  }
0x3d: {  	[sflag:s16] =	ssyncadd.s32 $0xFFFFD800  }
0x3e: {  	[hbm4b:s18+s2] =	stream.linear.scatter [tilespmem:s14], [sflag:$0x3], $0x2800, $0x38;
	[tilespmem:$0x5100] =	vst v63  }
0x3f: {  	s21 =	smov.u32 s24;
	_ =	swait.ge [sflag:s10], $0x2800  }
0x40: {  	s19 =	sadd.s32 $0x500, s19;
	s18 =	sadd.s32 $0x500, s18;
	[sflag:s10] =	ssyncset.done $0x0  }
0x41: {  	s21 =	sadd.s32 s20, s9;
	[sflag:s10] =	ssyncadd.s32 $0xFFFFD800  }
0x42: {  	[tilespmem:s2], [sflag:$0x3] =	stream.linear.gather [hbm4b:s21+s2], $0x50, $0x38;
	[tilespmem:$0x5100] =	vst v63  }
0x43: {  	_ =	swait.ge [sflag:s10], $0x50  }
0x44: {  	[sflag:s10] =	ssyncset.done $0x0  }
0x45: {  	s31 =	sadd.s32 s20, s8;
	[sflag:s10] =	ssyncadd.s32 $0xFFFFFFB0  }
0x46: {  	[tilespmem:s11], [sflag:$0x3] =	stream.linear.gather [hbm4b:s31+s2], $0x50, $0x38;
	[tilespmem:$0x5100] =	vst v63  }
0x47: {  	_ =	swait.ge [sflag:s10], $0x50  }
0x48: {  	[sflag:s10] =	ssyncset.done $0x0  }
0x49: {  	[sflag:s10] =	ssyncadd.s32 $0xFFFFFFB0  }
0x4a: {  	[tilespmem:s13], [sflag:$0x1] =	stream.indirect.gather [hbm4b:s3+s12], $0x80, s2, s12, $0xb8;
	[tilespmem:$0x5100] =	vst v63  }
0x4b: {  	_ = 	snop  }
0x4c: {  	[tilespmem:s14], [sflag:$0x2] =	stream.indirect.gather [hbm4b:s4+s12], $0x80, s11, s12, $0xb8;
	[tilespmem:$0x5100] =	vst v63  }
0x4d: {  	_ =	swait.ge [sflag:s15], $0x2800  }
0x4e: {  	[sflag:s15] =	ssyncset.done $0x0  }
0x4f: {  	[sflag:s15] =	ssyncadd.s32 $0xFFFFD800  }
0x50: {  	[hbm4b:s19+s2] =	stream.linear.scatter [tilespmem:s13], [sflag:$0x3], $0x2800, $0x38;
	[tilespmem:$0x5100] =	vst v63  }
0x51: {  	_ =	swait.ge [sflag:s10], $0x2800  }
0x52: {  	[sflag:s10] =	ssyncset.done $0x0  }
0x53: {  	[sflag:s10] =	ssyncadd.s32 $0xFFFFD800  }
0x54: {  	s17 =	sadd.s32 $0x1, s17;
	_ =	swait.ge [sflag:s16], $0x2800  }
0x55: {  	p0 =	sne.s32 s17, s5;
	[sflag:s16] =	ssyncset.done $0x0  }
.Ltmp1:
0x56: {  	[sflag:s16] =	ssyncadd.s32 $0xFFFFD800;
	(pc) =	sbr.rel @p0 .LBB2_1-.Ltmp1, $4  }
0x57: {  	[hbm4b:s18+s2] =	stream.linear.scatter [tilespmem:s14], [sflag:$0x3], $0x2800, $0x38;
	[tilespmem:$0x5100] =	vst v63  }
0x58: {  	_ =	swait.ge [sflag:s10], $0x2800  }
0x59: {  	[sflag:s10] =	ssyncset.done $0x0  }
0x5a: {  	[sflag:s10] =	ssyncadd.s32 $0xFFFFD800  }
0x5b: {  	_ =	sfence.sel $0x180000  }
0x5c: {  	[bflag:$0x0] =	sbarrier.arrive $0xFFFF  }
0x5d: {  	p0 =	sne.s32 s1, $0x0;
	_ =	strace $0x9000004D  }
0x5e: {  	s0 =	sadd.s32 @!p0 $0x100000, s0;
	[bflag:$0x2] =	sbarrier.arrive $0xFFFF  }
0x5f: {  	[sflag:s0] =	ssyncadd.tile.s32 @!p0 $0x1;
	_ =	shalt  }
.Lfunc_end2:
_tile_overlayer_lowered:
.L_overlay_start_2:
0x60: {  	(tag) =	ssettag $0x2  }
0x61: {  	s0 =	rddreg [dreg:$0x0];
	s2 =	stileid.u32  }
0x62: {  	s1 =	rddreg [dreg:$0x1];
	p0 =	sne.s32 s2, $0x0  }
0x63: {  	s3 =	rddreg [dreg:$0x2];
	[bflag:$0x3] =	sbarrier.arrive $0xFFFF;
	s2 =	simm.s32 @!p0 $0x1C03  }
0x64: {  	[timem:s3], [sflag:s2] =	dma.local @!p0 [hbm:s0], s1  }
0x65: {  	s0 =	simm.s32 @!p0 $0x3  }
0x66: {  	_ =	swait.ge @!p0 [sflag:s0], s1  }
0x67: {  	s1 =	ssub.s32 @!p0 $0x0, s1;
	[sflag:s0] =	ssyncset.done @!p0 $0x0  }
0x68: {  	[sflag:s0] =	ssyncadd.s32 @!p0 s1  }
0x69: {  	[bflag:$0x3] =	sbarrier.arrive $0xFFFF  }
0x6a: {  	_ =	shalt  }

// kernel: kernel.28.cloned.1.call-start
scs
__scs_entry_jumppad:
0x0: {  	(pc) =	sbr.rel $0x88, $3  }
0x1: {  	(tag) =	ssettag $0x0;
	lr =	simm.s32 $0x1  }
0x2: {  	[smem:$0x3F81] =	sst lr;
	_ =	strace $0xD0000000  }
0x3: {  	_ = 	snop  }
0x4: {  	_ = 	snop  }
0x5: {  	_ = 	snop  }
0x6: {  	_ = 	snop  }
0x7: {  	_ = 	snop  }
__scs_overlays_trampoline_lowered:
0x8: {  	[smem:$0x3F90] =	sst s0  }
0x9: {  	[smem:$0x3F91] =	sst s1  }
0xa: {  	[smem:$0x3F92] =	sst s2  }
0xb: {  	[smem:$0x3F93] =	sst s3  }
0xc: {  	[smem:$0x3F94] =	sst s4  }
0xd: {  	[smem:$0x3F95] =	sst s5  }
0xe: {  	[smem:$0x3F96] =	sst s6  }
0xf: {  	[smem:$0x3F97] =	sst s7  }
0x10: {  	[smem:$0x3F98] =	sst s8  }
0x11: {  	[smem:$0x3F99] =	sst s9;
	s0 =	simm.s32 @!p0 $0x0  }
0x12: {  	s1 =	sld [smem:$0x3F7F];
	s0 =	simm.s32 @p0 $0x1  }
0x13: {  	[smem:$0x3F9A] =	sst s0;
	s0 =	simm.s32 @!p1 $0x0  }
0x14: {  	s2 =	sld [smem:$0x3F7E];
	s0 =	simm.s32 @p1 $0x1  }
0x15: {  	[smem:$0x3F9B] =	sst s0;
	s0 =	simm.s32 @!p2 $0x0  }
0x16: {  	s3 =	sld [smem:$0x3FDB];
	s0 =	simm.s32 @p2 $0x1  }
0x17: {  	s4 =	simm.s32 $0x1BF5;
	[smem:$0x3F9D] =	sst s0  }
0x18: {  	s0 =	sld [smem:$0x3F80];
	_ =	swait.ge [sflag:s4], $0x0  }
0x19: {  	s7 =	sld [smem:$0x3F81]  }
0x1a: {  	s8 =	sadd.s32 $0xFFFFE003, lr  }
0x1b: {  	s9 =	sadd.s32 $0xFFFFFEF7, lr;
	s5 =	simm.s32 $0xFFFFFFFF;
	p2 =	slt.u32 s8, $0xFFFFF086  }
0x1c: {  	p1 =	slt.u32 s9, $0xF7A;
	s5 =	simm.s32 @!p2 $0x0  }
0x1d: {  	s5 =	simm.s32 @p1 $0x1;
	p0 =	seq.s32 s7, s2  }
0x1e: {  	s7 =	smul.u32 @!p0 $0xF7A, s2;
	p2 =	seq.s32 @!p0 s5, $0x0  }
0x1f: {  	s9 =	smul.u32 $0xF7A, s1;
	s8 =	simm.s32 @!p0 $0x1BF5;
	p2 =	por !p2, p0  }
0x20: {  	[sflag:s8] =	ssyncset.s32 @!p0 $0xFFFFF086;
	s6 =	sadd.s32 @!p0 s3, s7;
	s7 =	simm.s32 @!p0 $0x108  }
0x21: {  	s3 =	sadd.s32 s3, s9;
	s6 =	sadd.s32 @!p0 $0x88, s6;
	s7 =	simm.s32 @p2 $0x1082  }
0x22: {  	[simem:s7], [sflag:s8] =	dma.local @!p0 [hbm:s6], $0xF7A  }
0x23: {  	s9 =	sor.u32 $0xD0000000, s2;
	s6 =	simm.s32 $0x108;
	_ =	swait.ge @!p0 [sflag:s8], $0x0  }
0x24: {  	s3 =	sadd.s32 $0x88, s3;
	s6 =	simm.s32 @!p1 $0x1082;
	[sflag:s4] =	ssyncset.s32 $0xFFFFF086  }
0x25: {  	[simem:s6], [sflag:s4] =	dma.local [hbm:s3], $0xF7A  }
0x26: {  	[smem:$0x3F81] =	sst s1;
	(tag) =	ssettag s2;
	_ =	strace s9  }
0x27: {  	s1 =	sld [smem:$0x3F91]  }
0x28: {  	s2 =	sld [smem:$0x3F92]  }
0x29: {  	s4 =	sld [smem:$0x3F94]  }
0x2a: {  	p0 =	seq.s32 s5, $0x0;
	s5 =	sld [smem:$0x3F95]  }
0x2b: {  	s6 =	sld [smem:$0x3F96]  }
0x2c: {  	s7 =	sld [smem:$0x3F97]  }
0x2d: {  	s3 =	simm.s32 $0x108;
	s8 =	sld [smem:$0x3F98]  }
0x2e: {  	s3 =	simm.s32 @!p0 $0x1082;
	s9 =	sld [smem:$0x3F99]  }
0x2f: {  	lr =	sadd.s32 s0, s3;
	s0 =	sld [smem:$0x3F90]  }
0x30: {  	s3 =	sld [smem:$0x3F93]  }
0x31: {  	[smem:$0x3F9C] =	sst s10  }
0x32: {  	s10 =	sld [smem:$0x3F9A];
	_ =	sdelay $0x3  }
0x33: {  	p0 =	seq.s32 s10, $0x1;
	s10 =	sld [smem:$0x3F9C];
	_ =	sdelay $0x3  }
0x34: {  	[smem:$0x3F9C] =	sst s10  }
0x35: {  	s10 =	sld [smem:$0x3F9B];
	_ =	sdelay $0x3  }
0x36: {  	p1 =	seq.s32 s10, $0x1;
	s10 =	sld [smem:$0x3F9C];
	_ =	sdelay $0x3  }
0x37: {  	[smem:$0x3F9C] =	sst s10  }
0x38: {  	s10 =	sld [smem:$0x3F9D]  }
0x39: {  	_ = 	snop;
	(pc) =	sbr.ind lr, $3  }
0x3a: {  	_ = 	snop  }
0x3b: {  	_ = 	snop  }
0x3c: {  	p2 =	seq.s32 s10, $0x1;
	s10 =	sld [smem:$0x3F9C]  }
0x3d: {  	_ =	shalt  }
0x3e: {  	_ =	shalt  }
0x3f: {  	_ =	shalt  }
0x40: {  	_ =	shalt  }
0x41: {  	_ =	shalt  }
0x42: {  	_ =	shalt  }
0x43: {  	_ =	shalt  }
0x44: {  	_ =	shalt  }
0x45: {  	_ =	shalt  }
0x46: {  	_ =	shalt  }
0x47: {  	_ =	shalt  }
0x48: {  	_ =	shalt  }
0x49: {  	_ =	shalt  }
0x4a: {  	_ =	shalt  }
0x4b: {  	_ =	shalt  }
0x4c: {  	_ =	shalt  }
0x4d: {  	_ =	shalt  }
0x4e: {  	_ =	shalt  }
0x4f: {  	_ =	shalt  }
0x50: {  	_ =	shalt  }
0x51: {  	_ =	shalt  }
0x52: {  	_ =	shalt  }
0x53: {  	_ =	shalt  }
0x54: {  	_ =	shalt  }
0x55: {  	_ =	shalt  }
0x56: {  	_ =	shalt  }
0x57: {  	_ =	shalt  }
0x58: {  	_ =	shalt  }
0x59: {  	_ =	shalt  }
0x5a: {  	_ =	shalt  }
0x5b: {  	_ =	shalt  }
0x5c: {  	_ =	shalt  }
0x5d: {  	_ =	shalt  }
0x5e: {  	_ =	shalt  }
0x5f: {  	_ =	shalt  }
0x60: {  	_ =	shalt  }
0x61: {  	_ =	shalt  }
0x62: {  	_ =	shalt  }
0x63: {  	_ =	shalt  }
0x64: {  	_ =	shalt  }
0x65: {  	_ =	shalt  }
0x66: {  	_ =	shalt  }
0x67: {  	_ =	shalt  }
0x68: {  	_ =	shalt  }
0x69: {  	_ =	shalt  }
0x6a: {  	_ =	shalt  }
0x6b: {  	_ =	shalt  }
0x6c: {  	_ =	shalt  }
0x6d: {  	_ =	shalt  }
0x6e: {  	_ =	shalt  }
0x6f: {  	_ =	shalt  }
0x70: {  	_ =	shalt  }
0x71: {  	_ =	shalt  }
0x72: {  	_ =	shalt  }
0x73: {  	_ =	shalt  }
0x74: {  	_ =	shalt  }
0x75: {  	_ =	shalt  }
0x76: {  	_ =	shalt  }
0x77: {  	_ =	shalt  }
0x78: {  	_ =	shalt  }
0x79: {  	_ =	shalt  }
0x7a: {  	_ =	shalt  }
0x7b: {  	_ =	shalt  }
0x7c: {  	_ =	shalt  }
0x7d: {  	_ =	shalt  }
0x7e: {  	_ =	shalt  }
0x7f: {  	_ =	shalt  }
0x80: {  	_ =	shalt  }
0x81: {  	_ =	shalt  }
0x82: {  	_ =	shalt  }
0x83: {  	_ =	shalt  }
0x84: {  	_ =	shalt  }
0x85: {  	_ =	shalt  }
0x86: {  	_ =	shalt  }
0x87: {  	_ =	shalt  }
.Lfunc_end0:
.L_simem_size_0:
called_computation.3_lowered:
.L_overlay_start_0:
0x88: {  	s2 =	sld [smem:$0x3FD9]  }
0x89: {  	s3 =	sld [smem:$0x3FFE];
	_ =	sdelay $0x1  }
0x8a: {  	s1 =	srdreg.scid  }
0x8b: {  	s0 =	sand.u32 $0x1, s1  }
0x8c: {  	s14 =	sshll.u32 s0, $0xA;
	s2 =	sadd.s32 s3, s2  }
0x8d: {  	s2 =	sadd.s32 s2, s14  }
0x8e: {  	[smem:$0x3FA8] =	sst s2  }
0x8f: {  	_ = 	snop  }
0x90: {  	s2 =	sld [smem:$0x3FD0];
	_ =	sdelay $0x2  }
0x91: {  	s15 =	simm.s32 $0xA;
	s4 =	simm.s32 $0x10  }
0x92: {  	[smem:s4], [sflag:s15] =	dma.local [hbm:s2], $0x1  }
0x93: {  	_ =	swait.eq [sflag:s15], $0x1  }
0x94: {  	[sflag:s15] =	ssyncset.done $0x0  }
0x95: {  	[sflag:s15] =	ssyncadd.s32 $0xFFFFFFFF  }
0x96: {  	s16 =	sld [smem:$0x10];
	(tm) =	ssettm $0x1  }
0x97: {  	s17 =	sld [smem:$0x3FFB];
	_ =	sdelay $0x3  }
0x98: {  	_ =	strace s17  }
0x99: {  	s3 =	sld [smem:$0x3FFC];
	_ =	sdelay $0x3  }
0x9a: {  	_ =	strace s3  }
0x9b: {  	s3 =	sld [smem:$0x3FFD];
	_ =	sdelay $0x3  }
0x9c: {  	_ =	strace s3  }
0x9d: {  	_ =	strace $0x8FFFFFFF  }
0x9e: {  	s18 =	sld [smem:$0x3FDB];
	_ =	sdelay $0x1  }
0x9f: {  	s19 =	simm.s32 $_scs_section_size  }
0xa0: {  	s5 =	simm.s32 $_size__tile_overlayer_lowered;
	s6 =	simm.s32 $_tile_overlayer_lowered  }
0xa1: {  	s22 =	simm.s32 $0x1BFF;
	s21 =	sshll.u32 s6, $0x1;
	s3 =	sadd.s32 s19, s18  }
0xa2: {  	s7 =	simm.s32 $0x0;
	s20 =	sshll.u32 s5, $0x1;
	s5 =	sadd.s32 s21, s3  }
0xa3: {  	[timem:s7], [sflag:s22] =	dma.local [hbm:s5], s20  }
0xa4: {  	_ =	swait.ge [sflag:s22], s20  }
0xa5: {  	s4 =	ssub.s32 $0x0, s20;
	[sflag:s22] =	ssyncset.done $0x0  }
0xa6: {  	[sflag:s22] =	ssyncadd.s32 s4;
	_ =	sdelay $0x1  }
0xa7: {  	s23 =	simm.s32 $0x1B8B  }
0xa8: {  	_ =	swait.ge [sflag:s23], $0x1  }
0xa9: {  	[sflag:s23] =	ssyncset.done $0x0  }
0xaa: {  	s25 =	simm.s32 $0x1B8E;
	s24 =	sld [smem:$0x3FFE];
	[sflag:s23] =	ssyncadd.s32 $0xFFFFFFFF  }
0xab: {  	s26 =	simm.s32 $execute0_lowered;
	[smem:$0x3FD2] =	sst s25  }
0xac: {  	s5 =	sshll.u32 s26, $0x1;
	_ =	strace $0x8000004F;
	[dreg:$0x1] =	wrdreg $0xFFFFFFFF  }
0xad: {  	s28 =	simm.s32 $_size_execute0_lowered;
	s3 =	sadd.s32 s3, s5;
	[dreg:$0x0] =	wrdreg $0x0  }
0xae: {  	s5 =	sshll.u32 s28, $0x1;
	[dreg:$0x2] =	wrdreg s3  }
0xaf: {  	[dreg:$0x3] =	wrdreg s5  }
0xb0: {  	[dreg:$0x4] =	wrdreg $0xC0  }
0xb1: {  	_ =	task [dreg:s7], $0x5FFFF  }
0xb2: {  	[dreg:$0x1] =	wrdreg $0xFFFFFFFF  }
0xb3: {  	[dreg:$0x0] =	wrdreg $0x60  }
0xb4: {  	[dreg:$0x2] =	wrdreg s24  }
0xb5: {  	[dreg:$0x3] =	wrdreg s16  }
0xb6: {  	[dreg:$0x4] =	wrdreg $0x28800  }
0xb7: {  	[dreg:$0x5] =	wrdreg $0x9  }
0xb8: {  	_ =	task.clear_ibuf [dreg:s7], $0x6FFFF;
	_ =	strace $0x9000004F  }
0xb9: {  	s29 =	simm.s32 $0x9;
	_ =	strace $0x80000051  }
0xba: {  	_ =	swait.ge [sflag:s29], $0x1  }
0xbb: {  	[sflag:s29] =	ssyncadd.s32 $0xFFFFFFFF  }
0xbc: {  	_ =	strace $0x90000051  }
0xbd: {  	_ =	sfence  }
0xbe: {  	s30 =	sld [smem:$0x0];
	_ =	sdelay $0x2  }
0xbf: {  	s31 =	sshll.u32 s1, $0xD;
	s1 =	sshrl.u32 s1, $0x2  }
0xc0: {  	s3 =	sand.u32 $0x4000, s31;
	s1 =	sadd.s32 s1, s30  }
0xc1: {  	s0 =	sor.u32 s3, s0;
	s1 =	sshll.u32 s1, $0x11  }
0xc2: {  	s0 =	sor.u32 s1, s0  }
0xc3: {  	s0 =	sadd.s32 $0x8F2B, s0  }
0xc4: {  	[sflag:s0] =	ssyncadd.remote.s32 $0x1  }
0xc5: {  	_ =	sfence.sel $0xFFFF  }
0xc6: {  	[dreg:$0x0] =	wrdreg $0xFFFFFFFF;
	(pc) =	sbr.abs _section_cstart, $3  }
0xc7: {  	[dreg:$0x1] =	wrdreg $0xFFFFFFFF  }
0xc8: {  	_ =	task.clear_ibuf [dreg:s7], $0x2FFFF;
	_ =	strace $0x9FFFFFFF  }
0xc9: {  	(tm) =	ssettm $0x7FFFFFFF  }
tec
execute0_lowered:
.L_overlay_start_1:
0x0: {  	(tag) =	ssettag $0x1  }
0x1: {  	s6 =	rddreg [dreg:$0x0]  }
0x2: {  	s2 =	rddreg [dreg:$0x1];
	s0 =	stileid.u32  }
0x3: {  	s1 =	srdreg.scid;
	s5 =	smul.u32 $0x4E20, s0  }
0x4: {  	s3 =	rddreg [dreg:$0x2];
	s4 =	simm.s32 $0x0;
	s9 =	smul.u32 $0x4E200, s0  }
0x5: {  	s15 =	simm.s32 $0x1;
	s16 =	simm.s32 $0x50;
	s12 =	smul.u32 $0x50000, s0  }
0x6: {  	s8 =	sand.u32 $0x1, s1;
	s1 =	rddreg [dreg:$0x3];
	s31 =	smul.u32 $0x14000, s0  }
0x7: {  	s17 =	simm.s32 $0x0;
	[smem:$0x7FF] =	sst s4;
	s7 =	smul.u32 $0x2710, s8  }
0x8: {  	p0 =	seq.s32 s0, $0xF;
	_ =	strace $0x80000050;
	s13 =	smul.u32 $0x27100, s8  }
0x9: {  	s29 =	ssub.s32 $0x2, s8;
	s14 =	smul.u32 $0x138800, s8;
	s9 =	sadd.s32 s9, s6  }
0xa: {  	s10 =	sshrl.u32 s29, $0x1;
	s30 =	sshrl.u32 s12, $0x2;
	s5 =	sadd.s32 s7, s5  }
0xb: {  	s10 =	ssub.s32 s29, s10;
	s7 =	simm.s32 $0x5;
	s13 =	sadd.s32 s13, s9  }
0xc: {  	s9 =	sadd.s32 s30, s3;
	s12 =	sadd.s32 s31, s14;
	s14 =	simm.s32 $0x80  }
0xd: {  	s5 =	sshrl.u32 s5, $0x3;
	s8 =	smax.u32 s10, $0x1;
	s10 =	sadd.s32 $0xF12C00, s13  }
0xe: {  	s13 =	sadd.s32 $0x13F4C00, s13;
	s11 =	sadd.s32 s5, s6;
	s5 =	sadd.s32 $0xA30C00, s6  }
0xf: {  	s7 =	simm.s32 @!p0 $0x8;
	s6 =	sadd.s32 $0xA7EE00, s6;
	s11 =	sadd.s32 $0x13A00, s11  }
.LBB2_1:
0x10: {  	[tilespmem:s14], [sflag:$0x1] =	stream.linear.gather [hbm4b:s2+s4], $0x2800, $0x38;
	[tilespmem:$0x16100] =	vst v63  }
0x11: {  	p0 =	sne.s32 s7, $0x1;
	_ =	swait.ge [sflag:s15], $0x2800  }
.Ltmp0:
0x12: {  	[sflag:s15] =	ssyncset.done $0x0;
	(pc) =	sbr.rel @!p0 .LBB2_3-.Ltmp0, $4  }
0x13: {  	[sflag:s15] =	ssyncadd.s32 $0xFFFFD800  }
0x14: {  	[spmem:s9] =	stream.linear.scatter [tilespmem:s14], [sflag:$0x1], $0x2800, $0x38;
	[tilespmem:$0x16100] =	vst v63  }
0x15: {  	_ =	swait.ge [sflag:s15], $0x2800  }
0x16: {  	s18 =	sadd.s32 $0xFFFFFFFF, s7;
	s19 =	smov.u32 s9;
	[sflag:s15] =	ssyncset.done $0x0  }
.LBB2_2:
0x17: {  	p1 =	sne.s32 s18, $0x1;
	[sflag:s15] =	ssyncadd.s32 $0xFFFFD800;
	s19 =	sadd.s32 $0x2800, s19  }
.Ltmp1:
0x18: {  	s18 =	sadd.s32 $0xFFFFFFFF, s18;
	(pc) =	sbr.rel @p1 .LBB2_2-.Ltmp1, $4  }
0x19: {  	_ = 	snop  }
0x1a: {  	[spmem:s19] =	stream.linear.scatter [tilespmem:s14], [sflag:$0x1], $0x2800, $0x38;
	[tilespmem:$0x16100] =	vst v63  }
0x1b: {  	_ =	swait.ge [sflag:s15], $0x2800  }
0x1c: {  	[sflag:s15] =	ssyncset.done $0x0  }
.LBB2_3:
0x1d: {  	[sflag:s15] =	ssyncadd.s32 $0xFFFFD800  }
0x1e: {  	s18 =	sadd.s32 $0x0, s11;
	[bflag:$0x0] =	sbarrier.arrive $0xFFFF  }
0x1f: {  	[tilespmem:s4], [sflag:$0x1] =	stream.linear.gather [hbm4b:s18+s4], $0x50, $0x38;
	[tilespmem:$0x16100] =	vst v63  }
0x20: {  	_ =	swait.ge [sflag:s15], $0x50  }
0x21: {  	[sflag:s15] =	ssyncset.done $0x0  }
0x22: {  	[sflag:s15] =	ssyncadd.s32 $0xFFFFFFB0  }
0x23: {  	[tilespmem:s14], [sflag:$0x1] =	stream.linear.gather [hbm4b:s10+s4], $0x2800, $0x38;
	[tilespmem:$0x16100] =	vst v63  }
0x24: {  	_ =	swait.ge [sflag:s15], $0x2800  }
0x25: {  	[sflag:s15] =	ssyncset.done $0x0  }
0x26: {  	[sflag:s15] =	ssyncadd.s32 $0xFFFFD800  }
0x27: {  	[spmem:s3] =	stream.indirect.scatter.add.f32 [tilespmem:s14], [sflag:$0x1], $0x80, s4, s16, $0xb8;
	[tilespmem:$0x16100] =	vst v63  }
0x28: {  	s19 =	simm.s32 $0xA;
	_ =	swait.ge [sflag:s15], $0x2800  }
0x29: {  	s20 =	simm.s32 $0x14;
	s18 =	sadd.s32 $0x500, s10;
	[sflag:s15] =	ssyncset.done $0x0  }
.LBB2_4:
0x2a: {  	s21 =	sadd.s32 s19, s11  }
0x2b: {  	[sflag:s15] =	ssyncadd.s32 $0xFFFFD800;
	s19 =	smov.u32 s20;
	s22 =	sadd.s32 $0xA, s20  }
0x2c: {  	[tilespmem:s4], [sflag:$0x1] =	stream.linear.gather [hbm4b:s21+s4], $0x50, $0x38;
	[tilespmem:$0x16100] =	vst v63  }
0x2d: {  	p1 =	sne.s32 s20, $0x4D8;
	_ =	swait.ge [sflag:s15], $0x50  }
0x2e: {  	[sflag:s15] =	ssyncset.done $0x0  }
0x2f: {  	[sflag:s15] =	ssyncadd.s32 $0xFFFFFFB0  }
0x30: {  	[tilespmem:s14], [sflag:$0x1] =	stream.linear.gather [hbm4b:s18+s4], $0x2800, $0x38;
	[tilespmem:$0x16100] =	vst v63  }
0x31: {  	_ =	swait.ge [sflag:s15], $0x2800  }
.Ltmp2:
0x32: {  	[sflag:s15] =	ssyncset.done $0x0;
	(pc) =	sbr.rel @p1 .LBB2_4-.Ltmp2, $4  }
0x33: {  	[sflag:s15] =	ssyncadd.s32 $0xFFFFD800  }
0x34: {  	[spmem:s3] =	stream.indirect.scatter.add.f32 [tilespmem:s14], [sflag:$0x1], $0x80, s4, s16, $0xb8;
	[tilespmem:$0x16100] =	vst v63  }
0x35: {  	_ =	swait.ge [sflag:s15], $0x2800  }
0x36: {  	s20 =	smov.u32 s22;
	s18 =	sadd.s32 $0x500, s18;
	[sflag:s15] =	ssyncset.done $0x0  }
0x37: {  	s19 =	sadd.s32 s19, s11;
	[sflag:s15] =	ssyncadd.s32 $0xFFFFD800  }
0x38: {  	[tilespmem:s4], [sflag:$0x1] =	stream.linear.gather [hbm4b:s19+s4], $0x50, $0x38;
	[tilespmem:$0x16100] =	vst v63  }
0x39: {  	_ =	swait.ge [sflag:s15], $0x50  }
0x3a: {  	[sflag:s15] =	ssyncset.done $0x0  }
0x3b: {  	[sflag:s15] =	ssyncadd.s32 $0xFFFFFFB0  }
0x3c: {  	[tilespmem:s14], [sflag:$0x1] =	stream.linear.gather [hbm4b:s18+s4], $0x2800, $0x38;
	[tilespmem:$0x16100] =	vst v63  }
0x3d: {  	_ =	swait.ge [sflag:s15], $0x2800  }
0x3e: {  	[sflag:s15] =	ssyncset.done $0x0  }
0x3f: {  	[sflag:s15] =	ssyncadd.s32 $0xFFFFD800  }
0x40: {  	[spmem:s3] =	stream.indirect.scatter.add.f32 [tilespmem:s14], [sflag:$0x1], $0x80, s4, s16, $0xb8;
	[tilespmem:$0x16100] =	vst v63  }
0x41: {  	_ =	swait.ge [sflag:s15], $0x2800  }
0x42: {  	[sflag:s15] =	ssyncset.done $0x0  }
0x43: {  	[sflag:s15] =	ssyncadd.s32 $0xFFFFD800  }
0x44: {  	[bflag:$0x0] =	sbarrier.arrive $0xFFFF  }
0x45: {  	[tilespmem:s14], [sflag:$0x1] =	stream.linear.gather [spmem:s9], $0x2800, $0x38;
	[tilespmem:$0x16100] =	vst v63  }
0x46: {  	_ =	swait.ge [sflag:s15], $0x2800  }
.Ltmp3:
0x47: {  	s18 =	sshrl.u32 s12, $0x3;
	[sflag:s15] =	ssyncset.done $0x0;
	(pc) =	sbr.rel @!p0 .LBB2_7-.Ltmp3, $4  }
0x48: {  	s31 =	sadd.s32 s5, s18;
	[sflag:s15] =	ssyncadd.s32 $0xFFFFD800  }
0x49: {  	[hbm4b:s31+s4] =	stream.linear.scatter [tilespmem:s14], [sflag:$0x1], $0x2800, $0x38;
	[tilespmem:$0x16100] =	vst v63  }
0x4a: {  	s20 =	smov.u32 s12;
	_ =	swait.ge [sflag:s15], $0x2800  }
0x4b: {  	s21 =	smov.u32 s9;
	s19 =	sadd.s32 $0xFFFFFFFF, s7;
	[sflag:s15] =	ssyncset.done $0x0  }
.LBB2_6:
0x4c: {  	[sflag:s15] =	ssyncadd.s32 $0xFFFFD800;
	s20 =	sadd.s32 $0x2800, s20;
	s21 =	sadd.s32 $0x2800, s21  }
0x4d: {  	[tilespmem:s14], [sflag:$0x1] =	stream.linear.gather [spmem:s21], $0x2800, $0x38;
	[tilespmem:$0x16100] =	vst v63  }
0x4e: {  	p1 =	sne.s32 s19, $0x1;
	s19 =	sadd.s32 $0xFFFFFFFF, s19;
	_ =	swait.ge [sflag:s15], $0x2800  }
.Ltmp4:
0x4f: {  	s22 =	sshrl.u32 s20, $0x3;
	[sflag:s15] =	ssyncset.done $0x0;
	(pc) =	sbr.rel @p1 .LBB2_6-.Ltmp4, $4  }
0x50: {  	s22 =	sadd.s32 s5, s22;
	[sflag:s15] =	ssyncadd.s32 $0xFFFFD800  }
0x51: {  	[hbm4b:s22+s4] =	stream.linear.scatter [tilespmem:s14], [sflag:$0x1], $0x2800, $0x38;
	[tilespmem:$0x16100] =	vst v63  }
0x52: {  	_ =	swait.ge [sflag:s15], $0x2800  }
0x53: {  	[sflag:s15] =	ssyncset.done $0x0  }
.LBB2_7:
0x54: {  	[sflag:s15] =	ssyncadd.s32 $0xFFFFD800  }
0x55: {  	[bflag:$0x0] =	sbarrier.arrive $0xFFFF  }
0x56: {  	[tilespmem:s14], [sflag:$0x1] =	stream.linear.gather [hbm4b:s2+s4], $0x2800, $0x38;
	[tilespmem:$0x16100] =	vst v63  }
0x57: {  	_ =	swait.ge [sflag:s15], $0x2800  }
.Ltmp5:
0x58: {  	[sflag:s15] =	ssyncset.done $0x0;
	(pc) =	sbr.rel @!p0 .LBB2_9-.Ltmp5, $4  }
0x59: {  	[sflag:s15] =	ssyncadd.s32 $0xFFFFD800  }
0x5a: {  	[spmem:s9] =	stream.linear.scatter [tilespmem:s14], [sflag:$0x1], $0x2800, $0x38;
	[tilespmem:$0x16100] =	vst v63  }
0x5b: {  	_ =	swait.ge [sflag:s15], $0x2800  }
0x5c: {  	s19 =	sadd.s32 $0xFFFFFFFF, s7;
	s20 =	smov.u32 s9;
	[sflag:s15] =	ssyncset.done $0x0  }
.LBB2_8:
0x5d: {  	p1 =	sne.s32 s19, $0x1;
	[sflag:s15] =	ssyncadd.s32 $0xFFFFD800;
	s20 =	sadd.s32 $0x2800, s20  }
.Ltmp6:
0x5e: {  	s19 =	sadd.s32 $0xFFFFFFFF, s19;
	(pc) =	sbr.rel @p1 .LBB2_8-.Ltmp6, $4  }
0x5f: {  	_ = 	snop  }
0x60: {  	[spmem:s20] =	stream.linear.scatter [tilespmem:s14], [sflag:$0x1], $0x2800, $0x38;
	[tilespmem:$0x16100] =	vst v63  }
0x61: {  	_ =	swait.ge [sflag:s15], $0x2800  }
0x62: {  	[sflag:s15] =	ssyncset.done $0x0  }
.LBB2_9:
0x63: {  	[sflag:s15] =	ssyncadd.s32 $0xFFFFD800  }
0x64: {  	s19 =	sadd.s32 $0x0, s11;
	[bflag:$0x0] =	sbarrier.arrive $0xFFFF  }
0x65: {  	[tilespmem:s4], [sflag:$0x1] =	stream.linear.gather [hbm4b:s19+s4], $0x50, $0x38;
	[tilespmem:$0x16100] =	vst v63  }
0x66: {  	_ =	swait.ge [sflag:s15], $0x50  }
0x67: {  	[sflag:s15] =	ssyncset.done $0x0  }
0x68: {  	[sflag:s15] =	ssyncadd.s32 $0xFFFFFFB0  }
0x69: {  	[tilespmem:s14], [sflag:$0x1] =	stream.linear.gather [hbm4b:s13+s4], $0x2800, $0x38;
	[tilespmem:$0x16100] =	vst v63  }
0x6a: {  	_ =	swait.ge [sflag:s15], $0x2800  }
0x6b: {  	[sflag:s15] =	ssyncset.done $0x0  }
0x6c: {  	[sflag:s15] =	ssyncadd.s32 $0xFFFFD800  }
0x6d: {  	[spmem:s3] =	stream.indirect.scatter.add.f32 [tilespmem:s14], [sflag:$0x1], $0x80, s4, s16, $0xb8;
	[tilespmem:$0x16100] =	vst v63  }
0x6e: {  	s20 =	simm.s32 $0xA;
	_ =	swait.ge [sflag:s15], $0x2800  }
0x6f: {  	s21 =	simm.s32 $0x14;
	s19 =	sadd.s32 $0x500, s13;
	[sflag:s15] =	ssyncset.done $0x0  }
.LBB2_10:
0x70: {  	s22 =	sadd.s32 s20, s11  }
0x71: {  	[sflag:s15] =	ssyncadd.s32 $0xFFFFD800;
	s20 =	smov.u32 s21;
	s23 =	sadd.s32 $0xA, s21  }
0x72: {  	[tilespmem:s4], [sflag:$0x1] =	stream.linear.gather [hbm4b:s22+s4], $0x50, $0x38;
	[tilespmem:$0x16100] =	vst v63  }
0x73: {  	p1 =	sne.s32 s21, $0x4D8;
	_ =	swait.ge [sflag:s15], $0x50  }
0x74: {  	[sflag:s15] =	ssyncset.done $0x0  }
0x75: {  	[sflag:s15] =	ssyncadd.s32 $0xFFFFFFB0  }
0x76: {  	[tilespmem:s14], [sflag:$0x1] =	stream.linear.gather [hbm4b:s19+s4], $0x2800, $0x38;
	[tilespmem:$0x16100] =	vst v63  }
0x77: {  	_ =	swait.ge [sflag:s15], $0x2800  }
.Ltmp7:
0x78: {  	[sflag:s15] =	ssyncset.done $0x0;
	(pc) =	sbr.rel @p1 .LBB2_10-.Ltmp7, $4  }
0x79: {  	[sflag:s15] =	ssyncadd.s32 $0xFFFFD800  }
0x7a: {  	[spmem:s3] =	stream.indirect.scatter.add.f32 [tilespmem:s14], [sflag:$0x1], $0x80, s4, s16, $0xb8;
	[tilespmem:$0x16100] =	vst v63  }
0x7b: {  	_ =	swait.ge [sflag:s15], $0x2800  }
0x7c: {  	s21 =	smov.u32 s23;
	s19 =	sadd.s32 $0x500, s19;
	[sflag:s15] =	ssyncset.done $0x0  }
0x7d: {  	s20 =	sadd.s32 s20, s11;
	[sflag:s15] =	ssyncadd.s32 $0xFFFFD800  }
0x7e: {  	[tilespmem:s4], [sflag:$0x1] =	stream.linear.gather [hbm4b:s20+s4], $0x50, $0x38;
	[tilespmem:$0x16100] =	vst v63  }
0x7f: {  	_ =	swait.ge [sflag:s15], $0x50  }
0x80: {  	[sflag:s15] =	ssyncset.done $0x0  }
0x81: {  	[sflag:s15] =	ssyncadd.s32 $0xFFFFFFB0  }
0x82: {  	[tilespmem:s14], [sflag:$0x1] =	stream.linear.gather [hbm4b:s19+s4], $0x2800, $0x38;
	[tilespmem:$0x16100] =	vst v63  }
0x83: {  	_ =	swait.ge [sflag:s15], $0x2800  }
0x84: {  	[sflag:s15] =	ssyncset.done $0x0  }
0x85: {  	[sflag:s15] =	ssyncadd.s32 $0xFFFFD800  }
0x86: {  	[spmem:s3] =	stream.indirect.scatter.add.f32 [tilespmem:s14], [sflag:$0x1], $0x80, s4, s16, $0xb8;
	[tilespmem:$0x16100] =	vst v63  }
0x87: {  	_ =	swait.ge [sflag:s15], $0x2800  }
0x88: {  	[sflag:s15] =	ssyncset.done $0x0  }
0x89: {  	[sflag:s15] =	ssyncadd.s32 $0xFFFFD800  }
0x8a: {  	[bflag:$0x0] =	sbarrier.arrive $0xFFFF  }
0x8b: {  	[tilespmem:s14], [sflag:$0x1] =	stream.linear.gather [spmem:s9], $0x2800, $0x38;
	[tilespmem:$0x16100] =	vst v63  }
0x8c: {  	_ =	swait.ge [sflag:s15], $0x2800  }
.Ltmp8:
0x8d: {  	[sflag:s15] =	ssyncset.done $0x0;
	(pc) =	sbr.rel @!p0 .LBB2_13-.Ltmp8, $4  }
0x8e: {  	s18 =	sadd.s32 s6, s18;
	[sflag:s15] =	ssyncadd.s32 $0xFFFFD800  }
0x8f: {  	[hbm4b:s18+s4] =	stream.linear.scatter [tilespmem:s14], [sflag:$0x1], $0x2800, $0x38;
	[tilespmem:$0x16100] =	vst v63  }
0x90: {  	s20 =	smov.u32 s9;
	_ =	swait.ge [sflag:s15], $0x2800  }
0x91: {  	s19 =	smov.u32 s12;
	s18 =	sadd.s32 $0xFFFFFFFF, s7;
	[sflag:s15] =	ssyncset.done $0x0  }
.LBB2_12:
0x92: {  	[sflag:s15] =	ssyncadd.s32 $0xFFFFD800;
	s19 =	sadd.s32 $0x2800, s19;
	s20 =	sadd.s32 $0x2800, s20  }
0x93: {  	[tilespmem:s14], [sflag:$0x1] =	stream.linear.gather [spmem:s20], $0x2800, $0x38;
	[tilespmem:$0x16100] =	vst v63  }
0x94: {  	p0 =	sne.s32 s18, $0x1;
	s18 =	sadd.s32 $0xFFFFFFFF, s18;
	_ =	swait.ge [sflag:s15], $0x2800  }
.Ltmp9:
0x95: {  	s21 =	sshrl.u32 s19, $0x3;
	[sflag:s15] =	ssyncset.done $0x0;
	(pc) =	sbr.rel @p0 .LBB2_12-.Ltmp9, $4  }
0x96: {  	s21 =	sadd.s32 s6, s21;
	[sflag:s15] =	ssyncadd.s32 $0xFFFFD800  }
0x97: {  	[hbm4b:s21+s4] =	stream.linear.scatter [tilespmem:s14], [sflag:$0x1], $0x2800, $0x38;
	[tilespmem:$0x16100] =	vst v63  }
0x98: {  	_ =	swait.ge [sflag:s15], $0x2800  }
0x99: {  	[sflag:s15] =	ssyncset.done $0x0  }
.LBB2_13:
0x9a: {  	s17 =	sadd.s32 $0x1, s17  }
0x9b: {  	p0 =	sne.s32 s17, s8  }
.Ltmp10:
0x9c: {  	_ = 	snop;
	(pc) =	sbr.rel @p0 .LBB2_1-.Ltmp10, $3  }
0x9d: {  	_ = 	snop  }
0x9e: {  	[sflag:s15] =	ssyncadd.s32 $0xFFFFD800  }
0x9f: {  	[bflag:$0x0] =	sbarrier.arrive $0xFFFF;
	_ =	sdelay $0x1  }
0xa0: {  	_ =	sfence.sel $0x180000  }
0xa1: {  	[bflag:$0x0] =	sbarrier.arrive $0xFFFF  }
0xa2: {  	p0 =	sne.s32 s0, $0x0;
	_ =	strace $0x90000050  }
0xa3: {  	s0 =	sadd.s32 @!p0 $0x100000, s1;
	[bflag:$0x2] =	sbarrier.arrive $0xFFFF  }
0xa4: {  	[sflag:s0] =	ssyncadd.tile.s32 @!p0 $0x1;
	_ =	shalt  }
.Lfunc_end2:
_tile_overlayer_lowered:
.L_overlay_start_2:
0xa5: {  	(tag) =	ssettag $0x2  }
0xa6: {  	s0 =	rddreg [dreg:$0x0];
	s2 =	stileid.u32  }
0xa7: {  	s1 =	rddreg [dreg:$0x1];
	p0 =	sne.s32 s2, $0x0  }
0xa8: {  	s3 =	rddreg [dreg:$0x2];
	[bflag:$0x3] =	sbarrier.arrive $0xFFFF;
	s2 =	simm.s32 @!p0 $0x1C01  }
0xa9: {  	[timem:s3], [sflag:s2] =	dma.local @!p0 [hbm:s0], s1  }
0xaa: {  	s0 =	simm.s32 @!p0 $0x1  }
0xab: {  	_ =	swait.ge @!p0 [sflag:s0], s1  }
0xac: {  	s1 =	ssub.s32 @!p0 $0x0, s1;
	[sflag:s0] =	ssyncset.done @!p0 $0x0  }
0xad: {  	[sflag:s0] =	ssyncadd.s32 @!p0 s1  }
0xae: {  	[bflag:$0x3] =	sbarrier.arrive $0xFFFF  }
0xaf: {  	_ =	shalt  }

// kernel: kernel.31.cloned.1.call-start
scs
__scs_entry_jumppad:
0x0: {  	(pc) =	sbr.rel $0x88, $3  }
0x1: {  	(tag) =	ssettag $0x0;
	lr =	simm.s32 $0x1  }
0x2: {  	[smem:$0x3F81] =	sst lr;
	_ =	strace $0xD0000000  }
0x3: {  	_ = 	snop  }
0x4: {  	_ = 	snop  }
0x5: {  	_ = 	snop  }
0x6: {  	_ = 	snop  }
0x7: {  	_ = 	snop  }
__scs_overlays_trampoline_lowered:
0x8: {  	[smem:$0x3F90] =	sst s0  }
0x9: {  	[smem:$0x3F91] =	sst s1  }
0xa: {  	[smem:$0x3F92] =	sst s2  }
0xb: {  	[smem:$0x3F93] =	sst s3  }
0xc: {  	[smem:$0x3F94] =	sst s4  }
0xd: {  	[smem:$0x3F95] =	sst s5  }
0xe: {  	[smem:$0x3F96] =	sst s6  }
0xf: {  	[smem:$0x3F97] =	sst s7  }
0x10: {  	[smem:$0x3F98] =	sst s8  }
0x11: {  	[smem:$0x3F99] =	sst s9;
	s0 =	simm.s32 @!p0 $0x0  }
0x12: {  	s1 =	sld [smem:$0x3F7F];
	s0 =	simm.s32 @p0 $0x1  }
0x13: {  	[smem:$0x3F9A] =	sst s0;
	s0 =	simm.s32 @!p1 $0x0  }
0x14: {  	s2 =	sld [smem:$0x3F7E];
	s0 =	simm.s32 @p1 $0x1  }
0x15: {  	[smem:$0x3F9B] =	sst s0;
	s0 =	simm.s32 @!p2 $0x0  }
0x16: {  	s3 =	sld [smem:$0x3FDB];
	s0 =	simm.s32 @p2 $0x1  }
0x17: {  	s4 =	simm.s32 $0x1BF5;
	[smem:$0x3F9D] =	sst s0  }
0x18: {  	s0 =	sld [smem:$0x3F80];
	_ =	swait.ge [sflag:s4], $0x0  }
0x19: {  	s7 =	sld [smem:$0x3F81]  }
0x1a: {  	s8 =	sadd.s32 $0xFFFFE003, lr  }
0x1b: {  	s9 =	sadd.s32 $0xFFFFFEF7, lr;
	s5 =	simm.s32 $0xFFFFFFFF;
	p2 =	slt.u32 s8, $0xFFFFF086  }
0x1c: {  	p1 =	slt.u32 s9, $0xF7A;
	s5 =	simm.s32 @!p2 $0x0  }
0x1d: {  	s5 =	simm.s32 @p1 $0x1;
	p0 =	seq.s32 s7, s2  }
0x1e: {  	s7 =	smul.u32 @!p0 $0xF7A, s2;
	p2 =	seq.s32 @!p0 s5, $0x0  }
0x1f: {  	s9 =	smul.u32 $0xF7A, s1;
	s8 =	simm.s32 @!p0 $0x1BF5;
	p2 =	por !p2, p0  }
0x20: {  	[sflag:s8] =	ssyncset.s32 @!p0 $0xFFFFF086;
	s6 =	sadd.s32 @!p0 s3, s7;
	s7 =	simm.s32 @!p0 $0x108  }
0x21: {  	s3 =	sadd.s32 s3, s9;
	s6 =	sadd.s32 @!p0 $0x88, s6;
	s7 =	simm.s32 @p2 $0x1082  }
0x22: {  	[simem:s7], [sflag:s8] =	dma.local @!p0 [hbm:s6], $0xF7A  }
0x23: {  	s9 =	sor.u32 $0xD0000000, s2;
	s6 =	simm.s32 $0x108;
	_ =	swait.ge @!p0 [sflag:s8], $0x0  }
0x24: {  	s3 =	sadd.s32 $0x88, s3;
	s6 =	simm.s32 @!p1 $0x1082;
	[sflag:s4] =	ssyncset.s32 $0xFFFFF086  }
0x25: {  	[simem:s6], [sflag:s4] =	dma.local [hbm:s3], $0xF7A  }
0x26: {  	[smem:$0x3F81] =	sst s1;
	(tag) =	ssettag s2;
	_ =	strace s9  }
0x27: {  	s1 =	sld [smem:$0x3F91]  }
0x28: {  	s2 =	sld [smem:$0x3F92]  }
0x29: {  	s4 =	sld [smem:$0x3F94]  }
0x2a: {  	p0 =	seq.s32 s5, $0x0;
	s5 =	sld [smem:$0x3F95]  }
0x2b: {  	s6 =	sld [smem:$0x3F96]  }
0x2c: {  	s7 =	sld [smem:$0x3F97]  }
0x2d: {  	s3 =	simm.s32 $0x108;
	s8 =	sld [smem:$0x3F98]  }
0x2e: {  	s3 =	simm.s32 @!p0 $0x1082;
	s9 =	sld [smem:$0x3F99]  }
0x2f: {  	lr =	sadd.s32 s0, s3;
	s0 =	sld [smem:$0x3F90]  }
0x30: {  	s3 =	sld [smem:$0x3F93]  }
0x31: {  	[smem:$0x3F9C] =	sst s10  }
0x32: {  	s10 =	sld [smem:$0x3F9A];
	_ =	sdelay $0x3  }
0x33: {  	p0 =	seq.s32 s10, $0x1;
	s10 =	sld [smem:$0x3F9C];
	_ =	sdelay $0x3  }
0x34: {  	[smem:$0x3F9C] =	sst s10  }
0x35: {  	s10 =	sld [smem:$0x3F9B];
	_ =	sdelay $0x3  }
0x36: {  	p1 =	seq.s32 s10, $0x1;
	s10 =	sld [smem:$0x3F9C];
	_ =	sdelay $0x3  }
0x37: {  	[smem:$0x3F9C] =	sst s10  }
0x38: {  	s10 =	sld [smem:$0x3F9D]  }
0x39: {  	_ = 	snop;
	(pc) =	sbr.ind lr, $3  }
0x3a: {  	_ = 	snop  }
0x3b: {  	_ = 	snop  }
0x3c: {  	p2 =	seq.s32 s10, $0x1;
	s10 =	sld [smem:$0x3F9C]  }
0x3d: {  	_ =	shalt  }
0x3e: {  	_ =	shalt  }
0x3f: {  	_ =	shalt  }
0x40: {  	_ =	shalt  }
0x41: {  	_ =	shalt  }
0x42: {  	_ =	shalt  }
0x43: {  	_ =	shalt  }
0x44: {  	_ =	shalt  }
0x45: {  	_ =	shalt  }
0x46: {  	_ =	shalt  }
0x47: {  	_ =	shalt  }
0x48: {  	_ =	shalt  }
0x49: {  	_ =	shalt  }
0x4a: {  	_ =	shalt  }
0x4b: {  	_ =	shalt  }
0x4c: {  	_ =	shalt  }
0x4d: {  	_ =	shalt  }
0x4e: {  	_ =	shalt  }
0x4f: {  	_ =	shalt  }
0x50: {  	_ =	shalt  }
0x51: {  	_ =	shalt  }
0x52: {  	_ =	shalt  }
0x53: {  	_ =	shalt  }
0x54: {  	_ =	shalt  }
0x55: {  	_ =	shalt  }
0x56: {  	_ =	shalt  }
0x57: {  	_ =	shalt  }
0x58: {  	_ =	shalt  }
0x59: {  	_ =	shalt  }
0x5a: {  	_ =	shalt  }
0x5b: {  	_ =	shalt  }
0x5c: {  	_ =	shalt  }
0x5d: {  	_ =	shalt  }
0x5e: {  	_ =	shalt  }
0x5f: {  	_ =	shalt  }
0x60: {  	_ =	shalt  }
0x61: {  	_ =	shalt  }
0x62: {  	_ =	shalt  }
0x63: {  	_ =	shalt  }
0x64: {  	_ =	shalt  }
0x65: {  	_ =	shalt  }
0x66: {  	_ =	shalt  }
0x67: {  	_ =	shalt  }
0x68: {  	_ =	shalt  }
0x69: {  	_ =	shalt  }
0x6a: {  	_ =	shalt  }
0x6b: {  	_ =	shalt  }
0x6c: {  	_ =	shalt  }
0x6d: {  	_ =	shalt  }
0x6e: {  	_ =	shalt  }
0x6f: {  	_ =	shalt  }
0x70: {  	_ =	shalt  }
0x71: {  	_ =	shalt  }
0x72: {  	_ =	shalt  }
0x73: {  	_ =	shalt  }
0x74: {  	_ =	shalt  }
0x75: {  	_ =	shalt  }
0x76: {  	_ =	shalt  }
0x77: {  	_ =	shalt  }
0x78: {  	_ =	shalt  }
0x79: {  	_ =	shalt  }
0x7a: {  	_ =	shalt  }
0x7b: {  	_ =	shalt  }
0x7c: {  	_ =	shalt  }
0x7d: {  	_ =	shalt  }
0x7e: {  	_ =	shalt  }
0x7f: {  	_ =	shalt  }
0x80: {  	_ =	shalt  }
0x81: {  	_ =	shalt  }
0x82: {  	_ =	shalt  }
0x83: {  	_ =	shalt  }
0x84: {  	_ =	shalt  }
0x85: {  	_ =	shalt  }
0x86: {  	_ =	shalt  }
0x87: {  	_ =	shalt  }
.Lfunc_end0:
.L_simem_size_0:
called_computation.4_lowered:
.L_overlay_start_0:
0x88: {  	s2 =	sld [smem:$0x3FD9]  }
0x89: {  	s3 =	sld [smem:$0x3FFE];
	_ =	sdelay $0x1  }
0x8a: {  	s1 =	srdreg.scid  }
0x8b: {  	s0 =	sand.u32 $0x1, s1  }
0x8c: {  	s16 =	sshll.u32 s0, $0xA;
	s2 =	sadd.s32 s3, s2  }
0x8d: {  	s2 =	sadd.s32 s2, s16  }
0x8e: {  	[smem:$0x3FA8] =	sst s2  }
0x8f: {  	_ = 	snop  }
0x90: {  	(tm) =	ssettm $0x1  }
0x91: {  	s17 =	sld [smem:$0x3FFB];
	_ =	sdelay $0x3  }
0x92: {  	_ =	strace s17  }
0x93: {  	s2 =	sld [smem:$0x3FFC];
	_ =	sdelay $0x3  }
0x94: {  	_ =	strace s2  }
0x95: {  	s2 =	sld [smem:$0x3FFD];
	_ =	sdelay $0x3  }
0x96: {  	_ =	strace s2  }
0x97: {  	_ =	strace $0x8FFFFFFF  }
0x98: {  	s18 =	sld [smem:$0x3FDB];
	_ =	sdelay $0x1  }
0x99: {  	s19 =	simm.s32 $_scs_section_size  }
0x9a: {  	s4 =	simm.s32 $_size__tile_overlayer_lowered;
	s5 =	simm.s32 $_tile_overlayer_lowered  }
0x9b: {  	s22 =	simm.s32 $0x1BFF;
	s21 =	sshll.u32 s5, $0x1;
	s2 =	sadd.s32 s19, s18  }
0x9c: {  	s6 =	simm.s32 $0x0;
	s20 =	sshll.u32 s4, $0x1;
	s4 =	sadd.s32 s21, s2  }
0x9d: {  	[timem:s6], [sflag:s22] =	dma.local [hbm:s4], s20  }
0x9e: {  	_ =	swait.ge [sflag:s22], s20  }
0x9f: {  	s3 =	ssub.s32 $0x0, s20;
	[sflag:s22] =	ssyncset.done $0x0  }
0xa0: {  	[sflag:s22] =	ssyncadd.s32 s3;
	_ =	sdelay $0x1  }
0xa1: {  	s23 =	simm.s32 $0x1B8B  }
0xa2: {  	_ =	swait.ge [sflag:s23], $0x1  }
0xa3: {  	[sflag:s23] =	ssyncset.done $0x0  }
0xa4: {  	s25 =	simm.s32 $0x1B8E;
	s24 =	sld [smem:$0x3FFE];
	[sflag:s23] =	ssyncadd.s32 $0xFFFFFFFF  }
0xa5: {  	s26 =	simm.s32 $execute0_lowered;
	[smem:$0x3FD2] =	sst s25  }
0xa6: {  	s4 =	sshll.u32 s26, $0x1;
	_ =	strace $0x80000052;
	[dreg:$0x1] =	wrdreg $0xFFFFFFFF  }
0xa7: {  	s28 =	simm.s32 $_size_execute0_lowered;
	s2 =	sadd.s32 s2, s4;
	[dreg:$0x0] =	wrdreg $0x0  }
0xa8: {  	s4 =	sshll.u32 s28, $0x1;
	[dreg:$0x2] =	wrdreg s2  }
0xa9: {  	[dreg:$0x3] =	wrdreg s4  }
0xaa: {  	[dreg:$0x4] =	wrdreg $0xC0  }
0xab: {  	_ =	task [dreg:s6], $0x5FFFF  }
0xac: {  	[dreg:$0x1] =	wrdreg $0xFFFFFFFF  }
0xad: {  	[dreg:$0x0] =	wrdreg $0x60  }
0xae: {  	[dreg:$0x2] =	wrdreg s24  }
0xaf: {  	[dreg:$0x3] =	wrdreg $0x9  }
0xb0: {  	_ =	task.clear_ibuf [dreg:s6], $0x4FFFF;
	_ =	strace $0x90000052  }
0xb1: {  	s29 =	simm.s32 $0x9;
	_ =	strace $0x80000054  }
0xb2: {  	_ =	swait.ge [sflag:s29], $0x1  }
0xb3: {  	[sflag:s29] =	ssyncadd.s32 $0xFFFFFFFF  }
0xb4: {  	_ =	strace $0x90000054  }
0xb5: {  	_ =	sfence  }
0xb6: {  	s30 =	sld [smem:$0x0];
	_ =	sdelay $0x2  }
0xb7: {  	s31 =	sshll.u32 s1, $0xD;
	s1 =	sshrl.u32 s1, $0x2  }
0xb8: {  	s3 =	sand.u32 $0x4000, s31;
	s1 =	sadd.s32 s1, s30  }
0xb9: {  	s0 =	sor.u32 s3, s0;
	s1 =	sshll.u32 s1, $0x11  }
0xba: {  	s0 =	sor.u32 s1, s0  }
0xbb: {  	s0 =	sadd.s32 $0x8F2B, s0  }
0xbc: {  	[sflag:s0] =	ssyncadd.remote.s32 $0x1  }
0xbd: {  	_ =	sfence.sel $0xFFFF  }
0xbe: {  	[dreg:$0x0] =	wrdreg $0xFFFFFFFF;
	(pc) =	sbr.abs _section_cstart, $3  }
0xbf: {  	[dreg:$0x1] =	wrdreg $0xFFFFFFFF  }
0xc0: {  	_ =	task.clear_ibuf [dreg:s6], $0x2FFFF;
	_ =	strace $0x9FFFFFFF  }
0xc1: {  	(tm) =	ssettm $0x7FFFFFFF  }
tec
execute0_lowered:
.L_overlay_start_1:
0x0: {  	(tag) =	ssettag $0x1  }
0x1: {  	s5 =	rddreg [dreg:$0x0]  }
0x2: {  	s0 =	rddreg [dreg:$0x1]  }
0x3: {  	s2 =	simm.s32 $0x0;
	s3 =	srdreg.scid;
	s1 =	stileid.u32  }
0x4: {  	s11 =	simm.s32 $0x80;
	s12 =	simm.s32 $0x50;
	s13 =	simm.s32 $0x100  }
0x5: {  	s14 =	simm.s32 $0x2900;
	s15 =	simm.s32 $0x1;
	s16 =	simm.s32 $0x2  }
0x6: {  	s17 =	simm.s32 $0x0;
	[smem:$0x7FF] =	sst s2;
	s7 =	smul.u32 $0x4E20, s1  }
0x7: {  	s6 =	sand.u32 $0x1, s3;
	s3 =	sadd.s32 $0x44A00, s5;
	s9 =	smul.u32 $0x4E200, s1  }
0x8: {  	s4 =	sadd.s32 $0x6BC00, s5;
	s8 =	smul.u32 $0x2710, s6;
	s10 =	ssub.s32 $0x2, s6  }
0x9: {  	_ =	strace $0x80000053;
	s6 =	smul.u32 $0x27100, s6;
	s29 =	sshrl.u32 s10, $0x1  }
0xa: {  	s9 =	sadd.s32 s9, s5;
	s7 =	sadd.s32 s8, s7;
	s8 =	ssub.s32 s10, s29  }
0xb: {  	s31 =	sadd.s32 s6, s9;
	s10 =	simm.s32 $0x3;
	s7 =	sshrl.u32 s7, $0x3  }
0xc: {  	s6 =	sadd.s32 $0x92E00, s31;
	s30 =	sadd.s32 s7, s5;
	s5 =	smax.u32 s8, $0x1  }
0xd: {  	s7 =	sadd.s32 $0xA30C00, s31;
	s8 =	sadd.s32 $0x9C00, s30;
	s9 =	sadd.s32 $0x13A00, s30  }
.LBB2_1:
0xe: {  	s18 =	sadd.s32 $0x0, s9  }
0xf: {  	[tilespmem:s2], [sflag:$0x3] =	stream.linear.gather [hbm4b:s18+s2], $0x50, $0x38;
	[tilespmem:$0x5100] =	vst v63  }
0x10: {  	_ =	swait.ge [sflag:s10], $0x50  }
0x11: {  	[sflag:s10] =	ssyncset.done $0x0  }
0x12: {  	s31 =	sadd.s32 $0x0, s8;
	[sflag:s10] =	ssyncadd.s32 $0xFFFFFFB0  }
0x13: {  	[tilespmem:s11], [sflag:$0x3] =	stream.linear.gather [hbm4b:s31+s2], $0x50, $0x38;
	[tilespmem:$0x5100] =	vst v63  }
0x14: {  	_ =	swait.ge [sflag:s10], $0x50  }
0x15: {  	[sflag:s10] =	ssyncset.done $0x0  }
0x16: {  	[sflag:s10] =	ssyncadd.s32 $0xFFFFFFB0  }
0x17: {  	[tilespmem:s13], [sflag:$0x1] =	stream.indirect.gather [hbm4b:s3+s12], $0x80, s2, s12, $0xb8;
	[tilespmem:$0x5100] =	vst v63  }
0x18: {  	_ = 	snop  }
0x19: {  	[tilespmem:s14], [sflag:$0x2] =	stream.indirect.gather [hbm4b:s4+s12], $0x80, s11, s12, $0xb8;
	[tilespmem:$0x5100] =	vst v63  }
0x1a: {  	_ =	swait.ge [sflag:s15], $0x2800  }
0x1b: {  	[sflag:s15] =	ssyncset.done $0x0  }
0x1c: {  	[sflag:s15] =	ssyncadd.s32 $0xFFFFD800  }
0x1d: {  	[hbm4b:s6+s2] =	stream.linear.scatter [tilespmem:s13], [sflag:$0x3], $0x2800, $0x38;
	[tilespmem:$0x5100] =	vst v63  }
0x1e: {  	_ =	swait.ge [sflag:s10], $0x2800  }
0x1f: {  	[sflag:s10] =	ssyncset.done $0x0  }
0x20: {  	[sflag:s10] =	ssyncadd.s32 $0xFFFFD800  }
0x21: {  	_ =	swait.ge [sflag:s16], $0x2800  }
0x22: {  	[sflag:s16] =	ssyncset.done $0x0  }
0x23: {  	[sflag:s16] =	ssyncadd.s32 $0xFFFFD800  }
0x24: {  	[hbm4b:s7+s2] =	stream.linear.scatter [tilespmem:s14], [sflag:$0x3], $0x2800, $0x38;
	[tilespmem:$0x5100] =	vst v63  }
0x25: {  	s20 =	simm.s32 $0xA;
	s21 =	simm.s32 $0x14;
	_ =	swait.ge [sflag:s10], $0x2800  }
0x26: {  	s19 =	sadd.s32 $0x500, s6;
	s18 =	sadd.s32 $0x500, s7;
	[sflag:s10] =	ssyncset.done $0x0  }
.LBB2_2:
0x27: {  	s22 =	sadd.s32 s20, s9  }
0x28: {  	[sflag:s10] =	ssyncadd.s32 $0xFFFFD800;
	s23 =	smov.u32 s21;
	s24 =	sadd.s32 $0xA, s21  }
0x29: {  	[tilespmem:s2], [sflag:$0x3] =	stream.linear.gather [hbm4b:s22+s2], $0x50, $0x38;
	[tilespmem:$0x5100] =	vst v63  }
0x2a: {  	p0 =	sne.s32 s21, $0x4D8;
	_ =	swait.ge [sflag:s10], $0x50  }
0x2b: {  	[sflag:s10] =	ssyncset.done $0x0  }
0x2c: {  	s21 =	sadd.s32 s20, s8;
	s20 =	smov.u32 s23;
	[sflag:s10] =	ssyncadd.s32 $0xFFFFFFB0  }
0x2d: {  	[tilespmem:s11], [sflag:$0x3] =	stream.linear.gather [hbm4b:s21+s2], $0x50, $0x38;
	[tilespmem:$0x5100] =	vst v63  }
0x2e: {  	_ =	swait.ge [sflag:s10], $0x50  }
0x2f: {  	[sflag:s10] =	ssyncset.done $0x0  }
0x30: {  	[sflag:s10] =	ssyncadd.s32 $0xFFFFFFB0  }
0x31: {  	[tilespmem:s13], [sflag:$0x1] =	stream.indirect.gather [hbm4b:s3+s12], $0x80, s2, s12, $0xb8;
	[tilespmem:$0x5100] =	vst v63  }
0x32: {  	_ = 	snop  }
0x33: {  	[tilespmem:s14], [sflag:$0x2] =	stream.indirect.gather [hbm4b:s4+s12], $0x80, s11, s12, $0xb8;
	[tilespmem:$0x5100] =	vst v63  }
0x34: {  	_ =	swait.ge [sflag:s15], $0x2800  }
0x35: {  	[sflag:s15] =	ssyncset.done $0x0  }
0x36: {  	[sflag:s15] =	ssyncadd.s32 $0xFFFFD800  }
0x37: {  	[hbm4b:s19+s2] =	stream.linear.scatter [tilespmem:s13], [sflag:$0x3], $0x2800, $0x38;
	[tilespmem:$0x5100] =	vst v63  }
0x38: {  	_ =	swait.ge [sflag:s10], $0x2800  }
0x39: {  	[sflag:s10] =	ssyncset.done $0x0  }
0x3a: {  	[sflag:s10] =	ssyncadd.s32 $0xFFFFD800  }
0x3b: {  	_ =	swait.ge [sflag:s16], $0x2800  }
.Ltmp0:
0x3c: {  	[sflag:s16] =	ssyncset.done $0x0;
	(pc) =	sbr.rel @p0 .LBB2_2-.Ltmp0, $4  }
0x3d: {  	[sflag:s16] =	ssyncadd.s32 $0xFFFFD800  }
0x3e: {  	[hbm4b:s18+s2] =	stream.linear.scatter [tilespmem:s14], [sflag:$0x3], $0x2800, $0x38;
	[tilespmem:$0x5100] =	vst v63  }
0x3f: {  	s21 =	smov.u32 s24;
	_ =	swait.ge [sflag:s10], $0x2800  }
0x40: {  	s19 =	sadd.s32 $0x500, s19;
	s18 =	sadd.s32 $0x500, s18;
	[sflag:s10] =	ssyncset.done $0x0  }
0x41: {  	s21 =	sadd.s32 s20, s9;
	[sflag:s10] =	ssyncadd.s32 $0xFFFFD800  }
0x42: {  	[tilespmem:s2], [sflag:$0x3] =	stream.linear.gather [hbm4b:s21+s2], $0x50, $0x38;
	[tilespmem:$0x5100] =	vst v63  }
0x43: {  	_ =	swait.ge [sflag:s10], $0x50  }
0x44: {  	[sflag:s10] =	ssyncset.done $0x0  }
0x45: {  	s31 =	sadd.s32 s20, s8;
	[sflag:s10] =	ssyncadd.s32 $0xFFFFFFB0  }
0x46: {  	[tilespmem:s11], [sflag:$0x3] =	stream.linear.gather [hbm4b:s31+s2], $0x50, $0x38;
	[tilespmem:$0x5100] =	vst v63  }
0x47: {  	_ =	swait.ge [sflag:s10], $0x50  }
0x48: {  	[sflag:s10] =	ssyncset.done $0x0  }
0x49: {  	[sflag:s10] =	ssyncadd.s32 $0xFFFFFFB0  }
0x4a: {  	[tilespmem:s13], [sflag:$0x1] =	stream.indirect.gather [hbm4b:s3+s12], $0x80, s2, s12, $0xb8;
	[tilespmem:$0x5100] =	vst v63  }
0x4b: {  	_ = 	snop  }
0x4c: {  	[tilespmem:s14], [sflag:$0x2] =	stream.indirect.gather [hbm4b:s4+s12], $0x80, s11, s12, $0xb8;
	[tilespmem:$0x5100] =	vst v63  }
0x4d: {  	_ =	swait.ge [sflag:s15], $0x2800  }
0x4e: {  	[sflag:s15] =	ssyncset.done $0x0  }
0x4f: {  	[sflag:s15] =	ssyncadd.s32 $0xFFFFD800  }
0x50: {  	[hbm4b:s19+s2] =	stream.linear.scatter [tilespmem:s13], [sflag:$0x3], $0x2800, $0x38;
	[tilespmem:$0x5100] =	vst v63  }
0x51: {  	_ =	swait.ge [sflag:s10], $0x2800  }
0x52: {  	[sflag:s10] =	ssyncset.done $0x0  }
0x53: {  	[sflag:s10] =	ssyncadd.s32 $0xFFFFD800  }
0x54: {  	s17 =	sadd.s32 $0x1, s17;
	_ =	swait.ge [sflag:s16], $0x2800  }
0x55: {  	p0 =	sne.s32 s17, s5;
	[sflag:s16] =	ssyncset.done $0x0  }
.Ltmp1:
0x56: {  	[sflag:s16] =	ssyncadd.s32 $0xFFFFD800;
	(pc) =	sbr.rel @p0 .LBB2_1-.Ltmp1, $4  }
0x57: {  	[hbm4b:s18+s2] =	stream.linear.scatter [tilespmem:s14], [sflag:$0x3], $0x2800, $0x38;
	[tilespmem:$0x5100] =	vst v63  }
0x58: {  	_ =	swait.ge [sflag:s10], $0x2800  }
0x59: {  	[sflag:s10] =	ssyncset.done $0x0  }
0x5a: {  	[sflag:s10] =	ssyncadd.s32 $0xFFFFD800  }
0x5b: {  	_ =	sfence.sel $0x180000  }
0x5c: {  	[bflag:$0x0] =	sbarrier.arrive $0xFFFF  }
0x5d: {  	p0 =	sne.s32 s1, $0x0;
	_ =	strace $0x90000053  }
0x5e: {  	s0 =	sadd.s32 @!p0 $0x100000, s0;
	[bflag:$0x2] =	sbarrier.arrive $0xFFFF  }
0x5f: {  	[sflag:s0] =	ssyncadd.tile.s32 @!p0 $0x1;
	_ =	shalt  }
.Lfunc_end2:
_tile_overlayer_lowered:
.L_overlay_start_2:
0x60: {  	(tag) =	ssettag $0x2  }
0x61: {  	s0 =	rddreg [dreg:$0x0];
	s2 =	stileid.u32  }
0x62: {  	s1 =	rddreg [dreg:$0x1];
	p0 =	sne.s32 s2, $0x0  }
0x63: {  	s3 =	rddreg [dreg:$0x2];
	[bflag:$0x3] =	sbarrier.arrive $0xFFFF;
	s2 =	simm.s32 @!p0 $0x1C03  }
0x64: {  	[timem:s3], [sflag:s2] =	dma.local @!p0 [hbm:s0], s1  }
0x65: {  	s0 =	simm.s32 @!p0 $0x3  }
0x66: {  	_ =	swait.ge @!p0 [sflag:s0], s1  }
0x67: {  	s1 =	ssub.s32 @!p0 $0x0, s1;
	[sflag:s0] =	ssyncset.done @!p0 $0x0  }
0x68: {  	[sflag:s0] =	ssyncadd.s32 @!p0 s1  }
0x69: {  	[bflag:$0x3] =	sbarrier.arrive $0xFFFF  }
0x6a: {  	_ =	shalt  }

// kernel: kernel.34.cloned.1.call-start
scs
__scs_entry_jumppad:
0x0: {  	(pc) =	sbr.rel $0x88, $3  }
0x1: {  	(tag) =	ssettag $0x0;
	lr =	simm.s32 $0x1  }
0x2: {  	[smem:$0x3F81] =	sst lr;
	_ =	strace $0xD0000000  }
0x3: {  	_ = 	snop  }
0x4: {  	_ = 	snop  }
0x5: {  	_ = 	snop  }
0x6: {  	_ = 	snop  }
0x7: {  	_ = 	snop  }
__scs_overlays_trampoline_lowered:
0x8: {  	[smem:$0x3F90] =	sst s0  }
0x9: {  	[smem:$0x3F91] =	sst s1  }
0xa: {  	[smem:$0x3F92] =	sst s2  }
0xb: {  	[smem:$0x3F93] =	sst s3  }
0xc: {  	[smem:$0x3F94] =	sst s4  }
0xd: {  	[smem:$0x3F95] =	sst s5  }
0xe: {  	[smem:$0x3F96] =	sst s6  }
0xf: {  	[smem:$0x3F97] =	sst s7  }
0x10: {  	[smem:$0x3F98] =	sst s8  }
0x11: {  	[smem:$0x3F99] =	sst s9;
	s0 =	simm.s32 @!p0 $0x0  }
0x12: {  	s1 =	sld [smem:$0x3F7F];
	s0 =	simm.s32 @p0 $0x1  }
0x13: {  	[smem:$0x3F9A] =	sst s0;
	s0 =	simm.s32 @!p1 $0x0  }
0x14: {  	s2 =	sld [smem:$0x3F7E];
	s0 =	simm.s32 @p1 $0x1  }
0x15: {  	[smem:$0x3F9B] =	sst s0;
	s0 =	simm.s32 @!p2 $0x0  }
0x16: {  	s3 =	sld [smem:$0x3FDB];
	s0 =	simm.s32 @p2 $0x1  }
0x17: {  	s4 =	simm.s32 $0x1BF5;
	[smem:$0x3F9D] =	sst s0  }
0x18: {  	s0 =	sld [smem:$0x3F80];
	_ =	swait.ge [sflag:s4], $0x0  }
0x19: {  	s7 =	sld [smem:$0x3F81]  }
0x1a: {  	s8 =	sadd.s32 $0xFFFFE003, lr  }
0x1b: {  	s9 =	sadd.s32 $0xFFFFFEF7, lr;
	s5 =	simm.s32 $0xFFFFFFFF;
	p2 =	slt.u32 s8, $0xFFFFF086  }
0x1c: {  	p1 =	slt.u32 s9, $0xF7A;
	s5 =	simm.s32 @!p2 $0x0  }
0x1d: {  	s5 =	simm.s32 @p1 $0x1;
	p0 =	seq.s32 s7, s2  }
0x1e: {  	s7 =	smul.u32 @!p0 $0xF7A, s2;
	p2 =	seq.s32 @!p0 s5, $0x0  }
0x1f: {  	s9 =	smul.u32 $0xF7A, s1;
	s8 =	simm.s32 @!p0 $0x1BF5;
	p2 =	por !p2, p0  }
0x20: {  	[sflag:s8] =	ssyncset.s32 @!p0 $0xFFFFF086;
	s6 =	sadd.s32 @!p0 s3, s7;
	s7 =	simm.s32 @!p0 $0x108  }
0x21: {  	s3 =	sadd.s32 s3, s9;
	s6 =	sadd.s32 @!p0 $0x88, s6;
	s7 =	simm.s32 @p2 $0x1082  }
0x22: {  	[simem:s7], [sflag:s8] =	dma.local @!p0 [hbm:s6], $0xF7A  }
0x23: {  	s9 =	sor.u32 $0xD0000000, s2;
	s6 =	simm.s32 $0x108;
	_ =	swait.ge @!p0 [sflag:s8], $0x0  }
0x24: {  	s3 =	sadd.s32 $0x88, s3;
	s6 =	simm.s32 @!p1 $0x1082;
	[sflag:s4] =	ssyncset.s32 $0xFFFFF086  }
0x25: {  	[simem:s6], [sflag:s4] =	dma.local [hbm:s3], $0xF7A  }
0x26: {  	[smem:$0x3F81] =	sst s1;
	(tag) =	ssettag s2;
	_ =	strace s9  }
0x27: {  	s1 =	sld [smem:$0x3F91]  }
0x28: {  	s2 =	sld [smem:$0x3F92]  }
0x29: {  	s4 =	sld [smem:$0x3F94]  }
0x2a: {  	p0 =	seq.s32 s5, $0x0;
	s5 =	sld [smem:$0x3F95]  }
0x2b: {  	s6 =	sld [smem:$0x3F96]  }
0x2c: {  	s7 =	sld [smem:$0x3F97]  }
0x2d: {  	s3 =	simm.s32 $0x108;
	s8 =	sld [smem:$0x3F98]  }
0x2e: {  	s3 =	simm.s32 @!p0 $0x1082;
	s9 =	sld [smem:$0x3F99]  }
0x2f: {  	lr =	sadd.s32 s0, s3;
	s0 =	sld [smem:$0x3F90]  }
0x30: {  	s3 =	sld [smem:$0x3F93]  }
0x31: {  	[smem:$0x3F9C] =	sst s10  }
0x32: {  	s10 =	sld [smem:$0x3F9A];
	_ =	sdelay $0x3  }
0x33: {  	p0 =	seq.s32 s10, $0x1;
	s10 =	sld [smem:$0x3F9C];
	_ =	sdelay $0x3  }
0x34: {  	[smem:$0x3F9C] =	sst s10  }
0x35: {  	s10 =	sld [smem:$0x3F9B];
	_ =	sdelay $0x3  }
0x36: {  	p1 =	seq.s32 s10, $0x1;
	s10 =	sld [smem:$0x3F9C];
	_ =	sdelay $0x3  }
0x37: {  	[smem:$0x3F9C] =	sst s10  }
0x38: {  	s10 =	sld [smem:$0x3F9D]  }
0x39: {  	_ = 	snop;
	(pc) =	sbr.ind lr, $3  }
0x3a: {  	_ = 	snop  }
0x3b: {  	_ = 	snop  }
0x3c: {  	p2 =	seq.s32 s10, $0x1;
	s10 =	sld [smem:$0x3F9C]  }
0x3d: {  	_ =	shalt  }
0x3e: {  	_ =	shalt  }
0x3f: {  	_ =	shalt  }
0x40: {  	_ =	shalt  }
0x41: {  	_ =	shalt  }
0x42: {  	_ =	shalt  }
0x43: {  	_ =	shalt  }
0x44: {  	_ =	shalt  }
0x45: {  	_ =	shalt  }
0x46: {  	_ =	shalt  }
0x47: {  	_ =	shalt  }
0x48: {  	_ =	shalt  }
0x49: {  	_ =	shalt  }
0x4a: {  	_ =	shalt  }
0x4b: {  	_ =	shalt  }
0x4c: {  	_ =	shalt  }
0x4d: {  	_ =	shalt  }
0x4e: {  	_ =	shalt  }
0x4f: {  	_ =	shalt  }
0x50: {  	_ =	shalt  }
0x51: {  	_ =	shalt  }
0x52: {  	_ =	shalt  }
0x53: {  	_ =	shalt  }
0x54: {  	_ =	shalt  }
0x55: {  	_ =	shalt  }
0x56: {  	_ =	shalt  }
0x57: {  	_ =	shalt  }
0x58: {  	_ =	shalt  }
0x59: {  	_ =	shalt  }
0x5a: {  	_ =	shalt  }
0x5b: {  	_ =	shalt  }
0x5c: {  	_ =	shalt  }
0x5d: {  	_ =	shalt  }
0x5e: {  	_ =	shalt  }
0x5f: {  	_ =	shalt  }
0x60: {  	_ =	shalt  }
0x61: {  	_ =	shalt  }
0x62: {  	_ =	shalt  }
0x63: {  	_ =	shalt  }
0x64: {  	_ =	shalt  }
0x65: {  	_ =	shalt  }
0x66: {  	_ =	shalt  }
0x67: {  	_ =	shalt  }
0x68: {  	_ =	shalt  }
0x69: {  	_ =	shalt  }
0x6a: {  	_ =	shalt  }
0x6b: {  	_ =	shalt  }
0x6c: {  	_ =	shalt  }
0x6d: {  	_ =	shalt  }
0x6e: {  	_ =	shalt  }
0x6f: {  	_ =	shalt  }
0x70: {  	_ =	shalt  }
0x71: {  	_ =	shalt  }
0x72: {  	_ =	shalt  }
0x73: {  	_ =	shalt  }
0x74: {  	_ =	shalt  }
0x75: {  	_ =	shalt  }
0x76: {  	_ =	shalt  }
0x77: {  	_ =	shalt  }
0x78: {  	_ =	shalt  }
0x79: {  	_ =	shalt  }
0x7a: {  	_ =	shalt  }
0x7b: {  	_ =	shalt  }
0x7c: {  	_ =	shalt  }
0x7d: {  	_ =	shalt  }
0x7e: {  	_ =	shalt  }
0x7f: {  	_ =	shalt  }
0x80: {  	_ =	shalt  }
0x81: {  	_ =	shalt  }
0x82: {  	_ =	shalt  }
0x83: {  	_ =	shalt  }
0x84: {  	_ =	shalt  }
0x85: {  	_ =	shalt  }
0x86: {  	_ =	shalt  }
0x87: {  	_ =	shalt  }
.Lfunc_end0:
.L_simem_size_0:
called_computation.5_lowered:
.L_overlay_start_0:
0x88: {  	s2 =	sld [smem:$0x3FD9]  }
0x89: {  	s3 =	sld [smem:$0x3FFE];
	_ =	sdelay $0x1  }
0x8a: {  	s1 =	srdreg.scid  }
0x8b: {  	s0 =	sand.u32 $0x1, s1  }
0x8c: {  	s14 =	sshll.u32 s0, $0xA;
	s2 =	sadd.s32 s3, s2  }
0x8d: {  	s2 =	sadd.s32 s2, s14  }
0x8e: {  	[smem:$0x3FA8] =	sst s2  }
0x8f: {  	_ = 	snop  }
0x90: {  	s2 =	sld [smem:$0x3FD0];
	_ =	sdelay $0x2  }
0x91: {  	s15 =	simm.s32 $0xA;
	s4 =	simm.s32 $0x10  }
0x92: {  	[smem:s4], [sflag:s15] =	dma.local [hbm:s2], $0x1  }
0x93: {  	_ =	swait.eq [sflag:s15], $0x1  }
0x94: {  	[sflag:s15] =	ssyncset.done $0x0  }
0x95: {  	[sflag:s15] =	ssyncadd.s32 $0xFFFFFFFF  }
0x96: {  	s16 =	sld [smem:$0x10];
	(tm) =	ssettm $0x1  }
0x97: {  	s17 =	sld [smem:$0x3FFB];
	_ =	sdelay $0x3  }
0x98: {  	_ =	strace s17  }
0x99: {  	s3 =	sld [smem:$0x3FFC];
	_ =	sdelay $0x3  }
0x9a: {  	_ =	strace s3  }
0x9b: {  	s3 =	sld [smem:$0x3FFD];
	_ =	sdelay $0x3  }
0x9c: {  	_ =	strace s3  }
0x9d: {  	_ =	strace $0x8FFFFFFF  }
0x9e: {  	s18 =	sld [smem:$0x3FDB];
	_ =	sdelay $0x1  }
0x9f: {  	s19 =	simm.s32 $_scs_section_size  }
0xa0: {  	s5 =	simm.s32 $_size__tile_overlayer_lowered;
	s6 =	simm.s32 $_tile_overlayer_lowered  }
0xa1: {  	s22 =	simm.s32 $0x1BFF;
	s21 =	sshll.u32 s6, $0x1;
	s3 =	sadd.s32 s19, s18  }
0xa2: {  	s7 =	simm.s32 $0x0;
	s20 =	sshll.u32 s5, $0x1;
	s5 =	sadd.s32 s21, s3  }
0xa3: {  	[timem:s7], [sflag:s22] =	dma.local [hbm:s5], s20  }
0xa4: {  	_ =	swait.ge [sflag:s22], s20  }
0xa5: {  	s4 =	ssub.s32 $0x0, s20;
	[sflag:s22] =	ssyncset.done $0x0  }
0xa6: {  	[sflag:s22] =	ssyncadd.s32 s4;
	_ =	sdelay $0x1  }
0xa7: {  	s23 =	simm.s32 $0x1B8B  }
0xa8: {  	_ =	swait.ge [sflag:s23], $0x1  }
0xa9: {  	[sflag:s23] =	ssyncset.done $0x0  }
0xaa: {  	s25 =	simm.s32 $0x1B8E;
	s24 =	sld [smem:$0x3FFE];
	[sflag:s23] =	ssyncadd.s32 $0xFFFFFFFF  }
0xab: {  	s26 =	simm.s32 $execute0_lowered;
	[smem:$0x3FD2] =	sst s25  }
0xac: {  	s5 =	sshll.u32 s26, $0x1;
	_ =	strace $0x80000055;
	[dreg:$0x1] =	wrdreg $0xFFFFFFFF  }
0xad: {  	s28 =	simm.s32 $_size_execute0_lowered;
	s3 =	sadd.s32 s3, s5;
	[dreg:$0x0] =	wrdreg $0x0  }
0xae: {  	s5 =	sshll.u32 s28, $0x1;
	[dreg:$0x2] =	wrdreg s3  }
0xaf: {  	[dreg:$0x3] =	wrdreg s5  }
0xb0: {  	[dreg:$0x4] =	wrdreg $0xC0  }
0xb1: {  	_ =	task [dreg:s7], $0x5FFFF  }
0xb2: {  	[dreg:$0x1] =	wrdreg $0xFFFFFFFF  }
0xb3: {  	[dreg:$0x0] =	wrdreg $0x60  }
0xb4: {  	[dreg:$0x2] =	wrdreg s24  }
0xb5: {  	[dreg:$0x3] =	wrdreg s16  }
0xb6: {  	[dreg:$0x4] =	wrdreg $0x28800  }
0xb7: {  	[dreg:$0x5] =	wrdreg $0x9  }
0xb8: {  	_ =	task.clear_ibuf [dreg:s7], $0x6FFFF;
	_ =	strace $0x90000055  }
0xb9: {  	s29 =	simm.s32 $0x9;
	_ =	strace $0x80000057  }
0xba: {  	_ =	swait.ge [sflag:s29], $0x1  }
0xbb: {  	[sflag:s29] =	ssyncadd.s32 $0xFFFFFFFF  }
0xbc: {  	_ =	strace $0x90000057  }
0xbd: {  	_ =	sfence  }
0xbe: {  	s30 =	sld [smem:$0x0];
	_ =	sdelay $0x2  }
0xbf: {  	s31 =	sshll.u32 s1, $0xD;
	s1 =	sshrl.u32 s1, $0x2  }
0xc0: {  	s3 =	sand.u32 $0x4000, s31;
	s1 =	sadd.s32 s1, s30  }
0xc1: {  	s0 =	sor.u32 s3, s0;
	s1 =	sshll.u32 s1, $0x11  }
0xc2: {  	s0 =	sor.u32 s1, s0  }
0xc3: {  	s0 =	sadd.s32 $0x8F2B, s0  }
0xc4: {  	[sflag:s0] =	ssyncadd.remote.s32 $0x1  }
0xc5: {  	_ =	sfence.sel $0xFFFF  }
0xc6: {  	[dreg:$0x0] =	wrdreg $0xFFFFFFFF;
	(pc) =	sbr.abs _section_cstart, $3  }
0xc7: {  	[dreg:$0x1] =	wrdreg $0xFFFFFFFF  }
0xc8: {  	_ =	task.clear_ibuf [dreg:s7], $0x2FFFF;
	_ =	strace $0x9FFFFFFF  }
0xc9: {  	(tm) =	ssettm $0x7FFFFFFF  }
tec
execute0_lowered:
.L_overlay_start_1:
0x0: {  	(tag) =	ssettag $0x1  }
0x1: {  	s6 =	rddreg [dreg:$0x0]  }
0x2: {  	s2 =	rddreg [dreg:$0x1];
	s0 =	stileid.u32  }
0x3: {  	s1 =	srdreg.scid;
	s5 =	smul.u32 $0x4E20, s0  }
0x4: {  	s3 =	rddreg [dreg:$0x2];
	s4 =	simm.s32 $0x0;
	s9 =	smul.u32 $0x4E200, s0  }
0x5: {  	s15 =	simm.s32 $0x1;
	s16 =	simm.s32 $0x50;
	s12 =	smul.u32 $0x50000, s0  }
0x6: {  	s8 =	sand.u32 $0x1, s1;
	s1 =	rddreg [dreg:$0x3];
	s31 =	smul.u32 $0x14000, s0  }
0x7: {  	s17 =	simm.s32 $0x0;
	[smem:$0x7FF] =	sst s4;
	s7 =	smul.u32 $0x2710, s8  }
0x8: {  	p0 =	seq.s32 s0, $0xF;
	_ =	strace $0x80000056;
	s13 =	smul.u32 $0x27100, s8  }
0x9: {  	s29 =	ssub.s32 $0x2, s8;
	s14 =	smul.u32 $0x138800, s8;
	s9 =	sadd.s32 s9, s6  }
0xa: {  	s10 =	sshrl.u32 s29, $0x1;
	s30 =	sshrl.u32 s12, $0x2;
	s5 =	sadd.s32 s7, s5  }
0xb: {  	s10 =	ssub.s32 s29, s10;
	s7 =	simm.s32 $0x5;
	s13 =	sadd.s32 s13, s9  }
0xc: {  	s9 =	sadd.s32 s30, s3;
	s12 =	sadd.s32 s31, s14;
	s14 =	simm.s32 $0x80  }
0xd: {  	s5 =	sshrl.u32 s5, $0x3;
	s7 =	simm.s32 @!p0 $0x8;
	s8 =	smax.u32 s10, $0x1  }
0xe: {  	s10 =	sadd.s32 $0xF12C00, s13;
	s13 =	sadd.s32 $0x13F4C00, s13;
	s11 =	sadd.s32 s5, s6  }
0xf: {  	s5 =	sadd.s32 $0x44A00, s6;
	s6 =	sadd.s32 $0x92C00, s6;
	s11 =	sadd.s32 $0x13A00, s11  }
.LBB2_1:
0x10: {  	[tilespmem:s14], [sflag:$0x1] =	stream.linear.gather [hbm4b:s2+s4], $0x2800, $0x38;
	[tilespmem:$0x16100] =	vst v63  }
0x11: {  	p0 =	sne.s32 s7, $0x1;
	_ =	swait.ge [sflag:s15], $0x2800  }
.Ltmp0:
0x12: {  	[sflag:s15] =	ssyncset.done $0x0;
	(pc) =	sbr.rel @!p0 .LBB2_3-.Ltmp0, $4  }
0x13: {  	[sflag:s15] =	ssyncadd.s32 $0xFFFFD800  }
0x14: {  	[spmem:s9] =	stream.linear.scatter [tilespmem:s14], [sflag:$0x1], $0x2800, $0x38;
	[tilespmem:$0x16100] =	vst v63  }
0x15: {  	_ =	swait.ge [sflag:s15], $0x2800  }
0x16: {  	s18 =	sadd.s32 $0xFFFFFFFF, s7;
	s19 =	smov.u32 s9;
	[sflag:s15] =	ssyncset.done $0x0  }
.LBB2_2:
0x17: {  	p1 =	sne.s32 s18, $0x1;
	[sflag:s15] =	ssyncadd.s32 $0xFFFFD800;
	s19 =	sadd.s32 $0x2800, s19  }
.Ltmp1:
0x18: {  	s18 =	sadd.s32 $0xFFFFFFFF, s18;
	(pc) =	sbr.rel @p1 .LBB2_2-.Ltmp1, $4  }
0x19: {  	_ = 	snop  }
0x1a: {  	[spmem:s19] =	stream.linear.scatter [tilespmem:s14], [sflag:$0x1], $0x2800, $0x38;
	[tilespmem:$0x16100] =	vst v63  }
0x1b: {  	_ =	swait.ge [sflag:s15], $0x2800  }
0x1c: {  	[sflag:s15] =	ssyncset.done $0x0  }
.LBB2_3:
0x1d: {  	[sflag:s15] =	ssyncadd.s32 $0xFFFFD800  }
0x1e: {  	s18 =	sadd.s32 $0x0, s11;
	[bflag:$0x0] =	sbarrier.arrive $0xFFFF  }
0x1f: {  	[tilespmem:s4], [sflag:$0x1] =	stream.linear.gather [hbm4b:s18+s4], $0x50, $0x38;
	[tilespmem:$0x16100] =	vst v63  }
0x20: {  	_ =	swait.ge [sflag:s15], $0x50  }
0x21: {  	[sflag:s15] =	ssyncset.done $0x0  }
0x22: {  	[sflag:s15] =	ssyncadd.s32 $0xFFFFFFB0  }
0x23: {  	[tilespmem:s14], [sflag:$0x1] =	stream.linear.gather [hbm4b:s10+s4], $0x2800, $0x38;
	[tilespmem:$0x16100] =	vst v63  }
0x24: {  	_ =	swait.ge [sflag:s15], $0x2800  }
0x25: {  	[sflag:s15] =	ssyncset.done $0x0  }
0x26: {  	[sflag:s15] =	ssyncadd.s32 $0xFFFFD800  }
0x27: {  	[spmem:s3] =	stream.indirect.scatter.add.f32 [tilespmem:s14], [sflag:$0x1], $0x80, s4, s16, $0xb8;
	[tilespmem:$0x16100] =	vst v63  }
0x28: {  	s19 =	simm.s32 $0xA;
	_ =	swait.ge [sflag:s15], $0x2800  }
0x29: {  	s20 =	simm.s32 $0x14;
	s18 =	sadd.s32 $0x500, s10;
	[sflag:s15] =	ssyncset.done $0x0  }
.LBB2_4:
0x2a: {  	s21 =	sadd.s32 s19, s11  }
0x2b: {  	[sflag:s15] =	ssyncadd.s32 $0xFFFFD800;
	s19 =	smov.u32 s20;
	s22 =	sadd.s32 $0xA, s20  }
0x2c: {  	[tilespmem:s4], [sflag:$0x1] =	stream.linear.gather [hbm4b:s21+s4], $0x50, $0x38;
	[tilespmem:$0x16100] =	vst v63  }
0x2d: {  	p1 =	sne.s32 s20, $0x4D8;
	_ =	swait.ge [sflag:s15], $0x50  }
0x2e: {  	[sflag:s15] =	ssyncset.done $0x0  }
0x2f: {  	[sflag:s15] =	ssyncadd.s32 $0xFFFFFFB0  }
0x30: {  	[tilespmem:s14], [sflag:$0x1] =	stream.linear.gather [hbm4b:s18+s4], $0x2800, $0x38;
	[tilespmem:$0x16100] =	vst v63  }
0x31: {  	_ =	swait.ge [sflag:s15], $0x2800  }
.Ltmp2:
0x32: {  	[sflag:s15] =	ssyncset.done $0x0;
	(pc) =	sbr.rel @p1 .LBB2_4-.Ltmp2, $4  }
0x33: {  	[sflag:s15] =	ssyncadd.s32 $0xFFFFD800  }
0x34: {  	[spmem:s3] =	stream.indirect.scatter.add.f32 [tilespmem:s14], [sflag:$0x1], $0x80, s4, s16, $0xb8;
	[tilespmem:$0x16100] =	vst v63  }
0x35: {  	_ =	swait.ge [sflag:s15], $0x2800  }
0x36: {  	s20 =	smov.u32 s22;
	s18 =	sadd.s32 $0x500, s18;
	[sflag:s15] =	ssyncset.done $0x0  }
0x37: {  	s19 =	sadd.s32 s19, s11;
	[sflag:s15] =	ssyncadd.s32 $0xFFFFD800  }
0x38: {  	[tilespmem:s4], [sflag:$0x1] =	stream.linear.gather [hbm4b:s19+s4], $0x50, $0x38;
	[tilespmem:$0x16100] =	vst v63  }
0x39: {  	_ =	swait.ge [sflag:s15], $0x50  }
0x3a: {  	[sflag:s15] =	ssyncset.done $0x0  }
0x3b: {  	[sflag:s15] =	ssyncadd.s32 $0xFFFFFFB0  }
0x3c: {  	[tilespmem:s14], [sflag:$0x1] =	stream.linear.gather [hbm4b:s18+s4], $0x2800, $0x38;
	[tilespmem:$0x16100] =	vst v63  }
0x3d: {  	_ =	swait.ge [sflag:s15], $0x2800  }
0x3e: {  	[sflag:s15] =	ssyncset.done $0x0  }
0x3f: {  	[sflag:s15] =	ssyncadd.s32 $0xFFFFD800  }
0x40: {  	[spmem:s3] =	stream.indirect.scatter.add.f32 [tilespmem:s14], [sflag:$0x1], $0x80, s4, s16, $0xb8;
	[tilespmem:$0x16100] =	vst v63  }
0x41: {  	_ =	swait.ge [sflag:s15], $0x2800  }
0x42: {  	[sflag:s15] =	ssyncset.done $0x0  }
0x43: {  	[sflag:s15] =	ssyncadd.s32 $0xFFFFD800  }
0x44: {  	[bflag:$0x0] =	sbarrier.arrive $0xFFFF  }
0x45: {  	[tilespmem:s14], [sflag:$0x1] =	stream.linear.gather [spmem:s9], $0x2800, $0x38;
	[tilespmem:$0x16100] =	vst v63  }
0x46: {  	_ =	swait.ge [sflag:s15], $0x2800  }
.Ltmp3:
0x47: {  	s18 =	sshrl.u32 s12, $0x3;
	[sflag:s15] =	ssyncset.done $0x0;
	(pc) =	sbr.rel @!p0 .LBB2_7-.Ltmp3, $4  }
0x48: {  	s31 =	sadd.s32 s5, s18;
	[sflag:s15] =	ssyncadd.s32 $0xFFFFD800  }
0x49: {  	[hbm4b:s31+s4] =	stream.linear.scatter [tilespmem:s14], [sflag:$0x1], $0x2800, $0x38;
	[tilespmem:$0x16100] =	vst v63  }
0x4a: {  	s20 =	smov.u32 s12;
	_ =	swait.ge [sflag:s15], $0x2800  }
0x4b: {  	s21 =	smov.u32 s9;
	s19 =	sadd.s32 $0xFFFFFFFF, s7;
	[sflag:s15] =	ssyncset.done $0x0  }
.LBB2_6:
0x4c: {  	[sflag:s15] =	ssyncadd.s32 $0xFFFFD800;
	s20 =	sadd.s32 $0x2800, s20;
	s21 =	sadd.s32 $0x2800, s21  }
0x4d: {  	[tilespmem:s14], [sflag:$0x1] =	stream.linear.gather [spmem:s21], $0x2800, $0x38;
	[tilespmem:$0x16100] =	vst v63  }
0x4e: {  	p1 =	sne.s32 s19, $0x1;
	s19 =	sadd.s32 $0xFFFFFFFF, s19;
	_ =	swait.ge [sflag:s15], $0x2800  }
.Ltmp4:
0x4f: {  	s22 =	sshrl.u32 s20, $0x3;
	[sflag:s15] =	ssyncset.done $0x0;
	(pc) =	sbr.rel @p1 .LBB2_6-.Ltmp4, $4  }
0x50: {  	s22 =	sadd.s32 s5, s22;
	[sflag:s15] =	ssyncadd.s32 $0xFFFFD800  }
0x51: {  	[hbm4b:s22+s4] =	stream.linear.scatter [tilespmem:s14], [sflag:$0x1], $0x2800, $0x38;
	[tilespmem:$0x16100] =	vst v63  }
0x52: {  	_ =	swait.ge [sflag:s15], $0x2800  }
0x53: {  	[sflag:s15] =	ssyncset.done $0x0  }
.LBB2_7:
0x54: {  	[sflag:s15] =	ssyncadd.s32 $0xFFFFD800  }
0x55: {  	[bflag:$0x0] =	sbarrier.arrive $0xFFFF  }
0x56: {  	[tilespmem:s14], [sflag:$0x1] =	stream.linear.gather [hbm4b:s2+s4], $0x2800, $0x38;
	[tilespmem:$0x16100] =	vst v63  }
0x57: {  	_ =	swait.ge [sflag:s15], $0x2800  }
.Ltmp5:
0x58: {  	[sflag:s15] =	ssyncset.done $0x0;
	(pc) =	sbr.rel @!p0 .LBB2_9-.Ltmp5, $4  }
0x59: {  	[sflag:s15] =	ssyncadd.s32 $0xFFFFD800  }
0x5a: {  	[spmem:s9] =	stream.linear.scatter [tilespmem:s14], [sflag:$0x1], $0x2800, $0x38;
	[tilespmem:$0x16100] =	vst v63  }
0x5b: {  	_ =	swait.ge [sflag:s15], $0x2800  }
0x5c: {  	s19 =	sadd.s32 $0xFFFFFFFF, s7;
	s20 =	smov.u32 s9;
	[sflag:s15] =	ssyncset.done $0x0  }
.LBB2_8:
0x5d: {  	p1 =	sne.s32 s19, $0x1;
	[sflag:s15] =	ssyncadd.s32 $0xFFFFD800;
	s20 =	sadd.s32 $0x2800, s20  }
.Ltmp6:
0x5e: {  	s19 =	sadd.s32 $0xFFFFFFFF, s19;
	(pc) =	sbr.rel @p1 .LBB2_8-.Ltmp6, $4  }
0x5f: {  	_ = 	snop  }
0x60: {  	[spmem:s20] =	stream.linear.scatter [tilespmem:s14], [sflag:$0x1], $0x2800, $0x38;
	[tilespmem:$0x16100] =	vst v63  }
0x61: {  	_ =	swait.ge [sflag:s15], $0x2800  }
0x62: {  	[sflag:s15] =	ssyncset.done $0x0  }
.LBB2_9:
0x63: {  	[sflag:s15] =	ssyncadd.s32 $0xFFFFD800  }
0x64: {  	s19 =	sadd.s32 $0x0, s11;
	[bflag:$0x0] =	sbarrier.arrive $0xFFFF  }
0x65: {  	[tilespmem:s4], [sflag:$0x1] =	stream.linear.gather [hbm4b:s19+s4], $0x50, $0x38;
	[tilespmem:$0x16100] =	vst v63  }
0x66: {  	_ =	swait.ge [sflag:s15], $0x50  }
0x67: {  	[sflag:s15] =	ssyncset.done $0x0  }
0x68: {  	[sflag:s15] =	ssyncadd.s32 $0xFFFFFFB0  }
0x69: {  	[tilespmem:s14], [sflag:$0x1] =	stream.linear.gather [hbm4b:s13+s4], $0x2800, $0x38;
	[tilespmem:$0x16100] =	vst v63  }
0x6a: {  	_ =	swait.ge [sflag:s15], $0x2800  }
0x6b: {  	[sflag:s15] =	ssyncset.done $0x0  }
0x6c: {  	[sflag:s15] =	ssyncadd.s32 $0xFFFFD800  }
0x6d: {  	[spmem:s3] =	stream.indirect.scatter.add.f32 [tilespmem:s14], [sflag:$0x1], $0x80, s4, s16, $0xb8;
	[tilespmem:$0x16100] =	vst v63  }
0x6e: {  	s20 =	simm.s32 $0xA;
	_ =	swait.ge [sflag:s15], $0x2800  }
0x6f: {  	s21 =	simm.s32 $0x14;
	s19 =	sadd.s32 $0x500, s13;
	[sflag:s15] =	ssyncset.done $0x0  }
.LBB2_10:
0x70: {  	s22 =	sadd.s32 s20, s11  }
0x71: {  	[sflag:s15] =	ssyncadd.s32 $0xFFFFD800;
	s20 =	smov.u32 s21;
	s23 =	sadd.s32 $0xA, s21  }
0x72: {  	[tilespmem:s4], [sflag:$0x1] =	stream.linear.gather [hbm4b:s22+s4], $0x50, $0x38;
	[tilespmem:$0x16100] =	vst v63  }
0x73: {  	p1 =	sne.s32 s21, $0x4D8;
	_ =	swait.ge [sflag:s15], $0x50  }
0x74: {  	[sflag:s15] =	ssyncset.done $0x0  }
0x75: {  	[sflag:s15] =	ssyncadd.s32 $0xFFFFFFB0  }
0x76: {  	[tilespmem:s14], [sflag:$0x1] =	stream.linear.gather [hbm4b:s19+s4], $0x2800, $0x38;
	[tilespmem:$0x16100] =	vst v63  }
0x77: {  	_ =	swait.ge [sflag:s15], $0x2800  }
.Ltmp7:
0x78: {  	[sflag:s15] =	ssyncset.done $0x0;
	(pc) =	sbr.rel @p1 .LBB2_10-.Ltmp7, $4  }
0x79: {  	[sflag:s15] =	ssyncadd.s32 $0xFFFFD800  }
0x7a: {  	[spmem:s3] =	stream.indirect.scatter.add.f32 [tilespmem:s14], [sflag:$0x1], $0x80, s4, s16, $0xb8;
	[tilespmem:$0x16100] =	vst v63  }
0x7b: {  	_ =	swait.ge [sflag:s15], $0x2800  }
0x7c: {  	s21 =	smov.u32 s23;
	s19 =	sadd.s32 $0x500, s19;
	[sflag:s15] =	ssyncset.done $0x0  }
0x7d: {  	s20 =	sadd.s32 s20, s11;
	[sflag:s15] =	ssyncadd.s32 $0xFFFFD800  }
0x7e: {  	[tilespmem:s4], [sflag:$0x1] =	stream.linear.gather [hbm4b:s20+s4], $0x50, $0x38;
	[tilespmem:$0x16100] =	vst v63  }
0x7f: {  	_ =	swait.ge [sflag:s15], $0x50  }
0x80: {  	[sflag:s15] =	ssyncset.done $0x0  }
0x81: {  	[sflag:s15] =	ssyncadd.s32 $0xFFFFFFB0  }
0x82: {  	[tilespmem:s14], [sflag:$0x1] =	stream.linear.gather [hbm4b:s19+s4], $0x2800, $0x38;
	[tilespmem:$0x16100] =	vst v63  }
0x83: {  	_ =	swait.ge [sflag:s15], $0x2800  }
0x84: {  	[sflag:s15] =	ssyncset.done $0x0  }
0x85: {  	[sflag:s15] =	ssyncadd.s32 $0xFFFFD800  }
0x86: {  	[spmem:s3] =	stream.indirect.scatter.add.f32 [tilespmem:s14], [sflag:$0x1], $0x80, s4, s16, $0xb8;
	[tilespmem:$0x16100] =	vst v63  }
0x87: {  	_ =	swait.ge [sflag:s15], $0x2800  }
0x88: {  	[sflag:s15] =	ssyncset.done $0x0  }
0x89: {  	[sflag:s15] =	ssyncadd.s32 $0xFFFFD800  }
0x8a: {  	[bflag:$0x0] =	sbarrier.arrive $0xFFFF  }
0x8b: {  	[tilespmem:s14], [sflag:$0x1] =	stream.linear.gather [spmem:s9], $0x2800, $0x38;
	[tilespmem:$0x16100] =	vst v63  }
0x8c: {  	_ =	swait.ge [sflag:s15], $0x2800  }
.Ltmp8:
0x8d: {  	[sflag:s15] =	ssyncset.done $0x0;
	(pc) =	sbr.rel @!p0 .LBB2_13-.Ltmp8, $4  }
0x8e: {  	s18 =	sadd.s32 s6, s18;
	[sflag:s15] =	ssyncadd.s32 $0xFFFFD800  }
0x8f: {  	[hbm4b:s18+s4] =	stream.linear.scatter [tilespmem:s14], [sflag:$0x1], $0x2800, $0x38;
	[tilespmem:$0x16100] =	vst v63  }
0x90: {  	s20 =	smov.u32 s9;
	_ =	swait.ge [sflag:s15], $0x2800  }
0x91: {  	s19 =	smov.u32 s12;
	s18 =	sadd.s32 $0xFFFFFFFF, s7;
	[sflag:s15] =	ssyncset.done $0x0  }
.LBB2_12:
0x92: {  	[sflag:s15] =	ssyncadd.s32 $0xFFFFD800;
	s19 =	sadd.s32 $0x2800, s19;
	s20 =	sadd.s32 $0x2800, s20  }
0x93: {  	[tilespmem:s14], [sflag:$0x1] =	stream.linear.gather [spmem:s20], $0x2800, $0x38;
	[tilespmem:$0x16100] =	vst v63  }
0x94: {  	p0 =	sne.s32 s18, $0x1;
	s18 =	sadd.s32 $0xFFFFFFFF, s18;
	_ =	swait.ge [sflag:s15], $0x2800  }
.Ltmp9:
0x95: {  	s21 =	sshrl.u32 s19, $0x3;
	[sflag:s15] =	ssyncset.done $0x0;
	(pc) =	sbr.rel @p0 .LBB2_12-.Ltmp9, $4  }
0x96: {  	s21 =	sadd.s32 s6, s21;
	[sflag:s15] =	ssyncadd.s32 $0xFFFFD800  }
0x97: {  	[hbm4b:s21+s4] =	stream.linear.scatter [tilespmem:s14], [sflag:$0x1], $0x2800, $0x38;
	[tilespmem:$0x16100] =	vst v63  }
0x98: {  	_ =	swait.ge [sflag:s15], $0x2800  }
0x99: {  	[sflag:s15] =	ssyncset.done $0x0  }
.LBB2_13:
0x9a: {  	s17 =	sadd.s32 $0x1, s17  }
0x9b: {  	p0 =	sne.s32 s17, s8  }
.Ltmp10:
0x9c: {  	_ = 	snop;
	(pc) =	sbr.rel @p0 .LBB2_1-.Ltmp10, $3  }
0x9d: {  	_ = 	snop  }
0x9e: {  	[sflag:s15] =	ssyncadd.s32 $0xFFFFD800  }
0x9f: {  	[bflag:$0x0] =	sbarrier.arrive $0xFFFF;
	_ =	sdelay $0x1  }
0xa0: {  	_ =	sfence.sel $0x180000  }
0xa1: {  	[bflag:$0x0] =	sbarrier.arrive $0xFFFF  }
0xa2: {  	p0 =	sne.s32 s0, $0x0;
	_ =	strace $0x90000056  }
0xa3: {  	s0 =	sadd.s32 @!p0 $0x100000, s1;
	[bflag:$0x2] =	sbarrier.arrive $0xFFFF  }
0xa4: {  	[sflag:s0] =	ssyncadd.tile.s32 @!p0 $0x1;
	_ =	shalt  }
.Lfunc_end2:
_tile_overlayer_lowered:
.L_overlay_start_2:
0xa5: {  	(tag) =	ssettag $0x2  }
0xa6: {  	s0 =	rddreg [dreg:$0x0];
	s2 =	stileid.u32  }
0xa7: {  	s1 =	rddreg [dreg:$0x1];
	p0 =	sne.s32 s2, $0x0  }
0xa8: {  	s3 =	rddreg [dreg:$0x2];
	[bflag:$0x3] =	sbarrier.arrive $0xFFFF;
	s2 =	simm.s32 @!p0 $0x1C01  }
0xa9: {  	[timem:s3], [sflag:s2] =	dma.local @!p0 [hbm:s0], s1  }
0xaa: {  	s0 =	simm.s32 @!p0 $0x1  }
0xab: {  	_ =	swait.ge @!p0 [sflag:s0], s1  }
0xac: {  	s1 =	ssub.s32 @!p0 $0x0, s1;
	[sflag:s0] =	ssyncset.done @!p0 $0x0  }
0xad: {  	[sflag:s0] =	ssyncadd.s32 @!p0 s1  }
0xae: {  	[bflag:$0x3] =	sbarrier.arrive $0xFFFF  }
0xaf: {  	_ =	shalt  }

</sc_bundles>
